<compile_context>
chip_gen: v7x
topology: tpu7x:2x2x1
jax: 0.10.2.dev20260603
libtpu: 0.0.44.dev20260713+nightly
codegen_flags: <defaults>
</compile_context>

<pallas_src>
import functools

import jax
import jax.numpy as jnp
from jax import lax
from jax.experimental import pallas as pl
from jax.experimental.pallas import tpu as pltpu
from jax.experimental.pallas import tpu_sc as plsc

BEAM = 4
VOCAB = 32768
PAD_ID = 0
EOS_ID = 2
LPF = 0.6
BATCH = 128

ROWS = BATCH * BEAM
SC_ROWS = 128
NTC = ROWS - SC_ROWS
NW = 32
RPW = SC_ROWS // NW
L = 16
ROW_BLK = 64
RG = 32
LANES = 128
CHUNKS = VOCAB // LANES
NEG = -3.0e38
BIGIDX = 2 ** 30
NSEL = 6



def _sc_select(wf_ref, pf_ref, tf_ref, wp_ref, outk_ref, outi_ref,
               wrow, pv, tv, rowbuf, stagek, stagei):
    wid = lax.axis_index("s") * 2 + lax.axis_index("c")
    base = wid * RPW
    pltpu.sync_copy(wf_ref.at[pl.ds(wid * L, L)], wrow)
    pltpu.sync_copy(pf_ref.at[pl.ds(wid * L, L)], pv)
    pltpu.sync_copy(tf_ref.at[pl.ds(wid * L, L)], tv)
    trips = jnp.max(tv[...])
    lane = lax.iota(jnp.int32, L)
    colmask = (lane == PAD_ID) | (lane == EOS_ID)

    def row_body(j, carry):
        idxv = jnp.full((L,), j, jnp.int32)
        rj = jnp.max(plsc.load_gather(wrow, [idxv]))
        pj = plsc.load_gather(pv, [idxv])
        pltpu.sync_copy(wp_ref.at[pl.ds(rj * VOCAB, VOCAB)], rowbuf)

        key0 = pj * rowbuf[pl.ds(0, L)]
        key0 = jnp.where(colmask, jnp.float32(-1.0), key0)
        lo = jnp.full((L,), jnp.float32(-2.0))
        zi = jnp.zeros((L,), jnp.int32)

        def chunk(k, st):
            v1, v2, v3, v4, i1, i2, i3, i4 = st
            key = pj * rowbuf[pl.ds(k * L, L)]
            ci = k
            m = key > v1
            nv1 = jnp.maximum(v1, key)
            key = jnp.minimum(v1, key)
            i1, ci = jnp.where(m, ci, i1), jnp.where(m, i1, ci)
            m = key > v2
            nv2 = jnp.maximum(v2, key)
            key = jnp.minimum(v2, key)
            i2, ci = jnp.where(m, ci, i2), jnp.where(m, i2, ci)
            m = key > v3
            nv3 = jnp.maximum(v3, key)
            key = jnp.minimum(v3, key)
            i3, ci = jnp.where(m, ci, i3), jnp.where(m, i3, ci)
            m = key > v4
            nv4 = jnp.maximum(v4, key)
            i4 = jnp.where(m, ci, i4)
            return nv1, nv2, nv3, nv4, i1, i2, i3, i4

        v1, v2, v3, v4, i1, i2, i3, i4 = lax.fori_loop(
            1, VOCAB // L, chunk,
            (key0, lo, lo, lo, zi, zi, zi, zi), unroll=8)

        kv = jnp.zeros((L,), jnp.float32)
        iv = jnp.zeros((L,), jnp.int32)
        for t in range(NSEL):
            full = i1 * L + lane
            mx = jnp.max(v1)
            eq = v1 == mx
            mi = jnp.min(jnp.where(eq, full, BIGIDX))
            sel = eq & (full == mi)
            lt = lane == t
            kv = jnp.where(lt, mx, kv)
            iv = jnp.where(lt, mi, iv)
            v1 = jnp.where(sel, v2, v1)
            i1 = jnp.where(sel, i2, i1)
            v2 = jnp.where(sel, v3, v2)
            i2 = jnp.where(sel, i3, i2)
            v3 = jnp.where(sel, v4, v3)
            i3 = jnp.where(sel, i4, i3)
            v4 = jnp.where(sel, NEG, v4)
        stagek[pl.ds(j * L, L)] = kv
        stagei[pl.ds(j * L, L)] = iv
        return carry

    lax.fori_loop(0, trips, row_body, 0)
    pltpu.sync_copy(stagek, outk_ref.at[pl.ds(base * L, RPW * L)])
    pltpu.sync_copy(stagei, outi_ref.at[pl.ds(base * L, RPW * L)])


def _sc_call(wf, pf, tf, wpf):
    mesh = plsc.VectorSubcoreMesh(core_axis_name="c", subcore_axis_name="s")
    return pl.kernel(
        _sc_select,
        mesh=mesh,
        compiler_params=pltpu.CompilerParams(needs_layout_passes=False),
        out_type=[
            jax.ShapeDtypeStruct((SC_ROWS * L,), jnp.float32),
            jax.ShapeDtypeStruct((SC_ROWS * L,), jnp.int32),
        ],
        scratch_types=[
            pltpu.VMEM((L,), jnp.int32),
            pltpu.VMEM((L,), jnp.float32),
            pltpu.VMEM((L,), jnp.int32),
            pltpu.VMEM((VOCAB,), jnp.float32),
            pltpu.VMEM((RPW * L,), jnp.float32),
            pltpu.VMEM((RPW * L,), jnp.int32),
        ],
    )(wf, pf, tf, wpf)



def _sel_kernel(p_ref, stop_ref, wl_ref, wp_ref, score_ref, flat_ref,
                kscr, iscr):
    lane1 = lax.broadcasted_iota(jnp.int32, (1, LANES), 1)
    colbad = (lane1 == PAD_ID) | (lane1 == EOS_ID)

    def chain_update(key, ci, st):
        v1, v2, v3, v4, i1, i2, i3, i4 = st
        m = key > v1
        nv1 = jnp.maximum(v1, key)
        key = jnp.minimum(v1, key)
        i1, ci = jnp.where(m, ci, i1), jnp.where(m, i1, ci)
        m = key > v2
        nv2 = jnp.maximum(v2, key)
        key = jnp.minimum(v2, key)
        i2, ci = jnp.where(m, ci, i2), jnp.where(m, i2, ci)
        m = key > v3
        nv3 = jnp.maximum(v3, key)
        key = jnp.minimum(v3, key)
        i3, ci = jnp.where(m, ci, i3), jnp.where(m, i3, ci)
        m = key > v4
        nv4 = jnp.maximum(v4, key)
        i4 = jnp.where(m, ci, i4)
        return nv1, nv2, nv3, nv4, i1, i2, i3, i4

    for rg in range(ROW_BLK // RG):
        rows = pl.ds(rg * RG, RG)
        p = p_ref[rows, :]

        key0 = p * wp_ref[rows, pl.ds(0, LANES)]
        key0 = jnp.where(colbad, jnp.float32(-1.0), key0)
        lo = jnp.full((RG, LANES), jnp.float32(-2.0))
        zi = jnp.zeros((RG, LANES), jnp.int32)

        def chunk(c, carry):
            x = wp_ref[rows, pl.ds(c * LANES, LANES)]
            return chain_update(p * x, c, carry)

        st = lax.fori_loop(
            1, CHUNKS, chunk,
            (key0, lo, lo, lo, zi, zi, zi, zi),
            unroll=8)

        v1, v2, v3, v4, i1, i2, i3, i4 = st
        lanemod = lax.broadcasted_iota(jnp.int32, (RG, LANES), 1)

        for t in range(NSEL):
            full1 = i1 * LANES + lanemod
            mx = jnp.max(v1, axis=1, keepdims=True)
            eq = v1 == mx
            mi = jnp.min(jnp.where(eq, full1, BIGIDX), axis=1, keepdims=True)
            sel = eq & (full1 == mi)
            kscr[rows, t:t + 1] = mx
            iscr[rows, t:t + 1] = mi
            v1 = jnp.where(sel, v2, v1)
            i1 = jnp.where(sel, i2, i1)
            v2 = jnp.where(sel, v3, v2)
            i2 = jnp.where(sel, i3, i2)
            v3 = jnp.where(sel, v4, v3)
            i3 = jnp.where(sel, i4, i3)
            v4 = jnp.where(sel, NEG, v4)

    _epilogue(p_ref, stop_ref, kscr[...], iscr[...],
              wp_ref[:, PAD_ID:PAD_ID + 1], wp_ref[:, EOS_ID:EOS_ID + 1],
              score_ref, flat_ref, ROW_BLK)


def _epilogue(p_ref, stop_ref, k, vi, w0, w2, score_ref, flat_ref, nrows,
              row0=0):
    p = p_ref[...]
    stopb = stop_ref[...] != 0
    row = row0 + lax.broadcasted_iota(jnp.int32, (nrows, 1), 0)
    beam = row % BEAM
    base = beam * VOCAB

    lane6 = lax.broadcasted_iota(jnp.int32, (nrows, NSEL), 1)
    stop_f = jnp.where(lane6 < BEAM, base + lane6 + 1, BIGIDX + base + lane6)
    sel_k = jnp.where(stopb, 0.0, k)
    sel_f = jnp.where(stopb, stop_f, base + vi)

    k0 = jnp.where(stopb, p, p * w0)
    f0 = base
    slot7_k = jnp.where(stopb, 0.0, p * w2)
    slot7_f = jnp.where(stopb, BIGIDX + base + 7, base + EOS_ID)

    score_ref[...] = jnp.concatenate([sel_k, k0, slot7_k], axis=1)
    flat_ref[...] = jnp.concatenate([sel_f, f0, slot7_f], axis=1)


def _epi_kernel(p_ref, stop_ref, kc_ref, ic_ref, wp01_ref,
                score_ref, flat_ref):
    _epilogue(p_ref, stop_ref, kc_ref[...], ic_ref[...],
              wp01_ref[:, PAD_ID:PAD_ID + 1], wp01_ref[:, EOS_ID:EOS_ID + 1],
              score_ref, flat_ref, SC_ROWS, row0=NTC)


def _merge_kernel(score_ref, flat_ref, bs_ref, nw_ref, pi_ref):
    s = score_ref[...]
    f = flat_ref[...]
    batch = lax.broadcasted_iota(jnp.int32, (BATCH, 1), 0)
    bs, nw, pi = [], [], []
    for _ in range(BEAM):
        mx = jnp.max(s, axis=1, keepdims=True)
        eq = s == mx
        mi = jnp.min(jnp.where(eq, f, jnp.int32(2 ** 31 - 1)),
                     axis=1, keepdims=True)
        sel = eq & (f == mi)
        bs.append(mx)
        nw.append(mi % VOCAB)
        pi.append(batch * BEAM + mi // VOCAB)
        s = jnp.where(sel, NEG, s)
    bs_ref[...] = jnp.concatenate(bs, axis=1)
    nw_ref[...] = jnp.concatenate(nw, axis=1)
    pi_ref[...] = jnp.concatenate(pi, axis=1)


@jax.jit
def kernel(word_prob, prob, stops, word_length):
    p2 = prob.reshape(ROWS, 1)
    st2 = stops.reshape(ROWS, 1)
    wl2 = word_length.reshape(ROWS, 1)

    st_sc = lax.slice(stops, (NTC,), (ROWS,))
    perm = NTC + jnp.argsort(st_sc, stable=True).astype(jnp.int32)
    count = jnp.int32(SC_ROWS) - jnp.sum(st_sc)
    tw = jnp.clip((count - jnp.arange(NW, dtype=jnp.int32) + (NW - 1)) // NW,
                  0, RPW)
    tf = jnp.broadcast_to(tw[:, None], (NW, L)).reshape(-1)
    wm = perm.reshape(RPW, NW).T
    wf = wm.reshape(-1)
    wmp = jnp.pad(wm, ((0, 0), (0, L - RPW)))
    wfp = wmp.reshape(-1)
    pfp = prob[wfp]
    outk, outi = _sc_call(wfp, pfp, tf, word_prob.reshape(-1))

    grid = NTC // ROW_BLK
    keys_tc, flats_tc = pl.pallas_call(
        _sel_kernel,
        grid=(grid,),
        in_specs=[
            pl.BlockSpec((ROW_BLK, 1), lambda i: (i, 0)),
            pl.BlockSpec((ROW_BLK, 1), lambda i: (i, 0)),
            pl.BlockSpec((ROW_BLK, 1), lambda i: (i, 0)),
            pl.BlockSpec((ROW_BLK, VOCAB), lambda i: (i, 0)),
        ],
        out_specs=[
            pl.BlockSpec((ROW_BLK, 8), lambda i: (i, 0)),
            pl.BlockSpec((ROW_BLK, 8), lambda i: (i, 0)),
        ],
        out_shape=[
            jax.ShapeDtypeStruct((NTC, 8), jnp.float32),
            jax.ShapeDtypeStruct((NTC, 8), jnp.int32),
        ],
        scratch_shapes=[
            pltpu.VMEM((ROW_BLK, NSEL), jnp.float32),
            pltpu.VMEM((ROW_BLK, NSEL), jnp.int32),
        ],
    )(p2, st2, wl2, word_prob)

    wf0 = wf - NTC
    kc = jnp.zeros((SC_ROWS, NSEL), jnp.float32).at[wf0].set(
        outk.reshape(SC_ROWS, L)[:, :NSEL])
    ic = jnp.zeros((SC_ROWS, NSEL), jnp.int32).at[wf0].set(
        outi.reshape(SC_ROWS, L)[:, :NSEL])
    p_sc = lax.slice(p2, (NTC, 0), (ROWS, 1))
    st_sc2 = lax.slice(st2, (NTC, 0), (ROWS, 1))
    wph = lax.slice(word_prob, (NTC, 0), (ROWS, 128))
    keys_sc, flats_sc = pl.pallas_call(
        _epi_kernel,
        out_shape=[
            jax.ShapeDtypeStruct((SC_ROWS, 8), jnp.float32),
            jax.ShapeDtypeStruct((SC_ROWS, 8), jnp.int32),
        ],
    )(p_sc, st_sc2, kc, ic, wph)

    keys = jnp.concatenate([keys_tc, keys_sc], axis=0)
    flats = jnp.concatenate([flats_tc, flats_sc], axis=0)

    slot_is_sel = (jnp.arange(8, dtype=jnp.int32) < NSEL).astype(jnp.int32)
    addl = slot_is_sel[None, :] * (1 - st2)
    wl_c = wl2 + addl
    lp = (jnp.power((wl_c + 5).astype(jnp.float32), LPF)
          / jnp.power(jnp.float32(6.0), LPF))
    scores = jnp.log(jnp.clip(keys, 1e-20, 1.0)) / lp

    sc = scores.reshape(BATCH, BEAM * 8)
    fl = flats.reshape(BATCH, BEAM * 8)
    bs, nw, pi = pl.pallas_call(
        _merge_kernel,
        out_shape=[
            jax.ShapeDtypeStruct((BATCH, BEAM), jnp.float32),
            jax.ShapeDtypeStruct((BATCH, BEAM), jnp.int32),
            jax.ShapeDtypeStruct((BATCH, BEAM), jnp.int32),
        ],
    )(sc, fl)
    return bs, nw.reshape(-1), pi.reshape(-1)

# --- scband reference (transcript-rebuilt; emitter-appended) ---
"""Pipeline reference for scband-generate-36936718745868 (READ-ONLY COPY).

The authoritative reference and input builder live on the scoring server;
editing this copy changes nothing except your own understanding.
"""

import jax, jax.numpy as jnp
import numpy as np

BEAM = 4
VOCAB = 32768
PAD_ID = 0
EOS_ID = 2
LPF = 0.6
BATCH = 128


def setup_inputs(seed: int = 0) -> dict:
    key = jax.random.key(seed)
    k1, k2, k3, k4 = jax.random.split(key, 4)
    rows = BATCH * BEAM
    word_prob = jax.random.uniform(k1, (rows, VOCAB), dtype=jnp.float32)
    word_prob = word_prob / jnp.sum(word_prob, axis=-1, keepdims=True)
    prob = jax.random.uniform(k2, (rows,), dtype=jnp.float32)
    stops = jax.random.randint(k3, (rows,), 0, 2, dtype=jnp.int32)
    word_length = jax.random.randint(k4, (rows,), 0, 20, dtype=jnp.int32)
    return {"word_prob": word_prob, "prob": prob, "stops": stops, "word_length": word_length}


def reference(word_prob, prob, stops, word_length):
    # BeamSearch.step at time > 0: solve_prob -> solve_length -> solve_score
    stops_f = stops[:, None].astype(jnp.float32)
    # solve_prob: mask stopped beams to only emit pad token with prob 1
    unstop_word_prob = word_prob * (1.0 - stops_f)
    stop_prob = jnp.zeros((1, VOCAB), dtype=jnp.float32).at[0, PAD_ID].set(1.0)
    stop_word_prob = stop_prob * stops_f
    wp = unstop_word_prob + stop_word_prob
    wp = prob[:, None] * wp
    # solve_length: increment length for non-stop tokens on unstopped beams
    unstop_tokens = jnp.ones((1, VOCAB), dtype=jnp.int32).at[0, EOS_ID].set(0).at[0, PAD_ID].set(0)
    add_length = unstop_tokens * (1 - stops[:, None])
    wl = word_length[:, None] + add_length
    # solve_score: length-penalized log prob, flatten beams, top-k
    length_penalty = jnp.power((wl + 5).astype(jnp.float32), LPF) / jnp.power(jnp.float32(6.0), LPF)
    word_score = jnp.log(jnp.clip(wp, 1e-20, 1.0)) / length_penalty
    word_score = word_score.reshape(-1, BEAM * VOCAB)
    beam_score, beam_words = jax.lax.top_k(word_score, BEAM)
    prev_index = (jnp.arange(BATCH, dtype=jnp.int32) * BEAM)[:, None] + beam_words // VOCAB
    prev_index = prev_index.reshape(-1)
    next_words = (beam_words % VOCAB).reshape(-1)
    return beam_score, next_words, prev_index

if __name__ == "__main__":
    import jax
    _d = setup_inputs()
    print(jax.jit(kernel)(*tuple(_d.values())))

</pallas_src>

<mosaic_0001>
#map = affine_map<(d0, d1) -> (0)>
module attributes {stable_mosaic.version = 14 : i64} {
  func.func @_sc_select(%arg0: i32, %arg1: i32, %arg2: memref<512xi32, #tpu.memory_space<hbm>>, %arg3: memref<512xf32, #tpu.memory_space<hbm>>, %arg4: memref<512xi32, #tpu.memory_space<hbm>>, %arg5: memref<16777216xf32, #tpu.memory_space<hbm>>, %arg6: memref<2048xf32, #tpu.memory_space<hbm>>, %arg7: memref<2048xi32, #tpu.memory_space<hbm>>, %arg8: memref<16xi32, #tpu.memory_space<vmem>>, %arg9: memref<16xf32, #tpu.memory_space<vmem>>, %arg10: memref<16xi32, #tpu.memory_space<vmem>>, %arg11: memref<32768xf32, #tpu.memory_space<vmem>>, %arg12: memref<64xf32, #tpu.memory_space<vmem>>, %arg13: memref<64xi32, #tpu.memory_space<vmem>>) attributes {dimension_semantics = [#tpu.dimension_semantics<core_parallel>, #tpu.dimension_semantics<subcore_parallel>], iteration_bounds = array<i64: 2, 16>, scalar_prefetch = 0 : i64, scratch_operands = 6 : i64, tpu.core_type = #tpu.core_type<sc_vector_subcore>, window_params = [{transform_indices = #map}, {transform_indices = #map}, {transform_indices = #map}, {transform_indices = #map}, {transform_indices = #map}, {transform_indices = #map}]} {
    %mul3A = arith.constant 2 : i32
    %mul3A_0 = arith.muli %arg1, %mul3A : i32
    %add3A = arith.addi %mul3A_0, %arg0 : i32
    %mul3A_1 = arith.constant 4 : i32
    %mul3A_2 = arith.muli %add3A, %mul3A_1 : i32
    %mul3A_3 = arith.constant 16 : i32
    %mul3A_4 = arith.muli %add3A, %mul3A_3 : i32
    "tpu.region"() ({
      %run_scoped3A = tpu.sem_alloc : memref<!tpu.dma_semaphore, #tpu.memory_space<semaphore_mem>>
      %dma_start3A = tpu.memref_slice %arg2[%mul3A_4] : memref<512xi32, #tpu.memory_space<hbm>> -> memref<16xi32, #tpu.memory_space<hbm>>
      %dma_start3A_35 = tpu.memref_slice %arg2[%mul3A_4] : memref<512xi32, #tpu.memory_space<hbm>> -> memref<16xi32, #tpu.memory_space<hbm>>
      tpu.enqueue_dma source(%dma_start3A_35 : memref<16xi32, #tpu.memory_space<hbm>>) target(%arg8 : memref<16xi32, #tpu.memory_space<vmem>>) target_semaphore(%run_scoped3A : memref<!tpu.dma_semaphore, #tpu.memory_space<semaphore_mem>>)
      %dma_wait3A = tpu.memref_slice %arg2[%mul3A_4] : memref<512xi32, #tpu.memory_space<hbm>> -> memref<16xi32, #tpu.memory_space<hbm>>
      %dma_wait3A_36 = tpu.memref_slice %arg2[%mul3A_4] : memref<512xi32, #tpu.memory_space<hbm>> -> memref<16xi32, #tpu.memory_space<hbm>>
      tpu.wait_dma2 semaphore(%run_scoped3A : memref<!tpu.dma_semaphore, #tpu.memory_space<semaphore_mem>>) src(%dma_wait3A_36 : memref<16xi32, #tpu.memory_space<hbm>>) dst(%arg8 : memref<16xi32, #tpu.memory_space<vmem>>)
      tpu.yield
    }) : () -> ()
    %mul3A_5 = arith.constant 16 : i32
    %mul3A_6 = arith.muli %add3A, %mul3A_5 : i32
    "tpu.region"() ({
      %run_scoped3A = tpu.sem_alloc : memref<!tpu.dma_semaphore, #tpu.memory_space<semaphore_mem>>
      %dma_start3A = tpu.memref_slice %arg3[%mul3A_6] : memref<512xf32, #tpu.memory_space<hbm>> -> memref<16xf32, #tpu.memory_space<hbm>>
      %dma_start3A_35 = tpu.memref_slice %arg3[%mul3A_6] : memref<512xf32, #tpu.memory_space<hbm>> -> memref<16xf32, #tpu.memory_space<hbm>>
      tpu.enqueue_dma source(%dma_start3A_35 : memref<16xf32, #tpu.memory_space<hbm>>) target(%arg9 : memref<16xf32, #tpu.memory_space<vmem>>) target_semaphore(%run_scoped3A : memref<!tpu.dma_semaphore, #tpu.memory_space<semaphore_mem>>)
      %dma_wait3A = tpu.memref_slice %arg3[%mul3A_6] : memref<512xf32, #tpu.memory_space<hbm>> -> memref<16xf32, #tpu.memory_space<hbm>>
      %dma_wait3A_36 = tpu.memref_slice %arg3[%mul3A_6] : memref<512xf32, #tpu.memory_space<hbm>> -> memref<16xf32, #tpu.memory_space<hbm>>
      tpu.wait_dma2 semaphore(%run_scoped3A : memref<!tpu.dma_semaphore, #tpu.memory_space<semaphore_mem>>) src(%dma_wait3A_36 : memref<16xf32, #tpu.memory_space<hbm>>) dst(%arg9 : memref<16xf32, #tpu.memory_space<vmem>>)
      tpu.yield
    }) : () -> ()
    %mul3A_7 = arith.constant 16 : i32
    %mul3A_8 = arith.muli %add3A, %mul3A_7 : i32
    "tpu.region"() ({
      %run_scoped3A = tpu.sem_alloc : memref<!tpu.dma_semaphore, #tpu.memory_space<semaphore_mem>>
      %dma_start3A = tpu.memref_slice %arg4[%mul3A_8] : memref<512xi32, #tpu.memory_space<hbm>> -> memref<16xi32, #tpu.memory_space<hbm>>
      %dma_start3A_35 = tpu.memref_slice %arg4[%mul3A_8] : memref<512xi32, #tpu.memory_space<hbm>> -> memref<16xi32, #tpu.memory_space<hbm>>
      tpu.enqueue_dma source(%dma_start3A_35 : memref<16xi32, #tpu.memory_space<hbm>>) target(%arg10 : memref<16xi32, #tpu.memory_space<vmem>>) target_semaphore(%run_scoped3A : memref<!tpu.dma_semaphore, #tpu.memory_space<semaphore_mem>>)
      %dma_wait3A = tpu.memref_slice %arg4[%mul3A_8] : memref<512xi32, #tpu.memory_space<hbm>> -> memref<16xi32, #tpu.memory_space<hbm>>
      %dma_wait3A_36 = tpu.memref_slice %arg4[%mul3A_8] : memref<512xi32, #tpu.memory_space<hbm>> -> memref<16xi32, #tpu.memory_space<hbm>>
      tpu.wait_dma2 semaphore(%run_scoped3A : memref<!tpu.dma_semaphore, #tpu.memory_space<semaphore_mem>>) src(%dma_wait3A_36 : memref<16xi32, #tpu.memory_space<hbm>>) dst(%arg10 : memref<16xi32, #tpu.memory_space<vmem>>)
      tpu.yield
    }) : () -> ()
    %get3A = arith.constant 0 : index
    %get3A_9 = tpu.vector_load %arg10[%get3A] {strides = array<i32>} : memref<16xi32, #tpu.memory_space<vmem>>, vector<16xi32>,
    %reduce_max3A = arith.constant true
    %reduce_max3A_10 = vector.broadcast %reduce_max3A : i1 to vector<16xi1>
    %reduce_max3A_11 = arith.constant -2147483648 : i32
    %reduce_max3A_12 = vector.broadcast %reduce_max3A_11 : i32 to vector<16xi32>
    %reduce_max3A_13 = arith.xori %get3A_9, %reduce_max3A_12 : vector<16xi32>
    %reduce_max3A_14 = tpu.scan <max>, %reduce_max3A_13 masked %reduce_max3A_10 : vector<16xi32>, vector<16xi1> -> vector<16xi32>
    %reduce_max3A_15 = arith.xori %reduce_max3A_14, %reduce_max3A_12 : vector<16xi32>
    %reduce_max3A_16 = vector.extract %reduce_max3A_15[15] : i32 from vector<16xi32>
    %iota3A = tpu.iota {dimensions = array<i32: 0>} : vector<16xi32>
    %eq3A = arith.constant 0 : i32
    %eq3A_17 = vector.broadcast %eq3A : i32 to vector<16xi32>
    %eq3A_18 = arith.cmpi eq, %iota3A, %eq3A_17 : vector<16xi32>
    %eq3A_19 = arith.constant 2 : i32
    %eq3A_20 = vector.broadcast %eq3A_19 : i32 to vector<16xi32>
    %eq3A_21 = arith.cmpi eq, %iota3A, %eq3A_20 : vector<16xi32>
    %or3A = arith.ori %eq3A_18, %eq3A_21 : vector<16xi1>
    %while3A = arith.constant 0 : i32
    %while3A_22 = arith.constant 0 : i32
    %while3A_23 = arith.subi %reduce_max3A_16, %while3A_22 : i32
    %while3A_24 = arith.addi %while3A_22, %while3A_23 : i32
    %while3A_25 = arith.constant 1 : i32
    %while3A_26 = arith.divsi %while3A_23, %while3A_25 : i32
    %while3A_27 = arith.muli %while3A_26, %while3A_25 : i32
    %while3A_28 = arith.addi %while3A_22, %while3A_27 : i32
    %while3A_29 = arith.constant 1 : i32
    scf.for %while3A_35 = %while3A_22 to %while3A_28 step %while3A_29  : i32 {
      %broadcast_in_dim3A = vector.broadcast %while3A_35 : i32 to vector<16xi32>
      %gather3A = tpu.vector_load_idx %arg8[%broadcast_in_dim3A] : memref<16xi32, #tpu.memory_space<vmem>>[vector<16xi32>], vector<16xi32>,
      %reduce_max3A_36 = arith.constant true
      %reduce_max3A_37 = vector.broadcast %reduce_max3A_36 : i1 to vector<16xi1>
      %reduce_max3A_38 = arith.constant -2147483648 : i32
      %reduce_max3A_39 = vector.broadcast %reduce_max3A_38 : i32 to vector<16xi32>
      %reduce_max3A_40 = arith.xori %gather3A, %reduce_max3A_39 : vector<16xi32>
      %reduce_max3A_41 = tpu.scan <max>, %reduce_max3A_40 masked %reduce_max3A_37 : vector<16xi32>, vector<16xi1> -> vector<16xi32>
      %reduce_max3A_42 = arith.xori %reduce_max3A_41, %reduce_max3A_39 : vector<16xi32>
      %reduce_max3A_43 = vector.extract %reduce_max3A_42[15] : i32 from vector<16xi32>
      %gather3A_44 = tpu.vector_load_idx %arg9[%broadcast_in_dim3A] : memref<16xf32, #tpu.memory_space<vmem>>[vector<16xi32>], vector<16xf32>,
      %mul3A_45 = arith.constant 32768 : i32
      %mul3A_46 = arith.muli %reduce_max3A_43, %mul3A_45 : i32
      "tpu.region"() ({
        %run_scoped3A = tpu.sem_alloc : memref<!tpu.dma_semaphore, #tpu.memory_space<semaphore_mem>>
        %dma_start3A = tpu.memref_slice %arg5[%mul3A_46] : memref<16777216xf32, #tpu.memory_space<hbm>> -> memref<32768xf32, #tpu.memory_space<hbm>>
        %dma_start3A_495 = tpu.memref_slice %arg5[%mul3A_46] : memref<16777216xf32, #tpu.memory_space<hbm>> -> memref<32768xf32, #tpu.memory_space<hbm>>
        tpu.enqueue_dma source(%dma_start3A_495 : memref<32768xf32, #tpu.memory_space<hbm>>) target(%arg11 : memref<32768xf32, #tpu.memory_space<vmem>>) target_semaphore(%run_scoped3A : memref<!tpu.dma_semaphore, #tpu.memory_space<semaphore_mem>>)
        %dma_wait3A = tpu.memref_slice %arg5[%mul3A_46] : memref<16777216xf32, #tpu.memory_space<hbm>> -> memref<32768xf32, #tpu.memory_space<hbm>>
        %dma_wait3A_496 = tpu.memref_slice %arg5[%mul3A_46] : memref<16777216xf32, #tpu.memory_space<hbm>> -> memref<32768xf32, #tpu.memory_space<hbm>>
        tpu.wait_dma2 semaphore(%run_scoped3A : memref<!tpu.dma_semaphore, #tpu.memory_space<semaphore_mem>>) src(%dma_wait3A_496 : memref<32768xf32, #tpu.memory_space<hbm>>) dst(%arg11 : memref<32768xf32, #tpu.memory_space<vmem>>)
        tpu.yield
      }) : () -> ()
      %get3A_47 = arith.constant 0 : index
      %get3A_48 = tpu.vector_load %arg11[%get3A_47] {strides = array<i32>} : memref<32768xf32, #tpu.memory_space<vmem>>, vector<16xf32>,
      %mul3A_49 = arith.mulf %gather3A_44, %get3A_48 : vector<16xf32>
      %jit3A = arith.constant -1.000000e+00 : f32
      %broadcast_in_dim3A_50 = vector.broadcast %jit3A : f32 to vector<16xf32>
      %select_n3A = arith.select %or3A, %broadcast_in_dim3A_50, %mul3A_49 : vector<16xi1>, vector<16xf32>
      %broadcast_in_dim3A_51 = arith.constant -2.000000e+00 : f32
      %broadcast_in_dim3A_52 = vector.broadcast %broadcast_in_dim3A_51 : f32 to vector<16xf32>
      %broadcast_in_dim3A_53 = arith.constant 0 : i32
      %broadcast_in_dim3A_54 = vector.broadcast %broadcast_in_dim3A_53 : i32 to vector<16xi32>
      %scan3A = arith.constant 1 : i32
      %scan3A_55 = arith.constant 2040 : i32
      %scan3A_56 = arith.addi %scan3A, %scan3A_55 : i32
      %scan3A_57 = arith.constant 8 : i32
      %scan3A_58:8 = scf.for %scan3A_495 = %scan3A to %scan3A_56 step %scan3A_57 iter_args(%scan3A_496 = %select_n3A, %scan3A_497 = %broadcast_in_dim3A_52, %scan3A_498 = %broadcast_in_dim3A_52, %scan3A_499 = %broadcast_in_dim3A_52, %scan3A_500 = %broadcast_in_dim3A_54, %scan3A_501 = %broadcast_in_dim3A_54, %scan3A_502 = %broadcast_in_dim3A_54, %scan3A_503 = %broadcast_in_dim3A_54) -> (vector<16xf32>, vector<16xf32>, vector<16xf32>, vector<16xf32>, vector<16xi32>, vector<16xi32>, vector<16xi32>, vector<16xi32>)  : i32 {
        %mul3A_504 = arith.constant 16 : i32
        %mul3A_505 = arith.muli %scan3A_495, %mul3A_504 : i32
        %get3A_506 = arith.index_cast %mul3A_505 : i32 to index
        %get3A_507 = tpu.vector_load %arg11[%get3A_506] {strides = array<i32>} : memref<32768xf32, #tpu.memory_space<vmem>>, vector<16xf32>,
        %mul3A_508 = arith.mulf %gather3A_44, %get3A_507 : vector<16xf32>
        %gt3A_509 = arith.cmpf ogt, %mul3A_508, %scan3A_496 : vector<16xf32>
        %max3A_510 = arith.maximumf %scan3A_496, %mul3A_508 : vector<16xf32>
        %min3A_511 = arith.minimumf %scan3A_496, %mul3A_508 : vector<16xf32>
        %broadcast_in_dim3A_512 = vector.broadcast %scan3A_495 : i32 to vector<16xi32>
        %select_n3A_513 = arith.select %gt3A_509, %broadcast_in_dim3A_512, %scan3A_500 : vector<16xi1>, vector<16xi32>
        %broadcast_in_dim3A_514 = vector.broadcast %scan3A_495 : i32 to vector<16xi32>
        %select_n3A_515 = arith.select %gt3A_509, %scan3A_500, %broadcast_in_dim3A_514 : vector<16xi1>, vector<16xi32>
        %gt3A_516 = arith.cmpf ogt, %min3A_511, %scan3A_497 : vector<16xf32>
        %max3A_517 = arith.maximumf %scan3A_497, %min3A_511 : vector<16xf32>
        %min3A_518 = arith.minimumf %scan3A_497, %min3A_511 : vector<16xf32>
        %select_n3A_519 = arith.select %gt3A_516, %select_n3A_515, %scan3A_501 : vector<16xi1>, vector<16xi32>
        %select_n3A_520 = arith.select %gt3A_516, %scan3A_501, %select_n3A_515 : vector<16xi1>, vector<16xi32>
        %gt3A_521 = arith.cmpf ogt, %min3A_518, %scan3A_498 : vector<16xf32>
        %max3A_522 = arith.maximumf %scan3A_498, %min3A_518 : vector<16xf32>
        %min3A_523 = arith.minimumf %scan3A_498, %min3A_518 : vector<16xf32>
        %select_n3A_524 = arith.select %gt3A_521, %select_n3A_520, %scan3A_502 : vector<16xi1>, vector<16xi32>
        %select_n3A_525 = arith.select %gt3A_521, %scan3A_502, %select_n3A_520 : vector<16xi1>, vector<16xi32>
        %gt3A_526 = arith.cmpf ogt, %min3A_523, %scan3A_499 : vector<16xf32>
        %max3A_527 = arith.maximumf %scan3A_499, %min3A_523 : vector<16xf32>
        %select_n3A_528 = arith.select %gt3A_526, %select_n3A_525, %scan3A_503 : vector<16xi1>, vector<16xi32>
        %scan3A_529 = arith.constant 1 : i32
        %scan3A_530 = arith.addi %scan3A_495, %scan3A_529 : i32
        %mul3A_531 = arith.constant 16 : i32
        %mul3A_532 = arith.muli %scan3A_530, %mul3A_531 : i32
        %get3A_533 = arith.index_cast %mul3A_532 : i32 to index
        %get3A_534 = tpu.vector_load %arg11[%get3A_533] {strides = array<i32>} : memref<32768xf32, #tpu.memory_space<vmem>>, vector<16xf32>,
        %mul3A_535 = arith.mulf %gather3A_44, %get3A_534 : vector<16xf32>
        %gt3A_536 = arith.cmpf ogt, %mul3A_535, %max3A_510 : vector<16xf32>
        %max3A_537 = arith.maximumf %max3A_510, %mul3A_535 : vector<16xf32>
        %min3A_538 = arith.minimumf %max3A_510, %mul3A_535 : vector<16xf32>
        %broadcast_in_dim3A_539 = vector.broadcast %scan3A_530 : i32 to vector<16xi32>
        %select_n3A_540 = arith.select %gt3A_536, %broadcast_in_dim3A_539, %select_n3A_513 : vector<16xi1>, vector<16xi32>
        %broadcast_in_dim3A_541 = vector.broadcast %scan3A_530 : i32 to vector<16xi32>
        %select_n3A_542 = arith.select %gt3A_536, %select_n3A_513, %broadcast_in_dim3A_541 : vector<16xi1>, vector<16xi32>
        %gt3A_543 = arith.cmpf ogt, %min3A_538, %max3A_517 : vector<16xf32>
        %max3A_544 = arith.maximumf %max3A_517, %min3A_538 : vector<16xf32>
        %min3A_545 = arith.minimumf %max3A_517, %min3A_538 : vector<16xf32>
        %select_n3A_546 = arith.select %gt3A_543, %select_n3A_542, %select_n3A_519 : vector<16xi1>, vector<16xi32>
        %select_n3A_547 = arith.select %gt3A_543, %select_n3A_519, %select_n3A_542 : vector<16xi1>, vector<16xi32>
        %gt3A_548 = arith.cmpf ogt, %min3A_545, %max3A_522 : vector<16xf32>
        %max3A_549 = arith.maximumf %max3A_522, %min3A_545 : vector<16xf32>
        %min3A_550 = arith.minimumf %max3A_522, %min3A_545 : vector<16xf32>
        %select_n3A_551 = arith.select %gt3A_548, %select_n3A_547, %select_n3A_524 : vector<16xi1>, vector<16xi32>
        %select_n3A_552 = arith.select %gt3A_548, %select_n3A_524, %select_n3A_547 : vector<16xi1>, vector<16xi32>
        %gt3A_553 = arith.cmpf ogt, %min3A_550, %max3A_527 : vector<16xf32>
        %max3A_554 = arith.maximumf %max3A_527, %min3A_550 : vector<16xf32>
        %select_n3A_555 = arith.select %gt3A_553, %select_n3A_552, %select_n3A_528 : vector<16xi1>, vector<16xi32>
        %scan3A_556 = arith.constant 2 : i32
        %scan3A_557 = arith.addi %scan3A_495, %scan3A_556 : i32
        %mul3A_558 = arith.constant 16 : i32
        %mul3A_559 = arith.muli %scan3A_557, %mul3A_558 : i32
        %get3A_560 = arith.index_cast %mul3A_559 : i32 to index
        %get3A_561 = tpu.vector_load %arg11[%get3A_560] {strides = array<i32>} : memref<32768xf32, #tpu.memory_space<vmem>>, vector<16xf32>,
        %mul3A_562 = arith.mulf %gather3A_44, %get3A_561 : vector<16xf32>
        %gt3A_563 = arith.cmpf ogt, %mul3A_562, %max3A_537 : vector<16xf32>
        %max3A_564 = arith.maximumf %max3A_537, %mul3A_562 : vector<16xf32>
        %min3A_565 = arith.minimumf %max3A_537, %mul3A_562 : vector<16xf32>
        %broadcast_in_dim3A_566 = vector.broadcast %scan3A_557 : i32 to vector<16xi32>
        %select_n3A_567 = arith.select %gt3A_563, %broadcast_in_dim3A_566, %select_n3A_540 : vector<16xi1>, vector<16xi32>
        %broadcast_in_dim3A_568 = vector.broadcast %scan3A_557 : i32 to vector<16xi32>
        %select_n3A_569 = arith.select %gt3A_563, %select_n3A_540, %broadcast_in_dim3A_568 : vector<16xi1>, vector<16xi32>
        %gt3A_570 = arith.cmpf ogt, %min3A_565, %max3A_544 : vector<16xf32>
        %max3A_571 = arith.maximumf %max3A_544, %min3A_565 : vector<16xf32>
        %min3A_572 = arith.minimumf %max3A_544, %min3A_565 : vector<16xf32>
        %select_n3A_573 = arith.select %gt3A_570, %select_n3A_569, %select_n3A_546 : vector<16xi1>, vector<16xi32>
        %select_n3A_574 = arith.select %gt3A_570, %select_n3A_546, %select_n3A_569 : vector<16xi1>, vector<16xi32>
        %gt3A_575 = arith.cmpf ogt, %min3A_572, %max3A_549 : vector<16xf32>
        %max3A_576 = arith.maximumf %max3A_549, %min3A_572 : vector<16xf32>
        %min3A_577 = arith.minimumf %max3A_549, %min3A_572 : vector<16xf32>
        %select_n3A_578 = arith.select %gt3A_575, %select_n3A_574, %select_n3A_551 : vector<16xi1>, vector<16xi32>
        %select_n3A_579 = arith.select %gt3A_575, %select_n3A_551, %select_n3A_574 : vector<16xi1>, vector<16xi32>
        %gt3A_580 = arith.cmpf ogt, %min3A_577, %max3A_554 : vector<16xf32>
        %max3A_581 = arith.maximumf %max3A_554, %min3A_577 : vector<16xf32>
        %select_n3A_582 = arith.select %gt3A_580, %select_n3A_579, %select_n3A_555 : vector<16xi1>, vector<16xi32>
        %scan3A_583 = arith.constant 3 : i32
        %scan3A_584 = arith.addi %scan3A_495, %scan3A_583 : i32
        %mul3A_585 = arith.constant 16 : i32
        %mul3A_586 = arith.muli %scan3A_584, %mul3A_585 : i32
        %get3A_587 = arith.index_cast %mul3A_586 : i32 to index
        %get3A_588 = tpu.vector_load %arg11[%get3A_587] {strides = array<i32>} : memref<32768xf32, #tpu.memory_space<vmem>>, vector<16xf32>,
        %mul3A_589 = arith.mulf %gather3A_44, %get3A_588 : vector<16xf32>
        %gt3A_590 = arith.cmpf ogt, %mul3A_589, %max3A_564 : vector<16xf32>
        %max3A_591 = arith.maximumf %max3A_564, %mul3A_589 : vector<16xf32>
        %min3A_592 = arith.minimumf %max3A_564, %mul3A_589 : vector<16xf32>
        %broadcast_in_dim3A_593 = vector.broadcast %scan3A_584 : i32 to vector<16xi32>
        %select_n3A_594 = arith.select %gt3A_590, %broadcast_in_dim3A_593, %select_n3A_567 : vector<16xi1>, vector<16xi32>
        %broadcast_in_dim3A_595 = vector.broadcast %scan3A_584 : i32 to vector<16xi32>
        %select_n3A_596 = arith.select %gt3A_590, %select_n3A_567, %broadcast_in_dim3A_595 : vector<16xi1>, vector<16xi32>
        %gt3A_597 = arith.cmpf ogt, %min3A_592, %max3A_571 : vector<16xf32>
        %max3A_598 = arith.maximumf %max3A_571, %min3A_592 : vector<16xf32>
        %min3A_599 = arith.minimumf %max3A_571, %min3A_592 : vector<16xf32>
        %select_n3A_600 = arith.select %gt3A_597, %select_n3A_596, %select_n3A_573 : vector<16xi1>, vector<16xi32>
        %select_n3A_601 = arith.select %gt3A_597, %select_n3A_573, %select_n3A_596 : vector<16xi1>, vector<16xi32>
        %gt3A_602 = arith.cmpf ogt, %min3A_599, %max3A_576 : vector<16xf32>
        %max3A_603 = arith.maximumf %max3A_576, %min3A_599 : vector<16xf32>
        %min3A_604 = arith.minimumf %max3A_576, %min3A_599 : vector<16xf32>
        %select_n3A_605 = arith.select %gt3A_602, %select_n3A_601, %select_n3A_578 : vector<16xi1>, vector<16xi32>
        %select_n3A_606 = arith.select %gt3A_602, %select_n3A_578, %select_n3A_601 : vector<16xi1>, vector<16xi32>
        %gt3A_607 = arith.cmpf ogt, %min3A_604, %max3A_581 : vector<16xf32>
        %max3A_608 = arith.maximumf %max3A_581, %min3A_604 : vector<16xf32>
        %select_n3A_609 = arith.select %gt3A_607, %select_n3A_606, %select_n3A_582 : vector<16xi1>, vector<16xi32>
        %scan3A_610 = arith.constant 4 : i32
        %scan3A_611 = arith.addi %scan3A_495, %scan3A_610 : i32
        %mul3A_612 = arith.constant 16 : i32
        %mul3A_613 = arith.muli %scan3A_611, %mul3A_612 : i32
        %get3A_614 = arith.index_cast %mul3A_613 : i32 to index
        %get3A_615 = tpu.vector_load %arg11[%get3A_614] {strides = array<i32>} : memref<32768xf32, #tpu.memory_space<vmem>>, vector<16xf32>,
        %mul3A_616 = arith.mulf %gather3A_44, %get3A_615 : vector<16xf32>
        %gt3A_617 = arith.cmpf ogt, %mul3A_616, %max3A_591 : vector<16xf32>
        %max3A_618 = arith.maximumf %max3A_591, %mul3A_616 : vector<16xf32>
        %min3A_619 = arith.minimumf %max3A_591, %mul3A_616 : vector<16xf32>
        %broadcast_in_dim3A_620 = vector.broadcast %scan3A_611 : i32 to vector<16xi32>
        %select_n3A_621 = arith.select %gt3A_617, %broadcast_in_dim3A_620, %select_n3A_594 : vector<16xi1>, vector<16xi32>
        %broadcast_in_dim3A_622 = vector.broadcast %scan3A_611 : i32 to vector<16xi32>
        %select_n3A_623 = arith.select %gt3A_617, %select_n3A_594, %broadcast_in_dim3A_622 : vector<16xi1>, vector<16xi32>
        %gt3A_624 = arith.cmpf ogt, %min3A_619, %max3A_598 : vector<16xf32>
        %max3A_625 = arith.maximumf %max3A_598, %min3A_619 : vector<16xf32>
        %min3A_626 = arith.minimumf %max3A_598, %min3A_619 : vector<16xf32>
        %select_n3A_627 = arith.select %gt3A_624, %select_n3A_623, %select_n3A_600 : vector<16xi1>, vector<16xi32>
        %select_n3A_628 = arith.select %gt3A_624, %select_n3A_600, %select_n3A_623 : vector<16xi1>, vector<16xi32>
        %gt3A_629 = arith.cmpf ogt, %min3A_626, %max3A_603 : vector<16xf32>
        %max3A_630 = arith.maximumf %max3A_603, %min3A_626 : vector<16xf32>
        %min3A_631 = arith.minimumf %max3A_603, %min3A_626 : vector<16xf32>
        %select_n3A_632 = arith.select %gt3A_629, %select_n3A_628, %select_n3A_605 : vector<16xi1>, vector<16xi32>
        %select_n3A_633 = arith.select %gt3A_629, %select_n3A_605, %select_n3A_628 : vector<16xi1>, vector<16xi32>
        %gt3A_634 = arith.cmpf ogt, %min3A_631, %max3A_608 : vector<16xf32>
        %max3A_635 = arith.maximumf %max3A_608, %min3A_631 : vector<16xf32>
        %select_n3A_636 = arith.select %gt3A_634, %select_n3A_633, %select_n3A_609 : vector<16xi1>, vector<16xi32>
        %scan3A_637 = arith.constant 5 : i32
        %scan3A_638 = arith.addi %scan3A_495, %scan3A_637 : i32
        %mul3A_639 = arith.constant 16 : i32
        %mul3A_640 = arith.muli %scan3A_638, %mul3A_639 : i32
        %get3A_641 = arith.index_cast %mul3A_640 : i32 to index
        %get3A_642 = tpu.vector_load %arg11[%get3A_641] {strides = array<i32>} : memref<32768xf32, #tpu.memory_space<vmem>>, vector<16xf32>,
        %mul3A_643 = arith.mulf %gather3A_44, %get3A_642 : vector<16xf32>
        %gt3A_644 = arith.cmpf ogt, %mul3A_643, %max3A_618 : vector<16xf32>
        %max3A_645 = arith.maximumf %max3A_618, %mul3A_643 : vector<16xf32>
        %min3A_646 = arith.minimumf %max3A_618, %mul3A_643 : vector<16xf32>
        %broadcast_in_dim3A_647 = vector.broadcast %scan3A_638 : i32 to vector<16xi32>
        %select_n3A_648 = arith.select %gt3A_644, %broadcast_in_dim3A_647, %select_n3A_621 : vector<16xi1>, vector<16xi32>
        %broadcast_in_dim3A_649 = vector.broadcast %scan3A_638 : i32 to vector<16xi32>
        %select_n3A_650 = arith.select %gt3A_644, %select_n3A_621, %broadcast_in_dim3A_649 : vector<16xi1>, vector<16xi32>
        %gt3A_651 = arith.cmpf ogt, %min3A_646, %max3A_625 : vector<16xf32>
        %max3A_652 = arith.maximumf %max3A_625, %min3A_646 : vector<16xf32>
        %min3A_653 = arith.minimumf %max3A_625, %min3A_646 : vector<16xf32>
        %select_n3A_654 = arith.select %gt3A_651, %select_n3A_650, %select_n3A_627 : vector<16xi1>, vector<16xi32>
        %select_n3A_655 = arith.select %gt3A_651, %select_n3A_627, %select_n3A_650 : vector<16xi1>, vector<16xi32>
        %gt3A_656 = arith.cmpf ogt, %min3A_653, %max3A_630 : vector<16xf32>
        %max3A_657 = arith.maximumf %max3A_630, %min3A_653 : vector<16xf32>
        %min3A_658 = arith.minimumf %max3A_630, %min3A_653 : vector<16xf32>
        %select_n3A_659 = arith.select %gt3A_656, %select_n3A_655, %select_n3A_632 : vector<16xi1>, vector<16xi32>
        %select_n3A_660 = arith.select %gt3A_656, %select_n3A_632, %select_n3A_655 : vector<16xi1>, vector<16xi32>
        %gt3A_661 = arith.cmpf ogt, %min3A_658, %max3A_635 : vector<16xf32>
        %max3A_662 = arith.maximumf %max3A_635, %min3A_658 : vector<16xf32>
        %select_n3A_663 = arith.select %gt3A_661, %select_n3A_660, %select_n3A_636 : vector<16xi1>, vector<16xi32>
        %scan3A_664 = arith.constant 6 : i32
        %scan3A_665 = arith.addi %scan3A_495, %scan3A_664 : i32
        %mul3A_666 = arith.constant 16 : i32
        %mul3A_667 = arith.muli %scan3A_665, %mul3A_666 : i32
        %get3A_668 = arith.index_cast %mul3A_667 : i32 to index
        %get3A_669 = tpu.vector_load %arg11[%get3A_668] {strides = array<i32>} : memref<32768xf32, #tpu.memory_space<vmem>>, vector<16xf32>,
        %mul3A_670 = arith.mulf %gather3A_44, %get3A_669 : vector<16xf32>
        %gt3A_671 = arith.cmpf ogt, %mul3A_670, %max3A_645 : vector<16xf32>
        %max3A_672 = arith.maximumf %max3A_645, %mul3A_670 : vector<16xf32>
        %min3A_673 = arith.minimumf %max3A_645, %mul3A_670 : vector<16xf32>
        %broadcast_in_dim3A_674 = vector.broadcast %scan3A_665 : i32 to vector<16xi32>
        %select_n3A_675 = arith.select %gt3A_671, %broadcast_in_dim3A_674, %select_n3A_648 : vector<16xi1>, vector<16xi32>
        %broadcast_in_dim3A_676 = vector.broadcast %scan3A_665 : i32 to vector<16xi32>
        %select_n3A_677 = arith.select %gt3A_671, %select_n3A_648, %broadcast_in_dim3A_676 : vector<16xi1>, vector<16xi32>
        %gt3A_678 = arith.cmpf ogt, %min3A_673, %max3A_652 : vector<16xf32>
        %max3A_679 = arith.maximumf %max3A_652, %min3A_673 : vector<16xf32>
        %min3A_680 = arith.minimumf %max3A_652, %min3A_673 : vector<16xf32>
        %select_n3A_681 = arith.select %gt3A_678, %select_n3A_677, %select_n3A_654 : vector<16xi1>, vector<16xi32>
        %select_n3A_682 = arith.select %gt3A_678, %select_n3A_654, %select_n3A_677 : vector<16xi1>, vector<16xi32>
        %gt3A_683 = arith.cmpf ogt, %min3A_680, %max3A_657 : vector<16xf32>
        %max3A_684 = arith.maximumf %max3A_657, %min3A_680 : vector<16xf32>
        %min3A_685 = arith.minimumf %max3A_657, %min3A_680 : vector<16xf32>
        %select_n3A_686 = arith.select %gt3A_683, %select_n3A_682, %select_n3A_659 : vector<16xi1>, vector<16xi32>
        %select_n3A_687 = arith.select %gt3A_683, %select_n3A_659, %select_n3A_682 : vector<16xi1>, vector<16xi32>
        %gt3A_688 = arith.cmpf ogt, %min3A_685, %max3A_662 : vector<16xf32>
        %max3A_689 = arith.maximumf %max3A_662, %min3A_685 : vector<16xf32>
        %select_n3A_690 = arith.select %gt3A_688, %select_n3A_687, %select_n3A_663 : vector<16xi1>, vector<16xi32>
        %scan3A_691 = arith.constant 7 : i32
        %scan3A_692 = arith.addi %scan3A_495, %scan3A_691 : i32
        %mul3A_693 = arith.constant 16 : i32
        %mul3A_694 = arith.muli %scan3A_692, %mul3A_693 : i32
        %get3A_695 = arith.index_cast %mul3A_694 : i32 to index
        %get3A_696 = tpu.vector_load %arg11[%get3A_695] {strides = array<i32>} : memref<32768xf32, #tpu.memory_space<vmem>>, vector<16xf32>,
        %mul3A_697 = arith.mulf %gather3A_44, %get3A_696 : vector<16xf32>
        %gt3A_698 = arith.cmpf ogt, %mul3A_697, %max3A_672 : vector<16xf32>
        %max3A_699 = arith.maximumf %max3A_672, %mul3A_697 : vector<16xf32>
        %min3A_700 = arith.minimumf %max3A_672, %mul3A_697 : vector<16xf32>
        %broadcast_in_dim3A_701 = vector.broadcast %scan3A_692 : i32 to vector<16xi32>
        %select_n3A_702 = arith.select %gt3A_698, %broadcast_in_dim3A_701, %select_n3A_675 : vector<16xi1>, vector<16xi32>
        %broadcast_in_dim3A_703 = vector.broadcast %scan3A_692 : i32 to vector<16xi32>
        %select_n3A_704 = arith.select %gt3A_698, %select_n3A_675, %broadcast_in_dim3A_703 : vector<16xi1>, vector<16xi32>
        %gt3A_705 = arith.cmpf ogt, %min3A_700, %max3A_679 : vector<16xf32>
        %max3A_706 = arith.maximumf %max3A_679, %min3A_700 : vector<16xf32>
        %min3A_707 = arith.minimumf %max3A_679, %min3A_700 : vector<16xf32>
        %select_n3A_708 = arith.select %gt3A_705, %select_n3A_704, %select_n3A_681 : vector<16xi1>, vector<16xi32>
        %select_n3A_709 = arith.select %gt3A_705, %select_n3A_681, %select_n3A_704 : vector<16xi1>, vector<16xi32>
        %gt3A_710 = arith.cmpf ogt, %min3A_707, %max3A_684 : vector<16xf32>
        %max3A_711 = arith.maximumf %max3A_684, %min3A_707 : vector<16xf32>
        %min3A_712 = arith.minimumf %max3A_684, %min3A_707 : vector<16xf32>
        %select_n3A_713 = arith.select %gt3A_710, %select_n3A_709, %select_n3A_686 : vector<16xi1>, vector<16xi32>
        %select_n3A_714 = arith.select %gt3A_710, %select_n3A_686, %select_n3A_709 : vector<16xi1>, vector<16xi32>
        %gt3A_715 = arith.cmpf ogt, %min3A_712, %max3A_689 : vector<16xf32>
        %max3A_716 = arith.maximumf %max3A_689, %min3A_712 : vector<16xf32>
        %select_n3A_717 = arith.select %gt3A_715, %select_n3A_714, %select_n3A_690 : vector<16xi1>, vector<16xi32>
        scf.yield %max3A_699, %max3A_706, %max3A_711, %max3A_716, %select_n3A_702, %select_n3A_708, %select_n3A_713, %select_n3A_717 : vector<16xf32>, vector<16xf32>, vector<16xf32>, vector<16xf32>, vector<16xi32>, vector<16xi32>, vector<16xi32>, vector<16xi32>
      }
      %scan3A_59 = arith.constant 2040 : i32
      %scan3A_60 = arith.addi %scan3A, %scan3A_59 : i32
      %mul3A_61 = arith.constant 16 : i32
      %mul3A_62 = arith.muli %scan3A_60, %mul3A_61 : i32
      %get3A_63 = arith.index_cast %mul3A_62 : i32 to index
      %get3A_64 = tpu.vector_load %arg11[%get3A_63] {strides = array<i32>} : memref<32768xf32, #tpu.memory_space<vmem>>, vector<16xf32>,
      %mul3A_65 = arith.mulf %gather3A_44, %get3A_64 : vector<16xf32>
      %gt3A = arith.cmpf ogt, %mul3A_65, %scan3A_58#0 : vector<16xf32>
      %max3A = arith.maximumf %scan3A_58#0, %mul3A_65 : vector<16xf32>
      %min3A = arith.minimumf %scan3A_58#0, %mul3A_65 : vector<16xf32>
      %broadcast_in_dim3A_66 = vector.broadcast %scan3A_60 : i32 to vector<16xi32>
      %select_n3A_67 = arith.select %gt3A, %broadcast_in_dim3A_66, %scan3A_58#4 : vector<16xi1>, vector<16xi32>
      %broadcast_in_dim3A_68 = vector.broadcast %scan3A_60 : i32 to vector<16xi32>
      %select_n3A_69 = arith.select %gt3A, %scan3A_58#4, %broadcast_in_dim3A_68 : vector<16xi1>, vector<16xi32>
      %gt3A_70 = arith.cmpf ogt, %min3A, %scan3A_58#1 : vector<16xf32>
      %max3A_71 = arith.maximumf %scan3A_58#1, %min3A : vector<16xf32>
      %min3A_72 = arith.minimumf %scan3A_58#1, %min3A : vector<16xf32>
      %select_n3A_73 = arith.select %gt3A_70, %select_n3A_69, %scan3A_58#5 : vector<16xi1>, vector<16xi32>
      %select_n3A_74 = arith.select %gt3A_70, %scan3A_58#5, %select_n3A_69 : vector<16xi1>, vector<16xi32>
      %gt3A_75 = arith.cmpf ogt, %min3A_72, %scan3A_58#2 : vector<16xf32>
      %max3A_76 = arith.maximumf %scan3A_58#2, %min3A_72 : vector<16xf32>
      %min3A_77 = arith.minimumf %scan3A_58#2, %min3A_72 : vector<16xf32>
      %select_n3A_78 = arith.select %gt3A_75, %select_n3A_74, %scan3A_58#6 : vector<16xi1>, vector<16xi32>
      %select_n3A_79 = arith.select %gt3A_75, %scan3A_58#6, %select_n3A_74 : vector<16xi1>, vector<16xi32>
      %gt3A_80 = arith.cmpf ogt, %min3A_77, %scan3A_58#3 : vector<16xf32>
      %max3A_81 = arith.maximumf %scan3A_58#3, %min3A_77 : vector<16xf32>
      %select_n3A_82 = arith.select %gt3A_80, %select_n3A_79, %scan3A_58#7 : vector<16xi1>, vector<16xi32>
      %scan3A_83 = arith.constant 2041 : i32
      %scan3A_84 = arith.addi %scan3A, %scan3A_83 : i32
      %mul3A_85 = arith.constant 16 : i32
      %mul3A_86 = arith.muli %scan3A_84, %mul3A_85 : i32
      %get3A_87 = arith.index_cast %mul3A_86 : i32 to index
      %get3A_88 = tpu.vector_load %arg11[%get3A_87] {strides = array<i32>} : memref<32768xf32, #tpu.memory_space<vmem>>, vector<16xf32>,
      %mul3A_89 = arith.mulf %gather3A_44, %get3A_88 : vector<16xf32>
      %gt3A_90 = arith.cmpf ogt, %mul3A_89, %max3A : vector<16xf32>
      %max3A_91 = arith.maximumf %max3A, %mul3A_89 : vector<16xf32>
      %min3A_92 = arith.minimumf %max3A, %mul3A_89 : vector<16xf32>
      %broadcast_in_dim3A_93 = vector.broadcast %scan3A_84 : i32 to vector<16xi32>
      %select_n3A_94 = arith.select %gt3A_90, %broadcast_in_dim3A_93, %select_n3A_67 : vector<16xi1>, vector<16xi32>
      %broadcast_in_dim3A_95 = vector.broadcast %scan3A_84 : i32 to vector<16xi32>
      %select_n3A_96 = arith.select %gt3A_90, %select_n3A_67, %broadcast_in_dim3A_95 : vector<16xi1>, vector<16xi32>
      %gt3A_97 = arith.cmpf ogt, %min3A_92, %max3A_71 : vector<16xf32>
      %max3A_98 = arith.maximumf %max3A_71, %min3A_92 : vector<16xf32>
      %min3A_99 = arith.minimumf %max3A_71, %min3A_92 : vector<16xf32>
      %select_n3A_100 = arith.select %gt3A_97, %select_n3A_96, %select_n3A_73 : vector<16xi1>, vector<16xi32>
      %select_n3A_101 = arith.select %gt3A_97, %select_n3A_73, %select_n3A_96 : vector<16xi1>, vector<16xi32>
      %gt3A_102 = arith.cmpf ogt, %min3A_99, %max3A_76 : vector<16xf32>
      %max3A_103 = arith.maximumf %max3A_76, %min3A_99 : vector<16xf32>
      %min3A_104 = arith.minimumf %max3A_76, %min3A_99 : vector<16xf32>
      %select_n3A_105 = arith.select %gt3A_102, %select_n3A_101, %select_n3A_78 : vector<16xi1>, vector<16xi32>
      %select_n3A_106 = arith.select %gt3A_102, %select_n3A_78, %select_n3A_101 : vector<16xi1>, vector<16xi32>
      %gt3A_107 = arith.cmpf ogt, %min3A_104, %max3A_81 : vector<16xf32>
      %max3A_108 = arith.maximumf %max3A_81, %min3A_104 : vector<16xf32>
      %select_n3A_109 = arith.select %gt3A_107, %select_n3A_106, %select_n3A_82 : vector<16xi1>, vector<16xi32>
      %scan3A_110 = arith.constant 2042 : i32
      %scan3A_111 = arith.addi %scan3A, %scan3A_110 : i32
      %mul3A_112 = arith.constant 16 : i32
      %mul3A_113 = arith.muli %scan3A_111, %mul3A_112 : i32
      %get3A_114 = arith.index_cast %mul3A_113 : i32 to index
      %get3A_115 = tpu.vector_load %arg11[%get3A_114] {strides = array<i32>} : memref<32768xf32, #tpu.memory_space<vmem>>, vector<16xf32>,
      %mul3A_116 = arith.mulf %gather3A_44, %get3A_115 : vector<16xf32>
      %gt3A_117 = arith.cmpf ogt, %mul3A_116, %max3A_91 : vector<16xf32>
      %max3A_118 = arith.maximumf %max3A_91, %mul3A_116 : vector<16xf32>
      %min3A_119 = arith.minimumf %max3A_91, %mul3A_116 : vector<16xf32>
      %broadcast_in_dim3A_120 = vector.broadcast %scan3A_111 : i32 to vector<16xi32>
      %select_n3A_121 = arith.select %gt3A_117, %broadcast_in_dim3A_120, %select_n3A_94 : vector<16xi1>, vector<16xi32>
      %broadcast_in_dim3A_122 = vector.broadcast %scan3A_111 : i32 to vector<16xi32>
      %select_n3A_123 = arith.select %gt3A_117, %select_n3A_94, %broadcast_in_dim3A_122 : vector<16xi1>, vector<16xi32>
      %gt3A_124 = arith.cmpf ogt, %min3A_119, %max3A_98 : vector<16xf32>
      %max3A_125 = arith.maximumf %max3A_98, %min3A_119 : vector<16xf32>
      %min3A_126 = arith.minimumf %max3A_98, %min3A_119 : vector<16xf32>
      %select_n3A_127 = arith.select %gt3A_124, %select_n3A_123, %select_n3A_100 : vector<16xi1>, vector<16xi32>
      %select_n3A_128 = arith.select %gt3A_124, %select_n3A_100, %select_n3A_123 : vector<16xi1>, vector<16xi32>
      %gt3A_129 = arith.cmpf ogt, %min3A_126, %max3A_103 : vector<16xf32>
      %max3A_130 = arith.maximumf %max3A_103, %min3A_126 : vector<16xf32>
      %min3A_131 = arith.minimumf %max3A_103, %min3A_126 : vector<16xf32>
      %select_n3A_132 = arith.select %gt3A_129, %select_n3A_128, %select_n3A_105 : vector<16xi1>, vector<16xi32>
      %select_n3A_133 = arith.select %gt3A_129, %select_n3A_105, %select_n3A_128 : vector<16xi1>, vector<16xi32>
      %gt3A_134 = arith.cmpf ogt, %min3A_131, %max3A_108 : vector<16xf32>
      %max3A_135 = arith.maximumf %max3A_108, %min3A_131 : vector<16xf32>
      %select_n3A_136 = arith.select %gt3A_134, %select_n3A_133, %select_n3A_109 : vector<16xi1>, vector<16xi32>
      %scan3A_137 = arith.constant 2043 : i32
      %scan3A_138 = arith.addi %scan3A, %scan3A_137 : i32
      %mul3A_139 = arith.constant 16 : i32
      %mul3A_140 = arith.muli %scan3A_138, %mul3A_139 : i32
      %get3A_141 = arith.index_cast %mul3A_140 : i32 to index
      %get3A_142 = tpu.vector_load %arg11[%get3A_141] {strides = array<i32>} : memref<32768xf32, #tpu.memory_space<vmem>>, vector<16xf32>,
      %mul3A_143 = arith.mulf %gather3A_44, %get3A_142 : vector<16xf32>
      %gt3A_144 = arith.cmpf ogt, %mul3A_143, %max3A_118 : vector<16xf32>
      %max3A_145 = arith.maximumf %max3A_118, %mul3A_143 : vector<16xf32>
      %min3A_146 = arith.minimumf %max3A_118, %mul3A_143 : vector<16xf32>
      %broadcast_in_dim3A_147 = vector.broadcast %scan3A_138 : i32 to vector<16xi32>
      %select_n3A_148 = arith.select %gt3A_144, %broadcast_in_dim3A_147, %select_n3A_121 : vector<16xi1>, vector<16xi32>
      %broadcast_in_dim3A_149 = vector.broadcast %scan3A_138 : i32 to vector<16xi32>
      %select_n3A_150 = arith.select %gt3A_144, %select_n3A_121, %broadcast_in_dim3A_149 : vector<16xi1>, vector<16xi32>
      %gt3A_151 = arith.cmpf ogt, %min3A_146, %max3A_125 : vector<16xf32>
      %max3A_152 = arith.maximumf %max3A_125, %min3A_146 : vector<16xf32>
      %min3A_153 = arith.minimumf %max3A_125, %min3A_146 : vector<16xf32>
      %select_n3A_154 = arith.select %gt3A_151, %select_n3A_150, %select_n3A_127 : vector<16xi1>, vector<16xi32>
      %select_n3A_155 = arith.select %gt3A_151, %select_n3A_127, %select_n3A_150 : vector<16xi1>, vector<16xi32>
      %gt3A_156 = arith.cmpf ogt, %min3A_153, %max3A_130 : vector<16xf32>
      %max3A_157 = arith.maximumf %max3A_130, %min3A_153 : vector<16xf32>
      %min3A_158 = arith.minimumf %max3A_130, %min3A_153 : vector<16xf32>
      %select_n3A_159 = arith.select %gt3A_156, %select_n3A_155, %select_n3A_132 : vector<16xi1>, vector<16xi32>
      %select_n3A_160 = arith.select %gt3A_156, %select_n3A_132, %select_n3A_155 : vector<16xi1>, vector<16xi32>
      %gt3A_161 = arith.cmpf ogt, %min3A_158, %max3A_135 : vector<16xf32>
      %max3A_162 = arith.maximumf %max3A_135, %min3A_158 : vector<16xf32>
      %select_n3A_163 = arith.select %gt3A_161, %select_n3A_160, %select_n3A_136 : vector<16xi1>, vector<16xi32>
      %scan3A_164 = arith.constant 2044 : i32
      %scan3A_165 = arith.addi %scan3A, %scan3A_164 : i32
      %mul3A_166 = arith.constant 16 : i32
      %mul3A_167 = arith.muli %scan3A_165, %mul3A_166 : i32
      %get3A_168 = arith.index_cast %mul3A_167 : i32 to index
      %get3A_169 = tpu.vector_load %arg11[%get3A_168] {strides = array<i32>} : memref<32768xf32, #tpu.memory_space<vmem>>, vector<16xf32>,
      %mul3A_170 = arith.mulf %gather3A_44, %get3A_169 : vector<16xf32>
      %gt3A_171 = arith.cmpf ogt, %mul3A_170, %max3A_145 : vector<16xf32>
      %max3A_172 = arith.maximumf %max3A_145, %mul3A_170 : vector<16xf32>
      %min3A_173 = arith.minimumf %max3A_145, %mul3A_170 : vector<16xf32>
      %broadcast_in_dim3A_174 = vector.broadcast %scan3A_165 : i32 to vector<16xi32>
      %select_n3A_175 = arith.select %gt3A_171, %broadcast_in_dim3A_174, %select_n3A_148 : vector<16xi1>, vector<16xi32>
      %broadcast_in_dim3A_176 = vector.broadcast %scan3A_165 : i32 to vector<16xi32>
      %select_n3A_177 = arith.select %gt3A_171, %select_n3A_148, %broadcast_in_dim3A_176 : vector<16xi1>, vector<16xi32>
      %gt3A_178 = arith.cmpf ogt, %min3A_173, %max3A_152 : vector<16xf32>
      %max3A_179 = arith.maximumf %max3A_152, %min3A_173 : vector<16xf32>
      %min3A_180 = arith.minimumf %max3A_152, %min3A_173 : vector<16xf32>
      %select_n3A_181 = arith.select %gt3A_178, %select_n3A_177, %select_n3A_154 : vector<16xi1>, vector<16xi32>
      %select_n3A_182 = arith.select %gt3A_178, %select_n3A_154, %select_n3A_177 : vector<16xi1>, vector<16xi32>
      %gt3A_183 = arith.cmpf ogt, %min3A_180, %max3A_157 : vector<16xf32>
      %max3A_184 = arith.maximumf %max3A_157, %min3A_180 : vector<16xf32>
      %min3A_185 = arith.minimumf %max3A_157, %min3A_180 : vector<16xf32>
      %select_n3A_186 = arith.select %gt3A_183, %select_n3A_182, %select_n3A_159 : vector<16xi1>, vector<16xi32>
      %select_n3A_187 = arith.select %gt3A_183, %select_n3A_159, %select_n3A_182 : vector<16xi1>, vector<16xi32>
      %gt3A_188 = arith.cmpf ogt, %min3A_185, %max3A_162 : vector<16xf32>
      %max3A_189 = arith.maximumf %max3A_162, %min3A_185 : vector<16xf32>
      %select_n3A_190 = arith.select %gt3A_188, %select_n3A_187, %select_n3A_163 : vector<16xi1>, vector<16xi32>
      %scan3A_191 = arith.constant 2045 : i32
      %scan3A_192 = arith.addi %scan3A, %scan3A_191 : i32
      %mul3A_193 = arith.constant 16 : i32
      %mul3A_194 = arith.muli %scan3A_192, %mul3A_193 : i32
      %get3A_195 = arith.index_cast %mul3A_194 : i32 to index
      %get3A_196 = tpu.vector_load %arg11[%get3A_195] {strides = array<i32>} : memref<32768xf32, #tpu.memory_space<vmem>>, vector<16xf32>,
      %mul3A_197 = arith.mulf %gather3A_44, %get3A_196 : vector<16xf32>
      %gt3A_198 = arith.cmpf ogt, %mul3A_197, %max3A_172 : vector<16xf32>
      %max3A_199 = arith.maximumf %max3A_172, %mul3A_197 : vector<16xf32>
      %min3A_200 = arith.minimumf %max3A_172, %mul3A_197 : vector<16xf32>
      %broadcast_in_dim3A_201 = vector.broadcast %scan3A_192 : i32 to vector<16xi32>
      %select_n3A_202 = arith.select %gt3A_198, %broadcast_in_dim3A_201, %select_n3A_175 : vector<16xi1>, vector<16xi32>
      %broadcast_in_dim3A_203 = vector.broadcast %scan3A_192 : i32 to vector<16xi32>
      %select_n3A_204 = arith.select %gt3A_198, %select_n3A_175, %broadcast_in_dim3A_203 : vector<16xi1>, vector<16xi32>
      %gt3A_205 = arith.cmpf ogt, %min3A_200, %max3A_179 : vector<16xf32>
      %max3A_206 = arith.maximumf %max3A_179, %min3A_200 : vector<16xf32>
      %min3A_207 = arith.minimumf %max3A_179, %min3A_200 : vector<16xf32>
      %select_n3A_208 = arith.select %gt3A_205, %select_n3A_204, %select_n3A_181 : vector<16xi1>, vector<16xi32>
      %select_n3A_209 = arith.select %gt3A_205, %select_n3A_181, %select_n3A_204 : vector<16xi1>, vector<16xi32>
      %gt3A_210 = arith.cmpf ogt, %min3A_207, %max3A_184 : vector<16xf32>
      %max3A_211 = arith.maximumf %max3A_184, %min3A_207 : vector<16xf32>
      %min3A_212 = arith.minimumf %max3A_184, %min3A_207 : vector<16xf32>
      %select_n3A_213 = arith.select %gt3A_210, %select_n3A_209, %select_n3A_186 : vector<16xi1>, vector<16xi32>
      %select_n3A_214 = arith.select %gt3A_210, %select_n3A_186, %select_n3A_209 : vector<16xi1>, vector<16xi32>
      %gt3A_215 = arith.cmpf ogt, %min3A_212, %max3A_189 : vector<16xf32>
      %max3A_216 = arith.maximumf %max3A_189, %min3A_212 : vector<16xf32>
      %select_n3A_217 = arith.select %gt3A_215, %select_n3A_214, %select_n3A_190 : vector<16xi1>, vector<16xi32>
      %scan3A_218 = arith.constant 2046 : i32
      %scan3A_219 = arith.addi %scan3A, %scan3A_218 : i32
      %mul3A_220 = arith.constant 16 : i32
      %mul3A_221 = arith.muli %scan3A_219, %mul3A_220 : i32
      %get3A_222 = arith.index_cast %mul3A_221 : i32 to index
      %get3A_223 = tpu.vector_load %arg11[%get3A_222] {strides = array<i32>} : memref<32768xf32, #tpu.memory_space<vmem>>, vector<16xf32>,
      %mul3A_224 = arith.mulf %gather3A_44, %get3A_223 : vector<16xf32>
      %gt3A_225 = arith.cmpf ogt, %mul3A_224, %max3A_199 : vector<16xf32>
      %max3A_226 = arith.maximumf %max3A_199, %mul3A_224 : vector<16xf32>
      %min3A_227 = arith.minimumf %max3A_199, %mul3A_224 : vector<16xf32>
      %broadcast_in_dim3A_228 = vector.broadcast %scan3A_219 : i32 to vector<16xi32>
      %select_n3A_229 = arith.select %gt3A_225, %broadcast_in_dim3A_228, %select_n3A_202 : vector<16xi1>, vector<16xi32>
      %broadcast_in_dim3A_230 = vector.broadcast %scan3A_219 : i32 to vector<16xi32>
      %select_n3A_231 = arith.select %gt3A_225, %select_n3A_202, %broadcast_in_dim3A_230 : vector<16xi1>, vector<16xi32>
      %gt3A_232 = arith.cmpf ogt, %min3A_227, %max3A_206 : vector<16xf32>
      %max3A_233 = arith.maximumf %max3A_206, %min3A_227 : vector<16xf32>
      %min3A_234 = arith.minimumf %max3A_206, %min3A_227 : vector<16xf32>
      %select_n3A_235 = arith.select %gt3A_232, %select_n3A_231, %select_n3A_208 : vector<16xi1>, vector<16xi32>
      %select_n3A_236 = arith.select %gt3A_232, %select_n3A_208, %select_n3A_231 : vector<16xi1>, vector<16xi32>
      %gt3A_237 = arith.cmpf ogt, %min3A_234, %max3A_211 : vector<16xf32>
      %max3A_238 = arith.maximumf %max3A_211, %min3A_234 : vector<16xf32>
      %min3A_239 = arith.minimumf %max3A_211, %min3A_234 : vector<16xf32>
      %select_n3A_240 = arith.select %gt3A_237, %select_n3A_236, %select_n3A_213 : vector<16xi1>, vector<16xi32>
      %select_n3A_241 = arith.select %gt3A_237, %select_n3A_213, %select_n3A_236 : vector<16xi1>, vector<16xi32>
      %gt3A_242 = arith.cmpf ogt, %min3A_239, %max3A_216 : vector<16xf32>
      %max3A_243 = arith.maximumf %max3A_216, %min3A_239 : vector<16xf32>
      %select_n3A_244 = arith.select %gt3A_242, %select_n3A_241, %select_n3A_217 : vector<16xi1>, vector<16xi32>
      %scan3A_245 = arith.constant 2047 : i32
      %broadcast_in_dim3A_246 = arith.constant 0.000000e+00 : f32
      %broadcast_in_dim3A_247 = vector.broadcast %broadcast_in_dim3A_246 : f32 to vector<16xf32>
      %broadcast_in_dim3A_248 = arith.constant 0 : i32
      %broadcast_in_dim3A_249 = vector.broadcast %broadcast_in_dim3A_248 : i32 to vector<16xi32>
      %mul3A_250 = arith.constant 16 : i32
      %mul3A_251 = vector.broadcast %mul3A_250 : i32 to vector<16xi32>
      %mul3A_252 = arith.muli %select_n3A_229, %mul3A_251 : vector<16xi32>
      %add3A_253 = arith.addi %mul3A_252, %iota3A : vector<16xi32>
      %reduce_max3A_254 = arith.constant true
      %reduce_max3A_255 = vector.broadcast %reduce_max3A_254 : i1 to vector<16xi1>
      %reduce_max3A_256 = tpu.scan <max>, %max3A_226 masked %reduce_max3A_255 : vector<16xf32>, vector<16xi1> -> vector<16xf32>
      %reduce_max3A_257 = vector.extract %reduce_max3A_256[15] : f32 from vector<16xf32>
      %eq3A_258 = vector.broadcast %reduce_max3A_257 : f32 to vector<16xf32>
      %eq3A_259 = arith.cmpf oeq, %max3A_226, %eq3A_258 : vector<16xf32>
      %jit3A_260 = arith.constant 1073741824 : i32
      %broadcast_in_dim3A_261 = vector.broadcast %jit3A_260 : i32 to vector<16xi32>
      %select_n3A_262 = arith.select %eq3A_259, %add3A_253, %broadcast_in_dim3A_261 : vector<16xi1>, vector<16xi32>
      %reduce_min3A = arith.constant true
      %reduce_min3A_263 = vector.broadcast %reduce_min3A : i1 to vector<16xi1>
      %reduce_min3A_264 = arith.constant -2147483648 : i32
      %reduce_min3A_265 = vector.broadcast %reduce_min3A_264 : i32 to vector<16xi32>
      %reduce_min3A_266 = arith.xori %select_n3A_262, %reduce_min3A_265 : vector<16xi32>
      %reduce_min3A_267 = tpu.scan <min>, %reduce_min3A_266 masked %reduce_min3A_263 : vector<16xi32>, vector<16xi1> -> vector<16xi32>
      %reduce_min3A_268 = arith.xori %reduce_min3A_267, %reduce_min3A_265 : vector<16xi32>
      %reduce_min3A_269 = vector.extract %reduce_min3A_268[15] : i32 from vector<16xi32>
      %eq3A_270 = vector.broadcast %reduce_min3A_269 : i32 to vector<16xi32>
      %eq3A_271 = arith.cmpi eq, %add3A_253, %eq3A_270 : vector<16xi32>
      %and3A = arith.andi %eq3A_259, %eq3A_271 : vector<16xi1>
      %eq3A_272 = arith.constant 0 : i32
      %eq3A_273 = vector.broadcast %eq3A_272 : i32 to vector<16xi32>
      %eq3A_274 = arith.cmpi eq, %iota3A, %eq3A_273 : vector<16xi32>
      %broadcast_in_dim3A_275 = vector.broadcast %reduce_max3A_257 : f32 to vector<16xf32>
      %select_n3A_276 = arith.select %eq3A_274, %broadcast_in_dim3A_275, %broadcast_in_dim3A_247 : vector<16xi1>, vector<16xf32>
      %broadcast_in_dim3A_277 = vector.broadcast %reduce_min3A_269 : i32 to vector<16xi32>
      %select_n3A_278 = arith.select %eq3A_274, %broadcast_in_dim3A_277, %broadcast_in_dim3A_249 : vector<16xi1>, vector<16xi32>
      %select_n3A_279 = arith.select %and3A, %max3A_233, %max3A_226 : vector<16xi1>, vector<16xf32>
      %select_n3A_280 = arith.select %and3A, %select_n3A_235, %select_n3A_229 : vector<16xi1>, vector<16xi32>
      %select_n3A_281 = arith.select %and3A, %max3A_238, %max3A_233 : vector<16xi1>, vector<16xf32>
      %select_n3A_282 = arith.select %and3A, %select_n3A_240, %select_n3A_235 : vector<16xi1>, vector<16xi32>
      %select_n3A_283 = arith.select %and3A, %max3A_243, %max3A_238 : vector<16xi1>, vector<16xf32>
      %select_n3A_284 = arith.select %and3A, %select_n3A_244, %select_n3A_240 : vector<16xi1>, vector<16xi32>
      %jit3A_285 = arith.constant -3.000000e+38 : f32
      %broadcast_in_dim3A_286 = vector.broadcast %jit3A_285 : f32 to vector<16xf32>
      %select_n3A_287 = arith.select %and3A, %broadcast_in_dim3A_286, %max3A_243 : vector<16xi1>, vector<16xf32>
      %mul3A_288 = arith.constant 16 : i32
      %mul3A_289 = vector.broadcast %mul3A_288 : i32 to vector<16xi32>
      %mul3A_290 = arith.muli %select_n3A_280, %mul3A_289 : vector<16xi32>
      %add3A_291 = arith.addi %mul3A_290, %iota3A : vector<16xi32>
      %reduce_max3A_292 = arith.constant true
      %reduce_max3A_293 = vector.broadcast %reduce_max3A_292 : i1 to vector<16xi1>
      %reduce_max3A_294 = tpu.scan <max>, %select_n3A_279 masked %reduce_max3A_293 : vector<16xf32>, vector<16xi1> -> vector<16xf32>
      %reduce_max3A_295 = vector.extract %reduce_max3A_294[15] : f32 from vector<16xf32>
      %eq3A_296 = vector.broadcast %reduce_max3A_295 : f32 to vector<16xf32>
      %eq3A_297 = arith.cmpf oeq, %select_n3A_279, %eq3A_296 : vector<16xf32>
      %jit3A_298 = arith.constant 1073741824 : i32
      %broadcast_in_dim3A_299 = vector.broadcast %jit3A_298 : i32 to vector<16xi32>
      %select_n3A_300 = arith.select %eq3A_297, %add3A_291, %broadcast_in_dim3A_299 : vector<16xi1>, vector<16xi32>
      %reduce_min3A_301 = arith.constant true
      %reduce_min3A_302 = vector.broadcast %reduce_min3A_301 : i1 to vector<16xi1>
      %reduce_min3A_303 = arith.constant -2147483648 : i32
      %reduce_min3A_304 = vector.broadcast %reduce_min3A_303 : i32 to vector<16xi32>
      %reduce_min3A_305 = arith.xori %select_n3A_300, %reduce_min3A_304 : vector<16xi32>
      %reduce_min3A_306 = tpu.scan <min>, %reduce_min3A_305 masked %reduce_min3A_302 : vector<16xi32>, vector<16xi1> -> vector<16xi32>
      %reduce_min3A_307 = arith.xori %reduce_min3A_306, %reduce_min3A_304 : vector<16xi32>
      %reduce_min3A_308 = vector.extract %reduce_min3A_307[15] : i32 from vector<16xi32>
      %eq3A_309 = vector.broadcast %reduce_min3A_308 : i32 to vector<16xi32>
      %eq3A_310 = arith.cmpi eq, %add3A_291, %eq3A_309 : vector<16xi32>
      %and3A_311 = arith.andi %eq3A_297, %eq3A_310 : vector<16xi1>
      %eq3A_312 = arith.constant 1 : i32
      %eq3A_313 = vector.broadcast %eq3A_312 : i32 to vector<16xi32>
      %eq3A_314 = arith.cmpi eq, %iota3A, %eq3A_313 : vector<16xi32>
      %broadcast_in_dim3A_315 = vector.broadcast %reduce_max3A_295 : f32 to vector<16xf32>
      %select_n3A_316 = arith.select %eq3A_314, %broadcast_in_dim3A_315, %select_n3A_276 : vector<16xi1>, vector<16xf32>
      %broadcast_in_dim3A_317 = vector.broadcast %reduce_min3A_308 : i32 to vector<16xi32>
      %select_n3A_318 = arith.select %eq3A_314, %broadcast_in_dim3A_317, %select_n3A_278 : vector<16xi1>, vector<16xi32>
      %select_n3A_319 = arith.select %and3A_311, %select_n3A_281, %select_n3A_279 : vector<16xi1>, vector<16xf32>
      %select_n3A_320 = arith.select %and3A_311, %select_n3A_282, %select_n3A_280 : vector<16xi1>, vector<16xi32>
      %select_n3A_321 = arith.select %and3A_311, %select_n3A_283, %select_n3A_281 : vector<16xi1>, vector<16xf32>
      %select_n3A_322 = arith.select %and3A_311, %select_n3A_284, %select_n3A_282 : vector<16xi1>, vector<16xi32>
      %select_n3A_323 = arith.select %and3A_311, %select_n3A_287, %select_n3A_283 : vector<16xi1>, vector<16xf32>
      %select_n3A_324 = arith.select %and3A_311, %select_n3A_244, %select_n3A_284 : vector<16xi1>, vector<16xi32>
      %jit3A_325 = arith.constant -3.000000e+38 : f32
      %broadcast_in_dim3A_326 = vector.broadcast %jit3A_325 : f32 to vector<16xf32>
      %select_n3A_327 = arith.select %and3A_311, %broadcast_in_dim3A_326, %select_n3A_287 : vector<16xi1>, vector<16xf32>
      %mul3A_328 = arith.constant 16 : i32
      %mul3A_329 = vector.broadcast %mul3A_328 : i32 to vector<16xi32>
      %mul3A_330 = arith.muli %select_n3A_320, %mul3A_329 : vector<16xi32>
      %add3A_331 = arith.addi %mul3A_330, %iota3A : vector<16xi32>
      %reduce_max3A_332 = arith.constant true
      %reduce_max3A_333 = vector.broadcast %reduce_max3A_332 : i1 to vector<16xi1>
      %reduce_max3A_334 = tpu.scan <max>, %select_n3A_319 masked %reduce_max3A_333 : vector<16xf32>, vector<16xi1> -> vector<16xf32>
      %reduce_max3A_335 = vector.extract %reduce_max3A_334[15] : f32 from vector<16xf32>
      %eq3A_336 = vector.broadcast %reduce_max3A_335 : f32 to vector<16xf32>
      %eq3A_337 = arith.cmpf oeq, %select_n3A_319, %eq3A_336 : vector<16xf32>
      %jit3A_338 = arith.constant 1073741824 : i32
      %broadcast_in_dim3A_339 = vector.broadcast %jit3A_338 : i32 to vector<16xi32>
      %select_n3A_340 = arith.select %eq3A_337, %add3A_331, %broadcast_in_dim3A_339 : vector<16xi1>, vector<16xi32>
      %reduce_min3A_341 = arith.constant true
      %reduce_min3A_342 = vector.broadcast %reduce_min3A_341 : i1 to vector<16xi1>
      %reduce_min3A_343 = arith.constant -2147483648 : i32
      %reduce_min3A_344 = vector.broadcast %reduce_min3A_343 : i32 to vector<16xi32>
      %reduce_min3A_345 = arith.xori %select_n3A_340, %reduce_min3A_344 : vector<16xi32>
      %reduce_min3A_346 = tpu.scan <min>, %reduce_min3A_345 masked %reduce_min3A_342 : vector<16xi32>, vector<16xi1> -> vector<16xi32>
      %reduce_min3A_347 = arith.xori %reduce_min3A_346, %reduce_min3A_344 : vector<16xi32>
      %reduce_min3A_348 = vector.extract %reduce_min3A_347[15] : i32 from vector<16xi32>
      %eq3A_349 = vector.broadcast %reduce_min3A_348 : i32 to vector<16xi32>
      %eq3A_350 = arith.cmpi eq, %add3A_331, %eq3A_349 : vector<16xi32>
      %and3A_351 = arith.andi %eq3A_337, %eq3A_350 : vector<16xi1>
      %eq3A_352 = arith.constant 2 : i32
      %eq3A_353 = vector.broadcast %eq3A_352 : i32 to vector<16xi32>
      %eq3A_354 = arith.cmpi eq, %iota3A, %eq3A_353 : vector<16xi32>
      %broadcast_in_dim3A_355 = vector.broadcast %reduce_max3A_335 : f32 to vector<16xf32>
      %select_n3A_356 = arith.select %eq3A_354, %broadcast_in_dim3A_355, %select_n3A_316 : vector<16xi1>, vector<16xf32>
      %broadcast_in_dim3A_357 = vector.broadcast %reduce_min3A_348 : i32 to vector<16xi32>
      %select_n3A_358 = arith.select %eq3A_354, %broadcast_in_dim3A_357, %select_n3A_318 : vector<16xi1>, vector<16xi32>
      %select_n3A_359 = arith.select %and3A_351, %select_n3A_321, %select_n3A_319 : vector<16xi1>, vector<16xf32>
      %select_n3A_360 = arith.select %and3A_351, %select_n3A_322, %select_n3A_320 : vector<16xi1>, vector<16xi32>
      %select_n3A_361 = arith.select %and3A_351, %select_n3A_323, %select_n3A_321 : vector<16xi1>, vector<16xf32>
      %select_n3A_362 = arith.select %and3A_351, %select_n3A_324, %select_n3A_322 : vector<16xi1>, vector<16xi32>
      %select_n3A_363 = arith.select %and3A_351, %select_n3A_327, %select_n3A_323 : vector<16xi1>, vector<16xf32>
      %select_n3A_364 = arith.select %and3A_351, %select_n3A_244, %select_n3A_324 : vector<16xi1>, vector<16xi32>
      %jit3A_365 = arith.constant -3.000000e+38 : f32
      %broadcast_in_dim3A_366 = vector.broadcast %jit3A_365 : f32 to vector<16xf32>
      %select_n3A_367 = arith.select %and3A_351, %broadcast_in_dim3A_366, %select_n3A_327 : vector<16xi1>, vector<16xf32>
      %mul3A_368 = arith.constant 16 : i32
      %mul3A_369 = vector.broadcast %mul3A_368 : i32 to vector<16xi32>
      %mul3A_370 = arith.muli %select_n3A_360, %mul3A_369 : vector<16xi32>
      %add3A_371 = arith.addi %mul3A_370, %iota3A : vector<16xi32>
      %reduce_max3A_372 = arith.constant true
      %reduce_max3A_373 = vector.broadcast %reduce_max3A_372 : i1 to vector<16xi1>
      %reduce_max3A_374 = tpu.scan <max>, %select_n3A_359 masked %reduce_max3A_373 : vector<16xf32>, vector<16xi1> -> vector<16xf32>
      %reduce_max3A_375 = vector.extract %reduce_max3A_374[15] : f32 from vector<16xf32>
      %eq3A_376 = vector.broadcast %reduce_max3A_375 : f32 to vector<16xf32>
      %eq3A_377 = arith.cmpf oeq, %select_n3A_359, %eq3A_376 : vector<16xf32>
      %jit3A_378 = arith.constant 1073741824 : i32
      %broadcast_in_dim3A_379 = vector.broadcast %jit3A_378 : i32 to vector<16xi32>
      %select_n3A_380 = arith.select %eq3A_377, %add3A_371, %broadcast_in_dim3A_379 : vector<16xi1>, vector<16xi32>
      %reduce_min3A_381 = arith.constant true
      %reduce_min3A_382 = vector.broadcast %reduce_min3A_381 : i1 to vector<16xi1>
      %reduce_min3A_383 = arith.constant -2147483648 : i32
      %reduce_min3A_384 = vector.broadcast %reduce_min3A_383 : i32 to vector<16xi32>
      %reduce_min3A_385 = arith.xori %select_n3A_380, %reduce_min3A_384 : vector<16xi32>
      %reduce_min3A_386 = tpu.scan <min>, %reduce_min3A_385 masked %reduce_min3A_382 : vector<16xi32>, vector<16xi1> -> vector<16xi32>
      %reduce_min3A_387 = arith.xori %reduce_min3A_386, %reduce_min3A_384 : vector<16xi32>
      %reduce_min3A_388 = vector.extract %reduce_min3A_387[15] : i32 from vector<16xi32>
      %eq3A_389 = vector.broadcast %reduce_min3A_388 : i32 to vector<16xi32>
      %eq3A_390 = arith.cmpi eq, %add3A_371, %eq3A_389 : vector<16xi32>
      %and3A_391 = arith.andi %eq3A_377, %eq3A_390 : vector<16xi1>
      %eq3A_392 = arith.constant 3 : i32
      %eq3A_393 = vector.broadcast %eq3A_392 : i32 to vector<16xi32>
      %eq3A_394 = arith.cmpi eq, %iota3A, %eq3A_393 : vector<16xi32>
      %broadcast_in_dim3A_395 = vector.broadcast %reduce_max3A_375 : f32 to vector<16xf32>
      %select_n3A_396 = arith.select %eq3A_394, %broadcast_in_dim3A_395, %select_n3A_356 : vector<16xi1>, vector<16xf32>
      %broadcast_in_dim3A_397 = vector.broadcast %reduce_min3A_388 : i32 to vector<16xi32>
      %select_n3A_398 = arith.select %eq3A_394, %broadcast_in_dim3A_397, %select_n3A_358 : vector<16xi1>, vector<16xi32>
      %select_n3A_399 = arith.select %and3A_391, %select_n3A_361, %select_n3A_359 : vector<16xi1>, vector<16xf32>
      %select_n3A_400 = arith.select %and3A_391, %select_n3A_362, %select_n3A_360 : vector<16xi1>, vector<16xi32>
      %select_n3A_401 = arith.select %and3A_391, %select_n3A_363, %select_n3A_361 : vector<16xi1>, vector<16xf32>
      %select_n3A_402 = arith.select %and3A_391, %select_n3A_364, %select_n3A_362 : vector<16xi1>, vector<16xi32>
      %select_n3A_403 = arith.select %and3A_391, %select_n3A_367, %select_n3A_363 : vector<16xi1>, vector<16xf32>
      %select_n3A_404 = arith.select %and3A_391, %select_n3A_244, %select_n3A_364 : vector<16xi1>, vector<16xi32>
      %jit3A_405 = arith.constant -3.000000e+38 : f32
      %broadcast_in_dim3A_406 = vector.broadcast %jit3A_405 : f32 to vector<16xf32>
      %select_n3A_407 = arith.select %and3A_391, %broadcast_in_dim3A_406, %select_n3A_367 : vector<16xi1>, vector<16xf32>
      %mul3A_408 = arith.constant 16 : i32
      %mul3A_409 = vector.broadcast %mul3A_408 : i32 to vector<16xi32>
      %mul3A_410 = arith.muli %select_n3A_400, %mul3A_409 : vector<16xi32>
      %add3A_411 = arith.addi %mul3A_410, %iota3A : vector<16xi32>
      %reduce_max3A_412 = arith.constant true
      %reduce_max3A_413 = vector.broadcast %reduce_max3A_412 : i1 to vector<16xi1>
      %reduce_max3A_414 = tpu.scan <max>, %select_n3A_399 masked %reduce_max3A_413 : vector<16xf32>, vector<16xi1> -> vector<16xf32>
      %reduce_max3A_415 = vector.extract %reduce_max3A_414[15] : f32 from vector<16xf32>
      %eq3A_416 = vector.broadcast %reduce_max3A_415 : f32 to vector<16xf32>
      %eq3A_417 = arith.cmpf oeq, %select_n3A_399, %eq3A_416 : vector<16xf32>
      %jit3A_418 = arith.constant 1073741824 : i32
      %broadcast_in_dim3A_419 = vector.broadcast %jit3A_418 : i32 to vector<16xi32>
      %select_n3A_420 = arith.select %eq3A_417, %add3A_411, %broadcast_in_dim3A_419 : vector<16xi1>, vector<16xi32>
      %reduce_min3A_421 = arith.constant true
      %reduce_min3A_422 = vector.broadcast %reduce_min3A_421 : i1 to vector<16xi1>
      %reduce_min3A_423 = arith.constant -2147483648 : i32
      %reduce_min3A_424 = vector.broadcast %reduce_min3A_423 : i32 to vector<16xi32>
      %reduce_min3A_425 = arith.xori %select_n3A_420, %reduce_min3A_424 : vector<16xi32>
      %reduce_min3A_426 = tpu.scan <min>, %reduce_min3A_425 masked %reduce_min3A_422 : vector<16xi32>, vector<16xi1> -> vector<16xi32>
      %reduce_min3A_427 = arith.xori %reduce_min3A_426, %reduce_min3A_424 : vector<16xi32>
      %reduce_min3A_428 = vector.extract %reduce_min3A_427[15] : i32 from vector<16xi32>
      %eq3A_429 = vector.broadcast %reduce_min3A_428 : i32 to vector<16xi32>
      %eq3A_430 = arith.cmpi eq, %add3A_411, %eq3A_429 : vector<16xi32>
      %and3A_431 = arith.andi %eq3A_417, %eq3A_430 : vector<16xi1>
      %eq3A_432 = arith.constant 4 : i32
      %eq3A_433 = vector.broadcast %eq3A_432 : i32 to vector<16xi32>
      %eq3A_434 = arith.cmpi eq, %iota3A, %eq3A_433 : vector<16xi32>
      %broadcast_in_dim3A_435 = vector.broadcast %reduce_max3A_415 : f32 to vector<16xf32>
      %select_n3A_436 = arith.select %eq3A_434, %broadcast_in_dim3A_435, %select_n3A_396 : vector<16xi1>, vector<16xf32>
      %broadcast_in_dim3A_437 = vector.broadcast %reduce_min3A_428 : i32 to vector<16xi32>
      %select_n3A_438 = arith.select %eq3A_434, %broadcast_in_dim3A_437, %select_n3A_398 : vector<16xi1>, vector<16xi32>
      %select_n3A_439 = arith.select %and3A_431, %select_n3A_401, %select_n3A_399 : vector<16xi1>, vector<16xf32>
      %select_n3A_440 = arith.select %and3A_431, %select_n3A_402, %select_n3A_400 : vector<16xi1>, vector<16xi32>
      %select_n3A_441 = arith.select %and3A_431, %select_n3A_403, %select_n3A_401 : vector<16xi1>, vector<16xf32>
      %select_n3A_442 = arith.select %and3A_431, %select_n3A_404, %select_n3A_402 : vector<16xi1>, vector<16xi32>
      %select_n3A_443 = arith.select %and3A_431, %select_n3A_407, %select_n3A_403 : vector<16xi1>, vector<16xf32>
      %select_n3A_444 = arith.select %and3A_431, %select_n3A_244, %select_n3A_404 : vector<16xi1>, vector<16xi32>
      %jit3A_445 = arith.constant -3.000000e+38 : f32
      %broadcast_in_dim3A_446 = vector.broadcast %jit3A_445 : f32 to vector<16xf32>
      %select_n3A_447 = arith.select %and3A_431, %broadcast_in_dim3A_446, %select_n3A_407 : vector<16xi1>, vector<16xf32>
      %mul3A_448 = arith.constant 16 : i32
      %mul3A_449 = vector.broadcast %mul3A_448 : i32 to vector<16xi32>
      %mul3A_450 = arith.muli %select_n3A_440, %mul3A_449 : vector<16xi32>
      %add3A_451 = arith.addi %mul3A_450, %iota3A : vector<16xi32>
      %reduce_max3A_452 = arith.constant true
      %reduce_max3A_453 = vector.broadcast %reduce_max3A_452 : i1 to vector<16xi1>
      %reduce_max3A_454 = tpu.scan <max>, %select_n3A_439 masked %reduce_max3A_453 : vector<16xf32>, vector<16xi1> -> vector<16xf32>
      %reduce_max3A_455 = vector.extract %reduce_max3A_454[15] : f32 from vector<16xf32>
      %eq3A_456 = vector.broadcast %reduce_max3A_455 : f32 to vector<16xf32>
      %eq3A_457 = arith.cmpf oeq, %select_n3A_439, %eq3A_456 : vector<16xf32>
      %jit3A_458 = arith.constant 1073741824 : i32
      %broadcast_in_dim3A_459 = vector.broadcast %jit3A_458 : i32 to vector<16xi32>
      %select_n3A_460 = arith.select %eq3A_457, %add3A_451, %broadcast_in_dim3A_459 : vector<16xi1>, vector<16xi32>
      %reduce_min3A_461 = arith.constant true
      %reduce_min3A_462 = vector.broadcast %reduce_min3A_461 : i1 to vector<16xi1>
      %reduce_min3A_463 = arith.constant -2147483648 : i32
      %reduce_min3A_464 = vector.broadcast %reduce_min3A_463 : i32 to vector<16xi32>
      %reduce_min3A_465 = arith.xori %select_n3A_460, %reduce_min3A_464 : vector<16xi32>
      %reduce_min3A_466 = tpu.scan <min>, %reduce_min3A_465 masked %reduce_min3A_462 : vector<16xi32>, vector<16xi1> -> vector<16xi32>
      %reduce_min3A_467 = arith.xori %reduce_min3A_466, %reduce_min3A_464 : vector<16xi32>
      %reduce_min3A_468 = vector.extract %reduce_min3A_467[15] : i32 from vector<16xi32>
      %eq3A_469 = vector.broadcast %reduce_min3A_468 : i32 to vector<16xi32>
      %eq3A_470 = arith.cmpi eq, %add3A_451, %eq3A_469 : vector<16xi32>
      %and3A_471 = arith.andi %eq3A_457, %eq3A_470 : vector<16xi1>
      %eq3A_472 = arith.constant 5 : i32
      %eq3A_473 = vector.broadcast %eq3A_472 : i32 to vector<16xi32>
      %eq3A_474 = arith.cmpi eq, %iota3A, %eq3A_473 : vector<16xi32>
      %broadcast_in_dim3A_475 = vector.broadcast %reduce_max3A_455 : f32 to vector<16xf32>
      %select_n3A_476 = arith.select %eq3A_474, %broadcast_in_dim3A_475, %select_n3A_436 : vector<16xi1>, vector<16xf32>
      %broadcast_in_dim3A_477 = vector.broadcast %reduce_min3A_468 : i32 to vector<16xi32>
      %select_n3A_478 = arith.select %eq3A_474, %broadcast_in_dim3A_477, %select_n3A_438 : vector<16xi1>, vector<16xi32>
      %select_n3A_479 = arith.select %and3A_471, %select_n3A_441, %select_n3A_439 : vector<16xi1>, vector<16xf32>
      %select_n3A_480 = arith.select %and3A_471, %select_n3A_442, %select_n3A_440 : vector<16xi1>, vector<16xi32>
      %select_n3A_481 = arith.select %and3A_471, %select_n3A_443, %select_n3A_441 : vector<16xi1>, vector<16xf32>
      %select_n3A_482 = arith.select %and3A_471, %select_n3A_444, %select_n3A_442 : vector<16xi1>, vector<16xi32>
      %select_n3A_483 = arith.select %and3A_471, %select_n3A_447, %select_n3A_443 : vector<16xi1>, vector<16xf32>
      %select_n3A_484 = arith.select %and3A_471, %select_n3A_244, %select_n3A_444 : vector<16xi1>, vector<16xi32>
      %jit3A_485 = arith.constant -3.000000e+38 : f32
      %broadcast_in_dim3A_486 = vector.broadcast %jit3A_485 : f32 to vector<16xf32>
      %select_n3A_487 = arith.select %and3A_471, %broadcast_in_dim3A_486, %select_n3A_447 : vector<16xi1>, vector<16xf32>
      %mul3A_488 = arith.constant 16 : i32
      %mul3A_489 = arith.muli %while3A_35, %mul3A_488 : i32
      %swap3A = arith.index_cast %mul3A_489 : i32 to index
      %swap3A_490 = tpu.vector_load %arg12[%swap3A] {strides = array<i32>} : memref<64xf32, #tpu.memory_space<vmem>>, vector<16xf32>,
      tpu.vector_store %arg12[%swap3A], %select_n3A_476 {strides = array<i32>} : memref<64xf32, #tpu.memory_space<vmem>>, vector<16xf32>,
      %mul3A_491 = arith.constant 16 : i32
      %mul3A_492 = arith.muli %while3A_35, %mul3A_491 : i32
      %swap3A_493 = arith.index_cast %mul3A_492 : i32 to index
      %swap3A_494 = tpu.vector_load %arg13[%swap3A_493] {strides = array<i32>} : memref<64xi32, #tpu.memory_space<vmem>>, vector<16xi32>,
      tpu.vector_store %arg13[%swap3A_493], %select_n3A_478 {strides = array<i32>} : memref<64xi32, #tpu.memory_space<vmem>>, vector<16xi32>,
    }
    %while3A_30 = arith.constant 1 : i32
    scf.for %while3A_35 = %while3A_28 to %while3A_24 step %while3A_30  : i32 {
      %broadcast_in_dim3A = vector.broadcast %while3A_35 : i32 to vector<16xi32>
      %gather3A = tpu.vector_load_idx %arg8[%broadcast_in_dim3A] : memref<16xi32, #tpu.memory_space<vmem>>[vector<16xi32>], vector<16xi32>,
      %reduce_max3A_36 = arith.constant true
      %reduce_max3A_37 = vector.broadcast %reduce_max3A_36 : i1 to vector<16xi1>
      %reduce_max3A_38 = arith.constant -2147483648 : i32
      %reduce_max3A_39 = vector.broadcast %reduce_max3A_38 : i32 to vector<16xi32>
      %reduce_max3A_40 = arith.xori %gather3A, %reduce_max3A_39 : vector<16xi32>
      %reduce_max3A_41 = tpu.scan <max>, %reduce_max3A_40 masked %reduce_max3A_37 : vector<16xi32>, vector<16xi1> -> vector<16xi32>
      %reduce_max3A_42 = arith.xori %reduce_max3A_41, %reduce_max3A_39 : vector<16xi32>
      %reduce_max3A_43 = vector.extract %reduce_max3A_42[15] : i32 from vector<16xi32>
      %gather3A_44 = tpu.vector_load_idx %arg9[%broadcast_in_dim3A] : memref<16xf32, #tpu.memory_space<vmem>>[vector<16xi32>], vector<16xf32>,
      %mul3A_45 = arith.constant 32768 : i32
      %mul3A_46 = arith.muli %reduce_max3A_43, %mul3A_45 : i32
      "tpu.region"() ({
        %run_scoped3A = tpu.sem_alloc : memref<!tpu.dma_semaphore, #tpu.memory_space<semaphore_mem>>
        %dma_start3A = tpu.memref_slice %arg5[%mul3A_46] : memref<16777216xf32, #tpu.memory_space<hbm>> -> memref<32768xf32, #tpu.memory_space<hbm>>
        %dma_start3A_495 = tpu.memref_slice %arg5[%mul3A_46] : memref<16777216xf32, #tpu.memory_space<hbm>> -> memref<32768xf32, #tpu.memory_space<hbm>>
        tpu.enqueue_dma source(%dma_start3A_495 : memref<32768xf32, #tpu.memory_space<hbm>>) target(%arg11 : memref<32768xf32, #tpu.memory_space<vmem>>) target_semaphore(%run_scoped3A : memref<!tpu.dma_semaphore, #tpu.memory_space<semaphore_mem>>)
        %dma_wait3A = tpu.memref_slice %arg5[%mul3A_46] : memref<16777216xf32, #tpu.memory_space<hbm>> -> memref<32768xf32, #tpu.memory_space<hbm>>
        %dma_wait3A_496 = tpu.memref_slice %arg5[%mul3A_46] : memref<16777216xf32, #tpu.memory_space<hbm>> -> memref<32768xf32, #tpu.memory_space<hbm>>
        tpu.wait_dma2 semaphore(%run_scoped3A : memref<!tpu.dma_semaphore, #tpu.memory_space<semaphore_mem>>) src(%dma_wait3A_496 : memref<32768xf32, #tpu.memory_space<hbm>>) dst(%arg11 : memref<32768xf32, #tpu.memory_space<vmem>>)
        tpu.yield
      }) : () -> ()
      %get3A_47 = arith.constant 0 : index
      %get3A_48 = tpu.vector_load %arg11[%get3A_47] {strides = array<i32>} : memref<32768xf32, #tpu.memory_space<vmem>>, vector<16xf32>,
      %mul3A_49 = arith.mulf %gather3A_44, %get3A_48 : vector<16xf32>
      %jit3A = arith.constant -1.000000e+00 : f32
      %broadcast_in_dim3A_50 = vector.broadcast %jit3A : f32 to vector<16xf32>
      %select_n3A = arith.select %or3A, %broadcast_in_dim3A_50, %mul3A_49 : vector<16xi1>, vector<16xf32>
      %broadcast_in_dim3A_51 = arith.constant -2.000000e+00 : f32
      %broadcast_in_dim3A_52 = vector.broadcast %broadcast_in_dim3A_51 : f32 to vector<16xf32>
      %broadcast_in_dim3A_53 = arith.constant 0 : i32
      %broadcast_in_dim3A_54 = vector.broadcast %broadcast_in_dim3A_53 : i32 to vector<16xi32>
      %scan3A = arith.constant 1 : i32
      %scan3A_55 = arith.constant 2040 : i32
      %scan3A_56 = arith.addi %scan3A, %scan3A_55 : i32
      %scan3A_57 = arith.constant 8 : i32
      %scan3A_58:8 = scf.for %scan3A_495 = %scan3A to %scan3A_56 step %scan3A_57 iter_args(%scan3A_496 = %select_n3A, %scan3A_497 = %broadcast_in_dim3A_52, %scan3A_498 = %broadcast_in_dim3A_52, %scan3A_499 = %broadcast_in_dim3A_52, %scan3A_500 = %broadcast_in_dim3A_54, %scan3A_501 = %broadcast_in_dim3A_54, %scan3A_502 = %broadcast_in_dim3A_54, %scan3A_503 = %broadcast_in_dim3A_54) -> (vector<16xf32>, vector<16xf32>, vector<16xf32>, vector<16xf32>, vector<16xi32>, vector<16xi32>, vector<16xi32>, vector<16xi32>)  : i32 {
        %mul3A_504 = arith.constant 16 : i32
        %mul3A_505 = arith.muli %scan3A_495, %mul3A_504 : i32
        %get3A_506 = arith.index_cast %mul3A_505 : i32 to index
        %get3A_507 = tpu.vector_load %arg11[%get3A_506] {strides = array<i32>} : memref<32768xf32, #tpu.memory_space<vmem>>, vector<16xf32>,
        %mul3A_508 = arith.mulf %gather3A_44, %get3A_507 : vector<16xf32>
        %gt3A_509 = arith.cmpf ogt, %mul3A_508, %scan3A_496 : vector<16xf32>
        %max3A_510 = arith.maximumf %scan3A_496, %mul3A_508 : vector<16xf32>
        %min3A_511 = arith.minimumf %scan3A_496, %mul3A_508 : vector<16xf32>
        %broadcast_in_dim3A_512 = vector.broadcast %scan3A_495 : i32 to vector<16xi32>
        %select_n3A_513 = arith.select %gt3A_509, %broadcast_in_dim3A_512, %scan3A_500 : vector<16xi1>, vector<16xi32>
        %broadcast_in_dim3A_514 = vector.broadcast %scan3A_495 : i32 to vector<16xi32>
        %select_n3A_515 = arith.select %gt3A_509, %scan3A_500, %broadcast_in_dim3A_514 : vector<16xi1>, vector<16xi32>
        %gt3A_516 = arith.cmpf ogt, %min3A_511, %scan3A_497 : vector<16xf32>
        %max3A_517 = arith.maximumf %scan3A_497, %min3A_511 : vector<16xf32>
        %min3A_518 = arith.minimumf %scan3A_497, %min3A_511 : vector<16xf32>
        %select_n3A_519 = arith.select %gt3A_516, %select_n3A_515, %scan3A_501 : vector<16xi1>, vector<16xi32>
        %select_n3A_520 = arith.select %gt3A_516, %scan3A_501, %select_n3A_515 : vector<16xi1>, vector<16xi32>
        %gt3A_521 = arith.cmpf ogt, %min3A_518, %scan3A_498 : vector<16xf32>
        %max3A_522 = arith.maximumf %scan3A_498, %min3A_518 : vector<16xf32>
        %min3A_523 = arith.minimumf %scan3A_498, %min3A_518 : vector<16xf32>
        %select_n3A_524 = arith.select %gt3A_521, %select_n3A_520, %scan3A_502 : vector<16xi1>, vector<16xi32>
        %select_n3A_525 = arith.select %gt3A_521, %scan3A_502, %select_n3A_520 : vector<16xi1>, vector<16xi32>
        %gt3A_526 = arith.cmpf ogt, %min3A_523, %scan3A_499 : vector<16xf32>
        %max3A_527 = arith.maximumf %scan3A_499, %min3A_523 : vector<16xf32>
        %select_n3A_528 = arith.select %gt3A_526, %select_n3A_525, %scan3A_503 : vector<16xi1>, vector<16xi32>
        %scan3A_529 = arith.constant 1 : i32
        %scan3A_530 = arith.addi %scan3A_495, %scan3A_529 : i32
        %mul3A_531 = arith.constant 16 : i32
        %mul3A_532 = arith.muli %scan3A_530, %mul3A_531 : i32
        %get3A_533 = arith.index_cast %mul3A_532 : i32 to index
        %get3A_534 = tpu.vector_load %arg11[%get3A_533] {strides = array<i32>} : memref<32768xf32, #tpu.memory_space<vmem>>, vector<16xf32>,
        %mul3A_535 = arith.mulf %gather3A_44, %get3A_534 : vector<16xf32>
        %gt3A_536 = arith.cmpf ogt, %mul3A_535, %max3A_510 : vector<16xf32>
        %max3A_537 = arith.maximumf %max3A_510, %mul3A_535 : vector<16xf32>
        %min3A_538 = arith.minimumf %max3A_510, %mul3A_535 : vector<16xf32>
        %broadcast_in_dim3A_539 = vector.broadcast %scan3A_530 : i32 to vector<16xi32>
        %select_n3A_540 = arith.select %gt3A_536, %broadcast_in_dim3A_539, %select_n3A_513 : vector<16xi1>, vector<16xi32>
        %broadcast_in_dim3A_541 = vector.broadcast %scan3A_530 : i32 to vector<16xi32>
        %select_n3A_542 = arith.select %gt3A_536, %select_n3A_513, %broadcast_in_dim3A_541 : vector<16xi1>, vector<16xi32>
        %gt3A_543 = arith.cmpf ogt, %min3A_538, %max3A_517 : vector<16xf32>
        %max3A_544 = arith.maximumf %max3A_517, %min3A_538 : vector<16xf32>
        %min3A_545 = arith.minimumf %max3A_517, %min3A_538 : vector<16xf32>
        %select_n3A_546 = arith.select %gt3A_543, %select_n3A_542, %select_n3A_519 : vector<16xi1>, vector<16xi32>
        %select_n3A_547 = arith.select %gt3A_543, %select_n3A_519, %select_n3A_542 : vector<16xi1>, vector<16xi32>
        %gt3A_548 = arith.cmpf ogt, %min3A_545, %max3A_522 : vector<16xf32>
        %max3A_549 = arith.maximumf %max3A_522, %min3A_545 : vector<16xf32>
        %min3A_550 = arith.minimumf %max3A_522, %min3A_545 : vector<16xf32>
        %select_n3A_551 = arith.select %gt3A_548, %select_n3A_547, %select_n3A_524 : vector<16xi1>, vector<16xi32>
        %select_n3A_552 = arith.select %gt3A_548, %select_n3A_524, %select_n3A_547 : vector<16xi1>, vector<16xi32>
        %gt3A_553 = arith.cmpf ogt, %min3A_550, %max3A_527 : vector<16xf32>
        %max3A_554 = arith.maximumf %max3A_527, %min3A_550 : vector<16xf32>
        %select_n3A_555 = arith.select %gt3A_553, %select_n3A_552, %select_n3A_528 : vector<16xi1>, vector<16xi32>
        %scan3A_556 = arith.constant 2 : i32
        %scan3A_557 = arith.addi %scan3A_495, %scan3A_556 : i32
        %mul3A_558 = arith.constant 16 : i32
        %mul3A_559 = arith.muli %scan3A_557, %mul3A_558 : i32
        %get3A_560 = arith.index_cast %mul3A_559 : i32 to index
        %get3A_561 = tpu.vector_load %arg11[%get3A_560] {strides = array<i32>} : memref<32768xf32, #tpu.memory_space<vmem>>, vector<16xf32>,
        %mul3A_562 = arith.mulf %gather3A_44, %get3A_561 : vector<16xf32>
        %gt3A_563 = arith.cmpf ogt, %mul3A_562, %max3A_537 : vector<16xf32>
        %max3A_564 = arith.maximumf %max3A_537, %mul3A_562 : vector<16xf32>
        %min3A_565 = arith.minimumf %max3A_537, %mul3A_562 : vector<16xf32>
        %broadcast_in_dim3A_566 = vector.broadcast %scan3A_557 : i32 to vector<16xi32>
        %select_n3A_567 = arith.select %gt3A_563, %broadcast_in_dim3A_566, %select_n3A_540 : vector<16xi1>, vector<16xi32>
        %broadcast_in_dim3A_568 = vector.broadcast %scan3A_557 : i32 to vector<16xi32>
        %select_n3A_569 = arith.select %gt3A_563, %select_n3A_540, %broadcast_in_dim3A_568 : vector<16xi1>, vector<16xi32>
        %gt3A_570 = arith.cmpf ogt, %min3A_565, %max3A_544 : vector<16xf32>
        %max3A_571 = arith.maximumf %max3A_544, %min3A_565 : vector<16xf32>
        %min3A_572 = arith.minimumf %max3A_544, %min3A_565 : vector<16xf32>
        %select_n3A_573 = arith.select %gt3A_570, %select_n3A_569, %select_n3A_546 : vector<16xi1>, vector<16xi32>
        %select_n3A_574 = arith.select %gt3A_570, %select_n3A_546, %select_n3A_569 : vector<16xi1>, vector<16xi32>
        %gt3A_575 = arith.cmpf ogt, %min3A_572, %max3A_549 : vector<16xf32>
        %max3A_576 = arith.maximumf %max3A_549, %min3A_572 : vector<16xf32>
        %min3A_577 = arith.minimumf %max3A_549, %min3A_572 : vector<16xf32>
        %select_n3A_578 = arith.select %gt3A_575, %select_n3A_574, %select_n3A_551 : vector<16xi1>, vector<16xi32>
        %select_n3A_579 = arith.select %gt3A_575, %select_n3A_551, %select_n3A_574 : vector<16xi1>, vector<16xi32>
        %gt3A_580 = arith.cmpf ogt, %min3A_577, %max3A_554 : vector<16xf32>
        %max3A_581 = arith.maximumf %max3A_554, %min3A_577 : vector<16xf32>
        %select_n3A_582 = arith.select %gt3A_580, %select_n3A_579, %select_n3A_555 : vector<16xi1>, vector<16xi32>
        %scan3A_583 = arith.constant 3 : i32
        %scan3A_584 = arith.addi %scan3A_495, %scan3A_583 : i32
        %mul3A_585 = arith.constant 16 : i32
        %mul3A_586 = arith.muli %scan3A_584, %mul3A_585 : i32
        %get3A_587 = arith.index_cast %mul3A_586 : i32 to index
        %get3A_588 = tpu.vector_load %arg11[%get3A_587] {strides = array<i32>} : memref<32768xf32, #tpu.memory_space<vmem>>, vector<16xf32>,
        %mul3A_589 = arith.mulf %gather3A_44, %get3A_588 : vector<16xf32>
        %gt3A_590 = arith.cmpf ogt, %mul3A_589, %max3A_564 : vector<16xf32>
        %max3A_591 = arith.maximumf %max3A_564, %mul3A_589 : vector<16xf32>
        %min3A_592 = arith.minimumf %max3A_564, %mul3A_589 : vector<16xf32>
        %broadcast_in_dim3A_593 = vector.broadcast %scan3A_584 : i32 to vector<16xi32>
        %select_n3A_594 = arith.select %gt3A_590, %broadcast_in_dim3A_593, %select_n3A_567 : vector<16xi1>, vector<16xi32>
        %broadcast_in_dim3A_595 = vector.broadcast %scan3A_584 : i32 to vector<16xi32>
        %select_n3A_596 = arith.select %gt3A_590, %select_n3A_567, %broadcast_in_dim3A_595 : vector<16xi1>, vector<16xi32>
        %gt3A_597 = arith.cmpf ogt, %min3A_592, %max3A_571 : vector<16xf32>
        %max3A_598 = arith.maximumf %max3A_571, %min3A_592 : vector<16xf32>
        %min3A_599 = arith.minimumf %max3A_571, %min3A_592 : vector<16xf32>
        %select_n3A_600 = arith.select %gt3A_597, %select_n3A_596, %select_n3A_573 : vector<16xi1>, vector<16xi32>
        %select_n3A_601 = arith.select %gt3A_597, %select_n3A_573, %select_n3A_596 : vector<16xi1>, vector<16xi32>
        %gt3A_602 = arith.cmpf ogt, %min3A_599, %max3A_576 : vector<16xf32>
        %max3A_603 = arith.maximumf %max3A_576, %min3A_599 : vector<16xf32>
        %min3A_604 = arith.minimumf %max3A_576, %min3A_599 : vector<16xf32>
        %select_n3A_605 = arith.select %gt3A_602, %select_n3A_601, %select_n3A_578 : vector<16xi1>, vector<16xi32>
        %select_n3A_606 = arith.select %gt3A_602, %select_n3A_578, %select_n3A_601 : vector<16xi1>, vector<16xi32>
        %gt3A_607 = arith.cmpf ogt, %min3A_604, %max3A_581 : vector<16xf32>
        %max3A_608 = arith.maximumf %max3A_581, %min3A_604 : vector<16xf32>
        %select_n3A_609 = arith.select %gt3A_607, %select_n3A_606, %select_n3A_582 : vector<16xi1>, vector<16xi32>
        %scan3A_610 = arith.constant 4 : i32
        %scan3A_611 = arith.addi %scan3A_495, %scan3A_610 : i32
        %mul3A_612 = arith.constant 16 : i32
        %mul3A_613 = arith.muli %scan3A_611, %mul3A_612 : i32
        %get3A_614 = arith.index_cast %mul3A_613 : i32 to index
        %get3A_615 = tpu.vector_load %arg11[%get3A_614] {strides = array<i32>} : memref<32768xf32, #tpu.memory_space<vmem>>, vector<16xf32>,
        %mul3A_616 = arith.mulf %gather3A_44, %get3A_615 : vector<16xf32>
        %gt3A_617 = arith.cmpf ogt, %mul3A_616, %max3A_591 : vector<16xf32>
        %max3A_618 = arith.maximumf %max3A_591, %mul3A_616 : vector<16xf32>
        %min3A_619 = arith.minimumf %max3A_591, %mul3A_616 : vector<16xf32>
        %broadcast_in_dim3A_620 = vector.broadcast %scan3A_611 : i32 to vector<16xi32>
        %select_n3A_621 = arith.select %gt3A_617, %broadcast_in_dim3A_620, %select_n3A_594 : vector<16xi1>, vector<16xi32>
        %broadcast_in_dim3A_622 = vector.broadcast %scan3A_611 : i32 to vector<16xi32>
        %select_n3A_623 = arith.select %gt3A_617, %select_n3A_594, %broadcast_in_dim3A_622 : vector<16xi1>, vector<16xi32>
        %gt3A_624 = arith.cmpf ogt, %min3A_619, %max3A_598 : vector<16xf32>
        %max3A_625 = arith.maximumf %max3A_598, %min3A_619 : vector<16xf32>
        %min3A_626 = arith.minimumf %max3A_598, %min3A_619 : vector<16xf32>
        %select_n3A_627 = arith.select %gt3A_624, %select_n3A_623, %select_n3A_600 : vector<16xi1>, vector<16xi32>
        %select_n3A_628 = arith.select %gt3A_624, %select_n3A_600, %select_n3A_623 : vector<16xi1>, vector<16xi32>
        %gt3A_629 = arith.cmpf ogt, %min3A_626, %max3A_603 : vector<16xf32>
        %max3A_630 = arith.maximumf %max3A_603, %min3A_626 : vector<16xf32>
        %min3A_631 = arith.minimumf %max3A_603, %min3A_626 : vector<16xf32>
        %select_n3A_632 = arith.select %gt3A_629, %select_n3A_628, %select_n3A_605 : vector<16xi1>, vector<16xi32>
        %select_n3A_633 = arith.select %gt3A_629, %select_n3A_605, %select_n3A_628 : vector<16xi1>, vector<16xi32>
        %gt3A_634 = arith.cmpf ogt, %min3A_631, %max3A_608 : vector<16xf32>
        %max3A_635 = arith.maximumf %max3A_608, %min3A_631 : vector<16xf32>
        %select_n3A_636 = arith.select %gt3A_634, %select_n3A_633, %select_n3A_609 : vector<16xi1>, vector<16xi32>
        %scan3A_637 = arith.constant 5 : i32
        %scan3A_638 = arith.addi %scan3A_495, %scan3A_637 : i32
        %mul3A_639 = arith.constant 16 : i32
        %mul3A_640 = arith.muli %scan3A_638, %mul3A_639 : i32
        %get3A_641 = arith.index_cast %mul3A_640 : i32 to index
        %get3A_642 = tpu.vector_load %arg11[%get3A_641] {strides = array<i32>} : memref<32768xf32, #tpu.memory_space<vmem>>, vector<16xf32>,
        %mul3A_643 = arith.mulf %gather3A_44, %get3A_642 : vector<16xf32>
        %gt3A_644 = arith.cmpf ogt, %mul3A_643, %max3A_618 : vector<16xf32>
        %max3A_645 = arith.maximumf %max3A_618, %mul3A_643 : vector<16xf32>
        %min3A_646 = arith.minimumf %max3A_618, %mul3A_643 : vector<16xf32>
        %broadcast_in_dim3A_647 = vector.broadcast %scan3A_638 : i32 to vector<16xi32>
        %select_n3A_648 = arith.select %gt3A_644, %broadcast_in_dim3A_647, %select_n3A_621 : vector<16xi1>, vector<16xi32>
        %broadcast_in_dim3A_649 = vector.broadcast %scan3A_638 : i32 to vector<16xi32>
        %select_n3A_650 = arith.select %gt3A_644, %select_n3A_621, %broadcast_in_dim3A_649 : vector<16xi1>, vector<16xi32>
        %gt3A_651 = arith.cmpf ogt, %min3A_646, %max3A_625 : vector<16xf32>
        %max3A_652 = arith.maximumf %max3A_625, %min3A_646 : vector<16xf32>
        %min3A_653 = arith.minimumf %max3A_625, %min3A_646 : vector<16xf32>
        %select_n3A_654 = arith.select %gt3A_651, %select_n3A_650, %select_n3A_627 : vector<16xi1>, vector<16xi32>
        %select_n3A_655 = arith.select %gt3A_651, %select_n3A_627, %select_n3A_650 : vector<16xi1>, vector<16xi32>
        %gt3A_656 = arith.cmpf ogt, %min3A_653, %max3A_630 : vector<16xf32>
        %max3A_657 = arith.maximumf %max3A_630, %min3A_653 : vector<16xf32>
        %min3A_658 = arith.minimumf %max3A_630, %min3A_653 : vector<16xf32>
        %select_n3A_659 = arith.select %gt3A_656, %select_n3A_655, %select_n3A_632 : vector<16xi1>, vector<16xi32>
        %select_n3A_660 = arith.select %gt3A_656, %select_n3A_632, %select_n3A_655 : vector<16xi1>, vector<16xi32>
        %gt3A_661 = arith.cmpf ogt, %min3A_658, %max3A_635 : vector<16xf32>
        %max3A_662 = arith.maximumf %max3A_635, %min3A_658 : vector<16xf32>
        %select_n3A_663 = arith.select %gt3A_661, %select_n3A_660, %select_n3A_636 : vector<16xi1>, vector<16xi32>
        %scan3A_664 = arith.constant 6 : i32
        %scan3A_665 = arith.addi %scan3A_495, %scan3A_664 : i32
        %mul3A_666 = arith.constant 16 : i32
        %mul3A_667 = arith.muli %scan3A_665, %mul3A_666 : i32
        %get3A_668 = arith.index_cast %mul3A_667 : i32 to index
        %get3A_669 = tpu.vector_load %arg11[%get3A_668] {strides = array<i32>} : memref<32768xf32, #tpu.memory_space<vmem>>, vector<16xf32>,
        %mul3A_670 = arith.mulf %gather3A_44, %get3A_669 : vector<16xf32>
        %gt3A_671 = arith.cmpf ogt, %mul3A_670, %max3A_645 : vector<16xf32>
        %max3A_672 = arith.maximumf %max3A_645, %mul3A_670 : vector<16xf32>
        %min3A_673 = arith.minimumf %max3A_645, %mul3A_670 : vector<16xf32>
        %broadcast_in_dim3A_674 = vector.broadcast %scan3A_665 : i32 to vector<16xi32>
        %select_n3A_675 = arith.select %gt3A_671, %broadcast_in_dim3A_674, %select_n3A_648 : vector<16xi1>, vector<16xi32>
        %broadcast_in_dim3A_676 = vector.broadcast %scan3A_665 : i32 to vector<16xi32>
        %select_n3A_677 = arith.select %gt3A_671, %select_n3A_648, %broadcast_in_dim3A_676 : vector<16xi1>, vector<16xi32>
        %gt3A_678 = arith.cmpf ogt, %min3A_673, %max3A_652 : vector<16xf32>
        %max3A_679 = arith.maximumf %max3A_652, %min3A_673 : vector<16xf32>
        %min3A_680 = arith.minimumf %max3A_652, %min3A_673 : vector<16xf32>
        %select_n3A_681 = arith.select %gt3A_678, %select_n3A_677, %select_n3A_654 : vector<16xi1>, vector<16xi32>
        %select_n3A_682 = arith.select %gt3A_678, %select_n3A_654, %select_n3A_677 : vector<16xi1>, vector<16xi32>
        %gt3A_683 = arith.cmpf ogt, %min3A_680, %max3A_657 : vector<16xf32>
        %max3A_684 = arith.maximumf %max3A_657, %min3A_680 : vector<16xf32>
        %min3A_685 = arith.minimumf %max3A_657, %min3A_680 : vector<16xf32>
        %select_n3A_686 = arith.select %gt3A_683, %select_n3A_682, %select_n3A_659 : vector<16xi1>, vector<16xi32>
        %select_n3A_687 = arith.select %gt3A_683, %select_n3A_659, %select_n3A_682 : vector<16xi1>, vector<16xi32>
        %gt3A_688 = arith.cmpf ogt, %min3A_685, %max3A_662 : vector<16xf32>
        %max3A_689 = arith.maximumf %max3A_662, %min3A_685 : vector<16xf32>
        %select_n3A_690 = arith.select %gt3A_688, %select_n3A_687, %select_n3A_663 : vector<16xi1>, vector<16xi32>
        %scan3A_691 = arith.constant 7 : i32
        %scan3A_692 = arith.addi %scan3A_495, %scan3A_691 : i32
        %mul3A_693 = arith.constant 16 : i32
        %mul3A_694 = arith.muli %scan3A_692, %mul3A_693 : i32
        %get3A_695 = arith.index_cast %mul3A_694 : i32 to index
        %get3A_696 = tpu.vector_load %arg11[%get3A_695] {strides = array<i32>} : memref<32768xf32, #tpu.memory_space<vmem>>, vector<16xf32>,
        %mul3A_697 = arith.mulf %gather3A_44, %get3A_696 : vector<16xf32>
        %gt3A_698 = arith.cmpf ogt, %mul3A_697, %max3A_672 : vector<16xf32>
        %max3A_699 = arith.maximumf %max3A_672, %mul3A_697 : vector<16xf32>
        %min3A_700 = arith.minimumf %max3A_672, %mul3A_697 : vector<16xf32>
        %broadcast_in_dim3A_701 = vector.broadcast %scan3A_692 : i32 to vector<16xi32>
        %select_n3A_702 = arith.select %gt3A_698, %broadcast_in_dim3A_701, %select_n3A_675 : vector<16xi1>, vector<16xi32>
        %broadcast_in_dim3A_703 = vector.broadcast %scan3A_692 : i32 to vector<16xi32>
        %select_n3A_704 = arith.select %gt3A_698, %select_n3A_675, %broadcast_in_dim3A_703 : vector<16xi1>, vector<16xi32>
        %gt3A_705 = arith.cmpf ogt, %min3A_700, %max3A_679 : vector<16xf32>
        %max3A_706 = arith.maximumf %max3A_679, %min3A_700 : vector<16xf32>
        %min3A_707 = arith.minimumf %max3A_679, %min3A_700 : vector<16xf32>
        %select_n3A_708 = arith.select %gt3A_705, %select_n3A_704, %select_n3A_681 : vector<16xi1>, vector<16xi32>
        %select_n3A_709 = arith.select %gt3A_705, %select_n3A_681, %select_n3A_704 : vector<16xi1>, vector<16xi32>
        %gt3A_710 = arith.cmpf ogt, %min3A_707, %max3A_684 : vector<16xf32>
        %max3A_711 = arith.maximumf %max3A_684, %min3A_707 : vector<16xf32>
        %min3A_712 = arith.minimumf %max3A_684, %min3A_707 : vector<16xf32>
        %select_n3A_713 = arith.select %gt3A_710, %select_n3A_709, %select_n3A_686 : vector<16xi1>, vector<16xi32>
        %select_n3A_714 = arith.select %gt3A_710, %select_n3A_686, %select_n3A_709 : vector<16xi1>, vector<16xi32>
        %gt3A_715 = arith.cmpf ogt, %min3A_712, %max3A_689 : vector<16xf32>
        %max3A_716 = arith.maximumf %max3A_689, %min3A_712 : vector<16xf32>
        %select_n3A_717 = arith.select %gt3A_715, %select_n3A_714, %select_n3A_690 : vector<16xi1>, vector<16xi32>
        scf.yield %max3A_699, %max3A_706, %max3A_711, %max3A_716, %select_n3A_702, %select_n3A_708, %select_n3A_713, %select_n3A_717 : vector<16xf32>, vector<16xf32>, vector<16xf32>, vector<16xf32>, vector<16xi32>, vector<16xi32>, vector<16xi32>, vector<16xi32>
      }
      %scan3A_59 = arith.constant 2040 : i32
      %scan3A_60 = arith.addi %scan3A, %scan3A_59 : i32
      %mul3A_61 = arith.constant 16 : i32
      %mul3A_62 = arith.muli %scan3A_60, %mul3A_61 : i32
      %get3A_63 = arith.index_cast %mul3A_62 : i32 to index
      %get3A_64 = tpu.vector_load %arg11[%get3A_63] {strides = array<i32>} : memref<32768xf32, #tpu.memory_space<vmem>>, vector<16xf32>,
      %mul3A_65 = arith.mulf %gather3A_44, %get3A_64 : vector<16xf32>
      %gt3A = arith.cmpf ogt, %mul3A_65, %scan3A_58#0 : vector<16xf32>
      %max3A = arith.maximumf %scan3A_58#0, %mul3A_65 : vector<16xf32>
      %min3A = arith.minimumf %scan3A_58#0, %mul3A_65 : vector<16xf32>
      %broadcast_in_dim3A_66 = vector.broadcast %scan3A_60 : i32 to vector<16xi32>
      %select_n3A_67 = arith.select %gt3A, %broadcast_in_dim3A_66, %scan3A_58#4 : vector<16xi1>, vector<16xi32>
      %broadcast_in_dim3A_68 = vector.broadcast %scan3A_60 : i32 to vector<16xi32>
      %select_n3A_69 = arith.select %gt3A, %scan3A_58#4, %broadcast_in_dim3A_68 : vector<16xi1>, vector<16xi32>
      %gt3A_70 = arith.cmpf ogt, %min3A, %scan3A_58#1 : vector<16xf32>
      %max3A_71 = arith.maximumf %scan3A_58#1, %min3A : vector<16xf32>
      %min3A_72 = arith.minimumf %scan3A_58#1, %min3A : vector<16xf32>
      %select_n3A_73 = arith.select %gt3A_70, %select_n3A_69, %scan3A_58#5 : vector<16xi1>, vector<16xi32>
      %select_n3A_74 = arith.select %gt3A_70, %scan3A_58#5, %select_n3A_69 : vector<16xi1>, vector<16xi32>
      %gt3A_75 = arith.cmpf ogt, %min3A_72, %scan3A_58#2 : vector<16xf32>
      %max3A_76 = arith.maximumf %scan3A_58#2, %min3A_72 : vector<16xf32>
      %min3A_77 = arith.minimumf %scan3A_58#2, %min3A_72 : vector<16xf32>
      %select_n3A_78 = arith.select %gt3A_75, %select_n3A_74, %scan3A_58#6 : vector<16xi1>, vector<16xi32>
      %select_n3A_79 = arith.select %gt3A_75, %scan3A_58#6, %select_n3A_74 : vector<16xi1>, vector<16xi32>
      %gt3A_80 = arith.cmpf ogt, %min3A_77, %scan3A_58#3 : vector<16xf32>
      %max3A_81 = arith.maximumf %scan3A_58#3, %min3A_77 : vector<16xf32>
      %select_n3A_82 = arith.select %gt3A_80, %select_n3A_79, %scan3A_58#7 : vector<16xi1>, vector<16xi32>
      %scan3A_83 = arith.constant 2041 : i32
      %scan3A_84 = arith.addi %scan3A, %scan3A_83 : i32
      %mul3A_85 = arith.constant 16 : i32
      %mul3A_86 = arith.muli %scan3A_84, %mul3A_85 : i32
      %get3A_87 = arith.index_cast %mul3A_86 : i32 to index
      %get3A_88 = tpu.vector_load %arg11[%get3A_87] {strides = array<i32>} : memref<32768xf32, #tpu.memory_space<vmem>>, vector<16xf32>,
      %mul3A_89 = arith.mulf %gather3A_44, %get3A_88 : vector<16xf32>
      %gt3A_90 = arith.cmpf ogt, %mul3A_89, %max3A : vector<16xf32>
      %max3A_91 = arith.maximumf %max3A, %mul3A_89 : vector<16xf32>
      %min3A_92 = arith.minimumf %max3A, %mul3A_89 : vector<16xf32>
      %broadcast_in_dim3A_93 = vector.broadcast %scan3A_84 : i32 to vector<16xi32>
      %select_n3A_94 = arith.select %gt3A_90, %broadcast_in_dim3A_93, %select_n3A_67 : vector<16xi1>, vector<16xi32>
      %broadcast_in_dim3A_95 = vector.broadcast %scan3A_84 : i32 to vector<16xi32>
      %select_n3A_96 = arith.select %gt3A_90, %select_n3A_67, %broadcast_in_dim3A_95 : vector<16xi1>, vector<16xi32>
      %gt3A_97 = arith.cmpf ogt, %min3A_92, %max3A_71 : vector<16xf32>
      %max3A_98 = arith.maximumf %max3A_71, %min3A_92 : vector<16xf32>
      %min3A_99 = arith.minimumf %max3A_71, %min3A_92 : vector<16xf32>
      %select_n3A_100 = arith.select %gt3A_97, %select_n3A_96, %select_n3A_73 : vector<16xi1>, vector<16xi32>
      %select_n3A_101 = arith.select %gt3A_97, %select_n3A_73, %select_n3A_96 : vector<16xi1>, vector<16xi32>
      %gt3A_102 = arith.cmpf ogt, %min3A_99, %max3A_76 : vector<16xf32>
      %max3A_103 = arith.maximumf %max3A_76, %min3A_99 : vector<16xf32>
      %min3A_104 = arith.minimumf %max3A_76, %min3A_99 : vector<16xf32>
      %select_n3A_105 = arith.select %gt3A_102, %select_n3A_101, %select_n3A_78 : vector<16xi1>, vector<16xi32>
      %select_n3A_106 = arith.select %gt3A_102, %select_n3A_78, %select_n3A_101 : vector<16xi1>, vector<16xi32>
      %gt3A_107 = arith.cmpf ogt, %min3A_104, %max3A_81 : vector<16xf32>
      %max3A_108 = arith.maximumf %max3A_81, %min3A_104 : vector<16xf32>
      %select_n3A_109 = arith.select %gt3A_107, %select_n3A_106, %select_n3A_82 : vector<16xi1>, vector<16xi32>
      %scan3A_110 = arith.constant 2042 : i32
      %scan3A_111 = arith.addi %scan3A, %scan3A_110 : i32
      %mul3A_112 = arith.constant 16 : i32
      %mul3A_113 = arith.muli %scan3A_111, %mul3A_112 : i32
      %get3A_114 = arith.index_cast %mul3A_113 : i32 to index
      %get3A_115 = tpu.vector_load %arg11[%get3A_114] {strides = array<i32>} : memref<32768xf32, #tpu.memory_space<vmem>>, vector<16xf32>,
      %mul3A_116 = arith.mulf %gather3A_44, %get3A_115 : vector<16xf32>
      %gt3A_117 = arith.cmpf ogt, %mul3A_116, %max3A_91 : vector<16xf32>
      %max3A_118 = arith.maximumf %max3A_91, %mul3A_116 : vector<16xf32>
      %min3A_119 = arith.minimumf %max3A_91, %mul3A_116 : vector<16xf32>
      %broadcast_in_dim3A_120 = vector.broadcast %scan3A_111 : i32 to vector<16xi32>
      %select_n3A_121 = arith.select %gt3A_117, %broadcast_in_dim3A_120, %select_n3A_94 : vector<16xi1>, vector<16xi32>
      %broadcast_in_dim3A_122 = vector.broadcast %scan3A_111 : i32 to vector<16xi32>
      %select_n3A_123 = arith.select %gt3A_117, %select_n3A_94, %broadcast_in_dim3A_122 : vector<16xi1>, vector<16xi32>
      %gt3A_124 = arith.cmpf ogt, %min3A_119, %max3A_98 : vector<16xf32>
      %max3A_125 = arith.maximumf %max3A_98, %min3A_119 : vector<16xf32>
      %min3A_126 = arith.minimumf %max3A_98, %min3A_119 : vector<16xf32>
      %select_n3A_127 = arith.select %gt3A_124, %select_n3A_123, %select_n3A_100 : vector<16xi1>, vector<16xi32>
      %select_n3A_128 = arith.select %gt3A_124, %select_n3A_100, %select_n3A_123 : vector<16xi1>, vector<16xi32>
      %gt3A_129 = arith.cmpf ogt, %min3A_126, %max3A_103 : vector<16xf32>
      %max3A_130 = arith.maximumf %max3A_103, %min3A_126 : vector<16xf32>
      %min3A_131 = arith.minimumf %max3A_103, %min3A_126 : vector<16xf32>
      %select_n3A_132 = arith.select %gt3A_129, %select_n3A_128, %select_n3A_105 : vector<16xi1>, vector<16xi32>
      %select_n3A_133 = arith.select %gt3A_129, %select_n3A_105, %select_n3A_128 : vector<16xi1>, vector<16xi32>
      %gt3A_134 = arith.cmpf ogt, %min3A_131, %max3A_108 : vector<16xf32>
      %max3A_135 = arith.maximumf %max3A_108, %min3A_131 : vector<16xf32>
      %select_n3A_136 = arith.select %gt3A_134, %select_n3A_133, %select_n3A_109 : vector<16xi1>, vector<16xi32>
      %scan3A_137 = arith.constant 2043 : i32
      %scan3A_138 = arith.addi %scan3A, %scan3A_137 : i32
      %mul3A_139 = arith.constant 16 : i32
      %mul3A_140 = arith.muli %scan3A_138, %mul3A_139 : i32
      %get3A_141 = arith.index_cast %mul3A_140 : i32 to index
      %get3A_142 = tpu.vector_load %arg11[%get3A_141] {strides = array<i32>} : memref<32768xf32, #tpu.memory_space<vmem>>, vector<16xf32>,
      %mul3A_143 = arith.mulf %gather3A_44, %get3A_142 : vector<16xf32>
      %gt3A_144 = arith.cmpf ogt, %mul3A_143, %max3A_118 : vector<16xf32>
      %max3A_145 = arith.maximumf %max3A_118, %mul3A_143 : vector<16xf32>
      %min3A_146 = arith.minimumf %max3A_118, %mul3A_143 : vector<16xf32>
      %broadcast_in_dim3A_147 = vector.broadcast %scan3A_138 : i32 to vector<16xi32>
      %select_n3A_148 = arith.select %gt3A_144, %broadcast_in_dim3A_147, %select_n3A_121 : vector<16xi1>, vector<16xi32>
      %broadcast_in_dim3A_149 = vector.broadcast %scan3A_138 : i32 to vector<16xi32>
      %select_n3A_150 = arith.select %gt3A_144, %select_n3A_121, %broadcast_in_dim3A_149 : vector<16xi1>, vector<16xi32>
      %gt3A_151 = arith.cmpf ogt, %min3A_146, %max3A_125 : vector<16xf32>
      %max3A_152 = arith.maximumf %max3A_125, %min3A_146 : vector<16xf32>
      %min3A_153 = arith.minimumf %max3A_125, %min3A_146 : vector<16xf32>
      %select_n3A_154 = arith.select %gt3A_151, %select_n3A_150, %select_n3A_127 : vector<16xi1>, vector<16xi32>
      %select_n3A_155 = arith.select %gt3A_151, %select_n3A_127, %select_n3A_150 : vector<16xi1>, vector<16xi32>
      %gt3A_156 = arith.cmpf ogt, %min3A_153, %max3A_130 : vector<16xf32>
      %max3A_157 = arith.maximumf %max3A_130, %min3A_153 : vector<16xf32>
      %min3A_158 = arith.minimumf %max3A_130, %min3A_153 : vector<16xf32>
      %select_n3A_159 = arith.select %gt3A_156, %select_n3A_155, %select_n3A_132 : vector<16xi1>, vector<16xi32>
      %select_n3A_160 = arith.select %gt3A_156, %select_n3A_132, %select_n3A_155 : vector<16xi1>, vector<16xi32>
      %gt3A_161 = arith.cmpf ogt, %min3A_158, %max3A_135 : vector<16xf32>
      %max3A_162 = arith.maximumf %max3A_135, %min3A_158 : vector<16xf32>
      %select_n3A_163 = arith.select %gt3A_161, %select_n3A_160, %select_n3A_136 : vector<16xi1>, vector<16xi32>
      %scan3A_164 = arith.constant 2044 : i32
      %scan3A_165 = arith.addi %scan3A, %scan3A_164 : i32
      %mul3A_166 = arith.constant 16 : i32
      %mul3A_167 = arith.muli %scan3A_165, %mul3A_166 : i32
      %get3A_168 = arith.index_cast %mul3A_167 : i32 to index
      %get3A_169 = tpu.vector_load %arg11[%get3A_168] {strides = array<i32>} : memref<32768xf32, #tpu.memory_space<vmem>>, vector<16xf32>,
      %mul3A_170 = arith.mulf %gather3A_44, %get3A_169 : vector<16xf32>
      %gt3A_171 = arith.cmpf ogt, %mul3A_170, %max3A_145 : vector<16xf32>
      %max3A_172 = arith.maximumf %max3A_145, %mul3A_170 : vector<16xf32>
      %min3A_173 = arith.minimumf %max3A_145, %mul3A_170 : vector<16xf32>
      %broadcast_in_dim3A_174 = vector.broadcast %scan3A_165 : i32 to vector<16xi32>
      %select_n3A_175 = arith.select %gt3A_171, %broadcast_in_dim3A_174, %select_n3A_148 : vector<16xi1>, vector<16xi32>
      %broadcast_in_dim3A_176 = vector.broadcast %scan3A_165 : i32 to vector<16xi32>
      %select_n3A_177 = arith.select %gt3A_171, %select_n3A_148, %broadcast_in_dim3A_176 : vector<16xi1>, vector<16xi32>
      %gt3A_178 = arith.cmpf ogt, %min3A_173, %max3A_152 : vector<16xf32>
      %max3A_179 = arith.maximumf %max3A_152, %min3A_173 : vector<16xf32>
      %min3A_180 = arith.minimumf %max3A_152, %min3A_173 : vector<16xf32>
      %select_n3A_181 = arith.select %gt3A_178, %select_n3A_177, %select_n3A_154 : vector<16xi1>, vector<16xi32>
      %select_n3A_182 = arith.select %gt3A_178, %select_n3A_154, %select_n3A_177 : vector<16xi1>, vector<16xi32>
      %gt3A_183 = arith.cmpf ogt, %min3A_180, %max3A_157 : vector<16xf32>
      %max3A_184 = arith.maximumf %max3A_157, %min3A_180 : vector<16xf32>
      %min3A_185 = arith.minimumf %max3A_157, %min3A_180 : vector<16xf32>
      %select_n3A_186 = arith.select %gt3A_183, %select_n3A_182, %select_n3A_159 : vector<16xi1>, vector<16xi32>
      %select_n3A_187 = arith.select %gt3A_183, %select_n3A_159, %select_n3A_182 : vector<16xi1>, vector<16xi32>
      %gt3A_188 = arith.cmpf ogt, %min3A_185, %max3A_162 : vector<16xf32>
      %max3A_189 = arith.maximumf %max3A_162, %min3A_185 : vector<16xf32>
      %select_n3A_190 = arith.select %gt3A_188, %select_n3A_187, %select_n3A_163 : vector<16xi1>, vector<16xi32>
      %scan3A_191 = arith.constant 2045 : i32
      %scan3A_192 = arith.addi %scan3A, %scan3A_191 : i32
      %mul3A_193 = arith.constant 16 : i32
      %mul3A_194 = arith.muli %scan3A_192, %mul3A_193 : i32
      %get3A_195 = arith.index_cast %mul3A_194 : i32 to index
      %get3A_196 = tpu.vector_load %arg11[%get3A_195] {strides = array<i32>} : memref<32768xf32, #tpu.memory_space<vmem>>, vector<16xf32>,
      %mul3A_197 = arith.mulf %gather3A_44, %get3A_196 : vector<16xf32>
      %gt3A_198 = arith.cmpf ogt, %mul3A_197, %max3A_172 : vector<16xf32>
      %max3A_199 = arith.maximumf %max3A_172, %mul3A_197 : vector<16xf32>
      %min3A_200 = arith.minimumf %max3A_172, %mul3A_197 : vector<16xf32>
      %broadcast_in_dim3A_201 = vector.broadcast %scan3A_192 : i32 to vector<16xi32>
      %select_n3A_202 = arith.select %gt3A_198, %broadcast_in_dim3A_201, %select_n3A_175 : vector<16xi1>, vector<16xi32>
      %broadcast_in_dim3A_203 = vector.broadcast %scan3A_192 : i32 to vector<16xi32>
      %select_n3A_204 = arith.select %gt3A_198, %select_n3A_175, %broadcast_in_dim3A_203 : vector<16xi1>, vector<16xi32>
      %gt3A_205 = arith.cmpf ogt, %min3A_200, %max3A_179 : vector<16xf32>
      %max3A_206 = arith.maximumf %max3A_179, %min3A_200 : vector<16xf32>
      %min3A_207 = arith.minimumf %max3A_179, %min3A_200 : vector<16xf32>
      %select_n3A_208 = arith.select %gt3A_205, %select_n3A_204, %select_n3A_181 : vector<16xi1>, vector<16xi32>
      %select_n3A_209 = arith.select %gt3A_205, %select_n3A_181, %select_n3A_204 : vector<16xi1>, vector<16xi32>
      %gt3A_210 = arith.cmpf ogt, %min3A_207, %max3A_184 : vector<16xf32>
      %max3A_211 = arith.maximumf %max3A_184, %min3A_207 : vector<16xf32>
      %min3A_212 = arith.minimumf %max3A_184, %min3A_207 : vector<16xf32>
      %select_n3A_213 = arith.select %gt3A_210, %select_n3A_209, %select_n3A_186 : vector<16xi1>, vector<16xi32>
      %select_n3A_214 = arith.select %gt3A_210, %select_n3A_186, %select_n3A_209 : vector<16xi1>, vector<16xi32>
      %gt3A_215 = arith.cmpf ogt, %min3A_212, %max3A_189 : vector<16xf32>
      %max3A_216 = arith.maximumf %max3A_189, %min3A_212 : vector<16xf32>
      %select_n3A_217 = arith.select %gt3A_215, %select_n3A_214, %select_n3A_190 : vector<16xi1>, vector<16xi32>
      %scan3A_218 = arith.constant 2046 : i32
      %scan3A_219 = arith.addi %scan3A, %scan3A_218 : i32
      %mul3A_220 = arith.constant 16 : i32
      %mul3A_221 = arith.muli %scan3A_219, %mul3A_220 : i32
      %get3A_222 = arith.index_cast %mul3A_221 : i32 to index
      %get3A_223 = tpu.vector_load %arg11[%get3A_222] {strides = array<i32>} : memref<32768xf32, #tpu.memory_space<vmem>>, vector<16xf32>,
      %mul3A_224 = arith.mulf %gather3A_44, %get3A_223 : vector<16xf32>
      %gt3A_225 = arith.cmpf ogt, %mul3A_224, %max3A_199 : vector<16xf32>
      %max3A_226 = arith.maximumf %max3A_199, %mul3A_224 : vector<16xf32>
      %min3A_227 = arith.minimumf %max3A_199, %mul3A_224 : vector<16xf32>
      %broadcast_in_dim3A_228 = vector.broadcast %scan3A_219 : i32 to vector<16xi32>
      %select_n3A_229 = arith.select %gt3A_225, %broadcast_in_dim3A_228, %select_n3A_202 : vector<16xi1>, vector<16xi32>
      %broadcast_in_dim3A_230 = vector.broadcast %scan3A_219 : i32 to vector<16xi32>
      %select_n3A_231 = arith.select %gt3A_225, %select_n3A_202, %broadcast_in_dim3A_230 : vector<16xi1>, vector<16xi32>
      %gt3A_232 = arith.cmpf ogt, %min3A_227, %max3A_206 : vector<16xf32>
      %max3A_233 = arith.maximumf %max3A_206, %min3A_227 : vector<16xf32>
      %min3A_234 = arith.minimumf %max3A_206, %min3A_227 : vector<16xf32>
      %select_n3A_235 = arith.select %gt3A_232, %select_n3A_231, %select_n3A_208 : vector<16xi1>, vector<16xi32>
      %select_n3A_236 = arith.select %gt3A_232, %select_n3A_208, %select_n3A_231 : vector<16xi1>, vector<16xi32>
      %gt3A_237 = arith.cmpf ogt, %min3A_234, %max3A_211 : vector<16xf32>
      %max3A_238 = arith.maximumf %max3A_211, %min3A_234 : vector<16xf32>
      %min3A_239 = arith.minimumf %max3A_211, %min3A_234 : vector<16xf32>
      %select_n3A_240 = arith.select %gt3A_237, %select_n3A_236, %select_n3A_213 : vector<16xi1>, vector<16xi32>
      %select_n3A_241 = arith.select %gt3A_237, %select_n3A_213, %select_n3A_236 : vector<16xi1>, vector<16xi32>
      %gt3A_242 = arith.cmpf ogt, %min3A_239, %max3A_216 : vector<16xf32>
      %max3A_243 = arith.maximumf %max3A_216, %min3A_239 : vector<16xf32>
      %select_n3A_244 = arith.select %gt3A_242, %select_n3A_241, %select_n3A_217 : vector<16xi1>, vector<16xi32>
      %scan3A_245 = arith.constant 2047 : i32
      %broadcast_in_dim3A_246 = arith.constant 0.000000e+00 : f32
      %broadcast_in_dim3A_247 = vector.broadcast %broadcast_in_dim3A_246 : f32 to vector<16xf32>
      %broadcast_in_dim3A_248 = arith.constant 0 : i32
      %broadcast_in_dim3A_249 = vector.broadcast %broadcast_in_dim3A_248 : i32 to vector<16xi32>
      %mul3A_250 = arith.constant 16 : i32
      %mul3A_251 = vector.broadcast %mul3A_250 : i32 to vector<16xi32>
      %mul3A_252 = arith.muli %select_n3A_229, %mul3A_251 : vector<16xi32>
      %add3A_253 = arith.addi %mul3A_252, %iota3A : vector<16xi32>
      %reduce_max3A_254 = arith.constant true
      %reduce_max3A_255 = vector.broadcast %reduce_max3A_254 : i1 to vector<16xi1>
      %reduce_max3A_256 = tpu.scan <max>, %max3A_226 masked %reduce_max3A_255 : vector<16xf32>, vector<16xi1> -> vector<16xf32>
      %reduce_max3A_257 = vector.extract %reduce_max3A_256[15] : f32 from vector<16xf32>
      %eq3A_258 = vector.broadcast %reduce_max3A_257 : f32 to vector<16xf32>
      %eq3A_259 = arith.cmpf oeq, %max3A_226, %eq3A_258 : vector<16xf32>
      %jit3A_260 = arith.constant 1073741824 : i32
      %broadcast_in_dim3A_261 = vector.broadcast %jit3A_260 : i32 to vector<16xi32>
      %select_n3A_262 = arith.select %eq3A_259, %add3A_253, %broadcast_in_dim3A_261 : vector<16xi1>, vector<16xi32>
      %reduce_min3A = arith.constant true
      %reduce_min3A_263 = vector.broadcast %reduce_min3A : i1 to vector<16xi1>
      %reduce_min3A_264 = arith.constant -2147483648 : i32
      %reduce_min3A_265 = vector.broadcast %reduce_min3A_264 : i32 to vector<16xi32>
      %reduce_min3A_266 = arith.xori %select_n3A_262, %reduce_min3A_265 : vector<16xi32>
      %reduce_min3A_267 = tpu.scan <min>, %reduce_min3A_266 masked %reduce_min3A_263 : vector<16xi32>, vector<16xi1> -> vector<16xi32>
      %reduce_min3A_268 = arith.xori %reduce_min3A_267, %reduce_min3A_265 : vector<16xi32>
      %reduce_min3A_269 = vector.extract %reduce_min3A_268[15] : i32 from vector<16xi32>
      %eq3A_270 = vector.broadcast %reduce_min3A_269 : i32 to vector<16xi32>
      %eq3A_271 = arith.cmpi eq, %add3A_253, %eq3A_270 : vector<16xi32>
      %and3A = arith.andi %eq3A_259, %eq3A_271 : vector<16xi1>
      %eq3A_272 = arith.constant 0 : i32
      %eq3A_273 = vector.broadcast %eq3A_272 : i32 to vector<16xi32>
      %eq3A_274 = arith.cmpi eq, %iota3A, %eq3A_273 : vector<16xi32>
      %broadcast_in_dim3A_275 = vector.broadcast %reduce_max3A_257 : f32 to vector<16xf32>
      %select_n3A_276 = arith.select %eq3A_274, %broadcast_in_dim3A_275, %broadcast_in_dim3A_247 : vector<16xi1>, vector<16xf32>
      %broadcast_in_dim3A_277 = vector.broadcast %reduce_min3A_269 : i32 to vector<16xi32>
      %select_n3A_278 = arith.select %eq3A_274, %broadcast_in_dim3A_277, %broadcast_in_dim3A_249 : vector<16xi1>, vector<16xi32>
      %select_n3A_279 = arith.select %and3A, %max3A_233, %max3A_226 : vector<16xi1>, vector<16xf32>
      %select_n3A_280 = arith.select %and3A, %select_n3A_235, %select_n3A_229 : vector<16xi1>, vector<16xi32>
      %select_n3A_281 = arith.select %and3A, %max3A_238, %max3A_233 : vector<16xi1>, vector<16xf32>
      %select_n3A_282 = arith.select %and3A, %select_n3A_240, %select_n3A_235 : vector<16xi1>, vector<16xi32>
      %select_n3A_283 = arith.select %and3A, %max3A_243, %max3A_238 : vector<16xi1>, vector<16xf32>
      %select_n3A_284 = arith.select %and3A, %select_n3A_244, %select_n3A_240 : vector<16xi1>, vector<16xi32>
      %jit3A_285 = arith.constant -3.000000e+38 : f32
      %broadcast_in_dim3A_286 = vector.broadcast %jit3A_285 : f32 to vector<16xf32>
      %select_n3A_287 = arith.select %and3A, %broadcast_in_dim3A_286, %max3A_243 : vector<16xi1>, vector<16xf32>
      %mul3A_288 = arith.constant 16 : i32
      %mul3A_289 = vector.broadcast %mul3A_288 : i32 to vector<16xi32>
      %mul3A_290 = arith.muli %select_n3A_280, %mul3A_289 : vector<16xi32>
      %add3A_291 = arith.addi %mul3A_290, %iota3A : vector<16xi32>
      %reduce_max3A_292 = arith.constant true
      %reduce_max3A_293 = vector.broadcast %reduce_max3A_292 : i1 to vector<16xi1>
      %reduce_max3A_294 = tpu.scan <max>, %select_n3A_279 masked %reduce_max3A_293 : vector<16xf32>, vector<16xi1> -> vector<16xf32>
      %reduce_max3A_295 = vector.extract %reduce_max3A_294[15] : f32 from vector<16xf32>
      %eq3A_296 = vector.broadcast %reduce_max3A_295 : f32 to vector<16xf32>
      %eq3A_297 = arith.cmpf oeq, %select_n3A_279, %eq3A_296 : vector<16xf32>
      %jit3A_298 = arith.constant 1073741824 : i32
      %broadcast_in_dim3A_299 = vector.broadcast %jit3A_298 : i32 to vector<16xi32>
      %select_n3A_300 = arith.select %eq3A_297, %add3A_291, %broadcast_in_dim3A_299 : vector<16xi1>, vector<16xi32>
      %reduce_min3A_301 = arith.constant true
      %reduce_min3A_302 = vector.broadcast %reduce_min3A_301 : i1 to vector<16xi1>
      %reduce_min3A_303 = arith.constant -2147483648 : i32
      %reduce_min3A_304 = vector.broadcast %reduce_min3A_303 : i32 to vector<16xi32>
      %reduce_min3A_305 = arith.xori %select_n3A_300, %reduce_min3A_304 : vector<16xi32>
      %reduce_min3A_306 = tpu.scan <min>, %reduce_min3A_305 masked %reduce_min3A_302 : vector<16xi32>, vector<16xi1> -> vector<16xi32>
      %reduce_min3A_307 = arith.xori %reduce_min3A_306, %reduce_min3A_304 : vector<16xi32>
      %reduce_min3A_308 = vector.extract %reduce_min3A_307[15] : i32 from vector<16xi32>
      %eq3A_309 = vector.broadcast %reduce_min3A_308 : i32 to vector<16xi32>
      %eq3A_310 = arith.cmpi eq, %add3A_291, %eq3A_309 : vector<16xi32>
      %and3A_311 = arith.andi %eq3A_297, %eq3A_310 : vector<16xi1>
      %eq3A_312 = arith.constant 1 : i32
      %eq3A_313 = vector.broadcast %eq3A_312 : i32 to vector<16xi32>
      %eq3A_314 = arith.cmpi eq, %iota3A, %eq3A_313 : vector<16xi32>
      %broadcast_in_dim3A_315 = vector.broadcast %reduce_max3A_295 : f32 to vector<16xf32>
      %select_n3A_316 = arith.select %eq3A_314, %broadcast_in_dim3A_315, %select_n3A_276 : vector<16xi1>, vector<16xf32>
      %broadcast_in_dim3A_317 = vector.broadcast %reduce_min3A_308 : i32 to vector<16xi32>
      %select_n3A_318 = arith.select %eq3A_314, %broadcast_in_dim3A_317, %select_n3A_278 : vector<16xi1>, vector<16xi32>
      %select_n3A_319 = arith.select %and3A_311, %select_n3A_281, %select_n3A_279 : vector<16xi1>, vector<16xf32>
      %select_n3A_320 = arith.select %and3A_311, %select_n3A_282, %select_n3A_280 : vector<16xi1>, vector<16xi32>
      %select_n3A_321 = arith.select %and3A_311, %select_n3A_283, %select_n3A_281 : vector<16xi1>, vector<16xf32>
      %select_n3A_322 = arith.select %and3A_311, %select_n3A_284, %select_n3A_282 : vector<16xi1>, vector<16xi32>
      %select_n3A_323 = arith.select %and3A_311, %select_n3A_287, %select_n3A_283 : vector<16xi1>, vector<16xf32>
      %select_n3A_324 = arith.select %and3A_311, %select_n3A_244, %select_n3A_284 : vector<16xi1>, vector<16xi32>
      %jit3A_325 = arith.constant -3.000000e+38 : f32
      %broadcast_in_dim3A_326 = vector.broadcast %jit3A_325 : f32 to vector<16xf32>
      %select_n3A_327 = arith.select %and3A_311, %broadcast_in_dim3A_326, %select_n3A_287 : vector<16xi1>, vector<16xf32>
      %mul3A_328 = arith.constant 16 : i32
      %mul3A_329 = vector.broadcast %mul3A_328 : i32 to vector<16xi32>
      %mul3A_330 = arith.muli %select_n3A_320, %mul3A_329 : vector<16xi32>
      %add3A_331 = arith.addi %mul3A_330, %iota3A : vector<16xi32>
      %reduce_max3A_332 = arith.constant true
      %reduce_max3A_333 = vector.broadcast %reduce_max3A_332 : i1 to vector<16xi1>
      %reduce_max3A_334 = tpu.scan <max>, %select_n3A_319 masked %reduce_max3A_333 : vector<16xf32>, vector<16xi1> -> vector<16xf32>
      %reduce_max3A_335 = vector.extract %reduce_max3A_334[15] : f32 from vector<16xf32>
      %eq3A_336 = vector.broadcast %reduce_max3A_335 : f32 to vector<16xf32>
      %eq3A_337 = arith.cmpf oeq, %select_n3A_319, %eq3A_336 : vector<16xf32>
      %jit3A_338 = arith.constant 1073741824 : i32
      %broadcast_in_dim3A_339 = vector.broadcast %jit3A_338 : i32 to vector<16xi32>
      %select_n3A_340 = arith.select %eq3A_337, %add3A_331, %broadcast_in_dim3A_339 : vector<16xi1>, vector<16xi32>
      %reduce_min3A_341 = arith.constant true
      %reduce_min3A_342 = vector.broadcast %reduce_min3A_341 : i1 to vector<16xi1>
      %reduce_min3A_343 = arith.constant -2147483648 : i32
      %reduce_min3A_344 = vector.broadcast %reduce_min3A_343 : i32 to vector<16xi32>
      %reduce_min3A_345 = arith.xori %select_n3A_340, %reduce_min3A_344 : vector<16xi32>
      %reduce_min3A_346 = tpu.scan <min>, %reduce_min3A_345 masked %reduce_min3A_342 : vector<16xi32>, vector<16xi1> -> vector<16xi32>
      %reduce_min3A_347 = arith.xori %reduce_min3A_346, %reduce_min3A_344 : vector<16xi32>
      %reduce_min3A_348 = vector.extract %reduce_min3A_347[15] : i32 from vector<16xi32>
      %eq3A_349 = vector.broadcast %reduce_min3A_348 : i32 to vector<16xi32>
      %eq3A_350 = arith.cmpi eq, %add3A_331, %eq3A_349 : vector<16xi32>
      %and3A_351 = arith.andi %eq3A_337, %eq3A_350 : vector<16xi1>
      %eq3A_352 = arith.constant 2 : i32
      %eq3A_353 = vector.broadcast %eq3A_352 : i32 to vector<16xi32>
      %eq3A_354 = arith.cmpi eq, %iota3A, %eq3A_353 : vector<16xi32>
      %broadcast_in_dim3A_355 = vector.broadcast %reduce_max3A_335 : f32 to vector<16xf32>
      %select_n3A_356 = arith.select %eq3A_354, %broadcast_in_dim3A_355, %select_n3A_316 : vector<16xi1>, vector<16xf32>
      %broadcast_in_dim3A_357 = vector.broadcast %reduce_min3A_348 : i32 to vector<16xi32>
      %select_n3A_358 = arith.select %eq3A_354, %broadcast_in_dim3A_357, %select_n3A_318 : vector<16xi1>, vector<16xi32>
      %select_n3A_359 = arith.select %and3A_351, %select_n3A_321, %select_n3A_319 : vector<16xi1>, vector<16xf32>
      %select_n3A_360 = arith.select %and3A_351, %select_n3A_322, %select_n3A_320 : vector<16xi1>, vector<16xi32>
      %select_n3A_361 = arith.select %and3A_351, %select_n3A_323, %select_n3A_321 : vector<16xi1>, vector<16xf32>
      %select_n3A_362 = arith.select %and3A_351, %select_n3A_324, %select_n3A_322 : vector<16xi1>, vector<16xi32>
      %select_n3A_363 = arith.select %and3A_351, %select_n3A_327, %select_n3A_323 : vector<16xi1>, vector<16xf32>
      %select_n3A_364 = arith.select %and3A_351, %select_n3A_244, %select_n3A_324 : vector<16xi1>, vector<16xi32>
      %jit3A_365 = arith.constant -3.000000e+38 : f32
      %broadcast_in_dim3A_366 = vector.broadcast %jit3A_365 : f32 to vector<16xf32>
      %select_n3A_367 = arith.select %and3A_351, %broadcast_in_dim3A_366, %select_n3A_327 : vector<16xi1>, vector<16xf32>
      %mul3A_368 = arith.constant 16 : i32
      %mul3A_369 = vector.broadcast %mul3A_368 : i32 to vector<16xi32>
      %mul3A_370 = arith.muli %select_n3A_360, %mul3A_369 : vector<16xi32>
      %add3A_371 = arith.addi %mul3A_370, %iota3A : vector<16xi32>
      %reduce_max3A_372 = arith.constant true
      %reduce_max3A_373 = vector.broadcast %reduce_max3A_372 : i1 to vector<16xi1>
      %reduce_max3A_374 = tpu.scan <max>, %select_n3A_359 masked %reduce_max3A_373 : vector<16xf32>, vector<16xi1> -> vector<16xf32>
      %reduce_max3A_375 = vector.extract %reduce_max3A_374[15] : f32 from vector<16xf32>
      %eq3A_376 = vector.broadcast %reduce_max3A_375 : f32 to vector<16xf32>
      %eq3A_377 = arith.cmpf oeq, %select_n3A_359, %eq3A_376 : vector<16xf32>
      %jit3A_378 = arith.constant 1073741824 : i32
      %broadcast_in_dim3A_379 = vector.broadcast %jit3A_378 : i32 to vector<16xi32>
      %select_n3A_380 = arith.select %eq3A_377, %add3A_371, %broadcast_in_dim3A_379 : vector<16xi1>, vector<16xi32>
      %reduce_min3A_381 = arith.constant true
      %reduce_min3A_382 = vector.broadcast %reduce_min3A_381 : i1 to vector<16xi1>
      %reduce_min3A_383 = arith.constant -2147483648 : i32
      %reduce_min3A_384 = vector.broadcast %reduce_min3A_383 : i32 to vector<16xi32>
      %reduce_min3A_385 = arith.xori %select_n3A_380, %reduce_min3A_384 : vector<16xi32>
      %reduce_min3A_386 = tpu.scan <min>, %reduce_min3A_385 masked %reduce_min3A_382 : vector<16xi32>, vector<16xi1> -> vector<16xi32>
      %reduce_min3A_387 = arith.xori %reduce_min3A_386, %reduce_min3A_384 : vector<16xi32>
      %reduce_min3A_388 = vector.extract %reduce_min3A_387[15] : i32 from vector<16xi32>
      %eq3A_389 = vector.broadcast %reduce_min3A_388 : i32 to vector<16xi32>
      %eq3A_390 = arith.cmpi eq, %add3A_371, %eq3A_389 : vector<16xi32>
      %and3A_391 = arith.andi %eq3A_377, %eq3A_390 : vector<16xi1>
      %eq3A_392 = arith.constant 3 : i32
      %eq3A_393 = vector.broadcast %eq3A_392 : i32 to vector<16xi32>
      %eq3A_394 = arith.cmpi eq, %iota3A, %eq3A_393 : vector<16xi32>
      %broadcast_in_dim3A_395 = vector.broadcast %reduce_max3A_375 : f32 to vector<16xf32>
      %select_n3A_396 = arith.select %eq3A_394, %broadcast_in_dim3A_395, %select_n3A_356 : vector<16xi1>, vector<16xf32>
      %broadcast_in_dim3A_397 = vector.broadcast %reduce_min3A_388 : i32 to vector<16xi32>
      %select_n3A_398 = arith.select %eq3A_394, %broadcast_in_dim3A_397, %select_n3A_358 : vector<16xi1>, vector<16xi32>
      %select_n3A_399 = arith.select %and3A_391, %select_n3A_361, %select_n3A_359 : vector<16xi1>, vector<16xf32>
      %select_n3A_400 = arith.select %and3A_391, %select_n3A_362, %select_n3A_360 : vector<16xi1>, vector<16xi32>
      %select_n3A_401 = arith.select %and3A_391, %select_n3A_363, %select_n3A_361 : vector<16xi1>, vector<16xf32>
      %select_n3A_402 = arith.select %and3A_391, %select_n3A_364, %select_n3A_362 : vector<16xi1>, vector<16xi32>
      %select_n3A_403 = arith.select %and3A_391, %select_n3A_367, %select_n3A_363 : vector<16xi1>, vector<16xf32>
      %select_n3A_404 = arith.select %and3A_391, %select_n3A_244, %select_n3A_364 : vector<16xi1>, vector<16xi32>
      %jit3A_405 = arith.constant -3.000000e+38 : f32
      %broadcast_in_dim3A_406 = vector.broadcast %jit3A_405 : f32 to vector<16xf32>
      %select_n3A_407 = arith.select %and3A_391, %broadcast_in_dim3A_406, %select_n3A_367 : vector<16xi1>, vector<16xf32>
      %mul3A_408 = arith.constant 16 : i32
      %mul3A_409 = vector.broadcast %mul3A_408 : i32 to vector<16xi32>
      %mul3A_410 = arith.muli %select_n3A_400, %mul3A_409 : vector<16xi32>
      %add3A_411 = arith.addi %mul3A_410, %iota3A : vector<16xi32>
      %reduce_max3A_412 = arith.constant true
      %reduce_max3A_413 = vector.broadcast %reduce_max3A_412 : i1 to vector<16xi1>
      %reduce_max3A_414 = tpu.scan <max>, %select_n3A_399 masked %reduce_max3A_413 : vector<16xf32>, vector<16xi1> -> vector<16xf32>
      %reduce_max3A_415 = vector.extract %reduce_max3A_414[15] : f32 from vector<16xf32>
      %eq3A_416 = vector.broadcast %reduce_max3A_415 : f32 to vector<16xf32>
      %eq3A_417 = arith.cmpf oeq, %select_n3A_399, %eq3A_416 : vector<16xf32>
      %jit3A_418 = arith.constant 1073741824 : i32
      %broadcast_in_dim3A_419 = vector.broadcast %jit3A_418 : i32 to vector<16xi32>
      %select_n3A_420 = arith.select %eq3A_417, %add3A_411, %broadcast_in_dim3A_419 : vector<16xi1>, vector<16xi32>
      %reduce_min3A_421 = arith.constant true
      %reduce_min3A_422 = vector.broadcast %reduce_min3A_421 : i1 to vector<16xi1>
      %reduce_min3A_423 = arith.constant -2147483648 : i32
      %reduce_min3A_424 = vector.broadcast %reduce_min3A_423 : i32 to vector<16xi32>
      %reduce_min3A_425 = arith.xori %select_n3A_420, %reduce_min3A_424 : vector<16xi32>
      %reduce_min3A_426 = tpu.scan <min>, %reduce_min3A_425 masked %reduce_min3A_422 : vector<16xi32>, vector<16xi1> -> vector<16xi32>
      %reduce_min3A_427 = arith.xori %reduce_min3A_426, %reduce_min3A_424 : vector<16xi32>
      %reduce_min3A_428 = vector.extract %reduce_min3A_427[15] : i32 from vector<16xi32>
      %eq3A_429 = vector.broadcast %reduce_min3A_428 : i32 to vector<16xi32>
      %eq3A_430 = arith.cmpi eq, %add3A_411, %eq3A_429 : vector<16xi32>
      %and3A_431 = arith.andi %eq3A_417, %eq3A_430 : vector<16xi1>
      %eq3A_432 = arith.constant 4 : i32
      %eq3A_433 = vector.broadcast %eq3A_432 : i32 to vector<16xi32>
      %eq3A_434 = arith.cmpi eq, %iota3A, %eq3A_433 : vector<16xi32>
      %broadcast_in_dim3A_435 = vector.broadcast %reduce_max3A_415 : f32 to vector<16xf32>
      %select_n3A_436 = arith.select %eq3A_434, %broadcast_in_dim3A_435, %select_n3A_396 : vector<16xi1>, vector<16xf32>
      %broadcast_in_dim3A_437 = vector.broadcast %reduce_min3A_428 : i32 to vector<16xi32>
      %select_n3A_438 = arith.select %eq3A_434, %broadcast_in_dim3A_437, %select_n3A_398 : vector<16xi1>, vector<16xi32>
      %select_n3A_439 = arith.select %and3A_431, %select_n3A_401, %select_n3A_399 : vector<16xi1>, vector<16xf32>
      %select_n3A_440 = arith.select %and3A_431, %select_n3A_402, %select_n3A_400 : vector<16xi1>, vector<16xi32>
      %select_n3A_441 = arith.select %and3A_431, %select_n3A_403, %select_n3A_401 : vector<16xi1>, vector<16xf32>
      %select_n3A_442 = arith.select %and3A_431, %select_n3A_404, %select_n3A_402 : vector<16xi1>, vector<16xi32>
      %select_n3A_443 = arith.select %and3A_431, %select_n3A_407, %select_n3A_403 : vector<16xi1>, vector<16xf32>
      %select_n3A_444 = arith.select %and3A_431, %select_n3A_244, %select_n3A_404 : vector<16xi1>, vector<16xi32>
      %jit3A_445 = arith.constant -3.000000e+38 : f32
      %broadcast_in_dim3A_446 = vector.broadcast %jit3A_445 : f32 to vector<16xf32>
      %select_n3A_447 = arith.select %and3A_431, %broadcast_in_dim3A_446, %select_n3A_407 : vector<16xi1>, vector<16xf32>
      %mul3A_448 = arith.constant 16 : i32
      %mul3A_449 = vector.broadcast %mul3A_448 : i32 to vector<16xi32>
      %mul3A_450 = arith.muli %select_n3A_440, %mul3A_449 : vector<16xi32>
      %add3A_451 = arith.addi %mul3A_450, %iota3A : vector<16xi32>
      %reduce_max3A_452 = arith.constant true
      %reduce_max3A_453 = vector.broadcast %reduce_max3A_452 : i1 to vector<16xi1>
      %reduce_max3A_454 = tpu.scan <max>, %select_n3A_439 masked %reduce_max3A_453 : vector<16xf32>, vector<16xi1> -> vector<16xf32>
      %reduce_max3A_455 = vector.extract %reduce_max3A_454[15] : f32 from vector<16xf32>
      %eq3A_456 = vector.broadcast %reduce_max3A_455 : f32 to vector<16xf32>
      %eq3A_457 = arith.cmpf oeq, %select_n3A_439, %eq3A_456 : vector<16xf32>
      %jit3A_458 = arith.constant 1073741824 : i32
      %broadcast_in_dim3A_459 = vector.broadcast %jit3A_458 : i32 to vector<16xi32>
      %select_n3A_460 = arith.select %eq3A_457, %add3A_451, %broadcast_in_dim3A_459 : vector<16xi1>, vector<16xi32>
      %reduce_min3A_461 = arith.constant true
      %reduce_min3A_462 = vector.broadcast %reduce_min3A_461 : i1 to vector<16xi1>
      %reduce_min3A_463 = arith.constant -2147483648 : i32
      %reduce_min3A_464 = vector.broadcast %reduce_min3A_463 : i32 to vector<16xi32>
      %reduce_min3A_465 = arith.xori %select_n3A_460, %reduce_min3A_464 : vector<16xi32>
      %reduce_min3A_466 = tpu.scan <min>, %reduce_min3A_465 masked %reduce_min3A_462 : vector<16xi32>, vector<16xi1> -> vector<16xi32>
      %reduce_min3A_467 = arith.xori %reduce_min3A_466, %reduce_min3A_464 : vector<16xi32>
      %reduce_min3A_468 = vector.extract %reduce_min3A_467[15] : i32 from vector<16xi32>
      %eq3A_469 = vector.broadcast %reduce_min3A_468 : i32 to vector<16xi32>
      %eq3A_470 = arith.cmpi eq, %add3A_451, %eq3A_469 : vector<16xi32>
      %and3A_471 = arith.andi %eq3A_457, %eq3A_470 : vector<16xi1>
      %eq3A_472 = arith.constant 5 : i32
      %eq3A_473 = vector.broadcast %eq3A_472 : i32 to vector<16xi32>
      %eq3A_474 = arith.cmpi eq, %iota3A, %eq3A_473 : vector<16xi32>
      %broadcast_in_dim3A_475 = vector.broadcast %reduce_max3A_455 : f32 to vector<16xf32>
      %select_n3A_476 = arith.select %eq3A_474, %broadcast_in_dim3A_475, %select_n3A_436 : vector<16xi1>, vector<16xf32>
      %broadcast_in_dim3A_477 = vector.broadcast %reduce_min3A_468 : i32 to vector<16xi32>
      %select_n3A_478 = arith.select %eq3A_474, %broadcast_in_dim3A_477, %select_n3A_438 : vector<16xi1>, vector<16xi32>
      %select_n3A_479 = arith.select %and3A_471, %select_n3A_441, %select_n3A_439 : vector<16xi1>, vector<16xf32>
      %select_n3A_480 = arith.select %and3A_471, %select_n3A_442, %select_n3A_440 : vector<16xi1>, vector<16xi32>
      %select_n3A_481 = arith.select %and3A_471, %select_n3A_443, %select_n3A_441 : vector<16xi1>, vector<16xf32>
      %select_n3A_482 = arith.select %and3A_471, %select_n3A_444, %select_n3A_442 : vector<16xi1>, vector<16xi32>
      %select_n3A_483 = arith.select %and3A_471, %select_n3A_447, %select_n3A_443 : vector<16xi1>, vector<16xf32>
      %select_n3A_484 = arith.select %and3A_471, %select_n3A_244, %select_n3A_444 : vector<16xi1>, vector<16xi32>
      %jit3A_485 = arith.constant -3.000000e+38 : f32
      %broadcast_in_dim3A_486 = vector.broadcast %jit3A_485 : f32 to vector<16xf32>
      %select_n3A_487 = arith.select %and3A_471, %broadcast_in_dim3A_486, %select_n3A_447 : vector<16xi1>, vector<16xf32>
      %mul3A_488 = arith.constant 16 : i32
      %mul3A_489 = arith.muli %while3A_35, %mul3A_488 : i32
      %swap3A = arith.index_cast %mul3A_489 : i32 to index
      %swap3A_490 = tpu.vector_load %arg12[%swap3A] {strides = array<i32>} : memref<64xf32, #tpu.memory_space<vmem>>, vector<16xf32>,
      tpu.vector_store %arg12[%swap3A], %select_n3A_476 {strides = array<i32>} : memref<64xf32, #tpu.memory_space<vmem>>, vector<16xf32>,
      %mul3A_491 = arith.constant 16 : i32
      %mul3A_492 = arith.muli %while3A_35, %mul3A_491 : i32
      %swap3A_493 = arith.index_cast %mul3A_492 : i32 to index
      %swap3A_494 = tpu.vector_load %arg13[%swap3A_493] {strides = array<i32>} : memref<64xi32, #tpu.memory_space<vmem>>, vector<16xi32>,
      tpu.vector_store %arg13[%swap3A_493], %select_n3A_478 {strides = array<i32>} : memref<64xi32, #tpu.memory_space<vmem>>, vector<16xi32>,
    }
    %mul3A_31 = arith.constant 16 : i32
    %mul3A_32 = arith.muli %mul3A_2, %mul3A_31 : i32
    "tpu.region"() ({
      %run_scoped3A = tpu.sem_alloc : memref<!tpu.dma_semaphore, #tpu.memory_space<semaphore_mem>>
      %dma_start3A = tpu.memref_slice %arg6[%mul3A_32] : memref<2048xf32, #tpu.memory_space<hbm>> -> memref<64xf32, #tpu.memory_space<hbm>>
      %dma_start3A_35 = tpu.memref_slice %arg6[%mul3A_32] : memref<2048xf32, #tpu.memory_space<hbm>> -> memref<64xf32, #tpu.memory_space<hbm>>
      tpu.enqueue_dma source(%arg12 : memref<64xf32, #tpu.memory_space<vmem>>) target(%dma_start3A_35 : memref<64xf32, #tpu.memory_space<hbm>>) target_semaphore(%run_scoped3A : memref<!tpu.dma_semaphore, #tpu.memory_space<semaphore_mem>>)
      %dma_wait3A = tpu.memref_slice %arg6[%mul3A_32] : memref<2048xf32, #tpu.memory_space<hbm>> -> memref<64xf32, #tpu.memory_space<hbm>>
      %dma_wait3A_36 = tpu.memref_slice %arg6[%mul3A_32] : memref<2048xf32, #tpu.memory_space<hbm>> -> memref<64xf32, #tpu.memory_space<hbm>>
      tpu.wait_dma2 semaphore(%run_scoped3A : memref<!tpu.dma_semaphore, #tpu.memory_space<semaphore_mem>>) src(%arg12 : memref<64xf32, #tpu.memory_space<vmem>>) dst(%dma_wait3A_36 : memref<64xf32, #tpu.memory_space<hbm>>)
      tpu.yield
    }) : () -> ()
    %mul3A_33 = arith.constant 16 : i32
    %mul3A_34 = arith.muli %mul3A_2, %mul3A_33 : i32
    "tpu.region"() ({
      %run_scoped3A = tpu.sem_alloc : memref<!tpu.dma_semaphore, #tpu.memory_space<semaphore_mem>>
      %dma_start3A = tpu.memref_slice %arg7[%mul3A_34] : memref<2048xi32, #tpu.memory_space<hbm>> -> memref<64xi32, #tpu.memory_space<hbm>>
      %dma_start3A_35 = tpu.memref_slice %arg7[%mul3A_34] : memref<2048xi32, #tpu.memory_space<hbm>> -> memref<64xi32, #tpu.memory_space<hbm>>
      tpu.enqueue_dma source(%arg13 : memref<64xi32, #tpu.memory_space<vmem>>) target(%dma_start3A_35 : memref<64xi32, #tpu.memory_space<hbm>>) target_semaphore(%run_scoped3A : memref<!tpu.dma_semaphore, #tpu.memory_space<semaphore_mem>>)
      %dma_wait3A = tpu.memref_slice %arg7[%mul3A_34] : memref<2048xi32, #tpu.memory_space<hbm>> -> memref<64xi32, #tpu.memory_space<hbm>>
      %dma_wait3A_36 = tpu.memref_slice %arg7[%mul3A_34] : memref<2048xi32, #tpu.memory_space<hbm>> -> memref<64xi32, #tpu.memory_space<hbm>>
      tpu.wait_dma2 semaphore(%run_scoped3A : memref<!tpu.dma_semaphore, #tpu.memory_space<semaphore_mem>>) src(%arg13 : memref<64xi32, #tpu.memory_space<vmem>>) dst(%dma_wait3A_36 : memref<64xi32, #tpu.memory_space<hbm>>)
      tpu.yield
    }) : () -> ()
    return
  }
}

module attributes {stable_mosaic.version = 14 : i64} {
  func.func @_sel_kernel(%arg0: i32, %arg1: memref<64x1xf32, #tpu.memory_space<vmem>>, %arg2: memref<64x1xi32, #tpu.memory_space<vmem>>, %arg3: memref<64x1xi32, #tpu.memory_space<vmem>>, %arg4: memref<64x32768xf32, #tpu.memory_space<vmem>>, %arg5: memref<64x8xf32, #tpu.memory_space<vmem>>, %arg6: memref<64x8xi32, #tpu.memory_space<vmem>>, %arg7: memref<64x6xf32, #tpu.memory_space<vmem>>, %arg8: memref<64x6xi32, #tpu.memory_space<vmem>>) attributes {dimension_semantics = [#tpu.dimension_semantics<arbitrary>], iteration_bounds = array<i64: 6>, scalar_prefetch = 0 : i64, scratch_operands = 2 : i64, tpu.core_type = #tpu.core_type<tc>, window_params = [{transform_indices = @transform_0, window_bounds = array<i64: 64, 1>}, {transform_indices = @transform_1, window_bounds = array<i64: 64, 1>}, {transform_indices = @transform_2, window_bounds = array<i64: 64, 1>}, {transform_indices = @transform_3, window_bounds = array<i64: 64, 32768>}, {transform_indices = @transform_4, window_bounds = array<i64: 64, 8>}, {transform_indices = @transform_5, window_bounds = array<i64: 64, 8>}]} {
    %iota3A = tpu.iota {dimensions = array<i32: 1>} : vector<1x128xi32>
    %eq3A = arith.constant 0 : i32
    %eq3A_0 = vector.broadcast %eq3A : i32 to vector<1x128xi32>
    %eq3A_1 = arith.cmpi eq, %iota3A, %eq3A_0 : vector<1x128xi32>
    %eq3A_2 = arith.constant 2 : i32
    %eq3A_3 = vector.broadcast %eq3A_2 : i32 to vector<1x128xi32>
    %eq3A_4 = arith.cmpi eq, %iota3A, %eq3A_3 : vector<1x128xi32>
    %or3A = arith.ori %eq3A_1, %eq3A_4 : vector<1x128xi1>
    %get3A = arith.constant 0 : index
    %get3A_5 = arith.constant 0 : index
    %get3A_6 = vector.load %arg1[%get3A, %get3A_5] : memref<64x1xf32, #tpu.memory_space<vmem>>, vector<32x1xf32>
    %get3A_7 = arith.constant 0 : index
    %get3A_8 = arith.constant 0 : index
    %get3A_9 = vector.load %arg4[%get3A_7, %get3A_8] : memref<64x32768xf32, #tpu.memory_space<vmem>>, vector<32x128xf32>
    %mul3A = vector.broadcast %get3A_6 : vector<32x1xf32> to vector<32x128xf32>
    %mul3A_10 = arith.mulf %mul3A, %get3A_9 : vector<32x128xf32>
    %jit3A = arith.constant -1.000000e+00 : f32
    %broadcast_in_dim3A = vector.shape_cast %or3A : vector<1x128xi1> to vector<1x128xi1>
    %broadcast_in_dim3A_11 = vector.broadcast %broadcast_in_dim3A : vector<1x128xi1> to vector<32x128xi1>
    %broadcast_in_dim3A_12 = vector.broadcast %jit3A : f32 to vector<32x128xf32>
    %select_n3A = arith.select %broadcast_in_dim3A_11, %broadcast_in_dim3A_12, %mul3A_10 : vector<32x128xi1>, vector<32x128xf32>
    %broadcast_in_dim3A_13 = arith.constant -2.000000e+00 : f32
    %broadcast_in_dim3A_14 = vector.broadcast %broadcast_in_dim3A_13 : f32 to vector<32x128xf32>
    %broadcast_in_dim3A_15 = arith.constant 0 : i32
    %broadcast_in_dim3A_16 = vector.broadcast %broadcast_in_dim3A_15 : i32 to vector<32x128xi32>
    %scan3A = arith.constant 1 : i32
    %scan3A_17 = arith.constant 248 : i32
    %scan3A_18 = arith.addi %scan3A, %scan3A_17 : i32
    %scan3A_19 = arith.constant 8 : i32
    %scan3A_20:8 = scf.for %scan3A_882 = %scan3A to %scan3A_18 step %scan3A_19 iter_args(%scan3A_883 = %select_n3A, %scan3A_884 = %broadcast_in_dim3A_14, %scan3A_885 = %broadcast_in_dim3A_14, %scan3A_886 = %broadcast_in_dim3A_14, %scan3A_887 = %broadcast_in_dim3A_16, %scan3A_888 = %broadcast_in_dim3A_16, %scan3A_889 = %broadcast_in_dim3A_16, %scan3A_890 = %broadcast_in_dim3A_16) -> (vector<32x128xf32>, vector<32x128xf32>, vector<32x128xf32>, vector<32x128xf32>, vector<32x128xi32>, vector<32x128xi32>, vector<32x128xi32>, vector<32x128xi32>)  : i32 {
      %mul3A_891 = arith.constant 128 : i32
      %mul3A_892 = arith.muli %scan3A_882, %mul3A_891 : i32
      %get3A_893 = arith.constant 0 : index
      %get3A_894 = arith.index_cast %mul3A_892 : i32 to index
      %get3A_895 = vector.load %arg4[%get3A_893, %get3A_894] : memref<64x32768xf32, #tpu.memory_space<vmem>>, vector<32x128xf32>
      %mul3A_896 = vector.broadcast %get3A_6 : vector<32x1xf32> to vector<32x128xf32>
      %mul3A_897 = arith.mulf %mul3A_896, %get3A_895 : vector<32x128xf32>
      %gt3A_898 = arith.cmpf ogt, %mul3A_897, %scan3A_883 : vector<32x128xf32>
      %max3A_899 = arith.maximumf %scan3A_883, %mul3A_897 : vector<32x128xf32>
      %min3A_900 = arith.minimumf %scan3A_883, %mul3A_897 : vector<32x128xf32>
      %broadcast_in_dim3A_901 = vector.broadcast %scan3A_882 : i32 to vector<32x128xi32>
      %select_n3A_902 = arith.select %gt3A_898, %broadcast_in_dim3A_901, %scan3A_887 : vector<32x128xi1>, vector<32x128xi32>
      %broadcast_in_dim3A_903 = vector.broadcast %scan3A_882 : i32 to vector<32x128xi32>
      %select_n3A_904 = arith.select %gt3A_898, %scan3A_887, %broadcast_in_dim3A_903 : vector<32x128xi1>, vector<32x128xi32>
      %gt3A_905 = arith.cmpf ogt, %min3A_900, %scan3A_884 : vector<32x128xf32>
      %max3A_906 = arith.maximumf %scan3A_884, %min3A_900 : vector<32x128xf32>
      %min3A_907 = arith.minimumf %scan3A_884, %min3A_900 : vector<32x128xf32>
      %select_n3A_908 = arith.select %gt3A_905, %select_n3A_904, %scan3A_888 : vector<32x128xi1>, vector<32x128xi32>
      %select_n3A_909 = arith.select %gt3A_905, %scan3A_888, %select_n3A_904 : vector<32x128xi1>, vector<32x128xi32>
      %gt3A_910 = arith.cmpf ogt, %min3A_907, %scan3A_885 : vector<32x128xf32>
      %max3A_911 = arith.maximumf %scan3A_885, %min3A_907 : vector<32x128xf32>
      %min3A_912 = arith.minimumf %scan3A_885, %min3A_907 : vector<32x128xf32>
      %select_n3A_913 = arith.select %gt3A_910, %select_n3A_909, %scan3A_889 : vector<32x128xi1>, vector<32x128xi32>
      %select_n3A_914 = arith.select %gt3A_910, %scan3A_889, %select_n3A_909 : vector<32x128xi1>, vector<32x128xi32>
      %gt3A_915 = arith.cmpf ogt, %min3A_912, %scan3A_886 : vector<32x128xf32>
      %max3A_916 = arith.maximumf %scan3A_886, %min3A_912 : vector<32x128xf32>
      %select_n3A_917 = arith.select %gt3A_915, %select_n3A_914, %scan3A_890 : vector<32x128xi1>, vector<32x128xi32>
      %scan3A_918 = arith.constant 1 : i32
      %scan3A_919 = arith.addi %scan3A_882, %scan3A_918 : i32
      %mul3A_920 = arith.constant 128 : i32
      %mul3A_921 = arith.muli %scan3A_919, %mul3A_920 : i32
      %get3A_922 = arith.constant 0 : index
      %get3A_923 = arith.index_cast %mul3A_921 : i32 to index
      %get3A_924 = vector.load %arg4[%get3A_922, %get3A_923] : memref<64x32768xf32, #tpu.memory_space<vmem>>, vector<32x128xf32>
      %mul3A_925 = vector.broadcast %get3A_6 : vector<32x1xf32> to vector<32x128xf32>
      %mul3A_926 = arith.mulf %mul3A_925, %get3A_924 : vector<32x128xf32>
      %gt3A_927 = arith.cmpf ogt, %mul3A_926, %max3A_899 : vector<32x128xf32>
      %max3A_928 = arith.maximumf %max3A_899, %mul3A_926 : vector<32x128xf32>
      %min3A_929 = arith.minimumf %max3A_899, %mul3A_926 : vector<32x128xf32>
      %broadcast_in_dim3A_930 = vector.broadcast %scan3A_919 : i32 to vector<32x128xi32>
      %select_n3A_931 = arith.select %gt3A_927, %broadcast_in_dim3A_930, %select_n3A_902 : vector<32x128xi1>, vector<32x128xi32>
      %broadcast_in_dim3A_932 = vector.broadcast %scan3A_919 : i32 to vector<32x128xi32>
      %select_n3A_933 = arith.select %gt3A_927, %select_n3A_902, %broadcast_in_dim3A_932 : vector<32x128xi1>, vector<32x128xi32>
      %gt3A_934 = arith.cmpf ogt, %min3A_929, %max3A_906 : vector<32x128xf32>
      %max3A_935 = arith.maximumf %max3A_906, %min3A_929 : vector<32x128xf32>
      %min3A_936 = arith.minimumf %max3A_906, %min3A_929 : vector<32x128xf32>
      %select_n3A_937 = arith.select %gt3A_934, %select_n3A_933, %select_n3A_908 : vector<32x128xi1>, vector<32x128xi32>
      %select_n3A_938 = arith.select %gt3A_934, %select_n3A_908, %select_n3A_933 : vector<32x128xi1>, vector<32x128xi32>
      %gt3A_939 = arith.cmpf ogt, %min3A_936, %max3A_911 : vector<32x128xf32>
      %max3A_940 = arith.maximumf %max3A_911, %min3A_936 : vector<32x128xf32>
      %min3A_941 = arith.minimumf %max3A_911, %min3A_936 : vector<32x128xf32>
      %select_n3A_942 = arith.select %gt3A_939, %select_n3A_938, %select_n3A_913 : vector<32x128xi1>, vector<32x128xi32>
      %select_n3A_943 = arith.select %gt3A_939, %select_n3A_913, %select_n3A_938 : vector<32x128xi1>, vector<32x128xi32>
      %gt3A_944 = arith.cmpf ogt, %min3A_941, %max3A_916 : vector<32x128xf32>
      %max3A_945 = arith.maximumf %max3A_916, %min3A_941 : vector<32x128xf32>
      %select_n3A_946 = arith.select %gt3A_944, %select_n3A_943, %select_n3A_917 : vector<32x128xi1>, vector<32x128xi32>
      %scan3A_947 = arith.constant 2 : i32
      %scan3A_948 = arith.addi %scan3A_882, %scan3A_947 : i32
      %mul3A_949 = arith.constant 128 : i32
      %mul3A_950 = arith.muli %scan3A_948, %mul3A_949 : i32
      %get3A_951 = arith.constant 0 : index
      %get3A_952 = arith.index_cast %mul3A_950 : i32 to index
      %get3A_953 = vector.load %arg4[%get3A_951, %get3A_952] : memref<64x32768xf32, #tpu.memory_space<vmem>>, vector<32x128xf32>
      %mul3A_954 = vector.broadcast %get3A_6 : vector<32x1xf32> to vector<32x128xf32>
      %mul3A_955 = arith.mulf %mul3A_954, %get3A_953 : vector<32x128xf32>
      %gt3A_956 = arith.cmpf ogt, %mul3A_955, %max3A_928 : vector<32x128xf32>
      %max3A_957 = arith.maximumf %max3A_928, %mul3A_955 : vector<32x128xf32>
      %min3A_958 = arith.minimumf %max3A_928, %mul3A_955 : vector<32x128xf32>
      %broadcast_in_dim3A_959 = vector.broadcast %scan3A_948 : i32 to vector<32x128xi32>
      %select_n3A_960 = arith.select %gt3A_956, %broadcast_in_dim3A_959, %select_n3A_931 : vector<32x128xi1>, vector<32x128xi32>
      %broadcast_in_dim3A_961 = vector.broadcast %scan3A_948 : i32 to vector<32x128xi32>
      %select_n3A_962 = arith.select %gt3A_956, %select_n3A_931, %broadcast_in_dim3A_961 : vector<32x128xi1>, vector<32x128xi32>
      %gt3A_963 = arith.cmpf ogt, %min3A_958, %max3A_935 : vector<32x128xf32>
      %max3A_964 = arith.maximumf %max3A_935, %min3A_958 : vector<32x128xf32>
      %min3A_965 = arith.minimumf %max3A_935, %min3A_958 : vector<32x128xf32>
      %select_n3A_966 = arith.select %gt3A_963, %select_n3A_962, %select_n3A_937 : vector<32x128xi1>, vector<32x128xi32>
      %select_n3A_967 = arith.select %gt3A_963, %select_n3A_937, %select_n3A_962 : vector<32x128xi1>, vector<32x128xi32>
      %gt3A_968 = arith.cmpf ogt, %min3A_965, %max3A_940 : vector<32x128xf32>
      %max3A_969 = arith.maximumf %max3A_940, %min3A_965 : vector<32x128xf32>
      %min3A_970 = arith.minimumf %max3A_940, %min3A_965 : vector<32x128xf32>
      %select_n3A_971 = arith.select %gt3A_968, %select_n3A_967, %select_n3A_942 : vector<32x128xi1>, vector<32x128xi32>
      %select_n3A_972 = arith.select %gt3A_968, %select_n3A_942, %select_n3A_967 : vector<32x128xi1>, vector<32x128xi32>
      %gt3A_973 = arith.cmpf ogt, %min3A_970, %max3A_945 : vector<32x128xf32>
      %max3A_974 = arith.maximumf %max3A_945, %min3A_970 : vector<32x128xf32>
      %select_n3A_975 = arith.select %gt3A_973, %select_n3A_972, %select_n3A_946 : vector<32x128xi1>, vector<32x128xi32>
      %scan3A_976 = arith.constant 3 : i32
      %scan3A_977 = arith.addi %scan3A_882, %scan3A_976 : i32
      %mul3A_978 = arith.constant 128 : i32
      %mul3A_979 = arith.muli %scan3A_977, %mul3A_978 : i32
      %get3A_980 = arith.constant 0 : index
      %get3A_981 = arith.index_cast %mul3A_979 : i32 to index
      %get3A_982 = vector.load %arg4[%get3A_980, %get3A_981] : memref<64x32768xf32, #tpu.memory_space<vmem>>, vector<32x128xf32>
      %mul3A_983 = vector.broadcast %get3A_6 : vector<32x1xf32> to vector<32x128xf32>
      %mul3A_984 = arith.mulf %mul3A_983, %get3A_982 : vector<32x128xf32>
      %gt3A_985 = arith.cmpf ogt, %mul3A_984, %max3A_957 : vector<32x128xf32>
      %max3A_986 = arith.maximumf %max3A_957, %mul3A_984 : vector<32x128xf32>
      %min3A_987 = arith.minimumf %max3A_957, %mul3A_984 : vector<32x128xf32>
      %broadcast_in_dim3A_988 = vector.broadcast %scan3A_977 : i32 to vector<32x128xi32>
      %select_n3A_989 = arith.select %gt3A_985, %broadcast_in_dim3A_988, %select_n3A_960 : vector<32x128xi1>, vector<32x128xi32>
      %broadcast_in_dim3A_990 = vector.broadcast %scan3A_977 : i32 to vector<32x128xi32>
      %select_n3A_991 = arith.select %gt3A_985, %select_n3A_960, %broadcast_in_dim3A_990 : vector<32x128xi1>, vector<32x128xi32>
      %gt3A_992 = arith.cmpf ogt, %min3A_987, %max3A_964 : vector<32x128xf32>
      %max3A_993 = arith.maximumf %max3A_964, %min3A_987 : vector<32x128xf32>
      %min3A_994 = arith.minimumf %max3A_964, %min3A_987 : vector<32x128xf32>
      %select_n3A_995 = arith.select %gt3A_992, %select_n3A_991, %select_n3A_966 : vector<32x128xi1>, vector<32x128xi32>
      %select_n3A_996 = arith.select %gt3A_992, %select_n3A_966, %select_n3A_991 : vector<32x128xi1>, vector<32x128xi32>
      %gt3A_997 = arith.cmpf ogt, %min3A_994, %max3A_969 : vector<32x128xf32>
      %max3A_998 = arith.maximumf %max3A_969, %min3A_994 : vector<32x128xf32>
      %min3A_999 = arith.minimumf %max3A_969, %min3A_994 : vector<32x128xf32>
      %select_n3A_1000 = arith.select %gt3A_997, %select_n3A_996, %select_n3A_971 : vector<32x128xi1>, vector<32x128xi32>
      %select_n3A_1001 = arith.select %gt3A_997, %select_n3A_971, %select_n3A_996 : vector<32x128xi1>, vector<32x128xi32>
      %gt3A_1002 = arith.cmpf ogt, %min3A_999, %max3A_974 : vector<32x128xf32>
      %max3A_1003 = arith.maximumf %max3A_974, %min3A_999 : vector<32x128xf32>
      %select_n3A_1004 = arith.select %gt3A_1002, %select_n3A_1001, %select_n3A_975 : vector<32x128xi1>, vector<32x128xi32>
      %scan3A_1005 = arith.constant 4 : i32
      %scan3A_1006 = arith.addi %scan3A_882, %scan3A_1005 : i32
      %mul3A_1007 = arith.constant 128 : i32
      %mul3A_1008 = arith.muli %scan3A_1006, %mul3A_1007 : i32
      %get3A_1009 = arith.constant 0 : index
      %get3A_1010 = arith.index_cast %mul3A_1008 : i32 to index
      %get3A_1011 = vector.load %arg4[%get3A_1009, %get3A_1010] : memref<64x32768xf32, #tpu.memory_space<vmem>>, vector<32x128xf32>
      %mul3A_1012 = vector.broadcast %get3A_6 : vector<32x1xf32> to vector<32x128xf32>
      %mul3A_1013 = arith.mulf %mul3A_1012, %get3A_1011 : vector<32x128xf32>
      %gt3A_1014 = arith.cmpf ogt, %mul3A_1013, %max3A_986 : vector<32x128xf32>
      %max3A_1015 = arith.maximumf %max3A_986, %mul3A_1013 : vector<32x128xf32>
      %min3A_1016 = arith.minimumf %max3A_986, %mul3A_1013 : vector<32x128xf32>
      %broadcast_in_dim3A_1017 = vector.broadcast %scan3A_1006 : i32 to vector<32x128xi32>
      %select_n3A_1018 = arith.select %gt3A_1014, %broadcast_in_dim3A_1017, %select_n3A_989 : vector<32x128xi1>, vector<32x128xi32>
      %broadcast_in_dim3A_1019 = vector.broadcast %scan3A_1006 : i32 to vector<32x128xi32>
      %select_n3A_1020 = arith.select %gt3A_1014, %select_n3A_989, %broadcast_in_dim3A_1019 : vector<32x128xi1>, vector<32x128xi32>
      %gt3A_1021 = arith.cmpf ogt, %min3A_1016, %max3A_993 : vector<32x128xf32>
      %max3A_1022 = arith.maximumf %max3A_993, %min3A_1016 : vector<32x128xf32>
      %min3A_1023 = arith.minimumf %max3A_993, %min3A_1016 : vector<32x128xf32>
      %select_n3A_1024 = arith.select %gt3A_1021, %select_n3A_1020, %select_n3A_995 : vector<32x128xi1>, vector<32x128xi32>
      %select_n3A_1025 = arith.select %gt3A_1021, %select_n3A_995, %select_n3A_1020 : vector<32x128xi1>, vector<32x128xi32>
      %gt3A_1026 = arith.cmpf ogt, %min3A_1023, %max3A_998 : vector<32x128xf32>
      %max3A_1027 = arith.maximumf %max3A_998, %min3A_1023 : vector<32x128xf32>
      %min3A_1028 = arith.minimumf %max3A_998, %min3A_1023 : vector<32x128xf32>
      %select_n3A_1029 = arith.select %gt3A_1026, %select_n3A_1025, %select_n3A_1000 : vector<32x128xi1>, vector<32x128xi32>
      %select_n3A_1030 = arith.select %gt3A_1026, %select_n3A_1000, %select_n3A_1025 : vector<32x128xi1>, vector<32x128xi32>
      %gt3A_1031 = arith.cmpf ogt, %min3A_1028, %max3A_1003 : vector<32x128xf32>
      %max3A_1032 = arith.maximumf %max3A_1003, %min3A_1028 : vector<32x128xf32>
      %select_n3A_1033 = arith.select %gt3A_1031, %select_n3A_1030, %select_n3A_1004 : vector<32x128xi1>, vector<32x128xi32>
      %scan3A_1034 = arith.constant 5 : i32
      %scan3A_1035 = arith.addi %scan3A_882, %scan3A_1034 : i32
      %mul3A_1036 = arith.constant 128 : i32
      %mul3A_1037 = arith.muli %scan3A_1035, %mul3A_1036 : i32
      %get3A_1038 = arith.constant 0 : index
      %get3A_1039 = arith.index_cast %mul3A_1037 : i32 to index
      %get3A_1040 = vector.load %arg4[%get3A_1038, %get3A_1039] : memref<64x32768xf32, #tpu.memory_space<vmem>>, vector<32x128xf32>
      %mul3A_1041 = vector.broadcast %get3A_6 : vector<32x1xf32> to vector<32x128xf32>
      %mul3A_1042 = arith.mulf %mul3A_1041, %get3A_1040 : vector<32x128xf32>
      %gt3A_1043 = arith.cmpf ogt, %mul3A_1042, %max3A_1015 : vector<32x128xf32>
      %max3A_1044 = arith.maximumf %max3A_1015, %mul3A_1042 : vector<32x128xf32>
      %min3A_1045 = arith.minimumf %max3A_1015, %mul3A_1042 : vector<32x128xf32>
      %broadcast_in_dim3A_1046 = vector.broadcast %scan3A_1035 : i32 to vector<32x128xi32>
      %select_n3A_1047 = arith.select %gt3A_1043, %broadcast_in_dim3A_1046, %select_n3A_1018 : vector<32x128xi1>, vector<32x128xi32>
      %broadcast_in_dim3A_1048 = vector.broadcast %scan3A_1035 : i32 to vector<32x128xi32>
      %select_n3A_1049 = arith.select %gt3A_1043, %select_n3A_1018, %broadcast_in_dim3A_1048 : vector<32x128xi1>, vector<32x128xi32>
      %gt3A_1050 = arith.cmpf ogt, %min3A_1045, %max3A_1022 : vector<32x128xf32>
      %max3A_1051 = arith.maximumf %max3A_1022, %min3A_1045 : vector<32x128xf32>
      %min3A_1052 = arith.minimumf %max3A_1022, %min3A_1045 : vector<32x128xf32>
      %select_n3A_1053 = arith.select %gt3A_1050, %select_n3A_1049, %select_n3A_1024 : vector<32x128xi1>, vector<32x128xi32>
      %select_n3A_1054 = arith.select %gt3A_1050, %select_n3A_1024, %select_n3A_1049 : vector<32x128xi1>, vector<32x128xi32>
      %gt3A_1055 = arith.cmpf ogt, %min3A_1052, %max3A_1027 : vector<32x128xf32>
      %max3A_1056 = arith.maximumf %max3A_1027, %min3A_1052 : vector<32x128xf32>
      %min3A_1057 = arith.minimumf %max3A_1027, %min3A_1052 : vector<32x128xf32>
      %select_n3A_1058 = arith.select %gt3A_1055, %select_n3A_1054, %select_n3A_1029 : vector<32x128xi1>, vector<32x128xi32>
      %select_n3A_1059 = arith.select %gt3A_1055, %select_n3A_1029, %select_n3A_1054 : vector<32x128xi1>, vector<32x128xi32>
      %gt3A_1060 = arith.cmpf ogt, %min3A_1057, %max3A_1032 : vector<32x128xf32>
      %max3A_1061 = arith.maximumf %max3A_1032, %min3A_1057 : vector<32x128xf32>
      %select_n3A_1062 = arith.select %gt3A_1060, %select_n3A_1059, %select_n3A_1033 : vector<32x128xi1>, vector<32x128xi32>
      %scan3A_1063 = arith.constant 6 : i32
      %scan3A_1064 = arith.addi %scan3A_882, %scan3A_1063 : i32
      %mul3A_1065 = arith.constant 128 : i32
      %mul3A_1066 = arith.muli %scan3A_1064, %mul3A_1065 : i32
      %get3A_1067 = arith.constant 0 : index
      %get3A_1068 = arith.index_cast %mul3A_1066 : i32 to index
      %get3A_1069 = vector.load %arg4[%get3A_1067, %get3A_1068] : memref<64x32768xf32, #tpu.memory_space<vmem>>, vector<32x128xf32>
      %mul3A_1070 = vector.broadcast %get3A_6 : vector<32x1xf32> to vector<32x128xf32>
      %mul3A_1071 = arith.mulf %mul3A_1070, %get3A_1069 : vector<32x128xf32>
      %gt3A_1072 = arith.cmpf ogt, %mul3A_1071, %max3A_1044 : vector<32x128xf32>
      %max3A_1073 = arith.maximumf %max3A_1044, %mul3A_1071 : vector<32x128xf32>
      %min3A_1074 = arith.minimumf %max3A_1044, %mul3A_1071 : vector<32x128xf32>
      %broadcast_in_dim3A_1075 = vector.broadcast %scan3A_1064 : i32 to vector<32x128xi32>
      %select_n3A_1076 = arith.select %gt3A_1072, %broadcast_in_dim3A_1075, %select_n3A_1047 : vector<32x128xi1>, vector<32x128xi32>
      %broadcast_in_dim3A_1077 = vector.broadcast %scan3A_1064 : i32 to vector<32x128xi32>
      %select_n3A_1078 = arith.select %gt3A_1072, %select_n3A_1047, %broadcast_in_dim3A_1077 : vector<32x128xi1>, vector<32x128xi32>
      %gt3A_1079 = arith.cmpf ogt, %min3A_1074, %max3A_1051 : vector<32x128xf32>
      %max3A_1080 = arith.maximumf %max3A_1051, %min3A_1074 : vector<32x128xf32>
      %min3A_1081 = arith.minimumf %max3A_1051, %min3A_1074 : vector<32x128xf32>
      %select_n3A_1082 = arith.select %gt3A_1079, %select_n3A_1078, %select_n3A_1053 : vector<32x128xi1>, vector<32x128xi32>
      %select_n3A_1083 = arith.select %gt3A_1079, %select_n3A_1053, %select_n3A_1078 : vector<32x128xi1>, vector<32x128xi32>
      %gt3A_1084 = arith.cmpf ogt, %min3A_1081, %max3A_1056 : vector<32x128xf32>
      %max3A_1085 = arith.maximumf %max3A_1056, %min3A_1081 : vector<32x128xf32>
      %min3A_1086 = arith.minimumf %max3A_1056, %min3A_1081 : vector<32x128xf32>
      %select_n3A_1087 = arith.select %gt3A_1084, %select_n3A_1083, %select_n3A_1058 : vector<32x128xi1>, vector<32x128xi32>
      %select_n3A_1088 = arith.select %gt3A_1084, %select_n3A_1058, %select_n3A_1083 : vector<32x128xi1>, vector<32x128xi32>
      %gt3A_1089 = arith.cmpf ogt, %min3A_1086, %max3A_1061 : vector<32x128xf32>
      %max3A_1090 = arith.maximumf %max3A_1061, %min3A_1086 : vector<32x128xf32>
      %select_n3A_1091 = arith.select %gt3A_1089, %select_n3A_1088, %select_n3A_1062 : vector<32x128xi1>, vector<32x128xi32>
      %scan3A_1092 = arith.constant 7 : i32
      %scan3A_1093 = arith.addi %scan3A_882, %scan3A_1092 : i32
      %mul3A_1094 = arith.constant 128 : i32
      %mul3A_1095 = arith.muli %scan3A_1093, %mul3A_1094 : i32
      %get3A_1096 = arith.constant 0 : index
      %get3A_1097 = arith.index_cast %mul3A_1095 : i32 to index
      %get3A_1098 = vector.load %arg4[%get3A_1096, %get3A_1097] : memref<64x32768xf32, #tpu.memory_space<vmem>>, vector<32x128xf32>
      %mul3A_1099 = vector.broadcast %get3A_6 : vector<32x1xf32> to vector<32x128xf32>
      %mul3A_1100 = arith.mulf %mul3A_1099, %get3A_1098 : vector<32x128xf32>
      %gt3A_1101 = arith.cmpf ogt, %mul3A_1100, %max3A_1073 : vector<32x128xf32>
      %max3A_1102 = arith.maximumf %max3A_1073, %mul3A_1100 : vector<32x128xf32>
      %min3A_1103 = arith.minimumf %max3A_1073, %mul3A_1100 : vector<32x128xf32>
      %broadcast_in_dim3A_1104 = vector.broadcast %scan3A_1093 : i32 to vector<32x128xi32>
      %select_n3A_1105 = arith.select %gt3A_1101, %broadcast_in_dim3A_1104, %select_n3A_1076 : vector<32x128xi1>, vector<32x128xi32>
      %broadcast_in_dim3A_1106 = vector.broadcast %scan3A_1093 : i32 to vector<32x128xi32>
      %select_n3A_1107 = arith.select %gt3A_1101, %select_n3A_1076, %broadcast_in_dim3A_1106 : vector<32x128xi1>, vector<32x128xi32>
      %gt3A_1108 = arith.cmpf ogt, %min3A_1103, %max3A_1080 : vector<32x128xf32>
      %max3A_1109 = arith.maximumf %max3A_1080, %min3A_1103 : vector<32x128xf32>
      %min3A_1110 = arith.minimumf %max3A_1080, %min3A_1103 : vector<32x128xf32>
      %select_n3A_1111 = arith.select %gt3A_1108, %select_n3A_1107, %select_n3A_1082 : vector<32x128xi1>, vector<32x128xi32>
      %select_n3A_1112 = arith.select %gt3A_1108, %select_n3A_1082, %select_n3A_1107 : vector<32x128xi1>, vector<32x128xi32>
      %gt3A_1113 = arith.cmpf ogt, %min3A_1110, %max3A_1085 : vector<32x128xf32>
      %max3A_1114 = arith.maximumf %max3A_1085, %min3A_1110 : vector<32x128xf32>
      %min3A_1115 = arith.minimumf %max3A_1085, %min3A_1110 : vector<32x128xf32>
      %select_n3A_1116 = arith.select %gt3A_1113, %select_n3A_1112, %select_n3A_1087 : vector<32x128xi1>, vector<32x128xi32>
      %select_n3A_1117 = arith.select %gt3A_1113, %select_n3A_1087, %select_n3A_1112 : vector<32x128xi1>, vector<32x128xi32>
      %gt3A_1118 = arith.cmpf ogt, %min3A_1115, %max3A_1090 : vector<32x128xf32>
      %max3A_1119 = arith.maximumf %max3A_1090, %min3A_1115 : vector<32x128xf32>
      %select_n3A_1120 = arith.select %gt3A_1118, %select_n3A_1117, %select_n3A_1091 : vector<32x128xi1>, vector<32x128xi32>
      scf.yield %max3A_1102, %max3A_1109, %max3A_1114, %max3A_1119, %select_n3A_1105, %select_n3A_1111, %select_n3A_1116, %select_n3A_1120 : vector<32x128xf32>, vector<32x128xf32>, vector<32x128xf32>, vector<32x128xf32>, vector<32x128xi32>, vector<32x128xi32>, vector<32x128xi32>, vector<32x128xi32>
    }
    %scan3A_21 = arith.constant 248 : i32
    %scan3A_22 = arith.addi %scan3A, %scan3A_21 : i32
    %mul3A_23 = arith.constant 128 : i32
    %mul3A_24 = arith.muli %scan3A_22, %mul3A_23 : i32
    %get3A_25 = arith.constant 0 : index
    %get3A_26 = arith.index_cast %mul3A_24 : i32 to index
    %get3A_27 = vector.load %arg4[%get3A_25, %get3A_26] : memref<64x32768xf32, #tpu.memory_space<vmem>>, vector<32x128xf32>
    %mul3A_28 = vector.broadcast %get3A_6 : vector<32x1xf32> to vector<32x128xf32>
    %mul3A_29 = arith.mulf %mul3A_28, %get3A_27 : vector<32x128xf32>
    %gt3A = arith.cmpf ogt, %mul3A_29, %scan3A_20#0 : vector<32x128xf32>
    %max3A = arith.maximumf %scan3A_20#0, %mul3A_29 : vector<32x128xf32>
    %min3A = arith.minimumf %scan3A_20#0, %mul3A_29 : vector<32x128xf32>
    %broadcast_in_dim3A_30 = vector.broadcast %scan3A_22 : i32 to vector<32x128xi32>
    %select_n3A_31 = arith.select %gt3A, %broadcast_in_dim3A_30, %scan3A_20#4 : vector<32x128xi1>, vector<32x128xi32>
    %broadcast_in_dim3A_32 = vector.broadcast %scan3A_22 : i32 to vector<32x128xi32>
    %select_n3A_33 = arith.select %gt3A, %scan3A_20#4, %broadcast_in_dim3A_32 : vector<32x128xi1>, vector<32x128xi32>
    %gt3A_34 = arith.cmpf ogt, %min3A, %scan3A_20#1 : vector<32x128xf32>
    %max3A_35 = arith.maximumf %scan3A_20#1, %min3A : vector<32x128xf32>
    %min3A_36 = arith.minimumf %scan3A_20#1, %min3A : vector<32x128xf32>
    %select_n3A_37 = arith.select %gt3A_34, %select_n3A_33, %scan3A_20#5 : vector<32x128xi1>, vector<32x128xi32>
    %select_n3A_38 = arith.select %gt3A_34, %scan3A_20#5, %select_n3A_33 : vector<32x128xi1>, vector<32x128xi32>
    %gt3A_39 = arith.cmpf ogt, %min3A_36, %scan3A_20#2 : vector<32x128xf32>
    %max3A_40 = arith.maximumf %scan3A_20#2, %min3A_36 : vector<32x128xf32>
    %min3A_41 = arith.minimumf %scan3A_20#2, %min3A_36 : vector<32x128xf32>
    %select_n3A_42 = arith.select %gt3A_39, %select_n3A_38, %scan3A_20#6 : vector<32x128xi1>, vector<32x128xi32>
    %select_n3A_43 = arith.select %gt3A_39, %scan3A_20#6, %select_n3A_38 : vector<32x128xi1>, vector<32x128xi32>
    %gt3A_44 = arith.cmpf ogt, %min3A_41, %scan3A_20#3 : vector<32x128xf32>
    %max3A_45 = arith.maximumf %scan3A_20#3, %min3A_41 : vector<32x128xf32>
    %select_n3A_46 = arith.select %gt3A_44, %select_n3A_43, %scan3A_20#7 : vector<32x128xi1>, vector<32x128xi32>
    %scan3A_47 = arith.constant 249 : i32
    %scan3A_48 = arith.addi %scan3A, %scan3A_47 : i32
    %mul3A_49 = arith.constant 128 : i32
    %mul3A_50 = arith.muli %scan3A_48, %mul3A_49 : i32
    %get3A_51 = arith.constant 0 : index
    %get3A_52 = arith.index_cast %mul3A_50 : i32 to index
    %get3A_53 = vector.load %arg4[%get3A_51, %get3A_52] : memref<64x32768xf32, #tpu.memory_space<vmem>>, vector<32x128xf32>
    %mul3A_54 = vector.broadcast %get3A_6 : vector<32x1xf32> to vector<32x128xf32>
    %mul3A_55 = arith.mulf %mul3A_54, %get3A_53 : vector<32x128xf32>
    %gt3A_56 = arith.cmpf ogt, %mul3A_55, %max3A : vector<32x128xf32>
    %max3A_57 = arith.maximumf %max3A, %mul3A_55 : vector<32x128xf32>
    %min3A_58 = arith.minimumf %max3A, %mul3A_55 : vector<32x128xf32>
    %broadcast_in_dim3A_59 = vector.broadcast %scan3A_48 : i32 to vector<32x128xi32>
    %select_n3A_60 = arith.select %gt3A_56, %broadcast_in_dim3A_59, %select_n3A_31 : vector<32x128xi1>, vector<32x128xi32>
    %broadcast_in_dim3A_61 = vector.broadcast %scan3A_48 : i32 to vector<32x128xi32>
    %select_n3A_62 = arith.select %gt3A_56, %select_n3A_31, %broadcast_in_dim3A_61 : vector<32x128xi1>, vector<32x128xi32>
    %gt3A_63 = arith.cmpf ogt, %min3A_58, %max3A_35 : vector<32x128xf32>
    %max3A_64 = arith.maximumf %max3A_35, %min3A_58 : vector<32x128xf32>
    %min3A_65 = arith.minimumf %max3A_35, %min3A_58 : vector<32x128xf32>
    %select_n3A_66 = arith.select %gt3A_63, %select_n3A_62, %select_n3A_37 : vector<32x128xi1>, vector<32x128xi32>
    %select_n3A_67 = arith.select %gt3A_63, %select_n3A_37, %select_n3A_62 : vector<32x128xi1>, vector<32x128xi32>
    %gt3A_68 = arith.cmpf ogt, %min3A_65, %max3A_40 : vector<32x128xf32>
    %max3A_69 = arith.maximumf %max3A_40, %min3A_65 : vector<32x128xf32>
    %min3A_70 = arith.minimumf %max3A_40, %min3A_65 : vector<32x128xf32>
    %select_n3A_71 = arith.select %gt3A_68, %select_n3A_67, %select_n3A_42 : vector<32x128xi1>, vector<32x128xi32>
    %select_n3A_72 = arith.select %gt3A_68, %select_n3A_42, %select_n3A_67 : vector<32x128xi1>, vector<32x128xi32>
    %gt3A_73 = arith.cmpf ogt, %min3A_70, %max3A_45 : vector<32x128xf32>
    %max3A_74 = arith.maximumf %max3A_45, %min3A_70 : vector<32x128xf32>
    %select_n3A_75 = arith.select %gt3A_73, %select_n3A_72, %select_n3A_46 : vector<32x128xi1>, vector<32x128xi32>
    %scan3A_76 = arith.constant 250 : i32
    %scan3A_77 = arith.addi %scan3A, %scan3A_76 : i32
    %mul3A_78 = arith.constant 128 : i32
    %mul3A_79 = arith.muli %scan3A_77, %mul3A_78 : i32
    %get3A_80 = arith.constant 0 : index
    %get3A_81 = arith.index_cast %mul3A_79 : i32 to index
    %get3A_82 = vector.load %arg4[%get3A_80, %get3A_81] : memref<64x32768xf32, #tpu.memory_space<vmem>>, vector<32x128xf32>
    %mul3A_83 = vector.broadcast %get3A_6 : vector<32x1xf32> to vector<32x128xf32>
    %mul3A_84 = arith.mulf %mul3A_83, %get3A_82 : vector<32x128xf32>
    %gt3A_85 = arith.cmpf ogt, %mul3A_84, %max3A_57 : vector<32x128xf32>
    %max3A_86 = arith.maximumf %max3A_57, %mul3A_84 : vector<32x128xf32>
    %min3A_87 = arith.minimumf %max3A_57, %mul3A_84 : vector<32x128xf32>
    %broadcast_in_dim3A_88 = vector.broadcast %scan3A_77 : i32 to vector<32x128xi32>
    %select_n3A_89 = arith.select %gt3A_85, %broadcast_in_dim3A_88, %select_n3A_60 : vector<32x128xi1>, vector<32x128xi32>
    %broadcast_in_dim3A_90 = vector.broadcast %scan3A_77 : i32 to vector<32x128xi32>
    %select_n3A_91 = arith.select %gt3A_85, %select_n3A_60, %broadcast_in_dim3A_90 : vector<32x128xi1>, vector<32x128xi32>
    %gt3A_92 = arith.cmpf ogt, %min3A_87, %max3A_64 : vector<32x128xf32>
    %max3A_93 = arith.maximumf %max3A_64, %min3A_87 : vector<32x128xf32>
    %min3A_94 = arith.minimumf %max3A_64, %min3A_87 : vector<32x128xf32>
    %select_n3A_95 = arith.select %gt3A_92, %select_n3A_91, %select_n3A_66 : vector<32x128xi1>, vector<32x128xi32>
    %select_n3A_96 = arith.select %gt3A_92, %select_n3A_66, %select_n3A_91 : vector<32x128xi1>, vector<32x128xi32>
    %gt3A_97 = arith.cmpf ogt, %min3A_94, %max3A_69 : vector<32x128xf32>
    %max3A_98 = arith.maximumf %max3A_69, %min3A_94 : vector<32x128xf32>
    %min3A_99 = arith.minimumf %max3A_69, %min3A_94 : vector<32x128xf32>
    %select_n3A_100 = arith.select %gt3A_97, %select_n3A_96, %select_n3A_71 : vector<32x128xi1>, vector<32x128xi32>
    %select_n3A_101 = arith.select %gt3A_97, %select_n3A_71, %select_n3A_96 : vector<32x128xi1>, vector<32x128xi32>
    %gt3A_102 = arith.cmpf ogt, %min3A_99, %max3A_74 : vector<32x128xf32>
    %max3A_103 = arith.maximumf %max3A_74, %min3A_99 : vector<32x128xf32>
    %select_n3A_104 = arith.select %gt3A_102, %select_n3A_101, %select_n3A_75 : vector<32x128xi1>, vector<32x128xi32>
    %scan3A_105 = arith.constant 251 : i32
    %scan3A_106 = arith.addi %scan3A, %scan3A_105 : i32
    %mul3A_107 = arith.constant 128 : i32
    %mul3A_108 = arith.muli %scan3A_106, %mul3A_107 : i32
    %get3A_109 = arith.constant 0 : index
    %get3A_110 = arith.index_cast %mul3A_108 : i32 to index
    %get3A_111 = vector.load %arg4[%get3A_109, %get3A_110] : memref<64x32768xf32, #tpu.memory_space<vmem>>, vector<32x128xf32>
    %mul3A_112 = vector.broadcast %get3A_6 : vector<32x1xf32> to vector<32x128xf32>
    %mul3A_113 = arith.mulf %mul3A_112, %get3A_111 : vector<32x128xf32>
    %gt3A_114 = arith.cmpf ogt, %mul3A_113, %max3A_86 : vector<32x128xf32>
    %max3A_115 = arith.maximumf %max3A_86, %mul3A_113 : vector<32x128xf32>
    %min3A_116 = arith.minimumf %max3A_86, %mul3A_113 : vector<32x128xf32>
    %broadcast_in_dim3A_117 = vector.broadcast %scan3A_106 : i32 to vector<32x128xi32>
    %select_n3A_118 = arith.select %gt3A_114, %broadcast_in_dim3A_117, %select_n3A_89 : vector<32x128xi1>, vector<32x128xi32>
    %broadcast_in_dim3A_119 = vector.broadcast %scan3A_106 : i32 to vector<32x128xi32>
    %select_n3A_120 = arith.select %gt3A_114, %select_n3A_89, %broadcast_in_dim3A_119 : vector<32x128xi1>, vector<32x128xi32>
    %gt3A_121 = arith.cmpf ogt, %min3A_116, %max3A_93 : vector<32x128xf32>
    %max3A_122 = arith.maximumf %max3A_93, %min3A_116 : vector<32x128xf32>
    %min3A_123 = arith.minimumf %max3A_93, %min3A_116 : vector<32x128xf32>
    %select_n3A_124 = arith.select %gt3A_121, %select_n3A_120, %select_n3A_95 : vector<32x128xi1>, vector<32x128xi32>
    %select_n3A_125 = arith.select %gt3A_121, %select_n3A_95, %select_n3A_120 : vector<32x128xi1>, vector<32x128xi32>
    %gt3A_126 = arith.cmpf ogt, %min3A_123, %max3A_98 : vector<32x128xf32>
    %max3A_127 = arith.maximumf %max3A_98, %min3A_123 : vector<32x128xf32>
    %min3A_128 = arith.minimumf %max3A_98, %min3A_123 : vector<32x128xf32>
    %select_n3A_129 = arith.select %gt3A_126, %select_n3A_125, %select_n3A_100 : vector<32x128xi1>, vector<32x128xi32>
    %select_n3A_130 = arith.select %gt3A_126, %select_n3A_100, %select_n3A_125 : vector<32x128xi1>, vector<32x128xi32>
    %gt3A_131 = arith.cmpf ogt, %min3A_128, %max3A_103 : vector<32x128xf32>
    %max3A_132 = arith.maximumf %max3A_103, %min3A_128 : vector<32x128xf32>
    %select_n3A_133 = arith.select %gt3A_131, %select_n3A_130, %select_n3A_104 : vector<32x128xi1>, vector<32x128xi32>
    %scan3A_134 = arith.constant 252 : i32
    %scan3A_135 = arith.addi %scan3A, %scan3A_134 : i32
    %mul3A_136 = arith.constant 128 : i32
    %mul3A_137 = arith.muli %scan3A_135, %mul3A_136 : i32
    %get3A_138 = arith.constant 0 : index
    %get3A_139 = arith.index_cast %mul3A_137 : i32 to index
    %get3A_140 = vector.load %arg4[%get3A_138, %get3A_139] : memref<64x32768xf32, #tpu.memory_space<vmem>>, vector<32x128xf32>
    %mul3A_141 = vector.broadcast %get3A_6 : vector<32x1xf32> to vector<32x128xf32>
    %mul3A_142 = arith.mulf %mul3A_141, %get3A_140 : vector<32x128xf32>
    %gt3A_143 = arith.cmpf ogt, %mul3A_142, %max3A_115 : vector<32x128xf32>
    %max3A_144 = arith.maximumf %max3A_115, %mul3A_142 : vector<32x128xf32>
    %min3A_145 = arith.minimumf %max3A_115, %mul3A_142 : vector<32x128xf32>
    %broadcast_in_dim3A_146 = vector.broadcast %scan3A_135 : i32 to vector<32x128xi32>
    %select_n3A_147 = arith.select %gt3A_143, %broadcast_in_dim3A_146, %select_n3A_118 : vector<32x128xi1>, vector<32x128xi32>
    %broadcast_in_dim3A_148 = vector.broadcast %scan3A_135 : i32 to vector<32x128xi32>
    %select_n3A_149 = arith.select %gt3A_143, %select_n3A_118, %broadcast_in_dim3A_148 : vector<32x128xi1>, vector<32x128xi32>
    %gt3A_150 = arith.cmpf ogt, %min3A_145, %max3A_122 : vector<32x128xf32>
    %max3A_151 = arith.maximumf %max3A_122, %min3A_145 : vector<32x128xf32>
    %min3A_152 = arith.minimumf %max3A_122, %min3A_145 : vector<32x128xf32>
    %select_n3A_153 = arith.select %gt3A_150, %select_n3A_149, %select_n3A_124 : vector<32x128xi1>, vector<32x128xi32>
    %select_n3A_154 = arith.select %gt3A_150, %select_n3A_124, %select_n3A_149 : vector<32x128xi1>, vector<32x128xi32>
    %gt3A_155 = arith.cmpf ogt, %min3A_152, %max3A_127 : vector<32x128xf32>
    %max3A_156 = arith.maximumf %max3A_127, %min3A_152 : vector<32x128xf32>
    %min3A_157 = arith.minimumf %max3A_127, %min3A_152 : vector<32x128xf32>
    %select_n3A_158 = arith.select %gt3A_155, %select_n3A_154, %select_n3A_129 : vector<32x128xi1>, vector<32x128xi32>
    %select_n3A_159 = arith.select %gt3A_155, %select_n3A_129, %select_n3A_154 : vector<32x128xi1>, vector<32x128xi32>
    %gt3A_160 = arith.cmpf ogt, %min3A_157, %max3A_132 : vector<32x128xf32>
    %max3A_161 = arith.maximumf %max3A_132, %min3A_157 : vector<32x128xf32>
    %select_n3A_162 = arith.select %gt3A_160, %select_n3A_159, %select_n3A_133 : vector<32x128xi1>, vector<32x128xi32>
    %scan3A_163 = arith.constant 253 : i32
    %scan3A_164 = arith.addi %scan3A, %scan3A_163 : i32
    %mul3A_165 = arith.constant 128 : i32
    %mul3A_166 = arith.muli %scan3A_164, %mul3A_165 : i32
    %get3A_167 = arith.constant 0 : index
    %get3A_168 = arith.index_cast %mul3A_166 : i32 to index
    %get3A_169 = vector.load %arg4[%get3A_167, %get3A_168] : memref<64x32768xf32, #tpu.memory_space<vmem>>, vector<32x128xf32>
    %mul3A_170 = vector.broadcast %get3A_6 : vector<32x1xf32> to vector<32x128xf32>
    %mul3A_171 = arith.mulf %mul3A_170, %get3A_169 : vector<32x128xf32>
    %gt3A_172 = arith.cmpf ogt, %mul3A_171, %max3A_144 : vector<32x128xf32>
    %max3A_173 = arith.maximumf %max3A_144, %mul3A_171 : vector<32x128xf32>
    %min3A_174 = arith.minimumf %max3A_144, %mul3A_171 : vector<32x128xf32>
    %broadcast_in_dim3A_175 = vector.broadcast %scan3A_164 : i32 to vector<32x128xi32>
    %select_n3A_176 = arith.select %gt3A_172, %broadcast_in_dim3A_175, %select_n3A_147 : vector<32x128xi1>, vector<32x128xi32>
    %broadcast_in_dim3A_177 = vector.broadcast %scan3A_164 : i32 to vector<32x128xi32>
    %select_n3A_178 = arith.select %gt3A_172, %select_n3A_147, %broadcast_in_dim3A_177 : vector<32x128xi1>, vector<32x128xi32>
    %gt3A_179 = arith.cmpf ogt, %min3A_174, %max3A_151 : vector<32x128xf32>
    %max3A_180 = arith.maximumf %max3A_151, %min3A_174 : vector<32x128xf32>
    %min3A_181 = arith.minimumf %max3A_151, %min3A_174 : vector<32x128xf32>
    %select_n3A_182 = arith.select %gt3A_179, %select_n3A_178, %select_n3A_153 : vector<32x128xi1>, vector<32x128xi32>
    %select_n3A_183 = arith.select %gt3A_179, %select_n3A_153, %select_n3A_178 : vector<32x128xi1>, vector<32x128xi32>
    %gt3A_184 = arith.cmpf ogt, %min3A_181, %max3A_156 : vector<32x128xf32>
    %max3A_185 = arith.maximumf %max3A_156, %min3A_181 : vector<32x128xf32>
    %min3A_186 = arith.minimumf %max3A_156, %min3A_181 : vector<32x128xf32>
    %select_n3A_187 = arith.select %gt3A_184, %select_n3A_183, %select_n3A_158 : vector<32x128xi1>, vector<32x128xi32>
    %select_n3A_188 = arith.select %gt3A_184, %select_n3A_158, %select_n3A_183 : vector<32x128xi1>, vector<32x128xi32>
    %gt3A_189 = arith.cmpf ogt, %min3A_186, %max3A_161 : vector<32x128xf32>
    %max3A_190 = arith.maximumf %max3A_161, %min3A_186 : vector<32x128xf32>
    %select_n3A_191 = arith.select %gt3A_189, %select_n3A_188, %select_n3A_162 : vector<32x128xi1>, vector<32x128xi32>
    %scan3A_192 = arith.constant 254 : i32
    %scan3A_193 = arith.addi %scan3A, %scan3A_192 : i32
    %mul3A_194 = arith.constant 128 : i32
    %mul3A_195 = arith.muli %scan3A_193, %mul3A_194 : i32
    %get3A_196 = arith.constant 0 : index
    %get3A_197 = arith.index_cast %mul3A_195 : i32 to index
    %get3A_198 = vector.load %arg4[%get3A_196, %get3A_197] : memref<64x32768xf32, #tpu.memory_space<vmem>>, vector<32x128xf32>
    %mul3A_199 = vector.broadcast %get3A_6 : vector<32x1xf32> to vector<32x128xf32>
    %mul3A_200 = arith.mulf %mul3A_199, %get3A_198 : vector<32x128xf32>
    %gt3A_201 = arith.cmpf ogt, %mul3A_200, %max3A_173 : vector<32x128xf32>
    %max3A_202 = arith.maximumf %max3A_173, %mul3A_200 : vector<32x128xf32>
    %min3A_203 = arith.minimumf %max3A_173, %mul3A_200 : vector<32x128xf32>
    %broadcast_in_dim3A_204 = vector.broadcast %scan3A_193 : i32 to vector<32x128xi32>
    %select_n3A_205 = arith.select %gt3A_201, %broadcast_in_dim3A_204, %select_n3A_176 : vector<32x128xi1>, vector<32x128xi32>
    %broadcast_in_dim3A_206 = vector.broadcast %scan3A_193 : i32 to vector<32x128xi32>
    %select_n3A_207 = arith.select %gt3A_201, %select_n3A_176, %broadcast_in_dim3A_206 : vector<32x128xi1>, vector<32x128xi32>
    %gt3A_208 = arith.cmpf ogt, %min3A_203, %max3A_180 : vector<32x128xf32>
    %max3A_209 = arith.maximumf %max3A_180, %min3A_203 : vector<32x128xf32>
    %min3A_210 = arith.minimumf %max3A_180, %min3A_203 : vector<32x128xf32>
    %select_n3A_211 = arith.select %gt3A_208, %select_n3A_207, %select_n3A_182 : vector<32x128xi1>, vector<32x128xi32>
    %select_n3A_212 = arith.select %gt3A_208, %select_n3A_182, %select_n3A_207 : vector<32x128xi1>, vector<32x128xi32>
    %gt3A_213 = arith.cmpf ogt, %min3A_210, %max3A_185 : vector<32x128xf32>
    %max3A_214 = arith.maximumf %max3A_185, %min3A_210 : vector<32x128xf32>
    %min3A_215 = arith.minimumf %max3A_185, %min3A_210 : vector<32x128xf32>
    %select_n3A_216 = arith.select %gt3A_213, %select_n3A_212, %select_n3A_187 : vector<32x128xi1>, vector<32x128xi32>
    %select_n3A_217 = arith.select %gt3A_213, %select_n3A_187, %select_n3A_212 : vector<32x128xi1>, vector<32x128xi32>
    %gt3A_218 = arith.cmpf ogt, %min3A_215, %max3A_190 : vector<32x128xf32>
    %max3A_219 = arith.maximumf %max3A_190, %min3A_215 : vector<32x128xf32>
    %select_n3A_220 = arith.select %gt3A_218, %select_n3A_217, %select_n3A_191 : vector<32x128xi1>, vector<32x128xi32>
    %scan3A_221 = arith.constant 255 : i32
    %iota3A_222 = tpu.iota {dimensions = array<i32: 1>} : vector<32x128xi32>
    %mul3A_223 = arith.constant 128 : i32
    %mul3A_224 = vector.broadcast %mul3A_223 : i32 to vector<32x128xi32>
    %mul3A_225 = arith.muli %select_n3A_205, %mul3A_224 : vector<32x128xi32>
    %add3A = arith.addi %mul3A_225, %iota3A_222 : vector<32x128xi32>
    %reduce_max3A = arith.constant dense<0xFF800000> : vector<32xf32>
    %reduce_max3A_226 = vector.multi_reduction <maximumf>, %max3A_202, %reduce_max3A [1] : vector<32x128xf32> to vector<32xf32>
    %broadcast_in_dim3A_227 = vector.shape_cast %reduce_max3A_226 : vector<32xf32> to vector<32x1xf32>
    %eq3A_228 = vector.broadcast %broadcast_in_dim3A_227 : vector<32x1xf32> to vector<32x128xf32>
    %eq3A_229 = arith.cmpf oeq, %max3A_202, %eq3A_228 : vector<32x128xf32>
    %jit3A_230 = arith.constant 1073741824 : i32
    %broadcast_in_dim3A_231 = vector.broadcast %jit3A_230 : i32 to vector<32x128xi32>
    %select_n3A_232 = arith.select %eq3A_229, %add3A, %broadcast_in_dim3A_231 : vector<32x128xi1>, vector<32x128xi32>
    %reduce_min3A = arith.constant dense<2147483647> : vector<32xi32>
    %reduce_min3A_233 = vector.multi_reduction <minsi>, %select_n3A_232, %reduce_min3A [1] : vector<32x128xi32> to vector<32xi32>
    %broadcast_in_dim3A_234 = vector.shape_cast %reduce_min3A_233 : vector<32xi32> to vector<32x1xi32>
    %eq3A_235 = vector.broadcast %broadcast_in_dim3A_234 : vector<32x1xi32> to vector<32x128xi32>
    %eq3A_236 = arith.cmpi eq, %add3A, %eq3A_235 : vector<32x128xi32>
    %and3A = arith.andi %eq3A_229, %eq3A_236 : vector<32x128xi1>
    %swap3A = arith.constant 0 : index
    %swap3A_237 = arith.constant 0 : index
    %swap3A_238 = vector.load %arg7[%swap3A, %swap3A_237] : memref<64x6xf32, #tpu.memory_space<vmem>>, vector<32x1xf32>
    tpu.vector_store %arg7[%swap3A, %swap3A_237], %broadcast_in_dim3A_227 {strides = array<i32>} : memref<64x6xf32, #tpu.memory_space<vmem>>, vector<32x1xf32>,
    %swap3A_239 = arith.constant 0 : index
    %swap3A_240 = arith.constant 0 : index
    %swap3A_241 = vector.load %arg8[%swap3A_239, %swap3A_240] : memref<64x6xi32, #tpu.memory_space<vmem>>, vector<32x1xi32>
    tpu.vector_store %arg8[%swap3A_239, %swap3A_240], %broadcast_in_dim3A_234 {strides = array<i32>} : memref<64x6xi32, #tpu.memory_space<vmem>>, vector<32x1xi32>,
    %select_n3A_242 = arith.select %and3A, %max3A_209, %max3A_202 : vector<32x128xi1>, vector<32x128xf32>
    %select_n3A_243 = arith.select %and3A, %select_n3A_211, %select_n3A_205 : vector<32x128xi1>, vector<32x128xi32>
    %select_n3A_244 = arith.select %and3A, %max3A_214, %max3A_209 : vector<32x128xi1>, vector<32x128xf32>
    %select_n3A_245 = arith.select %and3A, %select_n3A_216, %select_n3A_211 : vector<32x128xi1>, vector<32x128xi32>
    %select_n3A_246 = arith.select %and3A, %max3A_219, %max3A_214 : vector<32x128xi1>, vector<32x128xf32>
    %select_n3A_247 = arith.select %and3A, %select_n3A_220, %select_n3A_216 : vector<32x128xi1>, vector<32x128xi32>
    %jit3A_248 = arith.constant -3.000000e+38 : f32
    %broadcast_in_dim3A_249 = vector.broadcast %jit3A_248 : f32 to vector<32x128xf32>
    %select_n3A_250 = arith.select %and3A, %broadcast_in_dim3A_249, %max3A_219 : vector<32x128xi1>, vector<32x128xf32>
    %mul3A_251 = arith.constant 128 : i32
    %mul3A_252 = vector.broadcast %mul3A_251 : i32 to vector<32x128xi32>
    %mul3A_253 = arith.muli %select_n3A_243, %mul3A_252 : vector<32x128xi32>
    %add3A_254 = arith.addi %mul3A_253, %iota3A_222 : vector<32x128xi32>
    %reduce_max3A_255 = arith.constant dense<0xFF800000> : vector<32xf32>
    %reduce_max3A_256 = vector.multi_reduction <maximumf>, %select_n3A_242, %reduce_max3A_255 [1] : vector<32x128xf32> to vector<32xf32>
    %broadcast_in_dim3A_257 = vector.shape_cast %reduce_max3A_256 : vector<32xf32> to vector<32x1xf32>
    %eq3A_258 = vector.broadcast %broadcast_in_dim3A_257 : vector<32x1xf32> to vector<32x128xf32>
    %eq3A_259 = arith.cmpf oeq, %select_n3A_242, %eq3A_258 : vector<32x128xf32>
    %jit3A_260 = arith.constant 1073741824 : i32
    %broadcast_in_dim3A_261 = vector.broadcast %jit3A_260 : i32 to vector<32x128xi32>
    %select_n3A_262 = arith.select %eq3A_259, %add3A_254, %broadcast_in_dim3A_261 : vector<32x128xi1>, vector<32x128xi32>
    %reduce_min3A_263 = arith.constant dense<2147483647> : vector<32xi32>
    %reduce_min3A_264 = vector.multi_reduction <minsi>, %select_n3A_262, %reduce_min3A_263 [1] : vector<32x128xi32> to vector<32xi32>
    %broadcast_in_dim3A_265 = vector.shape_cast %reduce_min3A_264 : vector<32xi32> to vector<32x1xi32>
    %eq3A_266 = vector.broadcast %broadcast_in_dim3A_265 : vector<32x1xi32> to vector<32x128xi32>
    %eq3A_267 = arith.cmpi eq, %add3A_254, %eq3A_266 : vector<32x128xi32>
    %and3A_268 = arith.andi %eq3A_259, %eq3A_267 : vector<32x128xi1>
    %swap3A_269 = arith.constant 0 : index
    %swap3A_270 = arith.constant 1 : index
    %swap3A_271 = vector.load %arg7[%swap3A_269, %swap3A_270] : memref<64x6xf32, #tpu.memory_space<vmem>>, vector<32x1xf32>
    tpu.vector_store %arg7[%swap3A_269, %swap3A_270], %broadcast_in_dim3A_257 {strides = array<i32>} : memref<64x6xf32, #tpu.memory_space<vmem>>, vector<32x1xf32>,
    %swap3A_272 = arith.constant 0 : index
    %swap3A_273 = arith.constant 1 : index
    %swap3A_274 = vector.load %arg8[%swap3A_272, %swap3A_273] : memref<64x6xi32, #tpu.memory_space<vmem>>, vector<32x1xi32>
    tpu.vector_store %arg8[%swap3A_272, %swap3A_273], %broadcast_in_dim3A_265 {strides = array<i32>} : memref<64x6xi32, #tpu.memory_space<vmem>>, vector<32x1xi32>,
    %select_n3A_275 = arith.select %and3A_268, %select_n3A_244, %select_n3A_242 : vector<32x128xi1>, vector<32x128xf32>
    %select_n3A_276 = arith.select %and3A_268, %select_n3A_245, %select_n3A_243 : vector<32x128xi1>, vector<32x128xi32>
    %select_n3A_277 = arith.select %and3A_268, %select_n3A_246, %select_n3A_244 : vector<32x128xi1>, vector<32x128xf32>
    %select_n3A_278 = arith.select %and3A_268, %select_n3A_247, %select_n3A_245 : vector<32x128xi1>, vector<32x128xi32>
    %select_n3A_279 = arith.select %and3A_268, %select_n3A_250, %select_n3A_246 : vector<32x128xi1>, vector<32x128xf32>
    %select_n3A_280 = arith.select %and3A_268, %select_n3A_220, %select_n3A_247 : vector<32x128xi1>, vector<32x128xi32>
    %jit3A_281 = arith.constant -3.000000e+38 : f32
    %broadcast_in_dim3A_282 = vector.broadcast %jit3A_281 : f32 to vector<32x128xf32>
    %select_n3A_283 = arith.select %and3A_268, %broadcast_in_dim3A_282, %select_n3A_250 : vector<32x128xi1>, vector<32x128xf32>
    %mul3A_284 = arith.constant 128 : i32
    %mul3A_285 = vector.broadcast %mul3A_284 : i32 to vector<32x128xi32>
    %mul3A_286 = arith.muli %select_n3A_276, %mul3A_285 : vector<32x128xi32>
    %add3A_287 = arith.addi %mul3A_286, %iota3A_222 : vector<32x128xi32>
    %reduce_max3A_288 = arith.constant dense<0xFF800000> : vector<32xf32>
    %reduce_max3A_289 = vector.multi_reduction <maximumf>, %select_n3A_275, %reduce_max3A_288 [1] : vector<32x128xf32> to vector<32xf32>
    %broadcast_in_dim3A_290 = vector.shape_cast %reduce_max3A_289 : vector<32xf32> to vector<32x1xf32>
    %eq3A_291 = vector.broadcast %broadcast_in_dim3A_290 : vector<32x1xf32> to vector<32x128xf32>
    %eq3A_292 = arith.cmpf oeq, %select_n3A_275, %eq3A_291 : vector<32x128xf32>
    %jit3A_293 = arith.constant 1073741824 : i32
    %broadcast_in_dim3A_294 = vector.broadcast %jit3A_293 : i32 to vector<32x128xi32>
    %select_n3A_295 = arith.select %eq3A_292, %add3A_287, %broadcast_in_dim3A_294 : vector<32x128xi1>, vector<32x128xi32>
    %reduce_min3A_296 = arith.constant dense<2147483647> : vector<32xi32>
    %reduce_min3A_297 = vector.multi_reduction <minsi>, %select_n3A_295, %reduce_min3A_296 [1] : vector<32x128xi32> to vector<32xi32>
    %broadcast_in_dim3A_298 = vector.shape_cast %reduce_min3A_297 : vector<32xi32> to vector<32x1xi32>
    %eq3A_299 = vector.broadcast %broadcast_in_dim3A_298 : vector<32x1xi32> to vector<32x128xi32>
    %eq3A_300 = arith.cmpi eq, %add3A_287, %eq3A_299 : vector<32x128xi32>
    %and3A_301 = arith.andi %eq3A_292, %eq3A_300 : vector<32x128xi1>
    %swap3A_302 = arith.constant 0 : index
    %swap3A_303 = arith.constant 2 : index
    %swap3A_304 = vector.load %arg7[%swap3A_302, %swap3A_303] : memref<64x6xf32, #tpu.memory_space<vmem>>, vector<32x1xf32>
    tpu.vector_store %arg7[%swap3A_302, %swap3A_303], %broadcast_in_dim3A_290 {strides = array<i32>} : memref<64x6xf32, #tpu.memory_space<vmem>>, vector<32x1xf32>,
    %swap3A_305 = arith.constant 0 : index
    %swap3A_306 = arith.constant 2 : index
    %swap3A_307 = vector.load %arg8[%swap3A_305, %swap3A_306] : memref<64x6xi32, #tpu.memory_space<vmem>>, vector<32x1xi32>
    tpu.vector_store %arg8[%swap3A_305, %swap3A_306], %broadcast_in_dim3A_298 {strides = array<i32>} : memref<64x6xi32, #tpu.memory_space<vmem>>, vector<32x1xi32>,
    %select_n3A_308 = arith.select %and3A_301, %select_n3A_277, %select_n3A_275 : vector<32x128xi1>, vector<32x128xf32>
    %select_n3A_309 = arith.select %and3A_301, %select_n3A_278, %select_n3A_276 : vector<32x128xi1>, vector<32x128xi32>
    %select_n3A_310 = arith.select %and3A_301, %select_n3A_279, %select_n3A_277 : vector<32x128xi1>, vector<32x128xf32>
    %select_n3A_311 = arith.select %and3A_301, %select_n3A_280, %select_n3A_278 : vector<32x128xi1>, vector<32x128xi32>
    %select_n3A_312 = arith.select %and3A_301, %select_n3A_283, %select_n3A_279 : vector<32x128xi1>, vector<32x128xf32>
    %select_n3A_313 = arith.select %and3A_301, %select_n3A_220, %select_n3A_280 : vector<32x128xi1>, vector<32x128xi32>
    %mul3A_314 = arith.constant 128 : i32
    %mul3A_315 = vector.broadcast %mul3A_314 : i32 to vector<32x128xi32>
    %mul3A_316 = arith.muli %select_n3A_309, %mul3A_315 : vector<32x128xi32>
    %add3A_317 = arith.addi %mul3A_316, %iota3A_222 : vector<32x128xi32>
    %reduce_max3A_318 = arith.constant dense<0xFF800000> : vector<32xf32>
    %reduce_max3A_319 = vector.multi_reduction <maximumf>, %select_n3A_308, %reduce_max3A_318 [1] : vector<32x128xf32> to vector<32xf32>
    %broadcast_in_dim3A_320 = vector.shape_cast %reduce_max3A_319 : vector<32xf32> to vector<32x1xf32>
    %eq3A_321 = vector.broadcast %broadcast_in_dim3A_320 : vector<32x1xf32> to vector<32x128xf32>
    %eq3A_322 = arith.cmpf oeq, %select_n3A_308, %eq3A_321 : vector<32x128xf32>
    %jit3A_323 = arith.constant 1073741824 : i32
    %broadcast_in_dim3A_324 = vector.broadcast %jit3A_323 : i32 to vector<32x128xi32>
    %select_n3A_325 = arith.select %eq3A_322, %add3A_317, %broadcast_in_dim3A_324 : vector<32x128xi1>, vector<32x128xi32>
    %reduce_min3A_326 = arith.constant dense<2147483647> : vector<32xi32>
    %reduce_min3A_327 = vector.multi_reduction <minsi>, %select_n3A_325, %reduce_min3A_326 [1] : vector<32x128xi32> to vector<32xi32>
    %broadcast_in_dim3A_328 = vector.shape_cast %reduce_min3A_327 : vector<32xi32> to vector<32x1xi32>
    %eq3A_329 = vector.broadcast %broadcast_in_dim3A_328 : vector<32x1xi32> to vector<32x128xi32>
    %eq3A_330 = arith.cmpi eq, %add3A_317, %eq3A_329 : vector<32x128xi32>
    %and3A_331 = arith.andi %eq3A_322, %eq3A_330 : vector<32x128xi1>
    %swap3A_332 = arith.constant 0 : index
    %swap3A_333 = arith.constant 3 : index
    %swap3A_334 = vector.load %arg7[%swap3A_332, %swap3A_333] : memref<64x6xf32, #tpu.memory_space<vmem>>, vector<32x1xf32>
    tpu.vector_store %arg7[%swap3A_332, %swap3A_333], %broadcast_in_dim3A_320 {strides = array<i32>} : memref<64x6xf32, #tpu.memory_space<vmem>>, vector<32x1xf32>,
    %swap3A_335 = arith.constant 0 : index
    %swap3A_336 = arith.constant 3 : index
    %swap3A_337 = vector.load %arg8[%swap3A_335, %swap3A_336] : memref<64x6xi32, #tpu.memory_space<vmem>>, vector<32x1xi32>
    tpu.vector_store %arg8[%swap3A_335, %swap3A_336], %broadcast_in_dim3A_328 {strides = array<i32>} : memref<64x6xi32, #tpu.memory_space<vmem>>, vector<32x1xi32>,
    %select_n3A_338 = arith.select %and3A_331, %select_n3A_310, %select_n3A_308 : vector<32x128xi1>, vector<32x128xf32>
    %select_n3A_339 = arith.select %and3A_331, %select_n3A_311, %select_n3A_309 : vector<32x128xi1>, vector<32x128xi32>
    %select_n3A_340 = arith.select %and3A_331, %select_n3A_312, %select_n3A_310 : vector<32x128xi1>, vector<32x128xf32>
    %select_n3A_341 = arith.select %and3A_331, %select_n3A_313, %select_n3A_311 : vector<32x128xi1>, vector<32x128xi32>
    %mul3A_342 = arith.constant 128 : i32
    %mul3A_343 = vector.broadcast %mul3A_342 : i32 to vector<32x128xi32>
    %mul3A_344 = arith.muli %select_n3A_339, %mul3A_343 : vector<32x128xi32>
    %add3A_345 = arith.addi %mul3A_344, %iota3A_222 : vector<32x128xi32>
    %reduce_max3A_346 = arith.constant dense<0xFF800000> : vector<32xf32>
    %reduce_max3A_347 = vector.multi_reduction <maximumf>, %select_n3A_338, %reduce_max3A_346 [1] : vector<32x128xf32> to vector<32xf32>
    %broadcast_in_dim3A_348 = vector.shape_cast %reduce_max3A_347 : vector<32xf32> to vector<32x1xf32>
    %eq3A_349 = vector.broadcast %broadcast_in_dim3A_348 : vector<32x1xf32> to vector<32x128xf32>
    %eq3A_350 = arith.cmpf oeq, %select_n3A_338, %eq3A_349 : vector<32x128xf32>
    %jit3A_351 = arith.constant 1073741824 : i32
    %broadcast_in_dim3A_352 = vector.broadcast %jit3A_351 : i32 to vector<32x128xi32>
    %select_n3A_353 = arith.select %eq3A_350, %add3A_345, %broadcast_in_dim3A_352 : vector<32x128xi1>, vector<32x128xi32>
    %reduce_min3A_354 = arith.constant dense<2147483647> : vector<32xi32>
    %reduce_min3A_355 = vector.multi_reduction <minsi>, %select_n3A_353, %reduce_min3A_354 [1] : vector<32x128xi32> to vector<32xi32>
    %broadcast_in_dim3A_356 = vector.shape_cast %reduce_min3A_355 : vector<32xi32> to vector<32x1xi32>
    %eq3A_357 = vector.broadcast %broadcast_in_dim3A_356 : vector<32x1xi32> to vector<32x128xi32>
    %eq3A_358 = arith.cmpi eq, %add3A_345, %eq3A_357 : vector<32x128xi32>
    %and3A_359 = arith.andi %eq3A_350, %eq3A_358 : vector<32x128xi1>
    %swap3A_360 = arith.constant 0 : index
    %swap3A_361 = arith.constant 4 : index
    %swap3A_362 = vector.load %arg7[%swap3A_360, %swap3A_361] : memref<64x6xf32, #tpu.memory_space<vmem>>, vector<32x1xf32>
    tpu.vector_store %arg7[%swap3A_360, %swap3A_361], %broadcast_in_dim3A_348 {strides = array<i32>} : memref<64x6xf32, #tpu.memory_space<vmem>>, vector<32x1xf32>,
    %swap3A_363 = arith.constant 0 : index
    %swap3A_364 = arith.constant 4 : index
    %swap3A_365 = vector.load %arg8[%swap3A_363, %swap3A_364] : memref<64x6xi32, #tpu.memory_space<vmem>>, vector<32x1xi32>
    tpu.vector_store %arg8[%swap3A_363, %swap3A_364], %broadcast_in_dim3A_356 {strides = array<i32>} : memref<64x6xi32, #tpu.memory_space<vmem>>, vector<32x1xi32>,
    %select_n3A_366 = arith.select %and3A_359, %select_n3A_340, %select_n3A_338 : vector<32x128xi1>, vector<32x128xf32>
    %select_n3A_367 = arith.select %and3A_359, %select_n3A_341, %select_n3A_339 : vector<32x128xi1>, vector<32x128xi32>
    %mul3A_368 = arith.constant 128 : i32
    %mul3A_369 = vector.broadcast %mul3A_368 : i32 to vector<32x128xi32>
    %mul3A_370 = arith.muli %select_n3A_367, %mul3A_369 : vector<32x128xi32>
    %add3A_371 = arith.addi %mul3A_370, %iota3A_222 : vector<32x128xi32>
    %reduce_max3A_372 = arith.constant dense<0xFF800000> : vector<32xf32>
    %reduce_max3A_373 = vector.multi_reduction <maximumf>, %select_n3A_366, %reduce_max3A_372 [1] : vector<32x128xf32> to vector<32xf32>
    %broadcast_in_dim3A_374 = vector.shape_cast %reduce_max3A_373 : vector<32xf32> to vector<32x1xf32>
    %eq3A_375 = vector.broadcast %broadcast_in_dim3A_374 : vector<32x1xf32> to vector<32x128xf32>
    %eq3A_376 = arith.cmpf oeq, %select_n3A_366, %eq3A_375 : vector<32x128xf32>
    %jit3A_377 = arith.constant 1073741824 : i32
    %broadcast_in_dim3A_378 = vector.broadcast %jit3A_377 : i32 to vector<32x128xi32>
    %select_n3A_379 = arith.select %eq3A_376, %add3A_371, %broadcast_in_dim3A_378 : vector<32x128xi1>, vector<32x128xi32>
    %reduce_min3A_380 = arith.constant dense<2147483647> : vector<32xi32>
    %reduce_min3A_381 = vector.multi_reduction <minsi>, %select_n3A_379, %reduce_min3A_380 [1] : vector<32x128xi32> to vector<32xi32>
    %broadcast_in_dim3A_382 = vector.shape_cast %reduce_min3A_381 : vector<32xi32> to vector<32x1xi32>
    %swap3A_383 = arith.constant 0 : index
    %swap3A_384 = arith.constant 5 : index
    %swap3A_385 = vector.load %arg7[%swap3A_383, %swap3A_384] : memref<64x6xf32, #tpu.memory_space<vmem>>, vector<32x1xf32>
    tpu.vector_store %arg7[%swap3A_383, %swap3A_384], %broadcast_in_dim3A_374 {strides = array<i32>} : memref<64x6xf32, #tpu.memory_space<vmem>>, vector<32x1xf32>,
    %swap3A_386 = arith.constant 0 : index
    %swap3A_387 = arith.constant 5 : index
    %swap3A_388 = vector.load %arg8[%swap3A_386, %swap3A_387] : memref<64x6xi32, #tpu.memory_space<vmem>>, vector<32x1xi32>
    tpu.vector_store %arg8[%swap3A_386, %swap3A_387], %broadcast_in_dim3A_382 {strides = array<i32>} : memref<64x6xi32, #tpu.memory_space<vmem>>, vector<32x1xi32>,
    %get3A_389 = arith.constant 32 : index
    %get3A_390 = arith.constant 0 : index
    %get3A_391 = vector.load %arg1[%get3A_389, %get3A_390] : memref<64x1xf32, #tpu.memory_space<vmem>>, vector<32x1xf32>
    %get3A_392 = arith.constant 32 : index
    %get3A_393 = arith.constant 0 : index
    %get3A_394 = vector.load %arg4[%get3A_392, %get3A_393] : memref<64x32768xf32, #tpu.memory_space<vmem>>, vector<32x128xf32>
    %mul3A_395 = vector.broadcast %get3A_391 : vector<32x1xf32> to vector<32x128xf32>
    %mul3A_396 = arith.mulf %mul3A_395, %get3A_394 : vector<32x128xf32>
    %jit3A_397 = arith.constant -1.000000e+00 : f32
    %broadcast_in_dim3A_398 = vector.shape_cast %or3A : vector<1x128xi1> to vector<1x128xi1>
    %broadcast_in_dim3A_399 = vector.broadcast %broadcast_in_dim3A_398 : vector<1x128xi1> to vector<32x128xi1>
    %broadcast_in_dim3A_400 = vector.broadcast %jit3A_397 : f32 to vector<32x128xf32>
    %select_n3A_401 = arith.select %broadcast_in_dim3A_399, %broadcast_in_dim3A_400, %mul3A_396 : vector<32x128xi1>, vector<32x128xf32>
    %broadcast_in_dim3A_402 = arith.constant -2.000000e+00 : f32
    %broadcast_in_dim3A_403 = vector.broadcast %broadcast_in_dim3A_402 : f32 to vector<32x128xf32>
    %broadcast_in_dim3A_404 = arith.constant 0 : i32
    %broadcast_in_dim3A_405 = vector.broadcast %broadcast_in_dim3A_404 : i32 to vector<32x128xi32>
    %scan3A_406 = arith.constant 1 : i32
    %scan3A_407 = arith.constant 248 : i32
    %scan3A_408 = arith.addi %scan3A_406, %scan3A_407 : i32
    %scan3A_409 = arith.constant 8 : i32
    %scan3A_410:8 = scf.for %scan3A_882 = %scan3A_406 to %scan3A_408 step %scan3A_409 iter_args(%scan3A_883 = %select_n3A_401, %scan3A_884 = %broadcast_in_dim3A_403, %scan3A_885 = %broadcast_in_dim3A_403, %scan3A_886 = %broadcast_in_dim3A_403, %scan3A_887 = %broadcast_in_dim3A_405, %scan3A_888 = %broadcast_in_dim3A_405, %scan3A_889 = %broadcast_in_dim3A_405, %scan3A_890 = %broadcast_in_dim3A_405) -> (vector<32x128xf32>, vector<32x128xf32>, vector<32x128xf32>, vector<32x128xf32>, vector<32x128xi32>, vector<32x128xi32>, vector<32x128xi32>, vector<32x128xi32>)  : i32 {
      %mul3A_891 = arith.constant 128 : i32
      %mul3A_892 = arith.muli %scan3A_882, %mul3A_891 : i32
      %get3A_893 = arith.constant 32 : index
      %get3A_894 = arith.index_cast %mul3A_892 : i32 to index
      %get3A_895 = vector.load %arg4[%get3A_893, %get3A_894] : memref<64x32768xf32, #tpu.memory_space<vmem>>, vector<32x128xf32>
      %mul3A_896 = vector.broadcast %get3A_391 : vector<32x1xf32> to vector<32x128xf32>
      %mul3A_897 = arith.mulf %mul3A_896, %get3A_895 : vector<32x128xf32>
      %gt3A_898 = arith.cmpf ogt, %mul3A_897, %scan3A_883 : vector<32x128xf32>
      %max3A_899 = arith.maximumf %scan3A_883, %mul3A_897 : vector<32x128xf32>
      %min3A_900 = arith.minimumf %scan3A_883, %mul3A_897 : vector<32x128xf32>
      %broadcast_in_dim3A_901 = vector.broadcast %scan3A_882 : i32 to vector<32x128xi32>
      %select_n3A_902 = arith.select %gt3A_898, %broadcast_in_dim3A_901, %scan3A_887 : vector<32x128xi1>, vector<32x128xi32>
      %broadcast_in_dim3A_903 = vector.broadcast %scan3A_882 : i32 to vector<32x128xi32>
      %select_n3A_904 = arith.select %gt3A_898, %scan3A_887, %broadcast_in_dim3A_903 : vector<32x128xi1>, vector<32x128xi32>
      %gt3A_905 = arith.cmpf ogt, %min3A_900, %scan3A_884 : vector<32x128xf32>
      %max3A_906 = arith.maximumf %scan3A_884, %min3A_900 : vector<32x128xf32>
      %min3A_907 = arith.minimumf %scan3A_884, %min3A_900 : vector<32x128xf32>
      %select_n3A_908 = arith.select %gt3A_905, %select_n3A_904, %scan3A_888 : vector<32x128xi1>, vector<32x128xi32>
      %select_n3A_909 = arith.select %gt3A_905, %scan3A_888, %select_n3A_904 : vector<32x128xi1>, vector<32x128xi32>
      %gt3A_910 = arith.cmpf ogt, %min3A_907, %scan3A_885 : vector<32x128xf32>
      %max3A_911 = arith.maximumf %scan3A_885, %min3A_907 : vector<32x128xf32>
      %min3A_912 = arith.minimumf %scan3A_885, %min3A_907 : vector<32x128xf32>
      %select_n3A_913 = arith.select %gt3A_910, %select_n3A_909, %scan3A_889 : vector<32x128xi1>, vector<32x128xi32>
      %select_n3A_914 = arith.select %gt3A_910, %scan3A_889, %select_n3A_909 : vector<32x128xi1>, vector<32x128xi32>
      %gt3A_915 = arith.cmpf ogt, %min3A_912, %scan3A_886 : vector<32x128xf32>
      %max3A_916 = arith.maximumf %scan3A_886, %min3A_912 : vector<32x128xf32>
      %select_n3A_917 = arith.select %gt3A_915, %select_n3A_914, %scan3A_890 : vector<32x128xi1>, vector<32x128xi32>
      %scan3A_918 = arith.constant 1 : i32
      %scan3A_919 = arith.addi %scan3A_882, %scan3A_918 : i32
      %mul3A_920 = arith.constant 128 : i32
      %mul3A_921 = arith.muli %scan3A_919, %mul3A_920 : i32
      %get3A_922 = arith.constant 32 : index
      %get3A_923 = arith.index_cast %mul3A_921 : i32 to index
      %get3A_924 = vector.load %arg4[%get3A_922, %get3A_923] : memref<64x32768xf32, #tpu.memory_space<vmem>>, vector<32x128xf32>
      %mul3A_925 = vector.broadcast %get3A_391 : vector<32x1xf32> to vector<32x128xf32>
      %mul3A_926 = arith.mulf %mul3A_925, %get3A_924 : vector<32x128xf32>
      %gt3A_927 = arith.cmpf ogt, %mul3A_926, %max3A_899 : vector<32x128xf32>
      %max3A_928 = arith.maximumf %max3A_899, %mul3A_926 : vector<32x128xf32>
      %min3A_929 = arith.minimumf %max3A_899, %mul3A_926 : vector<32x128xf32>
      %broadcast_in_dim3A_930 = vector.broadcast %scan3A_919 : i32 to vector<32x128xi32>
      %select_n3A_931 = arith.select %gt3A_927, %broadcast_in_dim3A_930, %select_n3A_902 : vector<32x128xi1>, vector<32x128xi32>
      %broadcast_in_dim3A_932 = vector.broadcast %scan3A_919 : i32 to vector<32x128xi32>
      %select_n3A_933 = arith.select %gt3A_927, %select_n3A_902, %broadcast_in_dim3A_932 : vector<32x128xi1>, vector<32x128xi32>
      %gt3A_934 = arith.cmpf ogt, %min3A_929, %max3A_906 : vector<32x128xf32>
      %max3A_935 = arith.maximumf %max3A_906, %min3A_929 : vector<32x128xf32>
      %min3A_936 = arith.minimumf %max3A_906, %min3A_929 : vector<32x128xf32>
      %select_n3A_937 = arith.select %gt3A_934, %select_n3A_933, %select_n3A_908 : vector<32x128xi1>, vector<32x128xi32>
      %select_n3A_938 = arith.select %gt3A_934, %select_n3A_908, %select_n3A_933 : vector<32x128xi1>, vector<32x128xi32>
      %gt3A_939 = arith.cmpf ogt, %min3A_936, %max3A_911 : vector<32x128xf32>
      %max3A_940 = arith.maximumf %max3A_911, %min3A_936 : vector<32x128xf32>
      %min3A_941 = arith.minimumf %max3A_911, %min3A_936 : vector<32x128xf32>
      %select_n3A_942 = arith.select %gt3A_939, %select_n3A_938, %select_n3A_913 : vector<32x128xi1>, vector<32x128xi32>
      %select_n3A_943 = arith.select %gt3A_939, %select_n3A_913, %select_n3A_938 : vector<32x128xi1>, vector<32x128xi32>
      %gt3A_944 = arith.cmpf ogt, %min3A_941, %max3A_916 : vector<32x128xf32>
      %max3A_945 = arith.maximumf %max3A_916, %min3A_941 : vector<32x128xf32>
      %select_n3A_946 = arith.select %gt3A_944, %select_n3A_943, %select_n3A_917 : vector<32x128xi1>, vector<32x128xi32>
      %scan3A_947 = arith.constant 2 : i32
      %scan3A_948 = arith.addi %scan3A_882, %scan3A_947 : i32
      %mul3A_949 = arith.constant 128 : i32
      %mul3A_950 = arith.muli %scan3A_948, %mul3A_949 : i32
      %get3A_951 = arith.constant 32 : index
      %get3A_952 = arith.index_cast %mul3A_950 : i32 to index
      %get3A_953 = vector.load %arg4[%get3A_951, %get3A_952] : memref<64x32768xf32, #tpu.memory_space<vmem>>, vector<32x128xf32>
      %mul3A_954 = vector.broadcast %get3A_391 : vector<32x1xf32> to vector<32x128xf32>
      %mul3A_955 = arith.mulf %mul3A_954, %get3A_953 : vector<32x128xf32>
      %gt3A_956 = arith.cmpf ogt, %mul3A_955, %max3A_928 : vector<32x128xf32>
      %max3A_957 = arith.maximumf %max3A_928, %mul3A_955 : vector<32x128xf32>
      %min3A_958 = arith.minimumf %max3A_928, %mul3A_955 : vector<32x128xf32>
      %broadcast_in_dim3A_959 = vector.broadcast %scan3A_948 : i32 to vector<32x128xi32>
      %select_n3A_960 = arith.select %gt3A_956, %broadcast_in_dim3A_959, %select_n3A_931 : vector<32x128xi1>, vector<32x128xi32>
      %broadcast_in_dim3A_961 = vector.broadcast %scan3A_948 : i32 to vector<32x128xi32>
      %select_n3A_962 = arith.select %gt3A_956, %select_n3A_931, %broadcast_in_dim3A_961 : vector<32x128xi1>, vector<32x128xi32>
      %gt3A_963 = arith.cmpf ogt, %min3A_958, %max3A_935 : vector<32x128xf32>
      %max3A_964 = arith.maximumf %max3A_935, %min3A_958 : vector<32x128xf32>
      %min3A_965 = arith.minimumf %max3A_935, %min3A_958 : vector<32x128xf32>
      %select_n3A_966 = arith.select %gt3A_963, %select_n3A_962, %select_n3A_937 : vector<32x128xi1>, vector<32x128xi32>
      %select_n3A_967 = arith.select %gt3A_963, %select_n3A_937, %select_n3A_962 : vector<32x128xi1>, vector<32x128xi32>
      %gt3A_968 = arith.cmpf ogt, %min3A_965, %max3A_940 : vector<32x128xf32>
      %max3A_969 = arith.maximumf %max3A_940, %min3A_965 : vector<32x128xf32>
      %min3A_970 = arith.minimumf %max3A_940, %min3A_965 : vector<32x128xf32>
      %select_n3A_971 = arith.select %gt3A_968, %select_n3A_967, %select_n3A_942 : vector<32x128xi1>, vector<32x128xi32>
      %select_n3A_972 = arith.select %gt3A_968, %select_n3A_942, %select_n3A_967 : vector<32x128xi1>, vector<32x128xi32>
      %gt3A_973 = arith.cmpf ogt, %min3A_970, %max3A_945 : vector<32x128xf32>
      %max3A_974 = arith.maximumf %max3A_945, %min3A_970 : vector<32x128xf32>
      %select_n3A_975 = arith.select %gt3A_973, %select_n3A_972, %select_n3A_946 : vector<32x128xi1>, vector<32x128xi32>
      %scan3A_976 = arith.constant 3 : i32
      %scan3A_977 = arith.addi %scan3A_882, %scan3A_976 : i32
      %mul3A_978 = arith.constant 128 : i32
      %mul3A_979 = arith.muli %scan3A_977, %mul3A_978 : i32
      %get3A_980 = arith.constant 32 : index
      %get3A_981 = arith.index_cast %mul3A_979 : i32 to index
      %get3A_982 = vector.load %arg4[%get3A_980, %get3A_981] : memref<64x32768xf32, #tpu.memory_space<vmem>>, vector<32x128xf32>
      %mul3A_983 = vector.broadcast %get3A_391 : vector<32x1xf32> to vector<32x128xf32>
      %mul3A_984 = arith.mulf %mul3A_983, %get3A_982 : vector<32x128xf32>
      %gt3A_985 = arith.cmpf ogt, %mul3A_984, %max3A_957 : vector<32x128xf32>
      %max3A_986 = arith.maximumf %max3A_957, %mul3A_984 : vector<32x128xf32>
      %min3A_987 = arith.minimumf %max3A_957, %mul3A_984 : vector<32x128xf32>
      %broadcast_in_dim3A_988 = vector.broadcast %scan3A_977 : i32 to vector<32x128xi32>
      %select_n3A_989 = arith.select %gt3A_985, %broadcast_in_dim3A_988, %select_n3A_960 : vector<32x128xi1>, vector<32x128xi32>
      %broadcast_in_dim3A_990 = vector.broadcast %scan3A_977 : i32 to vector<32x128xi32>
      %select_n3A_991 = arith.select %gt3A_985, %select_n3A_960, %broadcast_in_dim3A_990 : vector<32x128xi1>, vector<32x128xi32>
      %gt3A_992 = arith.cmpf ogt, %min3A_987, %max3A_964 : vector<32x128xf32>
      %max3A_993 = arith.maximumf %max3A_964, %min3A_987 : vector<32x128xf32>
      %min3A_994 = arith.minimumf %max3A_964, %min3A_987 : vector<32x128xf32>
      %select_n3A_995 = arith.select %gt3A_992, %select_n3A_991, %select_n3A_966 : vector<32x128xi1>, vector<32x128xi32>
      %select_n3A_996 = arith.select %gt3A_992, %select_n3A_966, %select_n3A_991 : vector<32x128xi1>, vector<32x128xi32>
      %gt3A_997 = arith.cmpf ogt, %min3A_994, %max3A_969 : vector<32x128xf32>
      %max3A_998 = arith.maximumf %max3A_969, %min3A_994 : vector<32x128xf32>
      %min3A_999 = arith.minimumf %max3A_969, %min3A_994 : vector<32x128xf32>
      %select_n3A_1000 = arith.select %gt3A_997, %select_n3A_996, %select_n3A_971 : vector<32x128xi1>, vector<32x128xi32>
      %select_n3A_1001 = arith.select %gt3A_997, %select_n3A_971, %select_n3A_996 : vector<32x128xi1>, vector<32x128xi32>
      %gt3A_1002 = arith.cmpf ogt, %min3A_999, %max3A_974 : vector<32x128xf32>
      %max3A_1003 = arith.maximumf %max3A_974, %min3A_999 : vector<32x128xf32>
      %select_n3A_1004 = arith.select %gt3A_1002, %select_n3A_1001, %select_n3A_975 : vector<32x128xi1>, vector<32x128xi32>
      %scan3A_1005 = arith.constant 4 : i32
      %scan3A_1006 = arith.addi %scan3A_882, %scan3A_1005 : i32
      %mul3A_1007 = arith.constant 128 : i32
      %mul3A_1008 = arith.muli %scan3A_1006, %mul3A_1007 : i32
      %get3A_1009 = arith.constant 32 : index
      %get3A_1010 = arith.index_cast %mul3A_1008 : i32 to index
      %get3A_1011 = vector.load %arg4[%get3A_1009, %get3A_1010] : memref<64x32768xf32, #tpu.memory_space<vmem>>, vector<32x128xf32>
      %mul3A_1012 = vector.broadcast %get3A_391 : vector<32x1xf32> to vector<32x128xf32>
      %mul3A_1013 = arith.mulf %mul3A_1012, %get3A_1011 : vector<32x128xf32>
      %gt3A_1014 = arith.cmpf ogt, %mul3A_1013, %max3A_986 : vector<32x128xf32>
      %max3A_1015 = arith.maximumf %max3A_986, %mul3A_1013 : vector<32x128xf32>
      %min3A_1016 = arith.minimumf %max3A_986, %mul3A_1013 : vector<32x128xf32>
      %broadcast_in_dim3A_1017 = vector.broadcast %scan3A_1006 : i32 to vector<32x128xi32>
      %select_n3A_1018 = arith.select %gt3A_1014, %broadcast_in_dim3A_1017, %select_n3A_989 : vector<32x128xi1>, vector<32x128xi32>
      %broadcast_in_dim3A_1019 = vector.broadcast %scan3A_1006 : i32 to vector<32x128xi32>
      %select_n3A_1020 = arith.select %gt3A_1014, %select_n3A_989, %broadcast_in_dim3A_1019 : vector<32x128xi1>, vector<32x128xi32>
      %gt3A_1021 = arith.cmpf ogt, %min3A_1016, %max3A_993 : vector<32x128xf32>
      %max3A_1022 = arith.maximumf %max3A_993, %min3A_1016 : vector<32x128xf32>
      %min3A_1023 = arith.minimumf %max3A_993, %min3A_1016 : vector<32x128xf32>
      %select_n3A_1024 = arith.select %gt3A_1021, %select_n3A_1020, %select_n3A_995 : vector<32x128xi1>, vector<32x128xi32>
      %select_n3A_1025 = arith.select %gt3A_1021, %select_n3A_995, %select_n3A_1020 : vector<32x128xi1>, vector<32x128xi32>
      %gt3A_1026 = arith.cmpf ogt, %min3A_1023, %max3A_998 : vector<32x128xf32>
      %max3A_1027 = arith.maximumf %max3A_998, %min3A_1023 : vector<32x128xf32>
      %min3A_1028 = arith.minimumf %max3A_998, %min3A_1023 : vector<32x128xf32>
      %select_n3A_1029 = arith.select %gt3A_1026, %select_n3A_1025, %select_n3A_1000 : vector<32x128xi1>, vector<32x128xi32>
      %select_n3A_1030 = arith.select %gt3A_1026, %select_n3A_1000, %select_n3A_1025 : vector<32x128xi1>, vector<32x128xi32>
      %gt3A_1031 = arith.cmpf ogt, %min3A_1028, %max3A_1003 : vector<32x128xf32>
      %max3A_1032 = arith.maximumf %max3A_1003, %min3A_1028 : vector<32x128xf32>
      %select_n3A_1033 = arith.select %gt3A_1031, %select_n3A_1030, %select_n3A_1004 : vector<32x128xi1>, vector<32x128xi32>
      %scan3A_1034 = arith.constant 5 : i32
      %scan3A_1035 = arith.addi %scan3A_882, %scan3A_1034 : i32
      %mul3A_1036 = arith.constant 128 : i32
      %mul3A_1037 = arith.muli %scan3A_1035, %mul3A_1036 : i32
      %get3A_1038 = arith.constant 32 : index
      %get3A_1039 = arith.index_cast %mul3A_1037 : i32 to index
      %get3A_1040 = vector.load %arg4[%get3A_1038, %get3A_1039] : memref<64x32768xf32, #tpu.memory_space<vmem>>, vector<32x128xf32>
      %mul3A_1041 = vector.broadcast %get3A_391 : vector<32x1xf32> to vector<32x128xf32>
      %mul3A_1042 = arith.mulf %mul3A_1041, %get3A_1040 : vector<32x128xf32>
      %gt3A_1043 = arith.cmpf ogt, %mul3A_1042, %max3A_1015 : vector<32x128xf32>
      %max3A_1044 = arith.maximumf %max3A_1015, %mul3A_1042 : vector<32x128xf32>
      %min3A_1045 = arith.minimumf %max3A_1015, %mul3A_1042 : vector<32x128xf32>
      %broadcast_in_dim3A_1046 = vector.broadcast %scan3A_1035 : i32 to vector<32x128xi32>
      %select_n3A_1047 = arith.select %gt3A_1043, %broadcast_in_dim3A_1046, %select_n3A_1018 : vector<32x128xi1>, vector<32x128xi32>
      %broadcast_in_dim3A_1048 = vector.broadcast %scan3A_1035 : i32 to vector<32x128xi32>
      %select_n3A_1049 = arith.select %gt3A_1043, %select_n3A_1018, %broadcast_in_dim3A_1048 : vector<32x128xi1>, vector<32x128xi32>
      %gt3A_1050 = arith.cmpf ogt, %min3A_1045, %max3A_1022 : vector<32x128xf32>
      %max3A_1051 = arith.maximumf %max3A_1022, %min3A_1045 : vector<32x128xf32>
      %min3A_1052 = arith.minimumf %max3A_1022, %min3A_1045 : vector<32x128xf32>
      %select_n3A_1053 = arith.select %gt3A_1050, %select_n3A_1049, %select_n3A_1024 : vector<32x128xi1>, vector<32x128xi32>
      %select_n3A_1054 = arith.select %gt3A_1050, %select_n3A_1024, %select_n3A_1049 : vector<32x128xi1>, vector<32x128xi32>
      %gt3A_1055 = arith.cmpf ogt, %min3A_1052, %max3A_1027 : vector<32x128xf32>
      %max3A_1056 = arith.maximumf %max3A_1027, %min3A_1052 : vector<32x128xf32>
      %min3A_1057 = arith.minimumf %max3A_1027, %min3A_1052 : vector<32x128xf32>
      %select_n3A_1058 = arith.select %gt3A_1055, %select_n3A_1054, %select_n3A_1029 : vector<32x128xi1>, vector<32x128xi32>
      %select_n3A_1059 = arith.select %gt3A_1055, %select_n3A_1029, %select_n3A_1054 : vector<32x128xi1>, vector<32x128xi32>
      %gt3A_1060 = arith.cmpf ogt, %min3A_1057, %max3A_1032 : vector<32x128xf32>
      %max3A_1061 = arith.maximumf %max3A_1032, %min3A_1057 : vector<32x128xf32>
      %select_n3A_1062 = arith.select %gt3A_1060, %select_n3A_1059, %select_n3A_1033 : vector<32x128xi1>, vector<32x128xi32>
      %scan3A_1063 = arith.constant 6 : i32
      %scan3A_1064 = arith.addi %scan3A_882, %scan3A_1063 : i32
      %mul3A_1065 = arith.constant 128 : i32
      %mul3A_1066 = arith.muli %scan3A_1064, %mul3A_1065 : i32
      %get3A_1067 = arith.constant 32 : index
      %get3A_1068 = arith.index_cast %mul3A_1066 : i32 to index
      %get3A_1069 = vector.load %arg4[%get3A_1067, %get3A_1068] : memref<64x32768xf32, #tpu.memory_space<vmem>>, vector<32x128xf32>
      %mul3A_1070 = vector.broadcast %get3A_391 : vector<32x1xf32> to vector<32x128xf32>
      %mul3A_1071 = arith.mulf %mul3A_1070, %get3A_1069 : vector<32x128xf32>
      %gt3A_1072 = arith.cmpf ogt, %mul3A_1071, %max3A_1044 : vector<32x128xf32>
      %max3A_1073 = arith.maximumf %max3A_1044, %mul3A_1071 : vector<32x128xf32>
      %min3A_1074 = arith.minimumf %max3A_1044, %mul3A_1071 : vector<32x128xf32>
      %broadcast_in_dim3A_1075 = vector.broadcast %scan3A_1064 : i32 to vector<32x128xi32>
      %select_n3A_1076 = arith.select %gt3A_1072, %broadcast_in_dim3A_1075, %select_n3A_1047 : vector<32x128xi1>, vector<32x128xi32>
      %broadcast_in_dim3A_1077 = vector.broadcast %scan3A_1064 : i32 to vector<32x128xi32>
      %select_n3A_1078 = arith.select %gt3A_1072, %select_n3A_1047, %broadcast_in_dim3A_1077 : vector<32x128xi1>, vector<32x128xi32>
      %gt3A_1079 = arith.cmpf ogt, %min3A_1074, %max3A_1051 : vector<32x128xf32>
      %max3A_1080 = arith.maximumf %max3A_1051, %min3A_1074 : vector<32x128xf32>
      %min3A_1081 = arith.minimumf %max3A_1051, %min3A_1074 : vector<32x128xf32>
      %select_n3A_1082 = arith.select %gt3A_1079, %select_n3A_1078, %select_n3A_1053 : vector<32x128xi1>, vector<32x128xi32>
      %select_n3A_1083 = arith.select %gt3A_1079, %select_n3A_1053, %select_n3A_1078 : vector<32x128xi1>, vector<32x128xi32>
      %gt3A_1084 = arith.cmpf ogt, %min3A_1081, %max3A_1056 : vector<32x128xf32>
      %max3A_1085 = arith.maximumf %max3A_1056, %min3A_1081 : vector<32x128xf32>
      %min3A_1086 = arith.minimumf %max3A_1056, %min3A_1081 : vector<32x128xf32>
      %select_n3A_1087 = arith.select %gt3A_1084, %select_n3A_1083, %select_n3A_1058 : vector<32x128xi1>, vector<32x128xi32>
      %select_n3A_1088 = arith.select %gt3A_1084, %select_n3A_1058, %select_n3A_1083 : vector<32x128xi1>, vector<32x128xi32>
      %gt3A_1089 = arith.cmpf ogt, %min3A_1086, %max3A_1061 : vector<32x128xf32>
      %max3A_1090 = arith.maximumf %max3A_1061, %min3A_1086 : vector<32x128xf32>
      %select_n3A_1091 = arith.select %gt3A_1089, %select_n3A_1088, %select_n3A_1062 : vector<32x128xi1>, vector<32x128xi32>
      %scan3A_1092 = arith.constant 7 : i32
      %scan3A_1093 = arith.addi %scan3A_882, %scan3A_1092 : i32
      %mul3A_1094 = arith.constant 128 : i32
      %mul3A_1095 = arith.muli %scan3A_1093, %mul3A_1094 : i32
      %get3A_1096 = arith.constant 32 : index
      %get3A_1097 = arith.index_cast %mul3A_1095 : i32 to index
      %get3A_1098 = vector.load %arg4[%get3A_1096, %get3A_1097] : memref<64x32768xf32, #tpu.memory_space<vmem>>, vector<32x128xf32>
      %mul3A_1099 = vector.broadcast %get3A_391 : vector<32x1xf32> to vector<32x128xf32>
      %mul3A_1100 = arith.mulf %mul3A_1099, %get3A_1098 : vector<32x128xf32>
      %gt3A_1101 = arith.cmpf ogt, %mul3A_1100, %max3A_1073 : vector<32x128xf32>
      %max3A_1102 = arith.maximumf %max3A_1073, %mul3A_1100 : vector<32x128xf32>
      %min3A_1103 = arith.minimumf %max3A_1073, %mul3A_1100 : vector<32x128xf32>
      %broadcast_in_dim3A_1104 = vector.broadcast %scan3A_1093 : i32 to vector<32x128xi32>
      %select_n3A_1105 = arith.select %gt3A_1101, %broadcast_in_dim3A_1104, %select_n3A_1076 : vector<32x128xi1>, vector<32x128xi32>
      %broadcast_in_dim3A_1106 = vector.broadcast %scan3A_1093 : i32 to vector<32x128xi32>
      %select_n3A_1107 = arith.select %gt3A_1101, %select_n3A_1076, %broadcast_in_dim3A_1106 : vector<32x128xi1>, vector<32x128xi32>
      %gt3A_1108 = arith.cmpf ogt, %min3A_1103, %max3A_1080 : vector<32x128xf32>
      %max3A_1109 = arith.maximumf %max3A_1080, %min3A_1103 : vector<32x128xf32>
      %min3A_1110 = arith.minimumf %max3A_1080, %min3A_1103 : vector<32x128xf32>
      %select_n3A_1111 = arith.select %gt3A_1108, %select_n3A_1107, %select_n3A_1082 : vector<32x128xi1>, vector<32x128xi32>
      %select_n3A_1112 = arith.select %gt3A_1108, %select_n3A_1082, %select_n3A_1107 : vector<32x128xi1>, vector<32x128xi32>
      %gt3A_1113 = arith.cmpf ogt, %min3A_1110, %max3A_1085 : vector<32x128xf32>
      %max3A_1114 = arith.maximumf %max3A_1085, %min3A_1110 : vector<32x128xf32>
      %min3A_1115 = arith.minimumf %max3A_1085, %min3A_1110 : vector<32x128xf32>
      %select_n3A_1116 = arith.select %gt3A_1113, %select_n3A_1112, %select_n3A_1087 : vector<32x128xi1>, vector<32x128xi32>
      %select_n3A_1117 = arith.select %gt3A_1113, %select_n3A_1087, %select_n3A_1112 : vector<32x128xi1>, vector<32x128xi32>
      %gt3A_1118 = arith.cmpf ogt, %min3A_1115, %max3A_1090 : vector<32x128xf32>
      %max3A_1119 = arith.maximumf %max3A_1090, %min3A_1115 : vector<32x128xf32>
      %select_n3A_1120 = arith.select %gt3A_1118, %select_n3A_1117, %select_n3A_1091 : vector<32x128xi1>, vector<32x128xi32>
      scf.yield %max3A_1102, %max3A_1109, %max3A_1114, %max3A_1119, %select_n3A_1105, %select_n3A_1111, %select_n3A_1116, %select_n3A_1120 : vector<32x128xf32>, vector<32x128xf32>, vector<32x128xf32>, vector<32x128xf32>, vector<32x128xi32>, vector<32x128xi32>, vector<32x128xi32>, vector<32x128xi32>
    }
    %scan3A_411 = arith.constant 248 : i32
    %scan3A_412 = arith.addi %scan3A_406, %scan3A_411 : i32
    %mul3A_413 = arith.constant 128 : i32
    %mul3A_414 = arith.muli %scan3A_412, %mul3A_413 : i32
    %get3A_415 = arith.constant 32 : index
    %get3A_416 = arith.index_cast %mul3A_414 : i32 to index
    %get3A_417 = vector.load %arg4[%get3A_415, %get3A_416] : memref<64x32768xf32, #tpu.memory_space<vmem>>, vector<32x128xf32>
    %mul3A_418 = vector.broadcast %get3A_391 : vector<32x1xf32> to vector<32x128xf32>
    %mul3A_419 = arith.mulf %mul3A_418, %get3A_417 : vector<32x128xf32>
    %gt3A_420 = arith.cmpf ogt, %mul3A_419, %scan3A_410#0 : vector<32x128xf32>
    %max3A_421 = arith.maximumf %scan3A_410#0, %mul3A_419 : vector<32x128xf32>
    %min3A_422 = arith.minimumf %scan3A_410#0, %mul3A_419 : vector<32x128xf32>
    %broadcast_in_dim3A_423 = vector.broadcast %scan3A_412 : i32 to vector<32x128xi32>
    %select_n3A_424 = arith.select %gt3A_420, %broadcast_in_dim3A_423, %scan3A_410#4 : vector<32x128xi1>, vector<32x128xi32>
    %broadcast_in_dim3A_425 = vector.broadcast %scan3A_412 : i32 to vector<32x128xi32>
    %select_n3A_426 = arith.select %gt3A_420, %scan3A_410#4, %broadcast_in_dim3A_425 : vector<32x128xi1>, vector<32x128xi32>
    %gt3A_427 = arith.cmpf ogt, %min3A_422, %scan3A_410#1 : vector<32x128xf32>
    %max3A_428 = arith.maximumf %scan3A_410#1, %min3A_422 : vector<32x128xf32>
    %min3A_429 = arith.minimumf %scan3A_410#1, %min3A_422 : vector<32x128xf32>
    %select_n3A_430 = arith.select %gt3A_427, %select_n3A_426, %scan3A_410#5 : vector<32x128xi1>, vector<32x128xi32>
    %select_n3A_431 = arith.select %gt3A_427, %scan3A_410#5, %select_n3A_426 : vector<32x128xi1>, vector<32x128xi32>
    %gt3A_432 = arith.cmpf ogt, %min3A_429, %scan3A_410#2 : vector<32x128xf32>
    %max3A_433 = arith.maximumf %scan3A_410#2, %min3A_429 : vector<32x128xf32>
    %min3A_434 = arith.minimumf %scan3A_410#2, %min3A_429 : vector<32x128xf32>
    %select_n3A_435 = arith.select %gt3A_432, %select_n3A_431, %scan3A_410#6 : vector<32x128xi1>, vector<32x128xi32>
    %select_n3A_436 = arith.select %gt3A_432, %scan3A_410#6, %select_n3A_431 : vector<32x128xi1>, vector<32x128xi32>
    %gt3A_437 = arith.cmpf ogt, %min3A_434, %scan3A_410#3 : vector<32x128xf32>
    %max3A_438 = arith.maximumf %scan3A_410#3, %min3A_434 : vector<32x128xf32>
    %select_n3A_439 = arith.select %gt3A_437, %select_n3A_436, %scan3A_410#7 : vector<32x128xi1>, vector<32x128xi32>
    %scan3A_440 = arith.constant 249 : i32
    %scan3A_441 = arith.addi %scan3A_406, %scan3A_440 : i32
    %mul3A_442 = arith.constant 128 : i32
    %mul3A_443 = arith.muli %scan3A_441, %mul3A_442 : i32
    %get3A_444 = arith.constant 32 : index
    %get3A_445 = arith.index_cast %mul3A_443 : i32 to index
    %get3A_446 = vector.load %arg4[%get3A_444, %get3A_445] : memref<64x32768xf32, #tpu.memory_space<vmem>>, vector<32x128xf32>
    %mul3A_447 = vector.broadcast %get3A_391 : vector<32x1xf32> to vector<32x128xf32>
    %mul3A_448 = arith.mulf %mul3A_447, %get3A_446 : vector<32x128xf32>
    %gt3A_449 = arith.cmpf ogt, %mul3A_448, %max3A_421 : vector<32x128xf32>
    %max3A_450 = arith.maximumf %max3A_421, %mul3A_448 : vector<32x128xf32>
    %min3A_451 = arith.minimumf %max3A_421, %mul3A_448 : vector<32x128xf32>
    %broadcast_in_dim3A_452 = vector.broadcast %scan3A_441 : i32 to vector<32x128xi32>
    %select_n3A_453 = arith.select %gt3A_449, %broadcast_in_dim3A_452, %select_n3A_424 : vector<32x128xi1>, vector<32x128xi32>
    %broadcast_in_dim3A_454 = vector.broadcast %scan3A_441 : i32 to vector<32x128xi32>
    %select_n3A_455 = arith.select %gt3A_449, %select_n3A_424, %broadcast_in_dim3A_454 : vector<32x128xi1>, vector<32x128xi32>
    %gt3A_456 = arith.cmpf ogt, %min3A_451, %max3A_428 : vector<32x128xf32>
    %max3A_457 = arith.maximumf %max3A_428, %min3A_451 : vector<32x128xf32>
    %min3A_458 = arith.minimumf %max3A_428, %min3A_451 : vector<32x128xf32>
    %select_n3A_459 = arith.select %gt3A_456, %select_n3A_455, %select_n3A_430 : vector<32x128xi1>, vector<32x128xi32>
    %select_n3A_460 = arith.select %gt3A_456, %select_n3A_430, %select_n3A_455 : vector<32x128xi1>, vector<32x128xi32>
    %gt3A_461 = arith.cmpf ogt, %min3A_458, %max3A_433 : vector<32x128xf32>
    %max3A_462 = arith.maximumf %max3A_433, %min3A_458 : vector<32x128xf32>
    %min3A_463 = arith.minimumf %max3A_433, %min3A_458 : vector<32x128xf32>
    %select_n3A_464 = arith.select %gt3A_461, %select_n3A_460, %select_n3A_435 : vector<32x128xi1>, vector<32x128xi32>
    %select_n3A_465 = arith.select %gt3A_461, %select_n3A_435, %select_n3A_460 : vector<32x128xi1>, vector<32x128xi32>
    %gt3A_466 = arith.cmpf ogt, %min3A_463, %max3A_438 : vector<32x128xf32>
    %max3A_467 = arith.maximumf %max3A_438, %min3A_463 : vector<32x128xf32>
    %select_n3A_468 = arith.select %gt3A_466, %select_n3A_465, %select_n3A_439 : vector<32x128xi1>, vector<32x128xi32>
    %scan3A_469 = arith.constant 250 : i32
    %scan3A_470 = arith.addi %scan3A_406, %scan3A_469 : i32
    %mul3A_471 = arith.constant 128 : i32
    %mul3A_472 = arith.muli %scan3A_470, %mul3A_471 : i32
    %get3A_473 = arith.constant 32 : index
    %get3A_474 = arith.index_cast %mul3A_472 : i32 to index
    %get3A_475 = vector.load %arg4[%get3A_473, %get3A_474] : memref<64x32768xf32, #tpu.memory_space<vmem>>, vector<32x128xf32>
    %mul3A_476 = vector.broadcast %get3A_391 : vector<32x1xf32> to vector<32x128xf32>
    %mul3A_477 = arith.mulf %mul3A_476, %get3A_475 : vector<32x128xf32>
    %gt3A_478 = arith.cmpf ogt, %mul3A_477, %max3A_450 : vector<32x128xf32>
    %max3A_479 = arith.maximumf %max3A_450, %mul3A_477 : vector<32x128xf32>
    %min3A_480 = arith.minimumf %max3A_450, %mul3A_477 : vector<32x128xf32>
    %broadcast_in_dim3A_481 = vector.broadcast %scan3A_470 : i32 to vector<32x128xi32>
    %select_n3A_482 = arith.select %gt3A_478, %broadcast_in_dim3A_481, %select_n3A_453 : vector<32x128xi1>, vector<32x128xi32>
    %broadcast_in_dim3A_483 = vector.broadcast %scan3A_470 : i32 to vector<32x128xi32>
    %select_n3A_484 = arith.select %gt3A_478, %select_n3A_453, %broadcast_in_dim3A_483 : vector<32x128xi1>, vector<32x128xi32>
    %gt3A_485 = arith.cmpf ogt, %min3A_480, %max3A_457 : vector<32x128xf32>
    %max3A_486 = arith.maximumf %max3A_457, %min3A_480 : vector<32x128xf32>
    %min3A_487 = arith.minimumf %max3A_457, %min3A_480 : vector<32x128xf32>
    %select_n3A_488 = arith.select %gt3A_485, %select_n3A_484, %select_n3A_459 : vector<32x128xi1>, vector<32x128xi32>
    %select_n3A_489 = arith.select %gt3A_485, %select_n3A_459, %select_n3A_484 : vector<32x128xi1>, vector<32x128xi32>
    %gt3A_490 = arith.cmpf ogt, %min3A_487, %max3A_462 : vector<32x128xf32>
    %max3A_491 = arith.maximumf %max3A_462, %min3A_487 : vector<32x128xf32>
    %min3A_492 = arith.minimumf %max3A_462, %min3A_487 : vector<32x128xf32>
    %select_n3A_493 = arith.select %gt3A_490, %select_n3A_489, %select_n3A_464 : vector<32x128xi1>, vector<32x128xi32>
    %select_n3A_494 = arith.select %gt3A_490, %select_n3A_464, %select_n3A_489 : vector<32x128xi1>, vector<32x128xi32>
    %gt3A_495 = arith.cmpf ogt, %min3A_492, %max3A_467 : vector<32x128xf32>
    %max3A_496 = arith.maximumf %max3A_467, %min3A_492 : vector<32x128xf32>
    %select_n3A_497 = arith.select %gt3A_495, %select_n3A_494, %select_n3A_468 : vector<32x128xi1>, vector<32x128xi32>
    %scan3A_498 = arith.constant 251 : i32
    %scan3A_499 = arith.addi %scan3A_406, %scan3A_498 : i32
    %mul3A_500 = arith.constant 128 : i32
    %mul3A_501 = arith.muli %scan3A_499, %mul3A_500 : i32
    %get3A_502 = arith.constant 32 : index
    %get3A_503 = arith.index_cast %mul3A_501 : i32 to index
    %get3A_504 = vector.load %arg4[%get3A_502, %get3A_503] : memref<64x32768xf32, #tpu.memory_space<vmem>>, vector<32x128xf32>
    %mul3A_505 = vector.broadcast %get3A_391 : vector<32x1xf32> to vector<32x128xf32>
    %mul3A_506 = arith.mulf %mul3A_505, %get3A_504 : vector<32x128xf32>
    %gt3A_507 = arith.cmpf ogt, %mul3A_506, %max3A_479 : vector<32x128xf32>
    %max3A_508 = arith.maximumf %max3A_479, %mul3A_506 : vector<32x128xf32>
    %min3A_509 = arith.minimumf %max3A_479, %mul3A_506 : vector<32x128xf32>
    %broadcast_in_dim3A_510 = vector.broadcast %scan3A_499 : i32 to vector<32x128xi32>
    %select_n3A_511 = arith.select %gt3A_507, %broadcast_in_dim3A_510, %select_n3A_482 : vector<32x128xi1>, vector<32x128xi32>
    %broadcast_in_dim3A_512 = vector.broadcast %scan3A_499 : i32 to vector<32x128xi32>
    %select_n3A_513 = arith.select %gt3A_507, %select_n3A_482, %broadcast_in_dim3A_512 : vector<32x128xi1>, vector<32x128xi32>
    %gt3A_514 = arith.cmpf ogt, %min3A_509, %max3A_486 : vector<32x128xf32>
    %max3A_515 = arith.maximumf %max3A_486, %min3A_509 : vector<32x128xf32>
    %min3A_516 = arith.minimumf %max3A_486, %min3A_509 : vector<32x128xf32>
    %select_n3A_517 = arith.select %gt3A_514, %select_n3A_513, %select_n3A_488 : vector<32x128xi1>, vector<32x128xi32>
    %select_n3A_518 = arith.select %gt3A_514, %select_n3A_488, %select_n3A_513 : vector<32x128xi1>, vector<32x128xi32>
    %gt3A_519 = arith.cmpf ogt, %min3A_516, %max3A_491 : vector<32x128xf32>
    %max3A_520 = arith.maximumf %max3A_491, %min3A_516 : vector<32x128xf32>
    %min3A_521 = arith.minimumf %max3A_491, %min3A_516 : vector<32x128xf32>
    %select_n3A_522 = arith.select %gt3A_519, %select_n3A_518, %select_n3A_493 : vector<32x128xi1>, vector<32x128xi32>
    %select_n3A_523 = arith.select %gt3A_519, %select_n3A_493, %select_n3A_518 : vector<32x128xi1>, vector<32x128xi32>
    %gt3A_524 = arith.cmpf ogt, %min3A_521, %max3A_496 : vector<32x128xf32>
    %max3A_525 = arith.maximumf %max3A_496, %min3A_521 : vector<32x128xf32>
    %select_n3A_526 = arith.select %gt3A_524, %select_n3A_523, %select_n3A_497 : vector<32x128xi1>, vector<32x128xi32>
    %scan3A_527 = arith.constant 252 : i32
    %scan3A_528 = arith.addi %scan3A_406, %scan3A_527 : i32
    %mul3A_529 = arith.constant 128 : i32
    %mul3A_530 = arith.muli %scan3A_528, %mul3A_529 : i32
    %get3A_531 = arith.constant 32 : index
    %get3A_532 = arith.index_cast %mul3A_530 : i32 to index
    %get3A_533 = vector.load %arg4[%get3A_531, %get3A_532] : memref<64x32768xf32, #tpu.memory_space<vmem>>, vector<32x128xf32>
    %mul3A_534 = vector.broadcast %get3A_391 : vector<32x1xf32> to vector<32x128xf32>
    %mul3A_535 = arith.mulf %mul3A_534, %get3A_533 : vector<32x128xf32>
    %gt3A_536 = arith.cmpf ogt, %mul3A_535, %max3A_508 : vector<32x128xf32>
    %max3A_537 = arith.maximumf %max3A_508, %mul3A_535 : vector<32x128xf32>
    %min3A_538 = arith.minimumf %max3A_508, %mul3A_535 : vector<32x128xf32>
    %broadcast_in_dim3A_539 = vector.broadcast %scan3A_528 : i32 to vector<32x128xi32>
    %select_n3A_540 = arith.select %gt3A_536, %broadcast_in_dim3A_539, %select_n3A_511 : vector<32x128xi1>, vector<32x128xi32>
    %broadcast_in_dim3A_541 = vector.broadcast %scan3A_528 : i32 to vector<32x128xi32>
    %select_n3A_542 = arith.select %gt3A_536, %select_n3A_511, %broadcast_in_dim3A_541 : vector<32x128xi1>, vector<32x128xi32>
    %gt3A_543 = arith.cmpf ogt, %min3A_538, %max3A_515 : vector<32x128xf32>
    %max3A_544 = arith.maximumf %max3A_515, %min3A_538 : vector<32x128xf32>
    %min3A_545 = arith.minimumf %max3A_515, %min3A_538 : vector<32x128xf32>
    %select_n3A_546 = arith.select %gt3A_543, %select_n3A_542, %select_n3A_517 : vector<32x128xi1>, vector<32x128xi32>
    %select_n3A_547 = arith.select %gt3A_543, %select_n3A_517, %select_n3A_542 : vector<32x128xi1>, vector<32x128xi32>
    %gt3A_548 = arith.cmpf ogt, %min3A_545, %max3A_520 : vector<32x128xf32>
    %max3A_549 = arith.maximumf %max3A_520, %min3A_545 : vector<32x128xf32>
    %min3A_550 = arith.minimumf %max3A_520, %min3A_545 : vector<32x128xf32>
    %select_n3A_551 = arith.select %gt3A_548, %select_n3A_547, %select_n3A_522 : vector<32x128xi1>, vector<32x128xi32>
    %select_n3A_552 = arith.select %gt3A_548, %select_n3A_522, %select_n3A_547 : vector<32x128xi1>, vector<32x128xi32>
    %gt3A_553 = arith.cmpf ogt, %min3A_550, %max3A_525 : vector<32x128xf32>
    %max3A_554 = arith.maximumf %max3A_525, %min3A_550 : vector<32x128xf32>
    %select_n3A_555 = arith.select %gt3A_553, %select_n3A_552, %select_n3A_526 : vector<32x128xi1>, vector<32x128xi32>
    %scan3A_556 = arith.constant 253 : i32
    %scan3A_557 = arith.addi %scan3A_406, %scan3A_556 : i32
    %mul3A_558 = arith.constant 128 : i32
    %mul3A_559 = arith.muli %scan3A_557, %mul3A_558 : i32
    %get3A_560 = arith.constant 32 : index
    %get3A_561 = arith.index_cast %mul3A_559 : i32 to index
    %get3A_562 = vector.load %arg4[%get3A_560, %get3A_561] : memref<64x32768xf32, #tpu.memory_space<vmem>>, vector<32x128xf32>
    %mul3A_563 = vector.broadcast %get3A_391 : vector<32x1xf32> to vector<32x128xf32>
    %mul3A_564 = arith.mulf %mul3A_563, %get3A_562 : vector<32x128xf32>
    %gt3A_565 = arith.cmpf ogt, %mul3A_564, %max3A_537 : vector<32x128xf32>
    %max3A_566 = arith.maximumf %max3A_537, %mul3A_564 : vector<32x128xf32>
    %min3A_567 = arith.minimumf %max3A_537, %mul3A_564 : vector<32x128xf32>
    %broadcast_in_dim3A_568 = vector.broadcast %scan3A_557 : i32 to vector<32x128xi32>
    %select_n3A_569 = arith.select %gt3A_565, %broadcast_in_dim3A_568, %select_n3A_540 : vector<32x128xi1>, vector<32x128xi32>
    %broadcast_in_dim3A_570 = vector.broadcast %scan3A_557 : i32 to vector<32x128xi32>
    %select_n3A_571 = arith.select %gt3A_565, %select_n3A_540, %broadcast_in_dim3A_570 : vector<32x128xi1>, vector<32x128xi32>
    %gt3A_572 = arith.cmpf ogt, %min3A_567, %max3A_544 : vector<32x128xf32>
    %max3A_573 = arith.maximumf %max3A_544, %min3A_567 : vector<32x128xf32>
    %min3A_574 = arith.minimumf %max3A_544, %min3A_567 : vector<32x128xf32>
    %select_n3A_575 = arith.select %gt3A_572, %select_n3A_571, %select_n3A_546 : vector<32x128xi1>, vector<32x128xi32>
    %select_n3A_576 = arith.select %gt3A_572, %select_n3A_546, %select_n3A_571 : vector<32x128xi1>, vector<32x128xi32>
    %gt3A_577 = arith.cmpf ogt, %min3A_574, %max3A_549 : vector<32x128xf32>
    %max3A_578 = arith.maximumf %max3A_549, %min3A_574 : vector<32x128xf32>
    %min3A_579 = arith.minimumf %max3A_549, %min3A_574 : vector<32x128xf32>
    %select_n3A_580 = arith.select %gt3A_577, %select_n3A_576, %select_n3A_551 : vector<32x128xi1>, vector<32x128xi32>
    %select_n3A_581 = arith.select %gt3A_577, %select_n3A_551, %select_n3A_576 : vector<32x128xi1>, vector<32x128xi32>
    %gt3A_582 = arith.cmpf ogt, %min3A_579, %max3A_554 : vector<32x128xf32>
    %max3A_583 = arith.maximumf %max3A_554, %min3A_579 : vector<32x128xf32>
    %select_n3A_584 = arith.select %gt3A_582, %select_n3A_581, %select_n3A_555 : vector<32x128xi1>, vector<32x128xi32>
    %scan3A_585 = arith.constant 254 : i32
    %scan3A_586 = arith.addi %scan3A_406, %scan3A_585 : i32
    %mul3A_587 = arith.constant 128 : i32
    %mul3A_588 = arith.muli %scan3A_586, %mul3A_587 : i32
    %get3A_589 = arith.constant 32 : index
    %get3A_590 = arith.index_cast %mul3A_588 : i32 to index
    %get3A_591 = vector.load %arg4[%get3A_589, %get3A_590] : memref<64x32768xf32, #tpu.memory_space<vmem>>, vector<32x128xf32>
    %mul3A_592 = vector.broadcast %get3A_391 : vector<32x1xf32> to vector<32x128xf32>
    %mul3A_593 = arith.mulf %mul3A_592, %get3A_591 : vector<32x128xf32>
    %gt3A_594 = arith.cmpf ogt, %mul3A_593, %max3A_566 : vector<32x128xf32>
    %max3A_595 = arith.maximumf %max3A_566, %mul3A_593 : vector<32x128xf32>
    %min3A_596 = arith.minimumf %max3A_566, %mul3A_593 : vector<32x128xf32>
    %broadcast_in_dim3A_597 = vector.broadcast %scan3A_586 : i32 to vector<32x128xi32>
    %select_n3A_598 = arith.select %gt3A_594, %broadcast_in_dim3A_597, %select_n3A_569 : vector<32x128xi1>, vector<32x128xi32>
    %broadcast_in_dim3A_599 = vector.broadcast %scan3A_586 : i32 to vector<32x128xi32>
    %select_n3A_600 = arith.select %gt3A_594, %select_n3A_569, %broadcast_in_dim3A_599 : vector<32x128xi1>, vector<32x128xi32>
    %gt3A_601 = arith.cmpf ogt, %min3A_596, %max3A_573 : vector<32x128xf32>
    %max3A_602 = arith.maximumf %max3A_573, %min3A_596 : vector<32x128xf32>
    %min3A_603 = arith.minimumf %max3A_573, %min3A_596 : vector<32x128xf32>
    %select_n3A_604 = arith.select %gt3A_601, %select_n3A_600, %select_n3A_575 : vector<32x128xi1>, vector<32x128xi32>
    %select_n3A_605 = arith.select %gt3A_601, %select_n3A_575, %select_n3A_600 : vector<32x128xi1>, vector<32x128xi32>
    %gt3A_606 = arith.cmpf ogt, %min3A_603, %max3A_578 : vector<32x128xf32>
    %max3A_607 = arith.maximumf %max3A_578, %min3A_603 : vector<32x128xf32>
    %min3A_608 = arith.minimumf %max3A_578, %min3A_603 : vector<32x128xf32>
    %select_n3A_609 = arith.select %gt3A_606, %select_n3A_605, %select_n3A_580 : vector<32x128xi1>, vector<32x128xi32>
    %select_n3A_610 = arith.select %gt3A_606, %select_n3A_580, %select_n3A_605 : vector<32x128xi1>, vector<32x128xi32>
    %gt3A_611 = arith.cmpf ogt, %min3A_608, %max3A_583 : vector<32x128xf32>
    %max3A_612 = arith.maximumf %max3A_583, %min3A_608 : vector<32x128xf32>
    %select_n3A_613 = arith.select %gt3A_611, %select_n3A_610, %select_n3A_584 : vector<32x128xi1>, vector<32x128xi32>
    %scan3A_614 = arith.constant 255 : i32
    %iota3A_615 = tpu.iota {dimensions = array<i32: 1>} : vector<32x128xi32>
    %mul3A_616 = arith.constant 128 : i32
    %mul3A_617 = vector.broadcast %mul3A_616 : i32 to vector<32x128xi32>
    %mul3A_618 = arith.muli %select_n3A_598, %mul3A_617 : vector<32x128xi32>
    %add3A_619 = arith.addi %mul3A_618, %iota3A_615 : vector<32x128xi32>
    %reduce_max3A_620 = arith.constant dense<0xFF800000> : vector<32xf32>
    %reduce_max3A_621 = vector.multi_reduction <maximumf>, %max3A_595, %reduce_max3A_620 [1] : vector<32x128xf32> to vector<32xf32>
    %broadcast_in_dim3A_622 = vector.shape_cast %reduce_max3A_621 : vector<32xf32> to vector<32x1xf32>
    %eq3A_623 = vector.broadcast %broadcast_in_dim3A_622 : vector<32x1xf32> to vector<32x128xf32>
    %eq3A_624 = arith.cmpf oeq, %max3A_595, %eq3A_623 : vector<32x128xf32>
    %jit3A_625 = arith.constant 1073741824 : i32
    %broadcast_in_dim3A_626 = vector.broadcast %jit3A_625 : i32 to vector<32x128xi32>
    %select_n3A_627 = arith.select %eq3A_624, %add3A_619, %broadcast_in_dim3A_626 : vector<32x128xi1>, vector<32x128xi32>
    %reduce_min3A_628 = arith.constant dense<2147483647> : vector<32xi32>
    %reduce_min3A_629 = vector.multi_reduction <minsi>, %select_n3A_627, %reduce_min3A_628 [1] : vector<32x128xi32> to vector<32xi32>
    %broadcast_in_dim3A_630 = vector.shape_cast %reduce_min3A_629 : vector<32xi32> to vector<32x1xi32>
    %eq3A_631 = vector.broadcast %broadcast_in_dim3A_630 : vector<32x1xi32> to vector<32x128xi32>
    %eq3A_632 = arith.cmpi eq, %add3A_619, %eq3A_631 : vector<32x128xi32>
    %and3A_633 = arith.andi %eq3A_624, %eq3A_632 : vector<32x128xi1>
    %swap3A_634 = arith.constant 32 : index
    %swap3A_635 = arith.constant 0 : index
    %swap3A_636 = vector.load %arg7[%swap3A_634, %swap3A_635] : memref<64x6xf32, #tpu.memory_space<vmem>>, vector<32x1xf32>
    tpu.vector_store %arg7[%swap3A_634, %swap3A_635], %broadcast_in_dim3A_622 {strides = array<i32>} : memref<64x6xf32, #tpu.memory_space<vmem>>, vector<32x1xf32>,
    %swap3A_637 = arith.constant 32 : index
    %swap3A_638 = arith.constant 0 : index
    %swap3A_639 = vector.load %arg8[%swap3A_637, %swap3A_638] : memref<64x6xi32, #tpu.memory_space<vmem>>, vector<32x1xi32>
    tpu.vector_store %arg8[%swap3A_637, %swap3A_638], %broadcast_in_dim3A_630 {strides = array<i32>} : memref<64x6xi32, #tpu.memory_space<vmem>>, vector<32x1xi32>,
    %select_n3A_640 = arith.select %and3A_633, %max3A_602, %max3A_595 : vector<32x128xi1>, vector<32x128xf32>
    %select_n3A_641 = arith.select %and3A_633, %select_n3A_604, %select_n3A_598 : vector<32x128xi1>, vector<32x128xi32>
    %select_n3A_642 = arith.select %and3A_633, %max3A_607, %max3A_602 : vector<32x128xi1>, vector<32x128xf32>
    %select_n3A_643 = arith.select %and3A_633, %select_n3A_609, %select_n3A_604 : vector<32x128xi1>, vector<32x128xi32>
    %select_n3A_644 = arith.select %and3A_633, %max3A_612, %max3A_607 : vector<32x128xi1>, vector<32x128xf32>
    %select_n3A_645 = arith.select %and3A_633, %select_n3A_613, %select_n3A_609 : vector<32x128xi1>, vector<32x128xi32>
    %jit3A_646 = arith.constant -3.000000e+38 : f32
    %broadcast_in_dim3A_647 = vector.broadcast %jit3A_646 : f32 to vector<32x128xf32>
    %select_n3A_648 = arith.select %and3A_633, %broadcast_in_dim3A_647, %max3A_612 : vector<32x128xi1>, vector<32x128xf32>
    %mul3A_649 = arith.constant 128 : i32
    %mul3A_650 = vector.broadcast %mul3A_649 : i32 to vector<32x128xi32>
    %mul3A_651 = arith.muli %select_n3A_641, %mul3A_650 : vector<32x128xi32>
    %add3A_652 = arith.addi %mul3A_651, %iota3A_615 : vector<32x128xi32>
    %reduce_max3A_653 = arith.constant dense<0xFF800000> : vector<32xf32>
    %reduce_max3A_654 = vector.multi_reduction <maximumf>, %select_n3A_640, %reduce_max3A_653 [1] : vector<32x128xf32> to vector<32xf32>
    %broadcast_in_dim3A_655 = vector.shape_cast %reduce_max3A_654 : vector<32xf32> to vector<32x1xf32>
    %eq3A_656 = vector.broadcast %broadcast_in_dim3A_655 : vector<32x1xf32> to vector<32x128xf32>
    %eq3A_657 = arith.cmpf oeq, %select_n3A_640, %eq3A_656 : vector<32x128xf32>
    %jit3A_658 = arith.constant 1073741824 : i32
    %broadcast_in_dim3A_659 = vector.broadcast %jit3A_658 : i32 to vector<32x128xi32>
    %select_n3A_660 = arith.select %eq3A_657, %add3A_652, %broadcast_in_dim3A_659 : vector<32x128xi1>, vector<32x128xi32>
    %reduce_min3A_661 = arith.constant dense<2147483647> : vector<32xi32>
    %reduce_min3A_662 = vector.multi_reduction <minsi>, %select_n3A_660, %reduce_min3A_661 [1] : vector<32x128xi32> to vector<32xi32>
    %broadcast_in_dim3A_663 = vector.shape_cast %reduce_min3A_662 : vector<32xi32> to vector<32x1xi32>
    %eq3A_664 = vector.broadcast %broadcast_in_dim3A_663 : vector<32x1xi32> to vector<32x128xi32>
    %eq3A_665 = arith.cmpi eq, %add3A_652, %eq3A_664 : vector<32x128xi32>
    %and3A_666 = arith.andi %eq3A_657, %eq3A_665 : vector<32x128xi1>
    %swap3A_667 = arith.constant 32 : index
    %swap3A_668 = arith.constant 1 : index
    %swap3A_669 = vector.load %arg7[%swap3A_667, %swap3A_668] : memref<64x6xf32, #tpu.memory_space<vmem>>, vector<32x1xf32>
    tpu.vector_store %arg7[%swap3A_667, %swap3A_668], %broadcast_in_dim3A_655 {strides = array<i32>} : memref<64x6xf32, #tpu.memory_space<vmem>>, vector<32x1xf32>,
    %swap3A_670 = arith.constant 32 : index
    %swap3A_671 = arith.constant 1 : index
    %swap3A_672 = vector.load %arg8[%swap3A_670, %swap3A_671] : memref<64x6xi32, #tpu.memory_space<vmem>>, vector<32x1xi32>
    tpu.vector_store %arg8[%swap3A_670, %swap3A_671], %broadcast_in_dim3A_663 {strides = array<i32>} : memref<64x6xi32, #tpu.memory_space<vmem>>, vector<32x1xi32>,
    %select_n3A_673 = arith.select %and3A_666, %select_n3A_642, %select_n3A_640 : vector<32x128xi1>, vector<32x128xf32>
    %select_n3A_674 = arith.select %and3A_666, %select_n3A_643, %select_n3A_641 : vector<32x128xi1>, vector<32x128xi32>
    %select_n3A_675 = arith.select %and3A_666, %select_n3A_644, %select_n3A_642 : vector<32x128xi1>, vector<32x128xf32>
    %select_n3A_676 = arith.select %and3A_666, %select_n3A_645, %select_n3A_643 : vector<32x128xi1>, vector<32x128xi32>
    %select_n3A_677 = arith.select %and3A_666, %select_n3A_648, %select_n3A_644 : vector<32x128xi1>, vector<32x128xf32>
    %select_n3A_678 = arith.select %and3A_666, %select_n3A_613, %select_n3A_645 : vector<32x128xi1>, vector<32x128xi32>
    %jit3A_679 = arith.constant -3.000000e+38 : f32
    %broadcast_in_dim3A_680 = vector.broadcast %jit3A_679 : f32 to vector<32x128xf32>
    %select_n3A_681 = arith.select %and3A_666, %broadcast_in_dim3A_680, %select_n3A_648 : vector<32x128xi1>, vector<32x128xf32>
    %mul3A_682 = arith.constant 128 : i32
    %mul3A_683 = vector.broadcast %mul3A_682 : i32 to vector<32x128xi32>
    %mul3A_684 = arith.muli %select_n3A_674, %mul3A_683 : vector<32x128xi32>
    %add3A_685 = arith.addi %mul3A_684, %iota3A_615 : vector<32x128xi32>
    %reduce_max3A_686 = arith.constant dense<0xFF800000> : vector<32xf32>
    %reduce_max3A_687 = vector.multi_reduction <maximumf>, %select_n3A_673, %reduce_max3A_686 [1] : vector<32x128xf32> to vector<32xf32>
    %broadcast_in_dim3A_688 = vector.shape_cast %reduce_max3A_687 : vector<32xf32> to vector<32x1xf32>
    %eq3A_689 = vector.broadcast %broadcast_in_dim3A_688 : vector<32x1xf32> to vector<32x128xf32>
    %eq3A_690 = arith.cmpf oeq, %select_n3A_673, %eq3A_689 : vector<32x128xf32>
    %jit3A_691 = arith.constant 1073741824 : i32
    %broadcast_in_dim3A_692 = vector.broadcast %jit3A_691 : i32 to vector<32x128xi32>
    %select_n3A_693 = arith.select %eq3A_690, %add3A_685, %broadcast_in_dim3A_692 : vector<32x128xi1>, vector<32x128xi32>
    %reduce_min3A_694 = arith.constant dense<2147483647> : vector<32xi32>
    %reduce_min3A_695 = vector.multi_reduction <minsi>, %select_n3A_693, %reduce_min3A_694 [1] : vector<32x128xi32> to vector<32xi32>
    %broadcast_in_dim3A_696 = vector.shape_cast %reduce_min3A_695 : vector<32xi32> to vector<32x1xi32>
    %eq3A_697 = vector.broadcast %broadcast_in_dim3A_696 : vector<32x1xi32> to vector<32x128xi32>
    %eq3A_698 = arith.cmpi eq, %add3A_685, %eq3A_697 : vector<32x128xi32>
    %and3A_699 = arith.andi %eq3A_690, %eq3A_698 : vector<32x128xi1>
    %swap3A_700 = arith.constant 32 : index
    %swap3A_701 = arith.constant 2 : index
    %swap3A_702 = vector.load %arg7[%swap3A_700, %swap3A_701] : memref<64x6xf32, #tpu.memory_space<vmem>>, vector<32x1xf32>
    tpu.vector_store %arg7[%swap3A_700, %swap3A_701], %broadcast_in_dim3A_688 {strides = array<i32>} : memref<64x6xf32, #tpu.memory_space<vmem>>, vector<32x1xf32>,
    %swap3A_703 = arith.constant 32 : index
    %swap3A_704 = arith.constant 2 : index
    %swap3A_705 = vector.load %arg8[%swap3A_703, %swap3A_704] : memref<64x6xi32, #tpu.memory_space<vmem>>, vector<32x1xi32>
    tpu.vector_store %arg8[%swap3A_703, %swap3A_704], %broadcast_in_dim3A_696 {strides = array<i32>} : memref<64x6xi32, #tpu.memory_space<vmem>>, vector<32x1xi32>,
    %select_n3A_706 = arith.select %and3A_699, %select_n3A_675, %select_n3A_673 : vector<32x128xi1>, vector<32x128xf32>
    %select_n3A_707 = arith.select %and3A_699, %select_n3A_676, %select_n3A_674 : vector<32x128xi1>, vector<32x128xi32>
    %select_n3A_708 = arith.select %and3A_699, %select_n3A_677, %select_n3A_675 : vector<32x128xi1>, vector<32x128xf32>
    %select_n3A_709 = arith.select %and3A_699, %select_n3A_678, %select_n3A_676 : vector<32x128xi1>, vector<32x128xi32>
    %select_n3A_710 = arith.select %and3A_699, %select_n3A_681, %select_n3A_677 : vector<32x128xi1>, vector<32x128xf32>
    %select_n3A_711 = arith.select %and3A_699, %select_n3A_613, %select_n3A_678 : vector<32x128xi1>, vector<32x128xi32>
    %mul3A_712 = arith.constant 128 : i32
    %mul3A_713 = vector.broadcast %mul3A_712 : i32 to vector<32x128xi32>
    %mul3A_714 = arith.muli %select_n3A_707, %mul3A_713 : vector<32x128xi32>
    %add3A_715 = arith.addi %mul3A_714, %iota3A_615 : vector<32x128xi32>
    %reduce_max3A_716 = arith.constant dense<0xFF800000> : vector<32xf32>
    %reduce_max3A_717 = vector.multi_reduction <maximumf>, %select_n3A_706, %reduce_max3A_716 [1] : vector<32x128xf32> to vector<32xf32>
    %broadcast_in_dim3A_718 = vector.shape_cast %reduce_max3A_717 : vector<32xf32> to vector<32x1xf32>
    %eq3A_719 = vector.broadcast %broadcast_in_dim3A_718 : vector<32x1xf32> to vector<32x128xf32>
    %eq3A_720 = arith.cmpf oeq, %select_n3A_706, %eq3A_719 : vector<32x128xf32>
    %jit3A_721 = arith.constant 1073741824 : i32
    %broadcast_in_dim3A_722 = vector.broadcast %jit3A_721 : i32 to vector<32x128xi32>
    %select_n3A_723 = arith.select %eq3A_720, %add3A_715, %broadcast_in_dim3A_722 : vector<32x128xi1>, vector<32x128xi32>
    %reduce_min3A_724 = arith.constant dense<2147483647> : vector<32xi32>
    %reduce_min3A_725 = vector.multi_reduction <minsi>, %select_n3A_723, %reduce_min3A_724 [1] : vector<32x128xi32> to vector<32xi32>
    %broadcast_in_dim3A_726 = vector.shape_cast %reduce_min3A_725 : vector<32xi32> to vector<32x1xi32>
    %eq3A_727 = vector.broadcast %broadcast_in_dim3A_726 : vector<32x1xi32> to vector<32x128xi32>
    %eq3A_728 = arith.cmpi eq, %add3A_715, %eq3A_727 : vector<32x128xi32>
    %and3A_729 = arith.andi %eq3A_720, %eq3A_728 : vector<32x128xi1>
    %swap3A_730 = arith.constant 32 : index
    %swap3A_731 = arith.constant 3 : index
    %swap3A_732 = vector.load %arg7[%swap3A_730, %swap3A_731] : memref<64x6xf32, #tpu.memory_space<vmem>>, vector<32x1xf32>
    tpu.vector_store %arg7[%swap3A_730, %swap3A_731], %broadcast_in_dim3A_718 {strides = array<i32>} : memref<64x6xf32, #tpu.memory_space<vmem>>, vector<32x1xf32>,
    %swap3A_733 = arith.constant 32 : index
    %swap3A_734 = arith.constant 3 : index
    %swap3A_735 = vector.load %arg8[%swap3A_733, %swap3A_734] : memref<64x6xi32, #tpu.memory_space<vmem>>, vector<32x1xi32>
    tpu.vector_store %arg8[%swap3A_733, %swap3A_734], %broadcast_in_dim3A_726 {strides = array<i32>} : memref<64x6xi32, #tpu.memory_space<vmem>>, vector<32x1xi32>,
    %select_n3A_736 = arith.select %and3A_729, %select_n3A_708, %select_n3A_706 : vector<32x128xi1>, vector<32x128xf32>
    %select_n3A_737 = arith.select %and3A_729, %select_n3A_709, %select_n3A_707 : vector<32x128xi1>, vector<32x128xi32>
    %select_n3A_738 = arith.select %and3A_729, %select_n3A_710, %select_n3A_708 : vector<32x128xi1>, vector<32x128xf32>
    %select_n3A_739 = arith.select %and3A_729, %select_n3A_711, %select_n3A_709 : vector<32x128xi1>, vector<32x128xi32>
    %mul3A_740 = arith.constant 128 : i32
    %mul3A_741 = vector.broadcast %mul3A_740 : i32 to vector<32x128xi32>
    %mul3A_742 = arith.muli %select_n3A_737, %mul3A_741 : vector<32x128xi32>
    %add3A_743 = arith.addi %mul3A_742, %iota3A_615 : vector<32x128xi32>
    %reduce_max3A_744 = arith.constant dense<0xFF800000> : vector<32xf32>
    %reduce_max3A_745 = vector.multi_reduction <maximumf>, %select_n3A_736, %reduce_max3A_744 [1] : vector<32x128xf32> to vector<32xf32>
    %broadcast_in_dim3A_746 = vector.shape_cast %reduce_max3A_745 : vector<32xf32> to vector<32x1xf32>
    %eq3A_747 = vector.broadcast %broadcast_in_dim3A_746 : vector<32x1xf32> to vector<32x128xf32>
    %eq3A_748 = arith.cmpf oeq, %select_n3A_736, %eq3A_747 : vector<32x128xf32>
    %jit3A_749 = arith.constant 1073741824 : i32
    %broadcast_in_dim3A_750 = vector.broadcast %jit3A_749 : i32 to vector<32x128xi32>
    %select_n3A_751 = arith.select %eq3A_748, %add3A_743, %broadcast_in_dim3A_750 : vector<32x128xi1>, vector<32x128xi32>
    %reduce_min3A_752 = arith.constant dense<2147483647> : vector<32xi32>
    %reduce_min3A_753 = vector.multi_reduction <minsi>, %select_n3A_751, %reduce_min3A_752 [1] : vector<32x128xi32> to vector<32xi32>
    %broadcast_in_dim3A_754 = vector.shape_cast %reduce_min3A_753 : vector<32xi32> to vector<32x1xi32>
    %eq3A_755 = vector.broadcast %broadcast_in_dim3A_754 : vector<32x1xi32> to vector<32x128xi32>
    %eq3A_756 = arith.cmpi eq, %add3A_743, %eq3A_755 : vector<32x128xi32>
    %and3A_757 = arith.andi %eq3A_748, %eq3A_756 : vector<32x128xi1>
    %swap3A_758 = arith.constant 32 : index
    %swap3A_759 = arith.constant 4 : index
    %swap3A_760 = vector.load %arg7[%swap3A_758, %swap3A_759] : memref<64x6xf32, #tpu.memory_space<vmem>>, vector<32x1xf32>
    tpu.vector_store %arg7[%swap3A_758, %swap3A_759], %broadcast_in_dim3A_746 {strides = array<i32>} : memref<64x6xf32, #tpu.memory_space<vmem>>, vector<32x1xf32>,
    %swap3A_761 = arith.constant 32 : index
    %swap3A_762 = arith.constant 4 : index
    %swap3A_763 = vector.load %arg8[%swap3A_761, %swap3A_762] : memref<64x6xi32, #tpu.memory_space<vmem>>, vector<32x1xi32>
    tpu.vector_store %arg8[%swap3A_761, %swap3A_762], %broadcast_in_dim3A_754 {strides = array<i32>} : memref<64x6xi32, #tpu.memory_space<vmem>>, vector<32x1xi32>,
    %select_n3A_764 = arith.select %and3A_757, %select_n3A_738, %select_n3A_736 : vector<32x128xi1>, vector<32x128xf32>
    %select_n3A_765 = arith.select %and3A_757, %select_n3A_739, %select_n3A_737 : vector<32x128xi1>, vector<32x128xi32>
    %mul3A_766 = arith.constant 128 : i32
    %mul3A_767 = vector.broadcast %mul3A_766 : i32 to vector<32x128xi32>
    %mul3A_768 = arith.muli %select_n3A_765, %mul3A_767 : vector<32x128xi32>
    %add3A_769 = arith.addi %mul3A_768, %iota3A_615 : vector<32x128xi32>
    %reduce_max3A_770 = arith.constant dense<0xFF800000> : vector<32xf32>
    %reduce_max3A_771 = vector.multi_reduction <maximumf>, %select_n3A_764, %reduce_max3A_770 [1] : vector<32x128xf32> to vector<32xf32>
    %broadcast_in_dim3A_772 = vector.shape_cast %reduce_max3A_771 : vector<32xf32> to vector<32x1xf32>
    %eq3A_773 = vector.broadcast %broadcast_in_dim3A_772 : vector<32x1xf32> to vector<32x128xf32>
    %eq3A_774 = arith.cmpf oeq, %select_n3A_764, %eq3A_773 : vector<32x128xf32>
    %jit3A_775 = arith.constant 1073741824 : i32
    %broadcast_in_dim3A_776 = vector.broadcast %jit3A_775 : i32 to vector<32x128xi32>
    %select_n3A_777 = arith.select %eq3A_774, %add3A_769, %broadcast_in_dim3A_776 : vector<32x128xi1>, vector<32x128xi32>
    %reduce_min3A_778 = arith.constant dense<2147483647> : vector<32xi32>
    %reduce_min3A_779 = vector.multi_reduction <minsi>, %select_n3A_777, %reduce_min3A_778 [1] : vector<32x128xi32> to vector<32xi32>
    %broadcast_in_dim3A_780 = vector.shape_cast %reduce_min3A_779 : vector<32xi32> to vector<32x1xi32>
    %swap3A_781 = arith.constant 32 : index
    %swap3A_782 = arith.constant 5 : index
    %swap3A_783 = vector.load %arg7[%swap3A_781, %swap3A_782] : memref<64x6xf32, #tpu.memory_space<vmem>>, vector<32x1xf32>
    tpu.vector_store %arg7[%swap3A_781, %swap3A_782], %broadcast_in_dim3A_772 {strides = array<i32>} : memref<64x6xf32, #tpu.memory_space<vmem>>, vector<32x1xf32>,
    %swap3A_784 = arith.constant 32 : index
    %swap3A_785 = arith.constant 5 : index
    %swap3A_786 = vector.load %arg8[%swap3A_784, %swap3A_785] : memref<64x6xi32, #tpu.memory_space<vmem>>, vector<32x1xi32>
    tpu.vector_store %arg8[%swap3A_784, %swap3A_785], %broadcast_in_dim3A_780 {strides = array<i32>} : memref<64x6xi32, #tpu.memory_space<vmem>>, vector<32x1xi32>,
    %get3A_787 = arith.constant 0 : index
    %get3A_788 = arith.constant 0 : index
    %get3A_789 = vector.load %arg7[%get3A_787, %get3A_788] : memref<64x6xf32, #tpu.memory_space<vmem>>, vector<64x6xf32>
    %get3A_790 = arith.constant 0 : index
    %get3A_791 = arith.constant 0 : index
    %get3A_792 = vector.load %arg8[%get3A_790, %get3A_791] : memref<64x6xi32, #tpu.memory_space<vmem>>, vector<64x6xi32>
    %get3A_793 = arith.constant 0 : index
    %get3A_794 = arith.constant 0 : index
    %get3A_795 = vector.load %arg4[%get3A_793, %get3A_794] : memref<64x32768xf32, #tpu.memory_space<vmem>>, vector<64x1xf32>
    %get3A_796 = arith.constant 0 : index
    %get3A_797 = arith.constant 2 : index
    %get3A_798 = vector.load %arg4[%get3A_796, %get3A_797] : memref<64x32768xf32, #tpu.memory_space<vmem>>, vector<64x1xf32>
    %get3A_799 = arith.constant 0 : index
    %get3A_800 = arith.constant 0 : index
    %get3A_801 = vector.load %arg1[%get3A_799, %get3A_800] : memref<64x1xf32, #tpu.memory_space<vmem>>, vector<64x1xf32>
    %get3A_802 = arith.constant 0 : index
    %get3A_803 = arith.constant 0 : index
    %get3A_804 = vector.load %arg2[%get3A_802, %get3A_803] : memref<64x1xi32, #tpu.memory_space<vmem>>, vector<64x1xi32>
    %ne3A = arith.constant 0 : i32
    %ne3A_805 = vector.broadcast %ne3A : i32 to vector<64x1xi32>
    %ne3A_806 = arith.cmpi ne, %get3A_804, %ne3A_805 : vector<64x1xi32>
    %iota3A_807 = tpu.iota {dimensions = array<i32: 0>} : vector<64x1xi32>
    %add3A_808 = arith.constant 0 : i32
    %add3A_809 = vector.broadcast %add3A_808 : i32 to vector<64x1xi32>
    %add3A_810 = arith.addi %add3A_809, %iota3A_807 : vector<64x1xi32>
    %jit3A_811 = arith.constant 4 : i32
    %eq3A_812 = arith.constant 0 : i32
    %eq3A_813 = arith.cmpi eq, %jit3A_811, %eq3A_812 : i32
    %jit3A_814 = arith.constant 1 : i32
    %select_n3A_815 = arith.select %eq3A_813, %jit3A_814, %jit3A_811 : i32
    %rem3A = vector.broadcast %select_n3A_815 : i32 to vector<64x1xi32>
    %rem3A_816 = arith.remsi %add3A_810, %rem3A : vector<64x1xi32>
    %ne3A_817 = arith.constant 0 : i32
    %ne3A_818 = vector.broadcast %ne3A_817 : i32 to vector<64x1xi32>
    %ne3A_819 = arith.cmpi ne, %rem3A_816, %ne3A_818 : vector<64x1xi32>
    %lt3A = arith.constant 0 : i32
    %lt3A_820 = vector.broadcast %lt3A : i32 to vector<64x1xi32>
    %lt3A_821 = arith.cmpi slt, %rem3A_816, %lt3A_820 : vector<64x1xi32>
    %lt3A_822 = arith.constant 0 : i32
    %lt3A_823 = arith.cmpi slt, %select_n3A_815, %lt3A_822 : i32
    %ne3A_824 = vector.broadcast %lt3A_823 : i1 to vector<64x1xi1>
    %ne3A_825 = vector.broadcast %ne3A_824 : vector<64x1xi1> to vector<64x1xi1>
    %ne3A_826 = arith.xori %lt3A_821, %ne3A_825 : vector<64x1xi1>
    %and3A_827 = arith.andi %ne3A_826, %ne3A_819 : vector<64x1xi1>
    %add3A_828 = vector.broadcast %select_n3A_815 : i32 to vector<64x1xi32>
    %add3A_829 = arith.addi %rem3A_816, %add3A_828 : vector<64x1xi32>
    %select_n3A_830 = arith.select %and3A_827, %add3A_829, %rem3A_816 : vector<64x1xi1>, vector<64x1xi32>
    %mul3A_831 = arith.constant 32768 : i32
    %mul3A_832 = vector.broadcast %mul3A_831 : i32 to vector<64x1xi32>
    %mul3A_833 = arith.muli %select_n3A_830, %mul3A_832 : vector<64x1xi32>
    %iota3A_834 = tpu.iota {dimensions = array<i32: 1>} : vector<64x6xi32>
    %lt3A_835 = arith.constant 4 : i32
    %lt3A_836 = vector.broadcast %lt3A_835 : i32 to vector<64x6xi32>
    %lt3A_837 = arith.cmpi slt, %iota3A_834, %lt3A_836 : vector<64x6xi32>
    %add3A_838 = vector.broadcast %mul3A_833 : vector<64x1xi32> to vector<64x6xi32>
    %add3A_839 = arith.addi %add3A_838, %iota3A_834 : vector<64x6xi32>
    %add3A_840 = arith.constant 1 : i32
    %add3A_841 = vector.broadcast %add3A_840 : i32 to vector<64x6xi32>
    %add3A_842 = arith.addi %add3A_839, %add3A_841 : vector<64x6xi32>
    %add3A_843 = arith.constant 1073741824 : i32
    %add3A_844 = vector.broadcast %add3A_843 : i32 to vector<64x1xi32>
    %add3A_845 = arith.addi %add3A_844, %mul3A_833 : vector<64x1xi32>
    %add3A_846 = vector.broadcast %add3A_845 : vector<64x1xi32> to vector<64x6xi32>
    %add3A_847 = arith.addi %add3A_846, %iota3A_834 : vector<64x6xi32>
    %select_n3A_848 = arith.select %lt3A_837, %add3A_842, %add3A_847 : vector<64x6xi1>, vector<64x6xi32>
    %jit3A_849 = arith.constant 0.000000e+00 : f32
    %broadcast_in_dim3A_850 = vector.shape_cast %ne3A_806 : vector<64x1xi1> to vector<64x1xi1>
    %broadcast_in_dim3A_851 = vector.broadcast %broadcast_in_dim3A_850 : vector<64x1xi1> to vector<64x6xi1>
    %broadcast_in_dim3A_852 = vector.broadcast %jit3A_849 : f32 to vector<64x6xf32>
    %select_n3A_853 = arith.select %broadcast_in_dim3A_851, %broadcast_in_dim3A_852, %get3A_789 : vector<64x6xi1>, vector<64x6xf32>
    %add3A_854 = vector.broadcast %mul3A_833 : vector<64x1xi32> to vector<64x6xi32>
    %add3A_855 = arith.addi %add3A_854, %get3A_792 : vector<64x6xi32>
    %broadcast_in_dim3A_856 = vector.shape_cast %ne3A_806 : vector<64x1xi1> to vector<64x1xi1>
    %broadcast_in_dim3A_857 = vector.broadcast %broadcast_in_dim3A_856 : vector<64x1xi1> to vector<64x6xi1>
    %select_n3A_858 = arith.select %broadcast_in_dim3A_857, %select_n3A_848, %add3A_855 : vector<64x6xi1>, vector<64x6xi32>
    %mul3A_859 = arith.mulf %get3A_801, %get3A_795 : vector<64x1xf32>
    %select_n3A_860 = arith.select %ne3A_806, %get3A_801, %mul3A_859 : vector<64x1xi1>, vector<64x1xf32>
    %mul3A_861 = arith.mulf %get3A_801, %get3A_798 : vector<64x1xf32>
    %jit3A_862 = arith.constant 0.000000e+00 : f32
    %broadcast_in_dim3A_863 = vector.broadcast %jit3A_862 : f32 to vector<64x1xf32>
    %select_n3A_864 = arith.select %ne3A_806, %broadcast_in_dim3A_863, %mul3A_861 : vector<64x1xi1>, vector<64x1xf32>
    %add3A_865 = arith.constant 1073741824 : i32
    %add3A_866 = vector.broadcast %add3A_865 : i32 to vector<64x1xi32>
    %add3A_867 = arith.addi %add3A_866, %mul3A_833 : vector<64x1xi32>
    %add3A_868 = arith.constant 7 : i32
    %add3A_869 = vector.broadcast %add3A_868 : i32 to vector<64x1xi32>
    %add3A_870 = arith.addi %add3A_867, %add3A_869 : vector<64x1xi32>
    %add3A_871 = arith.constant 2 : i32
    %add3A_872 = vector.broadcast %add3A_871 : i32 to vector<64x1xi32>
    %add3A_873 = arith.addi %mul3A_833, %add3A_872 : vector<64x1xi32>
    %select_n3A_874 = arith.select %ne3A_806, %add3A_870, %add3A_873 : vector<64x1xi1>, vector<64x1xi32>
    %concatenate3A = tpu.concatenate %select_n3A_853, %select_n3A_860, %select_n3A_864 in 1 : vector<64x6xf32>, vector<64x1xf32>, vector<64x1xf32> -> vector<64x8xf32>
    %swap3A_875 = arith.constant 0 : index
    %swap3A_876 = arith.constant 0 : index
    %swap3A_877 = vector.load %arg5[%swap3A_875, %swap3A_876] : memref<64x8xf32, #tpu.memory_space<vmem>>, vector<64x8xf32>
    tpu.vector_store %arg5[%swap3A_875, %swap3A_876], %concatenate3A {strides = array<i32>} : memref<64x8xf32, #tpu.memory_space<vmem>>, vector<64x8xf32>,
    %concatenate3A_878 = tpu.concatenate %select_n3A_858, %mul3A_833, %select_n3A_874 in 1 : vector<64x6xi32>, vector<64x1xi32>, vector<64x1xi32> -> vector<64x8xi32>
    %swap3A_879 = arith.constant 0 : index
    %swap3A_880 = arith.constant 0 : index
    %swap3A_881 = vector.load %arg6[%swap3A_879, %swap3A_880] : memref<64x8xi32, #tpu.memory_space<vmem>>, vector<64x8xi32>
    tpu.vector_store %arg6[%swap3A_879, %swap3A_880], %concatenate3A_878 {strides = array<i32>} : memref<64x8xi32, #tpu.memory_space<vmem>>, vector<64x8xi32>,
    return
  }
  func.func @transform_0(%arg0: i32) -> (i32, i32) {
    %c0_i32 = arith.constant 0 : i32
    %c0_i32_0 = arith.constant 0 : i32
    return %arg0, %c0_i32 : i32, i32
  }
  func.func @transform_1(%arg0: i32) -> (i32, i32) {
    %c0_i32 = arith.constant 0 : i32
    %c0_i32_0 = arith.constant 0 : i32
    return %arg0, %c0_i32 : i32, i32
  }
  func.func @transform_2(%arg0: i32) -> (i32, i32) {
    %c0_i32 = arith.constant 0 : i32
    %c0_i32_0 = arith.constant 0 : i32
    return %arg0, %c0_i32 : i32, i32
  }
  func.func @transform_3(%arg0: i32) -> (i32, i32) {
    %c0_i32 = arith.constant 0 : i32
    %c0_i32_0 = arith.constant 0 : i32
    return %arg0, %c0_i32 : i32, i32
  }
  func.func @transform_4(%arg0: i32) -> (i32, i32) {
    %c0_i32 = arith.constant 0 : i32
    %c0_i32_0 = arith.constant 0 : i32
    return %arg0, %c0_i32 : i32, i32
  }
  func.func @transform_5(%arg0: i32) -> (i32, i32) {
    %c0_i32 = arith.constant 0 : i32
    %c0_i32_0 = arith.constant 0 : i32
    return %arg0, %c0_i32 : i32, i32
  }
}

module attributes {stable_mosaic.version = 14 : i64} {
  func.func @_epi_kernel(%arg0: memref<128x1xf32, #tpu.memory_space<vmem>>, %arg1: memref<128x1xi32, #tpu.memory_space<vmem>>, %arg2: memref<128x6xf32, #tpu.memory_space<vmem>>, %arg3: memref<128x6xi32, #tpu.memory_space<vmem>>, %arg4: memref<128x128xf32, #tpu.memory_space<vmem>>, %arg5: memref<128x8xf32, #tpu.memory_space<vmem>>, %arg6: memref<128x8xi32, #tpu.memory_space<vmem>>) attributes {dimension_semantics = [], scalar_prefetch = 0 : i64, scratch_operands = 0 : i64, tpu.core_type = #tpu.core_type<tc>} {
    %get3A = arith.constant 0 : index
    %get3A_0 = arith.constant 0 : index
    %get3A_1 = vector.load %arg2[%get3A, %get3A_0] : memref<128x6xf32, #tpu.memory_space<vmem>>, vector<128x6xf32>
    %get3A_2 = arith.constant 0 : index
    %get3A_3 = arith.constant 0 : index
    %get3A_4 = vector.load %arg3[%get3A_2, %get3A_3] : memref<128x6xi32, #tpu.memory_space<vmem>>, vector<128x6xi32>
    %get3A_5 = arith.constant 0 : index
    %get3A_6 = arith.constant 0 : index
    %get3A_7 = vector.load %arg4[%get3A_5, %get3A_6] : memref<128x128xf32, #tpu.memory_space<vmem>>, vector<128x1xf32>
    %get3A_8 = arith.constant 0 : index
    %get3A_9 = arith.constant 2 : index
    %get3A_10 = vector.load %arg4[%get3A_8, %get3A_9] : memref<128x128xf32, #tpu.memory_space<vmem>>, vector<128x1xf32>
    %get3A_11 = arith.constant 0 : index
    %get3A_12 = arith.constant 0 : index
    %get3A_13 = vector.load %arg0[%get3A_11, %get3A_12] : memref<128x1xf32, #tpu.memory_space<vmem>>, vector<128x1xf32>
    %get3A_14 = arith.constant 0 : index
    %get3A_15 = arith.constant 0 : index
    %get3A_16 = vector.load %arg1[%get3A_14, %get3A_15] : memref<128x1xi32, #tpu.memory_space<vmem>>, vector<128x1xi32>
    %ne3A = arith.constant 0 : i32
    %ne3A_17 = vector.broadcast %ne3A : i32 to vector<128x1xi32>
    %ne3A_18 = arith.cmpi ne, %get3A_16, %ne3A_17 : vector<128x1xi32>
    %iota3A = tpu.iota {dimensions = array<i32: 0>} : vector<128x1xi32>
    %add3A = arith.constant 384 : i32
    %add3A_19 = vector.broadcast %add3A : i32 to vector<128x1xi32>
    %add3A_20 = arith.addi %add3A_19, %iota3A : vector<128x1xi32>
    %jit3A = arith.constant 4 : i32
    %eq3A = arith.constant 0 : i32
    %eq3A_21 = arith.cmpi eq, %jit3A, %eq3A : i32
    %jit3A_22 = arith.constant 1 : i32
    %select_n3A = arith.select %eq3A_21, %jit3A_22, %jit3A : i32
    %rem3A = vector.broadcast %select_n3A : i32 to vector<128x1xi32>
    %rem3A_23 = arith.remsi %add3A_20, %rem3A : vector<128x1xi32>
    %ne3A_24 = arith.constant 0 : i32
    %ne3A_25 = vector.broadcast %ne3A_24 : i32 to vector<128x1xi32>
    %ne3A_26 = arith.cmpi ne, %rem3A_23, %ne3A_25 : vector<128x1xi32>
    %lt3A = arith.constant 0 : i32
    %lt3A_27 = vector.broadcast %lt3A : i32 to vector<128x1xi32>
    %lt3A_28 = arith.cmpi slt, %rem3A_23, %lt3A_27 : vector<128x1xi32>
    %lt3A_29 = arith.constant 0 : i32
    %lt3A_30 = arith.cmpi slt, %select_n3A, %lt3A_29 : i32
    %ne3A_31 = vector.broadcast %lt3A_30 : i1 to vector<128x1xi1>
    %ne3A_32 = vector.broadcast %ne3A_31 : vector<128x1xi1> to vector<128x1xi1>
    %ne3A_33 = arith.xori %lt3A_28, %ne3A_32 : vector<128x1xi1>
    %and3A = arith.andi %ne3A_33, %ne3A_26 : vector<128x1xi1>
    %add3A_34 = vector.broadcast %select_n3A : i32 to vector<128x1xi32>
    %add3A_35 = arith.addi %rem3A_23, %add3A_34 : vector<128x1xi32>
    %select_n3A_36 = arith.select %and3A, %add3A_35, %rem3A_23 : vector<128x1xi1>, vector<128x1xi32>
    %mul3A = arith.constant 32768 : i32
    %mul3A_37 = vector.broadcast %mul3A : i32 to vector<128x1xi32>
    %mul3A_38 = arith.muli %select_n3A_36, %mul3A_37 : vector<128x1xi32>
    %iota3A_39 = tpu.iota {dimensions = array<i32: 1>} : vector<128x6xi32>
    %lt3A_40 = arith.constant 4 : i32
    %lt3A_41 = vector.broadcast %lt3A_40 : i32 to vector<128x6xi32>
    %lt3A_42 = arith.cmpi slt, %iota3A_39, %lt3A_41 : vector<128x6xi32>
    %add3A_43 = vector.broadcast %mul3A_38 : vector<128x1xi32> to vector<128x6xi32>
    %add3A_44 = arith.addi %add3A_43, %iota3A_39 : vector<128x6xi32>
    %add3A_45 = arith.constant 1 : i32
    %add3A_46 = vector.broadcast %add3A_45 : i32 to vector<128x6xi32>
    %add3A_47 = arith.addi %add3A_44, %add3A_46 : vector<128x6xi32>
    %add3A_48 = arith.constant 1073741824 : i32
    %add3A_49 = vector.broadcast %add3A_48 : i32 to vector<128x1xi32>
    %add3A_50 = arith.addi %add3A_49, %mul3A_38 : vector<128x1xi32>
    %add3A_51 = vector.broadcast %add3A_50 : vector<128x1xi32> to vector<128x6xi32>
    %add3A_52 = arith.addi %add3A_51, %iota3A_39 : vector<128x6xi32>
    %select_n3A_53 = arith.select %lt3A_42, %add3A_47, %add3A_52 : vector<128x6xi1>, vector<128x6xi32>
    %jit3A_54 = arith.constant 0.000000e+00 : f32
    %broadcast_in_dim3A = vector.shape_cast %ne3A_18 : vector<128x1xi1> to vector<128x1xi1>
    %broadcast_in_dim3A_55 = vector.broadcast %broadcast_in_dim3A : vector<128x1xi1> to vector<128x6xi1>
    %broadcast_in_dim3A_56 = vector.broadcast %jit3A_54 : f32 to vector<128x6xf32>
    %select_n3A_57 = arith.select %broadcast_in_dim3A_55, %broadcast_in_dim3A_56, %get3A_1 : vector<128x6xi1>, vector<128x6xf32>
    %add3A_58 = vector.broadcast %mul3A_38 : vector<128x1xi32> to vector<128x6xi32>
    %add3A_59 = arith.addi %add3A_58, %get3A_4 : vector<128x6xi32>
    %broadcast_in_dim3A_60 = vector.shape_cast %ne3A_18 : vector<128x1xi1> to vector<128x1xi1>
    %broadcast_in_dim3A_61 = vector.broadcast %broadcast_in_dim3A_60 : vector<128x1xi1> to vector<128x6xi1>
    %select_n3A_62 = arith.select %broadcast_in_dim3A_61, %select_n3A_53, %add3A_59 : vector<128x6xi1>, vector<128x6xi32>
    %mul3A_63 = arith.mulf %get3A_13, %get3A_7 : vector<128x1xf32>
    %select_n3A_64 = arith.select %ne3A_18, %get3A_13, %mul3A_63 : vector<128x1xi1>, vector<128x1xf32>
    %mul3A_65 = arith.mulf %get3A_13, %get3A_10 : vector<128x1xf32>
    %jit3A_66 = arith.constant 0.000000e+00 : f32
    %broadcast_in_dim3A_67 = vector.broadcast %jit3A_66 : f32 to vector<128x1xf32>
    %select_n3A_68 = arith.select %ne3A_18, %broadcast_in_dim3A_67, %mul3A_65 : vector<128x1xi1>, vector<128x1xf32>
    %add3A_69 = arith.constant 1073741824 : i32
    %add3A_70 = vector.broadcast %add3A_69 : i32 to vector<128x1xi32>
    %add3A_71 = arith.addi %add3A_70, %mul3A_38 : vector<128x1xi32>
    %add3A_72 = arith.constant 7 : i32
    %add3A_73 = vector.broadcast %add3A_72 : i32 to vector<128x1xi32>
    %add3A_74 = arith.addi %add3A_71, %add3A_73 : vector<128x1xi32>
    %add3A_75 = arith.constant 2 : i32
    %add3A_76 = vector.broadcast %add3A_75 : i32 to vector<128x1xi32>
    %add3A_77 = arith.addi %mul3A_38, %add3A_76 : vector<128x1xi32>
    %select_n3A_78 = arith.select %ne3A_18, %add3A_74, %add3A_77 : vector<128x1xi1>, vector<128x1xi32>
    %concatenate3A = tpu.concatenate %select_n3A_57, %select_n3A_64, %select_n3A_68 in 1 : vector<128x6xf32>, vector<128x1xf32>, vector<128x1xf32> -> vector<128x8xf32>
    %swap3A = arith.constant 0 : index
    %swap3A_79 = arith.constant 0 : index
    %swap3A_80 = vector.load %arg5[%swap3A, %swap3A_79] : memref<128x8xf32, #tpu.memory_space<vmem>>, vector<128x8xf32>
    tpu.vector_store %arg5[%swap3A, %swap3A_79], %concatenate3A {strides = array<i32>} : memref<128x8xf32, #tpu.memory_space<vmem>>, vector<128x8xf32>,
    %concatenate3A_81 = tpu.concatenate %select_n3A_62, %mul3A_38, %select_n3A_78 in 1 : vector<128x6xi32>, vector<128x1xi32>, vector<128x1xi32> -> vector<128x8xi32>
    %swap3A_82 = arith.constant 0 : index
    %swap3A_83 = arith.constant 0 : index
    %swap3A_84 = vector.load %arg6[%swap3A_82, %swap3A_83] : memref<128x8xi32, #tpu.memory_space<vmem>>, vector<128x8xi32>
    tpu.vector_store %arg6[%swap3A_82, %swap3A_83], %concatenate3A_81 {strides = array<i32>} : memref<128x8xi32, #tpu.memory_space<vmem>>, vector<128x8xi32>,
    return
  }
}

module attributes {stable_mosaic.version = 14 : i64} {
  func.func @_merge_kernel(%arg0: memref<128x32xf32, #tpu.memory_space<vmem>>, %arg1: memref<128x32xi32, #tpu.memory_space<vmem>>, %arg2: memref<128x4xf32, #tpu.memory_space<vmem>>, %arg3: memref<128x4xi32, #tpu.memory_space<vmem>>, %arg4: memref<128x4xi32, #tpu.memory_space<vmem>>) attributes {dimension_semantics = [], scalar_prefetch = 0 : i64, scratch_operands = 0 : i64, tpu.core_type = #tpu.core_type<tc>} {
    %get3A = arith.constant 0 : index
    %get3A_0 = arith.constant 0 : index
    %get3A_1 = vector.load %arg0[%get3A, %get3A_0] : memref<128x32xf32, #tpu.memory_space<vmem>>, vector<128x32xf32>
    %get3A_2 = arith.constant 0 : index
    %get3A_3 = arith.constant 0 : index
    %get3A_4 = vector.load %arg1[%get3A_2, %get3A_3] : memref<128x32xi32, #tpu.memory_space<vmem>>, vector<128x32xi32>
    %iota3A = tpu.iota {dimensions = array<i32: 0>} : vector<128x1xi32>
    %reduce_max3A = arith.constant dense<0xFF800000> : vector<128xf32>
    %reduce_max3A_5 = vector.multi_reduction <maximumf>, %get3A_1, %reduce_max3A [1] : vector<128x32xf32> to vector<128xf32>
    %broadcast_in_dim3A = vector.shape_cast %reduce_max3A_5 : vector<128xf32> to vector<128x1xf32>
    %eq3A = vector.broadcast %broadcast_in_dim3A : vector<128x1xf32> to vector<128x32xf32>
    %eq3A_6 = arith.cmpf oeq, %get3A_1, %eq3A : vector<128x32xf32>
    %jit3A = arith.constant 2147483647 : i32
    %broadcast_in_dim3A_7 = vector.broadcast %jit3A : i32 to vector<128x32xi32>
    %select_n3A = arith.select %eq3A_6, %get3A_4, %broadcast_in_dim3A_7 : vector<128x32xi1>, vector<128x32xi32>
    %reduce_min3A = arith.constant dense<2147483647> : vector<128xi32>
    %reduce_min3A_8 = vector.multi_reduction <minsi>, %select_n3A, %reduce_min3A [1] : vector<128x32xi32> to vector<128xi32>
    %broadcast_in_dim3A_9 = vector.shape_cast %reduce_min3A_8 : vector<128xi32> to vector<128x1xi32>
    %eq3A_10 = vector.broadcast %broadcast_in_dim3A_9 : vector<128x1xi32> to vector<128x32xi32>
    %eq3A_11 = arith.cmpi eq, %get3A_4, %eq3A_10 : vector<128x32xi32>
    %and3A = arith.andi %eq3A_6, %eq3A_11 : vector<128x32xi1>
    %jit3A_12 = arith.constant 32768 : i32
    %eq3A_13 = arith.constant 0 : i32
    %eq3A_14 = arith.cmpi eq, %jit3A_12, %eq3A_13 : i32
    %jit3A_15 = arith.constant 1 : i32
    %select_n3A_16 = arith.select %eq3A_14, %jit3A_15, %jit3A_12 : i32
    %rem3A = vector.broadcast %select_n3A_16 : i32 to vector<128x1xi32>
    %rem3A_17 = arith.remsi %broadcast_in_dim3A_9, %rem3A : vector<128x1xi32>
    %ne3A = arith.constant 0 : i32
    %ne3A_18 = vector.broadcast %ne3A : i32 to vector<128x1xi32>
    %ne3A_19 = arith.cmpi ne, %rem3A_17, %ne3A_18 : vector<128x1xi32>
    %lt3A = arith.constant 0 : i32
    %lt3A_20 = vector.broadcast %lt3A : i32 to vector<128x1xi32>
    %lt3A_21 = arith.cmpi slt, %rem3A_17, %lt3A_20 : vector<128x1xi32>
    %lt3A_22 = arith.constant 0 : i32
    %lt3A_23 = arith.cmpi slt, %select_n3A_16, %lt3A_22 : i32
    %ne3A_24 = vector.broadcast %lt3A_23 : i1 to vector<128x1xi1>
    %ne3A_25 = vector.broadcast %ne3A_24 : vector<128x1xi1> to vector<128x1xi1>
    %ne3A_26 = arith.xori %lt3A_21, %ne3A_25 : vector<128x1xi1>
    %and3A_27 = arith.andi %ne3A_26, %ne3A_19 : vector<128x1xi1>
    %add3A = vector.broadcast %select_n3A_16 : i32 to vector<128x1xi32>
    %add3A_28 = arith.addi %rem3A_17, %add3A : vector<128x1xi32>
    %select_n3A_29 = arith.select %and3A_27, %add3A_28, %rem3A_17 : vector<128x1xi1>, vector<128x1xi32>
    %mul3A = arith.constant 4 : i32
    %mul3A_30 = vector.broadcast %mul3A : i32 to vector<128x1xi32>
    %mul3A_31 = arith.muli %iota3A, %mul3A_30 : vector<128x1xi32>
    %jit3A_32 = arith.constant 32768 : i32
    %div3A = vector.broadcast %jit3A_32 : i32 to vector<128x1xi32>
    %div3A_33 = arith.divsi %broadcast_in_dim3A_9, %div3A : vector<128x1xi32>
    %sign3A = arith.constant 0 : i32
    %sign3A_34 = vector.broadcast %sign3A : i32 to vector<128x1xi32>
    %sign3A_35 = arith.cmpi sgt, %broadcast_in_dim3A_9, %sign3A_34 : vector<128x1xi32>
    %sign3A_36 = arith.extui %sign3A_35 : vector<128x1xi1> to vector<128x1xi32>
    %sign3A_37 = arith.constant 0 : i32
    %sign3A_38 = vector.broadcast %sign3A_37 : i32 to vector<128x1xi32>
    %sign3A_39 = arith.cmpi slt, %broadcast_in_dim3A_9, %sign3A_38 : vector<128x1xi32>
    %sign3A_40 = arith.extui %sign3A_39 : vector<128x1xi1> to vector<128x1xi32>
    %sign3A_41 = arith.subi %sign3A_36, %sign3A_40 : vector<128x1xi32>
    %sign3A_42 = arith.constant 0 : i32
    %sign3A_43 = arith.cmpi sgt, %jit3A_32, %sign3A_42 : i32
    %sign3A_44 = arith.extui %sign3A_43 : i1 to i32
    %sign3A_45 = arith.constant 0 : i32
    %sign3A_46 = arith.cmpi slt, %jit3A_32, %sign3A_45 : i32
    %sign3A_47 = arith.extui %sign3A_46 : i1 to i32
    %sign3A_48 = arith.subi %sign3A_44, %sign3A_47 : i32
    %ne3A_49 = vector.broadcast %sign3A_48 : i32 to vector<128x1xi32>
    %ne3A_50 = arith.cmpi ne, %sign3A_41, %ne3A_49 : vector<128x1xi32>
    %rem3A_51 = vector.broadcast %jit3A_32 : i32 to vector<128x1xi32>
    %rem3A_52 = arith.remsi %broadcast_in_dim3A_9, %rem3A_51 : vector<128x1xi32>
    %ne3A_53 = arith.constant 0 : i32
    %ne3A_54 = vector.broadcast %ne3A_53 : i32 to vector<128x1xi32>
    %ne3A_55 = arith.cmpi ne, %rem3A_52, %ne3A_54 : vector<128x1xi32>
    %and3A_56 = arith.andi %ne3A_50, %ne3A_55 : vector<128x1xi1>
    %sub3A = arith.constant 1 : i32
    %sub3A_57 = vector.broadcast %sub3A : i32 to vector<128x1xi32>
    %sub3A_58 = arith.subi %div3A_33, %sub3A_57 : vector<128x1xi32>
    %select_n3A_59 = arith.select %and3A_56, %sub3A_58, %div3A_33 : vector<128x1xi1>, vector<128x1xi32>
    %add3A_60 = arith.addi %mul3A_31, %select_n3A_59 : vector<128x1xi32>
    %jit3A_61 = arith.constant -3.000000e+38 : f32
    %broadcast_in_dim3A_62 = vector.broadcast %jit3A_61 : f32 to vector<128x32xf32>
    %select_n3A_63 = arith.select %and3A, %broadcast_in_dim3A_62, %get3A_1 : vector<128x32xi1>, vector<128x32xf32>
    %reduce_max3A_64 = arith.constant dense<0xFF800000> : vector<128xf32>
    %reduce_max3A_65 = vector.multi_reduction <maximumf>, %select_n3A_63, %reduce_max3A_64 [1] : vector<128x32xf32> to vector<128xf32>
    %broadcast_in_dim3A_66 = vector.shape_cast %reduce_max3A_65 : vector<128xf32> to vector<128x1xf32>
    %eq3A_67 = vector.broadcast %broadcast_in_dim3A_66 : vector<128x1xf32> to vector<128x32xf32>
    %eq3A_68 = arith.cmpf oeq, %select_n3A_63, %eq3A_67 : vector<128x32xf32>
    %jit3A_69 = arith.constant 2147483647 : i32
    %broadcast_in_dim3A_70 = vector.broadcast %jit3A_69 : i32 to vector<128x32xi32>
    %select_n3A_71 = arith.select %eq3A_68, %get3A_4, %broadcast_in_dim3A_70 : vector<128x32xi1>, vector<128x32xi32>
    %reduce_min3A_72 = arith.constant dense<2147483647> : vector<128xi32>
    %reduce_min3A_73 = vector.multi_reduction <minsi>, %select_n3A_71, %reduce_min3A_72 [1] : vector<128x32xi32> to vector<128xi32>
    %broadcast_in_dim3A_74 = vector.shape_cast %reduce_min3A_73 : vector<128xi32> to vector<128x1xi32>
    %eq3A_75 = vector.broadcast %broadcast_in_dim3A_74 : vector<128x1xi32> to vector<128x32xi32>
    %eq3A_76 = arith.cmpi eq, %get3A_4, %eq3A_75 : vector<128x32xi32>
    %and3A_77 = arith.andi %eq3A_68, %eq3A_76 : vector<128x32xi1>
    %jit3A_78 = arith.constant 32768 : i32
    %eq3A_79 = arith.constant 0 : i32
    %eq3A_80 = arith.cmpi eq, %jit3A_78, %eq3A_79 : i32
    %jit3A_81 = arith.constant 1 : i32
    %select_n3A_82 = arith.select %eq3A_80, %jit3A_81, %jit3A_78 : i32
    %rem3A_83 = vector.broadcast %select_n3A_82 : i32 to vector<128x1xi32>
    %rem3A_84 = arith.remsi %broadcast_in_dim3A_74, %rem3A_83 : vector<128x1xi32>
    %ne3A_85 = arith.constant 0 : i32
    %ne3A_86 = vector.broadcast %ne3A_85 : i32 to vector<128x1xi32>
    %ne3A_87 = arith.cmpi ne, %rem3A_84, %ne3A_86 : vector<128x1xi32>
    %lt3A_88 = arith.constant 0 : i32
    %lt3A_89 = vector.broadcast %lt3A_88 : i32 to vector<128x1xi32>
    %lt3A_90 = arith.cmpi slt, %rem3A_84, %lt3A_89 : vector<128x1xi32>
    %lt3A_91 = arith.constant 0 : i32
    %lt3A_92 = arith.cmpi slt, %select_n3A_82, %lt3A_91 : i32
    %ne3A_93 = vector.broadcast %lt3A_92 : i1 to vector<128x1xi1>
    %ne3A_94 = vector.broadcast %ne3A_93 : vector<128x1xi1> to vector<128x1xi1>
    %ne3A_95 = arith.xori %lt3A_90, %ne3A_94 : vector<128x1xi1>
    %and3A_96 = arith.andi %ne3A_95, %ne3A_87 : vector<128x1xi1>
    %add3A_97 = vector.broadcast %select_n3A_82 : i32 to vector<128x1xi32>
    %add3A_98 = arith.addi %rem3A_84, %add3A_97 : vector<128x1xi32>
    %select_n3A_99 = arith.select %and3A_96, %add3A_98, %rem3A_84 : vector<128x1xi1>, vector<128x1xi32>
    %mul3A_100 = arith.constant 4 : i32
    %mul3A_101 = vector.broadcast %mul3A_100 : i32 to vector<128x1xi32>
    %mul3A_102 = arith.muli %iota3A, %mul3A_101 : vector<128x1xi32>
    %jit3A_103 = arith.constant 32768 : i32
    %div3A_104 = vector.broadcast %jit3A_103 : i32 to vector<128x1xi32>
    %div3A_105 = arith.divsi %broadcast_in_dim3A_74, %div3A_104 : vector<128x1xi32>
    %sign3A_106 = arith.constant 0 : i32
    %sign3A_107 = vector.broadcast %sign3A_106 : i32 to vector<128x1xi32>
    %sign3A_108 = arith.cmpi sgt, %broadcast_in_dim3A_74, %sign3A_107 : vector<128x1xi32>
    %sign3A_109 = arith.extui %sign3A_108 : vector<128x1xi1> to vector<128x1xi32>
    %sign3A_110 = arith.constant 0 : i32
    %sign3A_111 = vector.broadcast %sign3A_110 : i32 to vector<128x1xi32>
    %sign3A_112 = arith.cmpi slt, %broadcast_in_dim3A_74, %sign3A_111 : vector<128x1xi32>
    %sign3A_113 = arith.extui %sign3A_112 : vector<128x1xi1> to vector<128x1xi32>
    %sign3A_114 = arith.subi %sign3A_109, %sign3A_113 : vector<128x1xi32>
    %sign3A_115 = arith.constant 0 : i32
    %sign3A_116 = arith.cmpi sgt, %jit3A_103, %sign3A_115 : i32
    %sign3A_117 = arith.extui %sign3A_116 : i1 to i32
    %sign3A_118 = arith.constant 0 : i32
    %sign3A_119 = arith.cmpi slt, %jit3A_103, %sign3A_118 : i32
    %sign3A_120 = arith.extui %sign3A_119 : i1 to i32
    %sign3A_121 = arith.subi %sign3A_117, %sign3A_120 : i32
    %ne3A_122 = vector.broadcast %sign3A_121 : i32 to vector<128x1xi32>
    %ne3A_123 = arith.cmpi ne, %sign3A_114, %ne3A_122 : vector<128x1xi32>
    %rem3A_124 = vector.broadcast %jit3A_103 : i32 to vector<128x1xi32>
    %rem3A_125 = arith.remsi %broadcast_in_dim3A_74, %rem3A_124 : vector<128x1xi32>
    %ne3A_126 = arith.constant 0 : i32
    %ne3A_127 = vector.broadcast %ne3A_126 : i32 to vector<128x1xi32>
    %ne3A_128 = arith.cmpi ne, %rem3A_125, %ne3A_127 : vector<128x1xi32>
    %and3A_129 = arith.andi %ne3A_123, %ne3A_128 : vector<128x1xi1>
    %sub3A_130 = arith.constant 1 : i32
    %sub3A_131 = vector.broadcast %sub3A_130 : i32 to vector<128x1xi32>
    %sub3A_132 = arith.subi %div3A_105, %sub3A_131 : vector<128x1xi32>
    %select_n3A_133 = arith.select %and3A_129, %sub3A_132, %div3A_105 : vector<128x1xi1>, vector<128x1xi32>
    %add3A_134 = arith.addi %mul3A_102, %select_n3A_133 : vector<128x1xi32>
    %jit3A_135 = arith.constant -3.000000e+38 : f32
    %broadcast_in_dim3A_136 = vector.broadcast %jit3A_135 : f32 to vector<128x32xf32>
    %select_n3A_137 = arith.select %and3A_77, %broadcast_in_dim3A_136, %select_n3A_63 : vector<128x32xi1>, vector<128x32xf32>
    %reduce_max3A_138 = arith.constant dense<0xFF800000> : vector<128xf32>
    %reduce_max3A_139 = vector.multi_reduction <maximumf>, %select_n3A_137, %reduce_max3A_138 [1] : vector<128x32xf32> to vector<128xf32>
    %broadcast_in_dim3A_140 = vector.shape_cast %reduce_max3A_139 : vector<128xf32> to vector<128x1xf32>
    %eq3A_141 = vector.broadcast %broadcast_in_dim3A_140 : vector<128x1xf32> to vector<128x32xf32>
    %eq3A_142 = arith.cmpf oeq, %select_n3A_137, %eq3A_141 : vector<128x32xf32>
    %jit3A_143 = arith.constant 2147483647 : i32
    %broadcast_in_dim3A_144 = vector.broadcast %jit3A_143 : i32 to vector<128x32xi32>
    %select_n3A_145 = arith.select %eq3A_142, %get3A_4, %broadcast_in_dim3A_144 : vector<128x32xi1>, vector<128x32xi32>
    %reduce_min3A_146 = arith.constant dense<2147483647> : vector<128xi32>
    %reduce_min3A_147 = vector.multi_reduction <minsi>, %select_n3A_145, %reduce_min3A_146 [1] : vector<128x32xi32> to vector<128xi32>
    %broadcast_in_dim3A_148 = vector.shape_cast %reduce_min3A_147 : vector<128xi32> to vector<128x1xi32>
    %eq3A_149 = vector.broadcast %broadcast_in_dim3A_148 : vector<128x1xi32> to vector<128x32xi32>
    %eq3A_150 = arith.cmpi eq, %get3A_4, %eq3A_149 : vector<128x32xi32>
    %and3A_151 = arith.andi %eq3A_142, %eq3A_150 : vector<128x32xi1>
    %jit3A_152 = arith.constant 32768 : i32
    %eq3A_153 = arith.constant 0 : i32
    %eq3A_154 = arith.cmpi eq, %jit3A_152, %eq3A_153 : i32
    %jit3A_155 = arith.constant 1 : i32
    %select_n3A_156 = arith.select %eq3A_154, %jit3A_155, %jit3A_152 : i32
    %rem3A_157 = vector.broadcast %select_n3A_156 : i32 to vector<128x1xi32>
    %rem3A_158 = arith.remsi %broadcast_in_dim3A_148, %rem3A_157 : vector<128x1xi32>
    %ne3A_159 = arith.constant 0 : i32
    %ne3A_160 = vector.broadcast %ne3A_159 : i32 to vector<128x1xi32>
    %ne3A_161 = arith.cmpi ne, %rem3A_158, %ne3A_160 : vector<128x1xi32>
    %lt3A_162 = arith.constant 0 : i32
    %lt3A_163 = vector.broadcast %lt3A_162 : i32 to vector<128x1xi32>
    %lt3A_164 = arith.cmpi slt, %rem3A_158, %lt3A_163 : vector<128x1xi32>
    %lt3A_165 = arith.constant 0 : i32
    %lt3A_166 = arith.cmpi slt, %select_n3A_156, %lt3A_165 : i32
    %ne3A_167 = vector.broadcast %lt3A_166 : i1 to vector<128x1xi1>
    %ne3A_168 = vector.broadcast %ne3A_167 : vector<128x1xi1> to vector<128x1xi1>
    %ne3A_169 = arith.xori %lt3A_164, %ne3A_168 : vector<128x1xi1>
    %and3A_170 = arith.andi %ne3A_169, %ne3A_161 : vector<128x1xi1>
    %add3A_171 = vector.broadcast %select_n3A_156 : i32 to vector<128x1xi32>
    %add3A_172 = arith.addi %rem3A_158, %add3A_171 : vector<128x1xi32>
    %select_n3A_173 = arith.select %and3A_170, %add3A_172, %rem3A_158 : vector<128x1xi1>, vector<128x1xi32>
    %mul3A_174 = arith.constant 4 : i32
    %mul3A_175 = vector.broadcast %mul3A_174 : i32 to vector<128x1xi32>
    %mul3A_176 = arith.muli %iota3A, %mul3A_175 : vector<128x1xi32>
    %jit3A_177 = arith.constant 32768 : i32
    %div3A_178 = vector.broadcast %jit3A_177 : i32 to vector<128x1xi32>
    %div3A_179 = arith.divsi %broadcast_in_dim3A_148, %div3A_178 : vector<128x1xi32>
    %sign3A_180 = arith.constant 0 : i32
    %sign3A_181 = vector.broadcast %sign3A_180 : i32 to vector<128x1xi32>
    %sign3A_182 = arith.cmpi sgt, %broadcast_in_dim3A_148, %sign3A_181 : vector<128x1xi32>
    %sign3A_183 = arith.extui %sign3A_182 : vector<128x1xi1> to vector<128x1xi32>
    %sign3A_184 = arith.constant 0 : i32
    %sign3A_185 = vector.broadcast %sign3A_184 : i32 to vector<128x1xi32>
    %sign3A_186 = arith.cmpi slt, %broadcast_in_dim3A_148, %sign3A_185 : vector<128x1xi32>
    %sign3A_187 = arith.extui %sign3A_186 : vector<128x1xi1> to vector<128x1xi32>
    %sign3A_188 = arith.subi %sign3A_183, %sign3A_187 : vector<128x1xi32>
    %sign3A_189 = arith.constant 0 : i32
    %sign3A_190 = arith.cmpi sgt, %jit3A_177, %sign3A_189 : i32
    %sign3A_191 = arith.extui %sign3A_190 : i1 to i32
    %sign3A_192 = arith.constant 0 : i32
    %sign3A_193 = arith.cmpi slt, %jit3A_177, %sign3A_192 : i32
    %sign3A_194 = arith.extui %sign3A_193 : i1 to i32
    %sign3A_195 = arith.subi %sign3A_191, %sign3A_194 : i32
    %ne3A_196 = vector.broadcast %sign3A_195 : i32 to vector<128x1xi32>
    %ne3A_197 = arith.cmpi ne, %sign3A_188, %ne3A_196 : vector<128x1xi32>
    %rem3A_198 = vector.broadcast %jit3A_177 : i32 to vector<128x1xi32>
    %rem3A_199 = arith.remsi %broadcast_in_dim3A_148, %rem3A_198 : vector<128x1xi32>
    %ne3A_200 = arith.constant 0 : i32
    %ne3A_201 = vector.broadcast %ne3A_200 : i32 to vector<128x1xi32>
    %ne3A_202 = arith.cmpi ne, %rem3A_199, %ne3A_201 : vector<128x1xi32>
    %and3A_203 = arith.andi %ne3A_197, %ne3A_202 : vector<128x1xi1>
    %sub3A_204 = arith.constant 1 : i32
    %sub3A_205 = vector.broadcast %sub3A_204 : i32 to vector<128x1xi32>
    %sub3A_206 = arith.subi %div3A_179, %sub3A_205 : vector<128x1xi32>
    %select_n3A_207 = arith.select %and3A_203, %sub3A_206, %div3A_179 : vector<128x1xi1>, vector<128x1xi32>
    %add3A_208 = arith.addi %mul3A_176, %select_n3A_207 : vector<128x1xi32>
    %jit3A_209 = arith.constant -3.000000e+38 : f32
    %broadcast_in_dim3A_210 = vector.broadcast %jit3A_209 : f32 to vector<128x32xf32>
    %select_n3A_211 = arith.select %and3A_151, %broadcast_in_dim3A_210, %select_n3A_137 : vector<128x32xi1>, vector<128x32xf32>
    %reduce_max3A_212 = arith.constant dense<0xFF800000> : vector<128xf32>
    %reduce_max3A_213 = vector.multi_reduction <maximumf>, %select_n3A_211, %reduce_max3A_212 [1] : vector<128x32xf32> to vector<128xf32>
    %broadcast_in_dim3A_214 = vector.shape_cast %reduce_max3A_213 : vector<128xf32> to vector<128x1xf32>
    %eq3A_215 = vector.broadcast %broadcast_in_dim3A_214 : vector<128x1xf32> to vector<128x32xf32>
    %eq3A_216 = arith.cmpf oeq, %select_n3A_211, %eq3A_215 : vector<128x32xf32>
    %jit3A_217 = arith.constant 2147483647 : i32
    %broadcast_in_dim3A_218 = vector.broadcast %jit3A_217 : i32 to vector<128x32xi32>
    %select_n3A_219 = arith.select %eq3A_216, %get3A_4, %broadcast_in_dim3A_218 : vector<128x32xi1>, vector<128x32xi32>
    %reduce_min3A_220 = arith.constant dense<2147483647> : vector<128xi32>
    %reduce_min3A_221 = vector.multi_reduction <minsi>, %select_n3A_219, %reduce_min3A_220 [1] : vector<128x32xi32> to vector<128xi32>
    %broadcast_in_dim3A_222 = vector.shape_cast %reduce_min3A_221 : vector<128xi32> to vector<128x1xi32>
    %jit3A_223 = arith.constant 32768 : i32
    %eq3A_224 = arith.constant 0 : i32
    %eq3A_225 = arith.cmpi eq, %jit3A_223, %eq3A_224 : i32
    %jit3A_226 = arith.constant 1 : i32
    %select_n3A_227 = arith.select %eq3A_225, %jit3A_226, %jit3A_223 : i32
    %rem3A_228 = vector.broadcast %select_n3A_227 : i32 to vector<128x1xi32>
    %rem3A_229 = arith.remsi %broadcast_in_dim3A_222, %rem3A_228 : vector<128x1xi32>
    %ne3A_230 = arith.constant 0 : i32
    %ne3A_231 = vector.broadcast %ne3A_230 : i32 to vector<128x1xi32>
    %ne3A_232 = arith.cmpi ne, %rem3A_229, %ne3A_231 : vector<128x1xi32>
    %lt3A_233 = arith.constant 0 : i32
    %lt3A_234 = vector.broadcast %lt3A_233 : i32 to vector<128x1xi32>
    %lt3A_235 = arith.cmpi slt, %rem3A_229, %lt3A_234 : vector<128x1xi32>
    %lt3A_236 = arith.constant 0 : i32
    %lt3A_237 = arith.cmpi slt, %select_n3A_227, %lt3A_236 : i32
    %ne3A_238 = vector.broadcast %lt3A_237 : i1 to vector<128x1xi1>
    %ne3A_239 = vector.broadcast %ne3A_238 : vector<128x1xi1> to vector<128x1xi1>
    %ne3A_240 = arith.xori %lt3A_235, %ne3A_239 : vector<128x1xi1>
    %and3A_241 = arith.andi %ne3A_240, %ne3A_232 : vector<128x1xi1>
    %add3A_242 = vector.broadcast %select_n3A_227 : i32 to vector<128x1xi32>
    %add3A_243 = arith.addi %rem3A_229, %add3A_242 : vector<128x1xi32>
    %select_n3A_244 = arith.select %and3A_241, %add3A_243, %rem3A_229 : vector<128x1xi1>, vector<128x1xi32>
    %mul3A_245 = arith.constant 4 : i32
    %mul3A_246 = vector.broadcast %mul3A_245 : i32 to vector<128x1xi32>
    %mul3A_247 = arith.muli %iota3A, %mul3A_246 : vector<128x1xi32>
    %jit3A_248 = arith.constant 32768 : i32
    %div3A_249 = vector.broadcast %jit3A_248 : i32 to vector<128x1xi32>
    %div3A_250 = arith.divsi %broadcast_in_dim3A_222, %div3A_249 : vector<128x1xi32>
    %sign3A_251 = arith.constant 0 : i32
    %sign3A_252 = vector.broadcast %sign3A_251 : i32 to vector<128x1xi32>
    %sign3A_253 = arith.cmpi sgt, %broadcast_in_dim3A_222, %sign3A_252 : vector<128x1xi32>
    %sign3A_254 = arith.extui %sign3A_253 : vector<128x1xi1> to vector<128x1xi32>
    %sign3A_255 = arith.constant 0 : i32
    %sign3A_256 = vector.broadcast %sign3A_255 : i32 to vector<128x1xi32>
    %sign3A_257 = arith.cmpi slt, %broadcast_in_dim3A_222, %sign3A_256 : vector<128x1xi32>
    %sign3A_258 = arith.extui %sign3A_257 : vector<128x1xi1> to vector<128x1xi32>
    %sign3A_259 = arith.subi %sign3A_254, %sign3A_258 : vector<128x1xi32>
    %sign3A_260 = arith.constant 0 : i32
    %sign3A_261 = arith.cmpi sgt, %jit3A_248, %sign3A_260 : i32
    %sign3A_262 = arith.extui %sign3A_261 : i1 to i32
    %sign3A_263 = arith.constant 0 : i32
    %sign3A_264 = arith.cmpi slt, %jit3A_248, %sign3A_263 : i32
    %sign3A_265 = arith.extui %sign3A_264 : i1 to i32
    %sign3A_266 = arith.subi %sign3A_262, %sign3A_265 : i32
    %ne3A_267 = vector.broadcast %sign3A_266 : i32 to vector<128x1xi32>
    %ne3A_268 = arith.cmpi ne, %sign3A_259, %ne3A_267 : vector<128x1xi32>
    %rem3A_269 = vector.broadcast %jit3A_248 : i32 to vector<128x1xi32>
    %rem3A_270 = arith.remsi %broadcast_in_dim3A_222, %rem3A_269 : vector<128x1xi32>
    %ne3A_271 = arith.constant 0 : i32
    %ne3A_272 = vector.broadcast %ne3A_271 : i32 to vector<128x1xi32>
    %ne3A_273 = arith.cmpi ne, %rem3A_270, %ne3A_272 : vector<128x1xi32>
    %and3A_274 = arith.andi %ne3A_268, %ne3A_273 : vector<128x1xi1>
    %sub3A_275 = arith.constant 1 : i32
    %sub3A_276 = vector.broadcast %sub3A_275 : i32 to vector<128x1xi32>
    %sub3A_277 = arith.subi %div3A_250, %sub3A_276 : vector<128x1xi32>
    %select_n3A_278 = arith.select %and3A_274, %sub3A_277, %div3A_250 : vector<128x1xi1>, vector<128x1xi32>
    %add3A_279 = arith.addi %mul3A_247, %select_n3A_278 : vector<128x1xi32>
    %concatenate3A = tpu.concatenate %broadcast_in_dim3A, %broadcast_in_dim3A_66, %broadcast_in_dim3A_140, %broadcast_in_dim3A_214 in 1 : vector<128x1xf32>, vector<128x1xf32>, vector<128x1xf32>, vector<128x1xf32> -> vector<128x4xf32>
    %swap3A = arith.constant 0 : index
    %swap3A_280 = arith.constant 0 : index
    %swap3A_281 = vector.load %arg2[%swap3A, %swap3A_280] : memref<128x4xf32, #tpu.memory_space<vmem>>, vector<128x4xf32>
    tpu.vector_store %arg2[%swap3A, %swap3A_280], %concatenate3A {strides = array<i32>} : memref<128x4xf32, #tpu.memory_space<vmem>>, vector<128x4xf32>,
    %concatenate3A_282 = tpu.concatenate %select_n3A_29, %select_n3A_99, %select_n3A_173, %select_n3A_244 in 1 : vector<128x1xi32>, vector<128x1xi32>, vector<128x1xi32>, vector<128x1xi32> -> vector<128x4xi32>
    %swap3A_283 = arith.constant 0 : index
    %swap3A_284 = arith.constant 0 : index
    %swap3A_285 = vector.load %arg3[%swap3A_283, %swap3A_284] : memref<128x4xi32, #tpu.memory_space<vmem>>, vector<128x4xi32>
    tpu.vector_store %arg3[%swap3A_283, %swap3A_284], %concatenate3A_282 {strides = array<i32>} : memref<128x4xi32, #tpu.memory_space<vmem>>, vector<128x4xi32>,
    %concatenate3A_286 = tpu.concatenate %add3A_60, %add3A_134, %add3A_208, %add3A_279 in 1 : vector<128x1xi32>, vector<128x1xi32>, vector<128x1xi32>, vector<128x1xi32> -> vector<128x4xi32>
    %swap3A_287 = arith.constant 0 : index
    %swap3A_288 = arith.constant 0 : index
    %swap3A_289 = vector.load %arg4[%swap3A_287, %swap3A_288] : memref<128x4xi32, #tpu.memory_space<vmem>>, vector<128x4xi32>
    tpu.vector_store %arg4[%swap3A_287, %swap3A_288], %concatenate3A_286 {strides = array<i32>} : memref<128x4xi32, #tpu.memory_space<vmem>>, vector<128x4xi32>,
    return
  }
}

</mosaic_0001>

<sc_bundles>
// kernel: kernel.6.cloned.1.call-start
scs
__scs_entry_jumppad:
0x0: {  	(pc) =	sbr.rel $0x88, $3  }
0x1: {  	(tag) =	ssettag $0x0;
	lr =	simm.s32 $0x1  }
0x2: {  	[smem:$0x3F9D] =	sst lr;
	_ =	strace $0xD0000000  }
0x3: {  	_ = 	snop  }
0x4: {  	_ = 	snop  }
0x5: {  	_ = 	snop  }
0x6: {  	_ = 	snop  }
0x7: {  	_ = 	snop  }
__scs_overlays_trampoline_lowered:
0x8: {  	[smem:$0x3FAC] =	sst s0  }
0x9: {  	[smem:$0x3FAD] =	sst s1  }
0xa: {  	[smem:$0x3FAE] =	sst s2  }
0xb: {  	[smem:$0x3FAF] =	sst s3  }
0xc: {  	[smem:$0x3FB0] =	sst s4  }
0xd: {  	[smem:$0x3FB1] =	sst s5  }
0xe: {  	[smem:$0x3FB2] =	sst s6  }
0xf: {  	[smem:$0x3FB3] =	sst s7  }
0x10: {  	[smem:$0x3FB4] =	sst s8  }
0x11: {  	[smem:$0x3FB5] =	sst s9;
	s0 =	simm.s32 @!p0 $0x0  }
0x12: {  	s1 =	sld [smem:$0x3F9B];
	s0 =	simm.s32 @p0 $0x1  }
0x13: {  	[smem:$0x3FB6] =	sst s0;
	s0 =	simm.s32 @!p1 $0x0  }
0x14: {  	s2 =	sld [smem:$0x3F9A];
	s0 =	simm.s32 @p1 $0x1  }
0x15: {  	[smem:$0x3FB7] =	sst s0;
	s0 =	simm.s32 @!p2 $0x0  }
0x16: {  	s3 =	sld [smem:$0x3FDB];
	s0 =	simm.s32 @p2 $0x1  }
0x17: {  	s4 =	simm.s32 $0x1BF5;
	[smem:$0x3FB9] =	sst s0  }
0x18: {  	s0 =	sld [smem:$0x3F9C];
	_ =	swait.ge [sflag:s4], $0x0  }
0x19: {  	s7 =	sld [smem:$0x3F9D]  }
0x1a: {  	s8 =	sadd.s32 $0xFFFFE003, lr  }
0x1b: {  	s9 =	sadd.s32 $0xFFFFFEF7, lr;
	s5 =	simm.s32 $0xFFFFFFFF;
	p2 =	slt.u32 s8, $0xFFFFF086  }
0x1c: {  	p1 =	slt.u32 s9, $0xF7A;
	s5 =	simm.s32 @!p2 $0x0  }
0x1d: {  	s5 =	simm.s32 @p1 $0x1;
	p0 =	seq.s32 s7, s2  }
0x1e: {  	s7 =	smul.u32 @!p0 $0xF7A, s2;
	p2 =	seq.s32 @!p0 s5, $0x0  }
0x1f: {  	s9 =	smul.u32 $0xF7A, s1;
	s8 =	simm.s32 @!p0 $0x1BF5;
	p2 =	por !p2, p0  }
0x20: {  	[sflag:s8] =	ssyncset.s32 @!p0 $0xFFFFF086;
	s6 =	sadd.s32 @!p0 s3, s7;
	s7 =	simm.s32 @!p0 $0x108  }
0x21: {  	s3 =	sadd.s32 s3, s9;
	s6 =	sadd.s32 @!p0 $0x88, s6;
	s7 =	simm.s32 @p2 $0x1082  }
0x22: {  	[simem:s7], [sflag:s8] =	dma.local @!p0 [hbm:s6], $0xF7A  }
0x23: {  	s9 =	sor.u32 $0xD0000000, s2;
	s6 =	simm.s32 $0x108;
	_ =	swait.ge @!p0 [sflag:s8], $0x0  }
0x24: {  	s3 =	sadd.s32 $0x88, s3;
	s6 =	simm.s32 @!p1 $0x1082;
	[sflag:s4] =	ssyncset.s32 $0xFFFFF086  }
0x25: {  	[simem:s6], [sflag:s4] =	dma.local [hbm:s3], $0xF7A  }
0x26: {  	[smem:$0x3F9D] =	sst s1;
	(tag) =	ssettag s2;
	_ =	strace s9  }
0x27: {  	s1 =	sld [smem:$0x3FAD]  }
0x28: {  	s2 =	sld [smem:$0x3FAE]  }
0x29: {  	s4 =	sld [smem:$0x3FB0]  }
0x2a: {  	p0 =	seq.s32 s5, $0x0;
	s5 =	sld [smem:$0x3FB1]  }
0x2b: {  	s6 =	sld [smem:$0x3FB2]  }
0x2c: {  	s7 =	sld [smem:$0x3FB3]  }
0x2d: {  	s3 =	simm.s32 $0x108;
	s8 =	sld [smem:$0x3FB4]  }
0x2e: {  	s3 =	simm.s32 @!p0 $0x1082;
	s9 =	sld [smem:$0x3FB5]  }
0x2f: {  	lr =	sadd.s32 s0, s3;
	s0 =	sld [smem:$0x3FAC]  }
0x30: {  	s3 =	sld [smem:$0x3FAF]  }
0x31: {  	[smem:$0x3FB8] =	sst s10  }
0x32: {  	s10 =	sld [smem:$0x3FB6];
	_ =	sdelay $0x3  }
0x33: {  	p0 =	seq.s32 s10, $0x1;
	s10 =	sld [smem:$0x3FB8];
	_ =	sdelay $0x3  }
0x34: {  	[smem:$0x3FB8] =	sst s10  }
0x35: {  	s10 =	sld [smem:$0x3FB7];
	_ =	sdelay $0x3  }
0x36: {  	p1 =	seq.s32 s10, $0x1;
	s10 =	sld [smem:$0x3FB8];
	_ =	sdelay $0x3  }
0x37: {  	[smem:$0x3FB8] =	sst s10  }
0x38: {  	s10 =	sld [smem:$0x3FB9]  }
0x39: {  	_ = 	snop;
	(pc) =	sbr.ind lr, $3  }
0x3a: {  	_ = 	snop  }
0x3b: {  	_ = 	snop  }
0x3c: {  	p2 =	seq.s32 s10, $0x1;
	s10 =	sld [smem:$0x3FB8]  }
0x3d: {  	_ =	shalt  }
0x3e: {  	_ =	shalt  }
0x3f: {  	_ =	shalt  }
0x40: {  	_ =	shalt  }
0x41: {  	_ =	shalt  }
0x42: {  	_ =	shalt  }
0x43: {  	_ =	shalt  }
0x44: {  	_ =	shalt  }
0x45: {  	_ =	shalt  }
0x46: {  	_ =	shalt  }
0x47: {  	_ =	shalt  }
0x48: {  	_ =	shalt  }
0x49: {  	_ =	shalt  }
0x4a: {  	_ =	shalt  }
0x4b: {  	_ =	shalt  }
0x4c: {  	_ =	shalt  }
0x4d: {  	_ =	shalt  }
0x4e: {  	_ =	shalt  }
0x4f: {  	_ =	shalt  }
0x50: {  	_ =	shalt  }
0x51: {  	_ =	shalt  }
0x52: {  	_ =	shalt  }
0x53: {  	_ =	shalt  }
0x54: {  	_ =	shalt  }
0x55: {  	_ =	shalt  }
0x56: {  	_ =	shalt  }
0x57: {  	_ =	shalt  }
0x58: {  	_ =	shalt  }
0x59: {  	_ =	shalt  }
0x5a: {  	_ =	shalt  }
0x5b: {  	_ =	shalt  }
0x5c: {  	_ =	shalt  }
0x5d: {  	_ =	shalt  }
0x5e: {  	_ =	shalt  }
0x5f: {  	_ =	shalt  }
0x60: {  	_ =	shalt  }
0x61: {  	_ =	shalt  }
0x62: {  	_ =	shalt  }
0x63: {  	_ =	shalt  }
0x64: {  	_ =	shalt  }
0x65: {  	_ =	shalt  }
0x66: {  	_ =	shalt  }
0x67: {  	_ =	shalt  }
0x68: {  	_ =	shalt  }
0x69: {  	_ =	shalt  }
0x6a: {  	_ =	shalt  }
0x6b: {  	_ =	shalt  }
0x6c: {  	_ =	shalt  }
0x6d: {  	_ =	shalt  }
0x6e: {  	_ =	shalt  }
0x6f: {  	_ =	shalt  }
0x70: {  	_ =	shalt  }
0x71: {  	_ =	shalt  }
0x72: {  	_ =	shalt  }
0x73: {  	_ =	shalt  }
0x74: {  	_ =	shalt  }
0x75: {  	_ =	shalt  }
0x76: {  	_ =	shalt  }
0x77: {  	_ =	shalt  }
0x78: {  	_ =	shalt  }
0x79: {  	_ =	shalt  }
0x7a: {  	_ =	shalt  }
0x7b: {  	_ =	shalt  }
0x7c: {  	_ =	shalt  }
0x7d: {  	_ =	shalt  }
0x7e: {  	_ =	shalt  }
0x7f: {  	_ =	shalt  }
0x80: {  	_ =	shalt  }
0x81: {  	_ =	shalt  }
0x82: {  	_ =	shalt  }
0x83: {  	_ =	shalt  }
0x84: {  	_ =	shalt  }
0x85: {  	_ =	shalt  }
0x86: {  	_ =	shalt  }
0x87: {  	_ =	shalt  }
.Lfunc_end0:
.L_simem_size_0:
called_computation.1_lowered:
.L_overlay_start_0:
0x88: {  	s2 =	sld [smem:$0x3FD9]  }
0x89: {  	s3 =	sld [smem:$0x3FFE];
	_ =	sdelay $0x1  }
0x8a: {  	s1 =	srdreg.scid  }
0x8b: {  	s0 =	sand.u32 $0x1, s1  }
0x8c: {  	s14 =	sshll.u32 s0, $0xA;
	s2 =	sadd.s32 s3, s2  }
0x8d: {  	s2 =	sadd.s32 s2, s14  }
0x8e: {  	[smem:$0x3FC4] =	sst s2  }
0x8f: {  	_ = 	snop  }
0x90: {  	s2 =	sld [smem:$0x3FD0];
	_ =	sdelay $0x2  }
0x91: {  	s15 =	simm.s32 $0xA;
	s4 =	simm.s32 $0x10  }
0x92: {  	[smem:s4], [sflag:s15] =	dma.local [hbm:s2], $0x1  }
0x93: {  	_ =	swait.eq [sflag:s15], $0x1  }
0x94: {  	s16 =	sld [smem:$0x10];
	[sflag:s15] =	ssyncset.done $0x0  }
0x95: {  	s17 =	sld [smem:$0x11];
	[sflag:s15] =	ssyncadd.s32 $0xFFFFFFFF  }
0x96: {  	s18 =	sld [smem:$0x12];
	(tm) =	ssettm $0x1  }
0x97: {  	s5 =	sld [smem:$0x3FFB];
	_ =	sdelay $0x3  }
0x98: {  	_ =	strace s5  }
0x99: {  	s5 =	sld [smem:$0x3FFC];
	_ =	sdelay $0x3  }
0x9a: {  	_ =	strace s5  }
0x9b: {  	s5 =	sld [smem:$0x3FFD];
	_ =	sdelay $0x3  }
0x9c: {  	_ =	strace s5  }
0x9d: {  	_ =	strace $0x8FFFFFFF  }
0x9e: {  	s19 =	sld [smem:$0x3FDB];
	_ =	sdelay $0x1  }
0x9f: {  	s6 =	simm.s32 $_scs_section_size  }
0xa0: {  	s7 =	simm.s32 $_size__tile_overlayer_lowered;
	s8 =	simm.s32 $_tile_overlayer_lowered  }
0xa1: {  	s22 =	simm.s32 $0x1BFF;
	s21 =	sshll.u32 s8, $0x1;
	s5 =	sadd.s32 s6, s19  }
0xa2: {  	s9 =	simm.s32 $0x0;
	s20 =	sshll.u32 s7, $0x1;
	s7 =	sadd.s32 s21, s5  }
0xa3: {  	[timem:s9], [sflag:s22] =	dma.local [hbm:s7], s20  }
0xa4: {  	_ =	swait.ge [sflag:s22], s20  }
0xa5: {  	s6 =	ssub.s32 $0x0, s20;
	[sflag:s22] =	ssyncset.done $0x0  }
0xa6: {  	[sflag:s22] =	ssyncadd.s32 s6;
	_ =	sdelay $0x1  }
0xa7: {  	s23 =	simm.s32 $0x1B8B  }
0xa8: {  	_ =	swait.ge [sflag:s23], $0x1  }
0xa9: {  	[sflag:s23] =	ssyncset.done $0x0  }
0xaa: {  	s25 =	simm.s32 $0x1B8E;
	s24 =	sld [smem:$0x3FFE];
	[sflag:s23] =	ssyncadd.s32 $0xFFFFFFFF  }
0xab: {  	s26 =	simm.s32 $execute0_lowered;
	[smem:$0x3FD2] =	sst s25  }
0xac: {  	s7 =	sshll.u32 s26, $0x1;
	_ =	strace $0x80000049;
	[dreg:$0x1] =	wrdreg $0xFFFFFFFF  }
0xad: {  	s28 =	simm.s32 $_size_execute0_lowered;
	s5 =	sadd.s32 s5, s7;
	[dreg:$0x0] =	wrdreg $0x0  }
0xae: {  	s7 =	sshll.u32 s28, $0x1;
	[dreg:$0x2] =	wrdreg s5  }
0xaf: {  	[dreg:$0x3] =	wrdreg s7  }
0xb0: {  	[dreg:$0x4] =	wrdreg $0xC0  }
0xb1: {  	_ =	task [dreg:s9], $0x5FFFF  }
0xb2: {  	[dreg:$0x1] =	wrdreg $0xFFFFFFFF  }
0xb3: {  	[dreg:$0x0] =	wrdreg $0x60  }
0xb4: {  	[dreg:$0x2] =	wrdreg s18  }
0xb5: {  	[dreg:$0x3] =	wrdreg s17  }
0xb6: {  	[dreg:$0x4] =	wrdreg s16  }
0xb7: {  	[dreg:$0x5] =	wrdreg s24  }
0xb8: {  	[dreg:$0x6] =	wrdreg $0x9  }
0xb9: {  	_ =	task.clear_ibuf [dreg:s9], $0x7FFFF;
	_ =	strace $0x90000049  }
0xba: {  	s29 =	simm.s32 $0x9;
	_ =	strace $0x8000004B  }
0xbb: {  	_ =	swait.ge [sflag:s29], $0x1  }
0xbc: {  	[sflag:s29] =	ssyncadd.s32 $0xFFFFFFFF  }
0xbd: {  	_ =	strace $0x9000004B  }
0xbe: {  	_ =	sfence  }
0xbf: {  	s30 =	sld [smem:$0x0];
	_ =	sdelay $0x2  }
0xc0: {  	s31 =	sshll.u32 s1, $0xD;
	s1 =	sshrl.u32 s1, $0x2  }
0xc1: {  	s3 =	sand.u32 $0x4000, s31;
	s1 =	sadd.s32 s1, s30  }
0xc2: {  	s0 =	sor.u32 s3, s0;
	s1 =	sshll.u32 s1, $0x11  }
0xc3: {  	s0 =	sor.u32 s1, s0  }
0xc4: {  	s0 =	sadd.s32 $0x8F2B, s0  }
0xc5: {  	[sflag:s0] =	ssyncadd.remote.s32 $0x1  }
0xc6: {  	_ =	sfence.sel $0xFFFF  }
0xc7: {  	[dreg:$0x0] =	wrdreg $0xFFFFFFFF;
	(pc) =	sbr.abs _section_cstart, $3  }
0xc8: {  	[dreg:$0x1] =	wrdreg $0xFFFFFFFF  }
0xc9: {  	_ =	task.clear_ibuf [dreg:s9], $0x2FFFF;
	_ =	strace $0x9FFFFFFF  }
0xca: {  	(tm) =	ssettm $0x7FFFFFFF  }
0xcb: {  	_ =	shalt  }
tec
execute0_lowered:
.L_overlay_start_1:
0x0: {  	(tag) =	ssettag $0x1  }
0x1: {  	s4 =	rddreg [dreg:$0x0]  }
0x2: {  	s5 =	rddreg [dreg:$0x1]  }
0x3: {  	s6 =	rddreg [dreg:$0x2]  }
0x4: {  	s2 =	rddreg [dreg:$0x3]  }
0x5: {  	s0 =	rddreg [dreg:$0x4];
	s3 =	simm.s32 $0x0  }
0x6: {  	s7 =	srdreg.scid;
	s1 =	stileid.u32;
	s11 =	simm.s32 $0x80  }
0x7: {  	s12 =	simm.s32 $0x100;
	s13 =	simm.s32 $0x180;
	s14 =	simm.s32 $0x8180  }
0x8: {  	s15 =	simm.s32 $0x8200;
	s16 =	simm.s32 $0x0;
	[smem:$0x7FF] =	sst s3  }
0x9: {  	s7 =	sand.u32 $0x1, s7;
	s8 =	sshll.u32 s1, $0x1;
	_ =	strace $0x8000004A  }
.Ltmp0:
0xa: {  	s8 =	sor.u32 s7, s8;
	s7 =	ssub.s32 $0x2, s7;
	(pc) =	sbr.rel .LBB2_1-.Ltmp0, $4  }
0xb: {  	vm0 =	vcmask $0xB08;
	vm1 =	vcmask $0x300;
	s9 =	sshll.u32 s8, $0x3;
	s10 =	sshrl.u32 s7, $0x1;
	s8 =	sshll.u32 s8, $0x1  }
0xc: {  	v0 =	vimm.s32 $0x0;
	vm0 =	vmor vm1, vm0;
	s9 =	sadd.s32 s9, s2;
	s10 =	ssub.s32 s7, s10;
	s4 =	sadd.s32 s4, s8  }
0xd: {  	v0 =	vsel vm0, $0xFFFFFFFF, v0;
	s5 =	sadd.s32 s5, s8;
	s6 =	sadd.s32 s6, s8;
	s7 =	sadd.s32 $0x200000, s9  }
0xe: {  	[tilespmem:$0x1FFF0] =	vst v0;
	v0 =	vlaneseq.u32;
	s8 =	sadd.s32 $0x200200, s9;
	s9 =	smax.u32 s10, $0x1;
	s10 =	simm.s32 $0x1  }
.LBB2_5:
0xf: {  	[hbm4b:s7+s3] =	stream.linear.scatter [tilespmem:s14], [sflag:$0x1], $0x40, $0x38;
	[tilespmem:$0x8280] =	vst v63  }
0x10: {  	s16 =	sadd.s32 $0x1, s16;
	_ =	swait.ge [sflag:s10], $0x40  }
0x11: {  	p0 =	sne.s32 s16, s9;
	[sflag:s10] =	ssyncset.done $0x0  }
.Ltmp1:
0x12: {  	[sflag:s10] =	ssyncadd.s32 $0xFFFFFFC0;
	(pc) =	sbr.rel @!p0 .LBB2_6-.Ltmp1, $4  }
0x13: {  	[hbm4b:s8+s3] =	stream.linear.scatter [tilespmem:s15], [sflag:$0x1], $0x40, $0x38;
	[tilespmem:$0x8280] =	vst v63  }
0x14: {  	_ =	swait.ge [sflag:s10], $0x40  }
0x15: {  	[sflag:s10] =	ssyncset.done $0x0  }
0x16: {  	[sflag:s10] =	ssyncadd.s32 $0xFFFFFFC0  }
.LBB2_1:
0x17: {  	[tilespmem:s3], [sflag:$0x1] =	stream.linear.gather [hbm4b:s4+s3], $0x10, $0x38;
	[tilespmem:$0x8280] =	vst v63  }
0x18: {  	_ =	swait.ge [sflag:s10], $0x10  }
0x19: {  	[sflag:s10] =	ssyncset.done $0x0  }
0x1a: {  	[sflag:s10] =	ssyncadd.s32 $0xFFFFFFF0  }
0x1b: {  	[tilespmem:s11], [sflag:$0x1] =	stream.linear.gather [hbm4b:s5+s3], $0x10, $0x38;
	[tilespmem:$0x8280] =	vst v63  }
0x1c: {  	_ =	swait.ge [sflag:s10], $0x10  }
0x1d: {  	[sflag:s10] =	ssyncset.done $0x0  }
0x1e: {  	[sflag:s10] =	ssyncadd.s32 $0xFFFFFFF0  }
0x1f: {  	[tilespmem:s12], [sflag:$0x1] =	stream.linear.gather [hbm4b:s6+s3], $0x10, $0x38;
	[tilespmem:$0x8280] =	vst v63  }
0x20: {  	_ =	swait.ge [sflag:s10], $0x10  }
0x21: {  	[sflag:s10] =	ssyncset.done $0x0  }
0x22: {  	[sflag:s10] =	ssyncadd.s32 $0xFFFFFFF0  }
0x23: {  	v1 =	vld [tilespmem:$0x100];
	_ =	sdelay $0x4  }
0x24: {  	v1 =	vxor.u32 $0x80000000, v1  }
0x25: {  	(xrf0) =	vmax.scan.msk.u32 $0xffff, v1;
	_ =	sdelay $0x5  }
0x26: {  	v1, _, _ =	vpop (xrf0)  }
0x27: {  	(v2sf) =	vpush v1, $0xF;
	_ =	sdelay $0xe  }
0x28: {  	s17 =	spop (v2sf)  }
0x29: {  	s17 =	sxor.u32 $0x80000000, s17  }
0x2a: {  	p0 =	slt.s32 s17, $0x1  }
.Ltmp2:
0x2b: {  	_ = 	snop;
	(pc) =	sbr.rel @p0 .LBB2_5-.Ltmp2, $2  }
0x2c: {  	_ =	sdelay $0x2  }
0x2d: {  	s18 =	simm.s32 $0x0  }
.LBB2_2:
0x2e: {  	v1 =	vmov s18;
	_ =	sdelay $0x4  }
0x2f: {  	v2 =	vld.idx.msk [tilespmem:v1+s3+$0x0], $0xffff;
	_ =	sdelay $0x4  }
0x30: {  	v2 =	vxor.u32 $0x80000000, v2  }
0x31: {  	(xrf0) =	vmax.scan.msk.u32 $0xffff, v2;
	_ =	sdelay $0x5  }
0x32: {  	v2, _, _ =	vpop (xrf0)  }
0x33: {  	(v2sf) =	vpush v2, $0xF;
	_ =	sdelay $0xe  }
0x34: {  	s19 =	spop (v2sf)  }
0x35: {  	s19 =	sshll.u32 s19, $0xC  }
0x36: {  	s19 =	sand.u32 $0x1FFFF000, s19  }
0x37: {  	s24 =	simm.s32 $0x1;
	s19 =	sadd.s32 s2, s19  }
0x38: {  	v1 =	vld.idx.msk [tilespmem:v1+s11+$0x0], $0xffff;
	[tilespmem:s13], [sflag:$0x1] =	stream.linear.gather [hbm4b:s19+s3], $0x8000, $0x38  }
0x39: {  	_ =	swait.ge [sflag:s24], $0x8000  }
0x3a: {  	[sflag:s24] =	ssyncset.done $0x0  }
0x3b: {  	v6 =	vld [tilespmem:$0x1FFF0];
	[sflag:s24] =	ssyncadd.s32 $0xFFFF8000  }
0x3c: {  	s20 =	simm.s32 $0x1C0;
	v2 =	vld [tilespmem:$0x180]  }
0x3d: {  	v3 =	vld [tilespmem:s20+$0xFFFFFFD0]  }
0x3e: {  	v4 =	vld [tilespmem:s20+$0x20]  }
0x3f: {  	v5 =	vld [tilespmem:s20+$0xFFFFFFE0]  }
0x40: {  	v11 =	vld [tilespmem:s20+$0x10]  }
0x41: {  	v14 =	vld [tilespmem:s20+$0x0]  }
0x42: {  	v19 =	vld [tilespmem:s20+$0x30]  }
0x43: {  	vm0 =	vnez.u8 v6;
	v6 =	vld [tilespmem:s20+$0xFFFFFFF0]  }
0x44: {  	v7 =	vimm.f32 $-2.000000000e+00;
	v2 =	vmul.f32 v2, v1;
	v3 =	vmul.f32 v3, v1  }
0x45: {  	v8 =	vimm.s32 $0x0;
	v9 =	vmul.f32 v4, v1;
	v5 =	vmul.f32 v5, v1  }
0x46: {  	v21 =	vld [tilespmem:s20+$0x40];
	v11 =	vmul.f32 v11, v1;
	v14 =	vmul.f32 v14, v1;
	v2 =	vsel vm0, $0xBF800000, v2  }
0x47: {  	v19 =	vmul.f32 v19, v1;
	vm0 =	vgt.f32 v3, v2;
	v4 =	vmax.f32 v2, v3  }
0x48: {  	v2 =	vmin.f32 v2, v3;
	v6 =	vmul.f32 v6, v1;
	v3 =	vsel vm0, s24, v8  }
0x49: {  	v10 =	vnsel vm0, s24, v8;
	vm5 =	vgt.f32 v2, v7;
	v12 =	vmax.f32 v7, v2  }
0x4a: {  	v2 =	vmin.f32 v7, v2;
	vm1 =	vgt.f32 v5, v4;
	v16 =	vmax.f32 v4, v5  }
0x4b: {  	v5 =	vmin.f32 v4, v5;
	v4 =	vmul.f32 v21, v1;
	v13 =	vmin.f32 v7, v2  }
0x4c: {  	s25 =	simm.s32 $0x2;
	v15 =	vsel vm5, v10, v8;
	v10 =	vsel vm5, v8, v10;
	vm4 =	vgt.f32 v6, v16  }
0x4d: {  	v18 =	vmin.f32 v16, v6;
	vm2 =	vgt.f32 v2, v7;
	v20 =	vsel vm1, s25, v3  }
0x4e: {  	v2 =	vmax.f32 v7, v2;
	v6 =	vmax.f32 v16, v6;
	v3 =	vnsel vm1, s25, v3  }
0x4f: {  	vm5 =	vgt.f32 v5, v12;
	v23 =	vmin.f32 v12, v5;
	v5 =	vmax.f32 v12, v5  }
0x50: {  	s26 =	simm.s32 $0x3;
	v17 =	vmax.f32 v7, v13;
	v22 =	vsel vm2, v8, v10;
	v10 =	vsel vm2, v10, v8  }
0x51: {  	v16 =	vnsel vm4, s26, v20;
	v20 =	vsel vm4, s26, v20;
	v24 =	vsel vm5, v3, v15  }
0x52: {  	vm0 =	vgt.f32 v23, v2;
	v3 =	vsel vm5, v15, v3;
	v15 =	vmin.f32 v2, v23  }
0x53: {  	v56 =	vmax.f32 v6, v14;
	vm2 =	vgt.f32 v14, v6;
	v6 =	vmin.f32 v6, v14  }
0x54: {  	vm3 =	vgt.f32 v13, v7;
	v2 =	vmax.f32 v2, v23;
	vm4 =	vgt.f32 v18, v5  }
0x55: {  	s28 =	simm.s32 $0x4;
	v14 =	vmax.f32 v5, v18;
	vm1 =	vgt.f32 v15, v17;
	v15 =	vmax.f32 v17, v15  }
0x56: {  	v12 =	vsel vm0, v3, v10;
	v7 =	vsel vm2, s28, v20;
	v8 =	vsel vm3, v22, v8  }
0x57: {  	v3 =	vsel vm0, v10, v3;
	v10 =	vmax.f32 v56, v11;
	v17 =	vmin.f32 v5, v18  }
0x58: {  	v18 =	vsel vm4, v16, v24;
	v16 =	vsel vm4, v24, v16;
	vm3 =	vgt.f32 v6, v14  }
0x59: {  	vm4 =	vgt.f32 v11, v56;
	v58 =	vmax.f32 v14, v6;
	v11 =	vmin.f32 v56, v11  }
0x5a: {  	v20 =	vnsel vm2, s28, v20;
	v6 =	vmin.f32 v14, v6;
	v3 =	vsel vm1, v3, v8  }
0x5b: {  	v57 =	vmin.f32 v10, v9;
	vm0 =	vgt.f32 v9, v10;
	v59 =	vmin.f32 v2, v17  }
0x5c: {  	s29 =	simm.s32 $0x5;
	v60 =	vmax.f32 v58, v11;
	v9 =	vmax.f32 v10, v9;
	vm5 =	vgt.f32 v17, v2  }
0x5d: {  	v26 =	vsel vm3, v18, v20;
	v27 =	vsel vm4, s29, v7;
	v7 =	vnsel vm4, s29, v7  }
0x5e: {  	v28 =	vmin.f32 v58, v11;
	v2 =	vmax.f32 v2, v17;
	v10 =	vmax.f32 v60, v57  }
0x5f: {  	v13 =	vmax.f32 v9, v19;
	vm1 =	vgt.f32 v57, v60;
	v25 =	vmin.f32 v9, v19  }
0x60: {  	v29 =	vmax.f32 v15, v59;
	v22 =	vmin.f32 v60, v57;
	vm2 =	vgt.f32 v19, v9  }
0x61: {  	s30 =	simm.s32 $0x6;
	vm4 =	vgt.f32 v59, v15;
	v9 =	vsel vm3, v20, v18;
	vm3 =	vgt.f32 v6, v2  }
0x62: {  	v14 =	vsel vm5, v16, v12;
	v15 =	vmin.f32 v2, v6;
	v17 =	vsel vm0, s30, v27  }
0x63: {  	s31 =	simm.s32 $0x7;
	v12 =	vsel vm5, v12, v16;
	vm5 =	vgt.f32 v11, v58;
	v6 =	vmax.f32 v2, v6  }
0x64: {  	v5 =	vmax.f32 v10, v25;
	v8 =	vmin.f32 v13, v4;
	v11 =	vnsel vm2, s31, v17  }
0x65: {  	vm6 =	vgt.f32 v15, v29;
	v15 =	vmax.f32 v29, v15;
	vm7 =	vgt.f32 v25, v10  }
0x66: {  	v3 =	vsel vm4, v12, v3;
	v18 =	vsel vm5, v9, v7;
	v19 =	vmin.f32 v6, v28  }
0x67: {  	v61 =	vmin.f32 v10, v25;
	v7 =	vsel vm5, v7, v9;
	v9 =	vnsel vm0, s30, v27  }
0x68: {  	v10 =	vsel vm3, v26, v14;
	vm5 =	vgt.f32 v28, v6;
	v14 =	vsel vm3, v14, v26  }
0x69: {  	v16 =	vsel vm2, s31, v17;
	v6 =	vmax.f32 v6, v28;
	vm12 =	vgt.f32 v4, v13  }
0x6a: {  	vm8 =	vgt.f32 v8, v5;
	v2 =	vmin.f32 v5, v8;
	vm4 =	vgt.f32 v19, v15  }
0x6b: {  	v12 =	vsel vm1, v7, v9;
	v62 =	vsel vm5, v10, v18;
	v3 =	vsel vm6, v14, v3  }
0x6c: {  	v9 =	vsel vm1, v9, v7;
	v17 =	vmax.f32 v15, v19;
	v19 =	vmax.f32 v6, v22  }
0x6d: {  	v63 =	vmin.f32 v6, v22;
	vm13 =	vgt.f32 v22, v6;
	v15 =	vsel vm5, v18, v10  }
0x6e: {  	vm9 =	vgt.f32 v61, v19;
	v6 =	vmax.f32 v19, v61;
	v18 =	vmax.f32 v17, v63  }
0x6f: {  	v14 =	vsel vm7, v11, v9;
	v7 =	vsel vm13, v15, v12;
	vm10 =	vgt.f32 v63, v17  }
0x70: {  	v11 =	vsel vm7, v9, v11;
	v10 =	vsel vm4, v62, v3;
	v9 =	vmin.f32 v19, v61  }
0x71: {  	s22 =	simm.s32 $0x8;
	s19 =	simm.s32 $0x9;
	s20 =	simm.s32 $0x240;
	v3 =	vmax.f32 v6, v2;
	vm11 =	vgt.f32 v9, v18;
	v9 =	vmax.f32 v18, v9  }
.LBB2_3:
0x72: {  	v17 =	vld [tilespmem:s20+$0xFFFFFFD0];
	p0 =	slt.u32 s19, $0x7F1;
	v4 =	vmax.f32 v13, v4;
	v13 =	vsel vm12, s22, v16;
	v18 =	vmin.f32 v6, v2;
	s21 =	smov.u32 s19;
	s19 =	sadd.s32 $0x8, s19  }
0x73: {  	v12 =	vsel vm13, v12, v15;
	v15 =	vnsel vm12, s22, v16;
	vm0 =	vgt.f32 v2, v6;
	v19 =	vld [tilespmem:s20+$0x20]  }
0x74: {  	v6 =	vsel vm9, v11, v12;
	v16 =	vsel vm8, v15, v14;
	v14 =	vsel vm8, v14, v15;
	v2 =	vld [tilespmem:s20+$0x0]  }
0x75: {  	v11 =	vsel vm9, v12, v11;
	v12 =	vsel vm0, v14, v6;
	v6 =	vsel vm0, v6, v14;
	v15 =	vld [tilespmem:s20+$0xFFFFFFE0]  }
0x76: {  	v7 =	vsel vm10, v7, v10;
	v5 =	vmax.f32 v5, v8;
	vm0 =	vgt.f32 v18, v9  }
0x77: {  	v7 =	vsel vm11, v11, v7;
	v9 =	vmax.f32 v9, v18;
	v8 =	vmul.f32 v17, v1;
	v10 =	vld [tilespmem:s20+$0xFFFFFFF0]  }
0x78: {  	v6 =	vsel vm0, v6, v7;
	v11 =	vmul.f32 v19, v1  }
0x79: {  	vm0 =	vgt.f32 v8, v4;
	v7 =	vmax.f32 v4, v8;
	v4 =	vmin.f32 v4, v8  }
0x7a: {  	v8 =	vsel vm0, s21, v13;
	v13 =	vnsel vm0, s21, v13;
	v14 =	vmul.f32 v15, v1;
	v15 =	vld [tilespmem:s20+$0x10]  }
0x7b: {  	s23 =	sadd.s32 $0x1, s21;
	vm0 =	vgt.f32 v4, v5;
	v17 =	vmax.f32 v5, v4;
	v4 =	vmin.f32 v5, v4  }
0x7c: {  	v5 =	vmin.f32 v3, v4;
	vm1 =	vgt.f32 v14, v7;
	v10 =	vmul.f32 v10, v1  }
0x7d: {  	s24 =	sadd.s32 $0x2, s21;
	v18 =	vsel vm0, v13, v16;
	v13 =	vsel vm0, v16, v13;
	v16 =	vmax.f32 v7, v14  }
0x7e: {  	v19 =	vmax.f32 v9, v5;
	vm0 =	vgt.f32 v10, v16;
	v20 =	vmin.f32 v16, v10;
	v21 =	vld [tilespmem:s20+$0x30]  }
0x7f: {  	s22 =	sadd.s32 $0x4, s21;
	vm2 =	vgt.f32 v4, v3;
	v22 =	vsel vm1, s23, v8;
	v15 =	vmul.f32 v15, v1;
	v23 =	vld [tilespmem:s20+$0x40]  }
0x80: {  	s25 =	sadd.s32 $0x3, s21;
	v3 =	vmax.f32 v3, v4;
	v24 =	vsel vm2, v12, v13;
	v10 =	vmax.f32 v16, v10  }
0x81: {  	v12 =	vsel vm2, v13, v12;
	v7 =	vmin.f32 v7, v14;
	v13 =	vnsel vm0, s24, v22  }
0x82: {  	v8 =	vnsel vm1, s23, v8;
	vm1 =	vgt.f32 v7, v17;
	v14 =	vsel vm0, s24, v22  }
0x83: {  	v2 =	vmul.f32 v2, v1;
	v16 =	vmin.f32 v17, v7;
	v22 =	vsel vm1, v8, v18  }
0x84: {  	vm2 =	vgt.f32 v16, v3;
	v21 =	vmul.f32 v21, v1;
	v4 =	vmul.f32 v23, v1  }
0x85: {  	v8 =	vsel vm1, v18, v8;
	v18 =	vmin.f32 v3, v16;
	v23 =	vmax.f32 v10, v2  }
0x86: {  	vm0 =	vgt.f32 v2, v10;
	vm1 =	vgt.f32 v18, v19;
	v18 =	vmax.f32 v19, v18  }
0x87: {  	v7 =	vmax.f32 v17, v7;
	v17 =	vsel vm2, v8, v12;
	v2 =	vmin.f32 v10, v2  }
0x88: {  	vm3 =	vgt.f32 v5, v9;
	v3 =	vmax.f32 v3, v16;
	v9 =	vsel vm0, s25, v14  }
0x89: {  	v5 =	vsel vm3, v24, v6;
	v6 =	vsel vm2, v12, v8;
	v8 =	vmax.f32 v23, v15  }
0x8a: {  	v6 =	vsel vm1, v6, v5;
	vm1 =	vgt.f32 v20, v7;
	v10 =	vmax.f32 v7, v20  }
0x8b: {  	v12 =	vsel vm1, v13, v22;
	v16 =	vsel vm1, v22, v13;
	v7 =	vmin.f32 v7, v20  }
0x8c: {  	vm1 =	vgt.f32 v2, v10;
	vm3 =	vgt.f32 v15, v23;
	v19 =	vmin.f32 v8, v11  }
0x8d: {  	v20 =	vmax.f32 v10, v2;
	v15 =	vmin.f32 v23, v15;
	vm2 =	vgt.f32 v11, v8  }
0x8e: {  	v22 =	vmin.f32 v3, v7;
	v23 =	vmax.f32 v20, v15;
	v11 =	vmax.f32 v8, v11  }
0x8f: {  	vm4 =	vgt.f32 v7, v3;
	v24 =	vmax.f32 v23, v19;
	v13 =	vmax.f32 v11, v21  }
0x90: {  	v14 =	vnsel vm0, s25, v14;
	vm0 =	vgt.f32 v19, v23;
	v25 =	vmin.f32 v11, v21  }
0x91: {  	v26 =	vsel vm1, v12, v14;
	v27 =	vsel vm3, s22, v9;
	v5 =	vmax.f32 v24, v25  }
0x92: {  	v9 =	vnsel vm3, s22, v9;
	v28 =	vmin.f32 v20, v15;
	v8 =	vmin.f32 v13, v4  }
0x93: {  	v29 =	vmax.f32 v18, v22;
	v19 =	vmin.f32 v23, v19;
	vm8 =	vgt.f32 v8, v5  }
0x94: {  	v3 =	vmax.f32 v3, v7;
	v2 =	vmin.f32 v10, v2;
	vm3 =	vgt.f32 v21, v11  }
0x95: {  	vm5 =	vgt.f32 v22, v18;
	v7 =	vsel vm1, v14, v12;
	vm6 =	vgt.f32 v2, v3;
	s22 =	sadd.s32 $0x5, s21  }
0x96: {  	s23 =	sadd.s32 $0x6, s21;
	v10 =	vsel vm4, v16, v17;
	v11 =	vmin.f32 v3, v2;
	v14 =	vsel vm2, s22, v27  }
0x97: {  	v12 =	vsel vm4, v17, v16;
	vm4 =	vgt.f32 v15, v20;
	v17 =	vnsel vm3, s23, v14  }
0x98: {  	vm7 =	vgt.f32 v11, v29;
	v11 =	vmax.f32 v29, v11;
	vm1 =	vgt.f32 v25, v24  }
0x99: {  	v6 =	vsel vm5, v12, v6;
	v3 =	vmax.f32 v3, v2;
	v2 =	vmin.f32 v5, v8  }
0x9a: {  	v15 =	vsel vm4, v7, v9;
	v18 =	vmin.f32 v3, v28;
	v20 =	vmin.f32 v24, v25  }
0x9b: {  	v7 =	vsel vm4, v9, v7;
	v9 =	vnsel vm2, s22, v27;
	vm4 =	vgt.f32 v18, v11  }
0x9c: {  	v21 =	vsel vm6, v26, v10;
	vm2 =	vgt.f32 v28, v3;
	v12 =	vsel vm0, v7, v9  }
0x9d: {  	v10 =	vsel vm6, v10, v26;
	v16 =	vsel vm3, s23, v14;
	v22 =	vsel vm2, v21, v15  }
0x9e: {  	v3 =	vmax.f32 v3, v28;
	v9 =	vsel vm0, v9, v7;
	v10 =	vsel vm7, v10, v6  }
0x9f: {  	v11 =	vmax.f32 v11, v18;
	v18 =	vmax.f32 v3, v19;
	v23 =	vmin.f32 v3, v19  }
.Ltmp3:
0xa0: {  	vm13 =	vgt.f32 v19, v3;
	vm9 =	vgt.f32 v20, v18;
	v6 =	vmax.f32 v18, v20;
	(pc) =	sbr.rel @p0 .LBB2_3-.Ltmp3, $4  }
0xa1: {  	v15 =	vsel vm2, v15, v21;
	v14 =	vsel vm1, v17, v9;
	v19 =	vmax.f32 v11, v23  }
0xa2: {  	v7 =	vsel vm13, v15, v12;
	vm10 =	vgt.f32 v23, v11;
	v11 =	vsel vm1, v9, v17  }
0xa3: {  	v10 =	vsel vm4, v22, v10;
	v9 =	vmin.f32 v18, v20;
	v3 =	vmax.f32 v6, v2  }
0xa4: {  	s20 =	sadd.s32 $0x80, s20;
	s22 =	sadd.s32 $0x7, s21;
	vm12 =	vgt.f32 v4, v13;
	vm11 =	vgt.f32 v9, v19;
	v9 =	vmax.f32 v19, v9  }
0xa5: {  	v17 =	vld [tilespmem:$0x8110]  }
0xa6: {  	v18 =	vld [tilespmem:$0x8120]  }
0xa7: {  	v19 =	vld [tilespmem:$0x8130]  }
0xa8: {  	v20 =	vld [tilespmem:$0x8140]  }
0xa9: {  	v21 =	vld [tilespmem:$0x8150]  }
0xaa: {  	v22 =	vld [tilespmem:$0x8160];
	v17 =	vmul.f32 v17, v1  }
0xab: {  	v4 =	vmax.f32 v13, v4;
	v52 =	vld [tilespmem:$0x8170];
	v51 =	vmul.f32 v18, v1  }
0xac: {  	v19 =	vmul.f32 v19, v1;
	v23 =	vmax.f32 v4, v17  }
0xad: {  	v20 =	vmul.f32 v20, v1;
	v24 =	vmax.f32 v23, v51  }
0xae: {  	v21 =	vmul.f32 v21, v1;
	v25 =	vmax.f32 v24, v19  }
0xaf: {  	v22 =	vmul.f32 v22, v1;
	v26 =	vmax.f32 v25, v20  }
0xb0: {  	v18 =	vmul.f32 v52, v1;
	v27 =	vmax.f32 v26, v21  }
0xb1: {  	v28 =	vmax.f32 v27, v22  }
0xb2: {  	v29 =	vsel vm12, s22, v16;
	vm4 =	vgt.f32 v17, v4;
	v30 =	vmax.f32 v28, v18  }
0xb3: {  	v31 =	vsel vm4, $0x7F9, v29;
	vm5 =	vgt.f32 v51, v23;
	(xrf0) =	vmax.scan.msk.f32 $0xffff, v30  }
0xb4: {  	v32 =	vsel vm5, $0x7FA, v31;
	vm3 =	vgt.f32 v19, v24  }
0xb5: {  	v33 =	vsel vm3, $0x7FB, v32;
	vm7 =	vgt.f32 v20, v25  }
0xb6: {  	v34 =	vsel vm7, $0x7FC, v33;
	vm0 =	vgt.f32 v21, v26  }
0xb7: {  	v35 =	vsel vm0, $0x7FD, v34;
	vm2 =	vgt.f32 v22, v27  }
0xb8: {  	v36 =	vsel vm2, $0x7FE, v35;
	vm1 =	vgt.f32 v18, v28  }
0xb9: {  	v37 =	vsel vm1, $0x7FF, v36;
	v1, _, _ =	vpop (xrf0)  }
0xba: {  	v38 =	vshll.u32 v37, $0x4;
	v1 =	vbroadcast v1, $0xF  }
0xbb: {  	v38 =	vor.u32 v0, v38  }
0xbc: {  	v39 =	vxor.u32 $0x80000000, v38;
	vm6 =	veq.f32 v30, v1  }
0xbd: {  	v39 =	vnsel vm6, $0xC0000000, v39  }
0xbe: {  	(xrf0) =	vmin.scan.msk.u32 $0xffff, v39;
	_ =	sdelay $0x5  }
0xbf: {  	v39, _, _ =	vpop (xrf0)  }
0xc0: {  	(v2sf) =	vpush v39, $0xF;
	_ =	sdelay $0xa  }
0xc1: {  	v5 =	vmax.f32 v5, v8;
	v53 =	vmin.f32 v4, v17  }
0xc2: {  	v17 =	vmax.f32 v5, v53;
	v13 =	vmin.f32 v23, v51  }
0xc3: {  	v54 =	vnsel vm12, s22, v16;
	v23 =	vmax.f32 v17, v13;
	v19 =	vmin.f32 v24, v19  }
0xc4: {  	v55 =	vsel vm8, v54, v14;
	v56 =	vmax.f32 v23, v19;
	v20 =	vmin.f32 v25, v20  }
0xc5: {  	v57 =	vnsel vm4, $0x7F9, v29;
	v58 =	vmax.f32 v56, v20;
	v21 =	vmin.f32 v26, v21;
	s19 =	spop (v2sf)  }
0xc6: {  	vm4 =	vgt.f32 v53, v5;
	v26 =	vmax.f32 v58, v21;
	v22 =	vmin.f32 v27, v22;
	s19 =	sxor.u32 $0x80000000, s19  }
0xc7: {  	v27 =	vmax.f32 v26, v22;
	v18 =	vmin.f32 v28, v18;
	vm12 =	veq.s32 v38, s19  }
0xc8: {  	v59 =	vsel vm4, v57, v55;
	v60 =	vmax.f32 v27, v18;
	vm12 =	vmand vm6, vm12  }
0xc9: {  	v31 =	vnsel vm5, $0x7FA, v31;
	vm5 =	vgt.f32 v13, v17;
	v30 =	vsel vm12, v60, v30  }
0xca: {  	v40 =	vsel vm5, v31, v59;
	v32 =	vnsel vm3, $0x7FB, v32;
	vm3 =	vgt.f32 v19, v23;
	(xrf0) =	vmax.scan.msk.f32 $0xffff, v30  }
0xcb: {  	v41 =	vsel vm3, v32, v40;
	v33 =	vnsel vm7, $0x7FC, v33;
	vm15 =	vgt.f32 v20, v56  }
0xcc: {  	v42 =	vsel vm15, v33, v41;
	v34 =	vnsel vm0, $0x7FD, v34;
	vm0 =	vgt.f32 v21, v58  }
0xcd: {  	v43 =	vsel vm0, v34, v42;
	v35 =	vnsel vm2, $0x7FE, v35;
	vm14 =	vgt.f32 v22, v26  }
0xce: {  	v44 =	vsel vm14, v35, v43;
	v36 =	vnsel vm1, $0x7FF, v36;
	vm1 =	vgt.f32 v18, v27  }
0xcf: {  	v45 =	vsel vm1, v36, v44  }
0xd0: {  	v37 =	vsel vm12, v45, v37;
	v61, _, _ =	vpop (xrf0)  }
0xd1: {  	v46 =	vshll.u32 v37, $0x4;
	v4 =	vbroadcast v61, $0xF  }
0xd2: {  	v46 =	vor.u32 v0, v46  }
0xd3: {  	v47 =	vxor.u32 $0x80000000, v46;
	vm6 =	veq.f32 v30, v4  }
0xd4: {  	v47 =	vnsel vm6, $0xC0000000, v47  }
0xd5: {  	(xrf0) =	vmin.scan.msk.u32 $0xffff, v47;
	_ =	sdelay $0x5  }
0xd6: {  	v47, _, _ =	vpop (xrf0)  }
0xd7: {  	(v2sf) =	vpush v47, $0xF;
	_ =	sdelay $0x8  }
0xd8: {  	v5 =	vmin.f32 v5, v53  }
0xd9: {  	v12 =	vsel vm13, v12, v15;
	v63 =	vmax.f32 v3, v5;
	v13 =	vmin.f32 v17, v13  }
0xda: {  	v15 =	vsel vm9, v11, v12;
	v62 =	vsel vm8, v14, v54;
	v17 =	vmax.f32 v63, v13  }
0xdb: {  	v19 =	vmin.f32 v23, v19;
	v23 =	vsel vm4, v55, v57;
	v55 =	vsel vm5, v59, v31  }
0xdc: {  	vm4 =	vgt.f32 v13, v63;
	v24 =	vmax.f32 v17, v19;
	v20 =	vmin.f32 v56, v20  }
0xdd: {  	vm7 =	vgt.f32 v5, v3;
	v52 =	vmax.f32 v24, v20;
	v21 =	vmin.f32 v58, v21  }
0xde: {  	v32 =	vsel vm3, v40, v32;
	v54 =	vmax.f32 v52, v21;
	v22 =	vmin.f32 v26, v22;
	s20 =	spop (v2sf)  }
0xdf: {  	vm2 =	vgt.f32 v2, v6;
	v56 =	vmax.f32 v54, v22;
	v18 =	vmin.f32 v27, v18;
	s20 =	sxor.u32 $0x80000000, s20  }
0xe0: {  	v16 =	vsel vm2, v62, v15;
	v27 =	vmax.f32 v56, v18;
	vm13 =	veq.s32 v46, s20  }
0xe1: {  	v53 =	vsel vm7, v23, v16;
	v38 =	vsel vm12, v27, v60;
	vm8 =	vmand vm6, vm13  }
0xe2: {  	vm3 =	vgt.f32 v19, v17;
	v31 =	vsel vm4, v55, v53;
	v30 =	vsel vm8, v38, v30  }
0xe3: {  	v33 =	vsel vm15, v41, v33;
	vm15 =	vgt.f32 v20, v24;
	v40 =	vsel vm3, v32, v31;
	(xrf0) =	vmax.scan.msk.f32 $0xffff, v30  }
0xe4: {  	v34 =	vsel vm0, v42, v34;
	vm0 =	vgt.f32 v21, v52;
	v41 =	vsel vm15, v33, v40  }
0xe5: {  	v35 =	vsel vm14, v43, v35;
	v42 =	vsel vm0, v34, v41;
	vm13 =	vgt.f32 v22, v54  }
0xe6: {  	v36 =	vsel vm1, v44, v36;
	vm14 =	vgt.f32 v18, v56;
	v43 =	vsel vm13, v35, v42  }
0xe7: {  	v44 =	vsel vm14, v36, v43  }
0xe8: {  	v45 =	vsel vm12, v44, v45  }
0xe9: {  	v37 =	vsel vm8, v45, v37;
	v57, _, _ =	vpop (xrf0)  }
0xea: {  	v58 =	vshll.u32 v37, $0x4;
	v46 =	vbroadcast v57, $0xF  }
0xeb: {  	v47 =	vor.u32 v0, v58  }
0xec: {  	v48 =	vxor.u32 $0x80000000, v47;
	vm1 =	veq.f32 v30, v46  }
0xed: {  	v48 =	vnsel vm1, $0xC0000000, v48  }
0xee: {  	(xrf0) =	vmin.scan.msk.u32 $0xffff, v48;
	_ =	sdelay $0x5  }
0xef: {  	v48, _, _ =	vpop (xrf0)  }
0xf0: {  	(v2sf) =	vpush v48, $0xF;
	_ =	sdelay $0x6  }
0xf1: {  	v7 =	vsel vm10, v7, v10;
	v59 =	vsel vm9, v12, v11  }
0xf2: {  	v3 =	vmin.f32 v3, v5;
	v17 =	vmin.f32 v17, v19;
	v2 =	vmin.f32 v6, v2  }
0xf3: {  	v8 =	vsel vm2, v15, v62;
	vm6 =	vgt.f32 v2, v9;
	v2 =	vmax.f32 v9, v2  }
0xf4: {  	v62 =	vmin.f32 v63, v13;
	v16 =	vsel vm7, v16, v23;
	v63 =	vmax.f32 v2, v3  }
0xf5: {  	v26 =	vmin.f32 v56, v18;
	v23 =	vsel vm4, v53, v55;
	v19 =	vmax.f32 v63, v62  }
0xf6: {  	vm7 =	vgt.f32 v3, v2;
	v2 =	vmin.f32 v24, v20;
	v3 =	vmax.f32 v19, v17  }
0xf7: {  	v50 =	vsel vm15, v40, v33;
	v20 =	vmin.f32 v52, v21;
	v21 =	vmax.f32 v3, v2  }
0xf8: {  	v60 =	vsel vm11, v59, v7;
	v24 =	vmin.f32 v54, v22;
	v25 =	vmax.f32 v21, v20  }
0xf9: {  	v39 =	vsel vm3, v31, v32;
	v61 =	vsel vm6, v8, v60;
	v28 =	vmax.f32 v25, v24;
	s21 =	spop (v2sf)  }
0xfa: {  	v5 =	vsel vm7, v16, v61;
	vm9 =	vgt.f32 v62, v63;
	v29 =	vmax.f32 v28, v26;
	s21 =	sxor.u32 $0x80000000, s21  }
0xfb: {  	v5 =	vsel vm9, v23, v5;
	v48 =	vsel vm12, v29, v27;
	vm11 =	veq.s32 v47, s21  }
0xfc: {  	vm10 =	vgt.f32 v17, v19;
	v49 =	vsel vm8, v48, v38;
	vm6 =	vmand vm1, vm11  }
0xfd: {  	v5 =	vsel vm10, v39, v5;
	vm7 =	vgt.f32 v2, v3;
	v2 =	vsel vm6, v49, v30  }
0xfe: {  	v51 =	vsel vm0, v41, v34;
	v3 =	vsel vm7, v50, v5;
	vm10 =	vgt.f32 v20, v21;
	(xrf0) =	vmax.scan.msk.f32 $0xffff, v2  }
0xff: {  	v52 =	vsel vm13, v42, v35;
	v3 =	vsel vm10, v51, v3;
	vm11 =	vgt.f32 v24, v25  }
0x100: {  	v53 =	vsel vm14, v43, v36;
	vm13 =	vgt.f32 v26, v28;
	v3 =	vsel vm11, v52, v3  }
0x101: {  	v3 =	vsel vm13, v53, v3  }
0x102: {  	v5 =	vsel vm12, v3, v44  }
0x103: {  	v54 =	vsel vm8, v5, v45  }
0x104: {  	v55 =	vsel vm6, v54, v37;
	v56, _, _ =	vpop (xrf0)  }
0x105: {  	v57 =	vshll.u32 v55, $0x4;
	v8 =	vbroadcast v56, $0xF  }
0x106: {  	v11 =	vor.u32 v0, v57  }
0x107: {  	v58 =	vxor.u32 $0x80000000, v11;
	vm14 =	veq.f32 v2, v8  }
0x108: {  	v13 =	vnsel vm14, $0xC0000000, v58  }
0x109: {  	(xrf0) =	vmin.scan.msk.u32 $0xffff, v13;
	_ =	sdelay $0x5  }
0x10a: {  	v13, _, _ =	vpop (xrf0)  }
0x10b: {  	(v2sf) =	vpush v13, $0xF;
	_ =	sdelay $0xe  }
0x10c: {  	s29 =	spop (v2sf)  }
0x10d: {  	v9 =	vsel vm12, $0xFF61B1E6, v29;
	s22 =	sxor.u32 $0x80000000, s29  }
0x10e: {  	v12 =	vsel vm8, v9, v48;
	vm15 =	veq.s32 v11, s22  }
0x10f: {  	v10 =	vsel vm6, v12, v49;
	vm0 =	vmand vm14, vm15  }
0x110: {  	v2 =	vsel vm0, v10, v2  }
0x111: {  	(xrf0) =	vmax.scan.msk.f32 $0xffff, v2;
	_ =	sdelay $0x3  }
0x112: {  	v5 =	vsel vm8, v3, v5  }
0x113: {  	v6 =	vsel vm6, v5, v54  }
0x114: {  	v7 =	vsel vm0, v6, v55;
	v59, _, _ =	vpop (xrf0)  }
0x115: {  	v60 =	vshll.u32 v7, $0x4;
	v11 =	vbroadcast v59, $0xF  }
0x116: {  	v13 =	vor.u32 v0, v60  }
0x117: {  	v61 =	vxor.u32 $0x80000000, v13;
	vm4 =	veq.f32 v2, v11  }
0x118: {  	v14 =	vnsel vm4, $0xC0000000, v61  }
0x119: {  	(xrf0) =	vmin.scan.msk.u32 $0xffff, v14;
	_ =	sdelay $0x5  }
0x11a: {  	v14, _, _ =	vpop (xrf0)  }
0x11b: {  	(v2sf) =	vpush v14, $0xF;
	_ =	sdelay $0xe  }
0x11c: {  	s23 =	spop (v2sf)  }
0x11d: {  	v9 =	vsel vm8, $0xFF61B1E6, v9;
	s23 =	sxor.u32 $0x80000000, s23  }
0x11e: {  	v9 =	vsel vm6, v9, v12;
	vm5 =	veq.s32 v13, s23  }
0x11f: {  	v9 =	vsel vm0, v9, v10;
	vm1 =	vmand vm4, vm5  }
0x120: {  	v2 =	vsel vm1, v9, v2  }
0x121: {  	(xrf0) =	vmax.scan.msk.f32 $0xffff, v2;
	_ =	sdelay $0x4  }
0x122: {  	v3 =	vsel vm6, v3, v5  }
0x123: {  	v3 =	vsel vm0, v3, v6;
	v62, _, _ =	vpop (xrf0)  }
0x124: {  	v3 =	vsel vm1, v3, v7;
	v5 =	vbroadcast v62, $0xF  }
0x125: {  	v63 =	vor.u32 $0x80000000, v0;
	v3 =	vshll.u32 v3, $0x4  }
0x126: {  	vm6 =	veq.f32 v2, v5;
	v2 =	vxor.u32 v63, v3  }
0x127: {  	v2 =	vnsel vm6, $0xC0000000, v2  }
0x128: {  	(xrf0) =	vmin.scan.msk.u32 $0xffff, v2;
	_ =	sdelay $0x5  }
0x129: {  	v2, _, _ =	vpop (xrf0)  }
0x12a: {  	(v2sf) =	vpush v2, $0xF;
	_ =	sdelay $0x8  }
0x12b: {  	vm7 =	vmmov $0x1  }
0x12c: {  	vm9 =	vcmask $0x318;
	v1 =	vnsel vm7, $0x0, v1  }
0x12d: {  	vm10 =	vcmask $0x704;
	vm8 =	vcmask $0x300;
	v2 =	vmov s19  }
0x12e: {  	s31 =	sshll.u32 s18, $0x4;
	s18 =	sadd.s32 $0x1, s18;
	v1 =	vsel vm9, v1, v4;
	vm11 =	vcmask $0x718;
	v2 =	vnsel vm8, $0x0, v2  }
0x12f: {  	p0 =	sne.s32 s18, s17;
	v1 =	vsel vm11, v1, v46;
	vm12 =	vcmask $0xB18;
	v2 =	vsel vm10, s20, v2  }
.Ltmp4:
0x130: {  	vm13 =	vcmask $0xF18;
	v1 =	vsel vm12, v1, v8;
	v2 =	vnsel vm11, s21, v2;
	(pc) =	sbr.rel @p0 .LBB2_2-.Ltmp4, $4  }
.Ltmp5:
0x131: {  	vm14 =	vcmask $0x1318;
	v1 =	vsel vm13, v1, v11;
	v2 =	vnsel vm12, s22, v2;
	s30 =	spop (v2sf);
	(pc) =	sbr.rel @!p0 .LBB2_5-.Ltmp5, $4  }
0x132: {  	vm15 =	veq.s32 v0, $0x5;
	v1 =	vsel vm14, v1, v5;
	v2 =	vnsel vm13, s23, v2;
	s19 =	sxor.u32 $0x80000000, s30  }
0x133: {  	[tilespmem:s31+$0x8180] =	vst v1;
	v2 =	vsel vm15, s19, v2  }
0x134: {  	[tilespmem:s31+$0x8200] =	vst v2  }
0x135: {  	_ = 	snop  }
.LBB2_6:
0x136: {  	_ =	sfence.sel $0x180000  }
0x137: {  	[bflag:$0x0] =	sbarrier.arrive $0xFFFF  }
0x138: {  	p0 =	sne.s32 s1, $0x0;
	_ =	strace $0x9000004A  }
0x139: {  	s0 =	sadd.s32 @!p0 $0x100000, s0;
	[bflag:$0x2] =	sbarrier.arrive $0xFFFF  }
0x13a: {  	[sflag:s0] =	ssyncadd.tile.s32 @!p0 $0x1;
	_ =	shalt  }
.Lfunc_end2:
_tile_overlayer_lowered:
.L_overlay_start_2:
0x13b: {  	(tag) =	ssettag $0x2  }
0x13c: {  	s0 =	rddreg [dreg:$0x0];
	s2 =	stileid.u32  }
0x13d: {  	s1 =	rddreg [dreg:$0x1];
	p0 =	sne.s32 s2, $0x0  }
0x13e: {  	s3 =	rddreg [dreg:$0x2];
	[bflag:$0x3] =	sbarrier.arrive $0xFFFF;
	s2 =	simm.s32 @!p0 $0x1C01  }
0x13f: {  	[timem:s3], [sflag:s2] =	dma.local @!p0 [hbm:s0], s1  }
0x140: {  	s0 =	simm.s32 @!p0 $0x1  }
0x141: {  	_ =	swait.ge @!p0 [sflag:s0], s1  }
0x142: {  	s1 =	ssub.s32 @!p0 $0x0, s1;
	[sflag:s0] =	ssyncset.done @!p0 $0x0  }
0x143: {  	[sflag:s0] =	ssyncadd.s32 @!p0 s1  }
0x144: {  	[bflag:$0x3] =	sbarrier.arrive $0xFFFF  }
0x145: {  	_ =	shalt  }

// kernel: sparse-core-data-format-call.cloned.1.call-start
scs
called_computation_lowered:
.L_overlay_start_0:
0x0: {  	s2 =	sld [smem:$0x3FD9]  }
0x1: {  	s3 =	sld [smem:$0x3FFE];
	_ =	sdelay $0x1  }
0x2: {  	s1 =	srdreg.scid  }
0x3: {  	s0 =	sand.u32 $0x1, s1  }
0x4: {  	s18 =	sshll.u32 s0, $0xA;
	s2 =	sadd.s32 s3, s2  }
0x5: {  	s2 =	sadd.s32 s2, s18  }
0x6: {  	[smem:$0x3FC4] =	sst s2  }
0x7: {  	_ = 	snop  }
0x8: {  	s2 =	sld [smem:$0x3FC9];
	(tm) =	ssettm $0x1  }
0x9: {  	s19 =	sld [smem:$0x3FFB];
	_ =	sdelay $0x3  }
0xa: {  	_ =	strace s19  }
0xb: {  	s3 =	sld [smem:$0x3FFC];
	_ =	sdelay $0x3  }
0xc: {  	_ =	strace s3  }
0xd: {  	s3 =	sld [smem:$0x3FFD];
	_ =	sdelay $0x3  }
0xe: {  	_ =	strace s3  }
0xf: {  	_ =	strace $0x8FFFFFFF  }
0x10: {  	s20 =	sld [smem:$0x3FDB];
	_ =	sdelay $0x1  }
0x11: {  	s4 =	simm.s32 $_scs_section_size  }
0x12: {  	s5 =	simm.s32 $_size__tile_overlayer_lowered;
	s6 =	simm.s32 $_tile_overlayer_lowered  }
0x13: {  	s23 =	simm.s32 $0x1BFF;
	s22 =	sshll.u32 s6, $0x1;
	s3 =	sadd.s32 s4, s20  }
0x14: {  	s7 =	simm.s32 $0x0;
	s21 =	sshll.u32 s5, $0x1;
	s5 =	sadd.s32 s22, s3  }
0x15: {  	[timem:s7], [sflag:s23] =	dma.local [hbm:s5], s21  }
0x16: {  	_ =	swait.ge [sflag:s23], s21  }
0x17: {  	s4 =	ssub.s32 $0x0, s21;
	[sflag:s23] =	ssyncset.done $0x0  }
0x18: {  	[sflag:s23] =	ssyncadd.s32 s4;
	_ =	sdelay $0x1  }
0x19: {  	s24 =	simm.s32 $0x1B8B  }
0x1a: {  	_ =	swait.ge [sflag:s24], $0x1  }
0x1b: {  	[sflag:s24] =	ssyncset.done $0x0  }
0x1c: {  	s26 =	simm.s32 $0x1B8E;
	s25 =	sld [smem:$0x3FFE];
	[sflag:s24] =	ssyncadd.s32 $0xFFFFFFFF  }
0x1d: {  	s27 =	simm.s32 $execute0_lowered;
	[smem:$0x3FD2] =	sst s26  }
0x1e: {  	s5 =	sshll.u32 s27, $0x1;
	_ =	strace $0x80000046;
	[dreg:$0x1] =	wrdreg $0xFFFFFFFF  }
0x1f: {  	s28 =	simm.s32 $_size_execute0_lowered;
	s3 =	sadd.s32 s3, s5;
	[dreg:$0x0] =	wrdreg $0x0  }
0x20: {  	s5 =	sshll.u32 s28, $0x1;
	[dreg:$0x2] =	wrdreg s3  }
0x21: {  	[dreg:$0x3] =	wrdreg s5  }
0x22: {  	[dreg:$0x4] =	wrdreg $0xC0  }
0x23: {  	_ =	task [dreg:s7], $0x5FFFF  }
0x24: {  	[dreg:$0x1] =	wrdreg $0xFFFFFFFF  }
0x25: {  	[dreg:$0x0] =	wrdreg $0x60  }
0x26: {  	[dreg:$0x2] =	wrdreg s2  }
0x27: {  	[dreg:$0x3] =	wrdreg s25  }
0x28: {  	[dreg:$0x4] =	wrdreg $0x9  }
0x29: {  	_ =	task.clear_ibuf [dreg:s7], $0x5FFFF;
	_ =	strace $0x90000046  }
0x2a: {  	s29 =	simm.s32 $0x9;
	_ =	strace $0x80000048  }
0x2b: {  	_ =	swait.ge [sflag:s29], $0x1  }
0x2c: {  	[sflag:s29] =	ssyncadd.s32 $0xFFFFFFFF  }
0x2d: {  	_ =	strace $0x90000048  }
0x2e: {  	_ =	sfence  }
0x2f: {  	s30 =	sld [smem:$0x0];
	_ =	sdelay $0x2  }
0x30: {  	s31 =	sshll.u32 s1, $0xD;
	s1 =	sshrl.u32 s1, $0x2  }
0x31: {  	s3 =	sand.u32 $0x4000, s31;
	s1 =	sadd.s32 s1, s30  }
0x32: {  	s0 =	sor.u32 s3, s0;
	s1 =	sshll.u32 s1, $0x11  }
0x33: {  	s0 =	sor.u32 s1, s0  }
0x34: {  	s0 =	sadd.s32 $0x8F2B, s0  }
0x35: {  	[sflag:s0] =	ssyncadd.remote.s32 $0x1  }
0x36: {  	_ =	sfence.sel $0xFFFF  }
0x37: {  	[dreg:$0x0] =	wrdreg $0xFFFFFFFF;
	(pc) =	sbr.abs _section_cstart, $3  }
0x38: {  	[dreg:$0x1] =	wrdreg $0xFFFFFFFF  }
0x39: {  	_ =	task.clear_ibuf [dreg:s7], $0x2FFFF;
	_ =	strace $0x9FFFFFFF  }
0x3a: {  	(tm) =	ssettm $0x7FFFFFFF  }
0x3b: {  	_ =	shalt  }
tec
execute0_lowered:
.L_overlay_start_1:
0x0: {  	(tag) =	ssettag $0x1  }
0x1: {  	s2 =	rddreg [dreg:$0x0]  }
0x2: {  	s3 =	rddreg [dreg:$0x1]  }
0x3: {  	s0 =	rddreg [dreg:$0x2];
	_ =	strace $0x80000047  }
0x4: {  	s4 =	srdreg.scid;
	s1 =	stileid.u32;
	s6 =	simm.s32 $0x2  }
.Ltmp0:
0x5: {  	s11 =	simm.s32 $0x0;
	p0 =	por $0x0, $0x0;
	(pc) =	sbr.rel .LBB1_1-.Ltmp0, $4  }
0x6: {  	s7 =	simm.s32 $0x8000;
	s12 =	simm.s32 $0x0;
	s5 =	sshll.u32 s4, $0x4  }
0x7: {  	s9 =	simm.s32 $0x0;
	s4 =	simm.s32 $0x1;
	s5 =	sand.u32 $0x10, s5  }
0x8: {  	s8 =	simm.s32 $0x0;
	[sflag:s4] =	ssyncpa.u1 $0x0;
	s5 =	sor.u32 s1, s5  }
0x9: {  	[sflag:s6] =	ssyncpa.u1 $0x0;
	s6 =	simm.s32 $0x800;
	s10 =	smov.u32 s5  }
.LBB1_7:
0xa: {  	s13 =	sadd.s32 $0x10, s9  }
0xb: {  	s11 =	sadd.s32 $0x20, s10;
	s15 =	smov.u32 s10;
	p2 =	sgt.s32 s13, $0xFF  }
0xc: {  	p1 =	slt.u32 s8, $0x2;
	s15 =	smov.u32 @p2 s11  }
0xd: {  	s8 =	sadd.s32 $0x1, s8;
	s13 =	simm.s32 @p2 $0x0;
	p2 =	sgt.s32 s15, $0x3F  }
0xe: {  	s15 =	smov.u32 @p2 s5;
	p2 =	sne.s32 s8, $0x22  }
.Ltmp1:
0xf: {  	_ = 	snop;
	(pc) =	sbr.rel @!p2 .LBB1_8-.Ltmp1, $4  }
0x10: {  	s14 =	simm.s32 @!p1 $0x2  }
0x11: {  	s12 =	smov.u32 s10;
	_ =	swait.ge @!p1 [sflag:s14], $0x4000  }
0x12: {  	p0 =	por !p0, !p0;
	s11 =	smov.u32 s9;
	[sflag:s14] =	ssyncset.done @!p1 $0x0  }
0x13: {  	s9 =	smov.u32 s13;
	[sflag:s14] =	ssyncadd.s32 @!p1 $0xFFFFC000;
	s10 =	smov.u32 s15  }
.LBB1_1:
0x14: {  	p1 =	sgt.u32 s8, $0x1F  }
0x15: {  	s13 =	sxor.u32 @!p1 $0xFFFFFFFF, s8;
	s14 =	sshll.u32 @!p1 s10, $0xF  }
0x16: {  	s15 =	sshll.u32 @!p1 s9, $0x7;
	s13 =	sshll.u32 @!p1 s13, $0xE;
	s14 =	sadd.s32 @!p1 s2, s14  }
0x17: {  	s13 =	sand.u32 @!p1 $0x4000, s13;
	s14 =	sadd.s32 @!p1 s15, s14;
	s15 =	simm.s32 @!p1 $0x0  }
0x18: {  	[tilespmem:s13], [sflag:$0x1] =	stream.linear.gather @!p1 [hbm4b:s14+s15], $0x4000, $0x38;
	[tilespmem:$0x10000] =	vst v63  }
0x19: {  	p1 =	seq.s32 s8, $0x0  }
0x1a: {  	p2 =	seq.s32 @!p1 s8, $0x21  }
0x1b: {  	p1 =	por p1, p2  }
.Ltmp2:
0x1c: {  	_ = 	snop;
	(pc) =	sbr.rel @p1 .LBB1_7-.Ltmp2, $1  }
0x1d: {  	_ =	sdelay $0x3  }
0x1e: {  	s13 =	simm.s32 $0x1;
	_ =	swait.ge [sflag:s4], $0x4000;
	s16 =	sshll.u32 s8, $0xE  }
0x1f: {  	s13 =	simm.s32 @!p0 $0x0;
	[sflag:s4] =	ssyncset.done $0x0;
	s31 =	sand.u32 $0x4000, s16  }
0x20: {  	s16 =	simm.s32 $0x0;
	s14 =	sshll.u32 s13, $0xE;
	[sflag:s4] =	ssyncadd.s32 $0xFFFFC000  }
0x21: {  	s13 =	sor.u32 $0x8040, s14;
	s15 =	sor.u32 $0x40, s14;
	s14 =	sor.u32 $0x8000, s31  }
.LBB1_3:
0x22: {  	v0 =	vmov s15;
	_ =	sdelay $0x3  }
0x23: {  	s18 =	simm.s32 $0x0  }
0x24: {  	v6 =	vld.idx.msk [tilespmem:v0+s18+$0x30 ss:$0x1], $0xffff  }
0x25: {  	v7 =	vld.idx.msk [tilespmem:v0+s18+$0xFFFFFFC0 ss:$0x1], $0xffff  }
0x26: {  	v5 =	vld.idx.msk [tilespmem:v0+s18+$0xFFFFFFD0 ss:$0x1], $0xffff  }
0x27: {  	v4 =	vld.idx.msk [tilespmem:v0+s18+$0xFFFFFFE0 ss:$0x1], $0xffff  }
0x28: {  	v3 =	vld.idx.msk [tilespmem:v0+s18+$0xFFFFFFF0 ss:$0x1], $0xffff  }
0x29: {  	v1 =	vld.idx.msk [tilespmem:v0+s18+$0x0 ss:$0x1], $0xffff  }
0x2a: {  	v2 =	vld.idx.msk [tilespmem:v0+s18+$0x10 ss:$0x1], $0xffff;
	[tilespmem:s13+$0x30] =	vst v6  }
0x2b: {  	s17 =	simm.s32 $0x80;
	s19 =	simm.s32 $0x400;
	[tilespmem:s13+$0xFFFFFFC0] =	vst v7;
	v6 =	vld.idx.msk [tilespmem:v0+s18+$0x20 ss:$0x1], $0xffff;
	s18 =	smov.u32 s13  }
.LBB1_4:
0x2c: {  	p1 =	sne.s32 s19, $0xE00;
	v7 =	vld.idx.msk [tilespmem:v0+s17+$0x30 ss:$0x1], $0xffff;
	[tilespmem:s18+$0xFFFFFFD0] =	vst v5  }
0x2d: {  	v8 =	vld.idx.msk [tilespmem:v0+s17+$0xFFFFFFC0 ss:$0x1], $0xffff;
	[tilespmem:s18+$0xFFFFFFE0] =	vst v4  }
0x2e: {  	v5 =	vld.idx.msk [tilespmem:v0+s17+$0xFFFFFFD0 ss:$0x1], $0xffff;
	[tilespmem:s18+$0xFFFFFFF0] =	vst v3  }
.Ltmp3:
0x2f: {  	v4 =	vld.idx.msk [tilespmem:v0+s17+$0xFFFFFFE0 ss:$0x1], $0xffff;
	[tilespmem:s18+$0x0] =	vst v1;
	(pc) =	sbr.rel @p1 .LBB1_4-.Ltmp3, $4  }
0x30: {  	v3 =	vld.idx.msk [tilespmem:v0+s17+$0xFFFFFFF0 ss:$0x1], $0xffff;
	[tilespmem:s18+$0x10] =	vst v2  }
0x31: {  	v1 =	vld.idx.msk [tilespmem:v0+s17+$0x0 ss:$0x1], $0xffff;
	[tilespmem:s18+$0x20] =	vst v6;
	s18 =	sadd.s32 $0x800, s18  }
0x32: {  	v2 =	vld.idx.msk [tilespmem:v0+s17+$0x10 ss:$0x1], $0xffff;
	[tilespmem:s18+$0x30] =	vst v7  }
0x33: {  	[tilespmem:s18+$0xFFFFFFC0] =	vst v8;
	v6 =	vld.idx.msk [tilespmem:v0+s17+$0x20 ss:$0x1], $0xffff;
	s17 =	sshra.s32 s19, $0x2;
	s19 =	sadd.s32 $0x200, s19  }
0x34: {  	_ =	sdelay $0x2  }
0x35: {  	[tilespmem:s18+$0xFFFFFFD0] =	vst v5  }
0x36: {  	v56 =	vld.idx.msk [tilespmem:v0+s17+$0x30 ss:$0x1], $0xffff;
	[tilespmem:s18+$0xFFFFFFE0] =	vst v4  }
0x37: {  	v57 =	vld.idx.msk [tilespmem:v0+s17+$0xFFFFFFC0 ss:$0x1], $0xffff;
	[tilespmem:s18+$0xFFFFFFF0] =	vst v3  }
0x38: {  	v58 =	vld.idx.msk [tilespmem:v0+s17+$0xFFFFFFD0 ss:$0x1], $0xffff;
	[tilespmem:s18+$0x0] =	vst v1  }
0x39: {  	v59 =	vld.idx.msk [tilespmem:v0+s17+$0xFFFFFFE0 ss:$0x1], $0xffff;
	[tilespmem:s18+$0x10] =	vst v2  }
0x3a: {  	v60 =	vld.idx.msk [tilespmem:v0+s17+$0xFFFFFFF0 ss:$0x1], $0xffff;
	s31 =	sadd.s32 $0x800, s18;
	[tilespmem:s18+$0x20] =	vst v6  }
0x3b: {  	v61 =	vld.idx.msk [tilespmem:v0+s17+$0x0 ss:$0x1], $0xffff;
	[tilespmem:s31+$0x30] =	vst v56  }
0x3c: {  	v62 =	vld.idx.msk [tilespmem:v0+s17+$0x10 ss:$0x1], $0xffff;
	s16 =	sadd.s32 $0x1, s16;
	[tilespmem:s31+$0xFFFFFFC0] =	vst v57  }
0x3d: {  	v63 =	vld.idx.msk [tilespmem:v0+s17+$0x20 ss:$0x1], $0xffff;
	p1 =	sne.s32 s16, $0x10;
	[tilespmem:s31+$0xFFFFFFD0] =	vst v58  }
.Ltmp4:
0x3e: {  	[tilespmem:s31+$0xFFFFFFE0] =	vst v59;
	(pc) =	sbr.rel @p1 .LBB1_3-.Ltmp4, $4  }
0x3f: {  	[tilespmem:s31+$0xFFFFFFF0] =	vst v60  }
0x40: {  	[tilespmem:s31+$0x0] =	vst v61  }
0x41: {  	[tilespmem:s31+$0x10] =	vst v62  }
0x42: {  	s13 =	sadd.s32 $0x80, s13;
	s15 =	sadd.s32 $0x400, s15;
	[tilespmem:s31+$0x20] =	vst v63  }
.Ltmp5:
0x43: {  	(pc) =	sbr.rel .LBB1_7-.Ltmp5, $4  }
0x44: {  	s12 =	sshll.u32 s12, $0xF;
	s11 =	sshll.u32 s11, $0x4  }
0x45: {  	s11 =	sand.u32 $0xFF0, s11;
	s12 =	sadd.s32 s3, s12  }
0x46: {  	s11 =	sadd.s32 s11, s12  }
0x47: {  	[hbm4b:s11+s6] =	stream.strided.scatter [tilespmem:s14], [sflag:$0x2], $0x4000, s7, s6, $0x38;
	[tilespmem:$0x10000] =	vst v63  }
.LBB1_8:
0x48: {  	_ =	sfence.sel $0x180000  }
0x49: {  	s2 =	simm.s32 $0x1;
	[bflag:$0x0] =	sbarrier.arrive $0xFFFF  }
0x4a: {  	s31 =	simm.s32 $0x2;
	[sflag:s2] =	ssyncpa.u1 $0x1  }
0x4b: {  	[sflag:s31] =	ssyncpa.u1 $0x1  }
0x4c: {  	p0 =	sne.s32 s1, $0x0;
	_ =	strace $0x90000047  }
0x4d: {  	s0 =	sadd.s32 @!p0 $0x100000, s0;
	[bflag:$0x2] =	sbarrier.arrive $0xFFFF  }
0x4e: {  	[sflag:s0] =	ssyncadd.tile.s32 @!p0 $0x1;
	_ =	shalt  }
.Lfunc_end1:
_tile_overlayer_lowered:
.L_overlay_start_2:
0x4f: {  	(tag) =	ssettag $0x2  }
0x50: {  	s0 =	rddreg [dreg:$0x0];
	s2 =	stileid.u32  }
0x51: {  	s1 =	rddreg [dreg:$0x1];
	p0 =	sne.s32 s2, $0x0  }
0x52: {  	s3 =	rddreg [dreg:$0x2];
	[bflag:$0x3] =	sbarrier.arrive $0xFFFF;
	s2 =	simm.s32 @!p0 $0x1C01  }
0x53: {  	[timem:s3], [sflag:s2] =	dma.local @!p0 [hbm:s0], s1  }
0x54: {  	s0 =	simm.s32 @!p0 $0x1  }
0x55: {  	_ =	swait.ge @!p0 [sflag:s0], s1  }
0x56: {  	s1 =	ssub.s32 @!p0 $0x0, s1;
	[sflag:s0] =	ssyncset.done @!p0 $0x0  }
0x57: {  	[sflag:s0] =	ssyncadd.s32 @!p0 s1  }
0x58: {  	[bflag:$0x3] =	sbarrier.arrive $0xFFFF  }
0x59: {  	_ =	shalt  }

</sc_bundles>
